<compile_context>
chip_gen: v7x
topology: tpu7x:2x2x1
jax: 0.10.2.dev20260603
libtpu: 0.0.44.dev20260713+nightly
codegen_flags: <defaults>
</compile_context>

<pallas_src>
import functools

import jax
import jax.numpy as jnp
from jax import lax
from jax.experimental import pallas as pl
from jax.experimental.pallas import tpu as pltpu, tpu_sc as plsc

VOCAB = 1000000
DIM = 64
G_MIN = 0.1

N_ROWS = 4096 * 200

C = 256
SUB = 128
NSUB = C // SUB


def _mesh():
    return plsc.VectorSubcoreMesh(core_axis_name="c", subcore_axis_name="s")


def _build_gather():
    info = plsc.get_sparse_core_info()
    nc, ns = info.num_cores, info.num_subcores
    nw = nc * ns
    rows_per_w = N_ROWS // nw
    nchunks = rows_per_w // C
    npairs = nchunks // 2

    _DNUMS = lax.GatherDimensionNumbers(
        offset_dims=(), collapsed_slice_dims=(0,), start_index_map=(0,))

    @functools.partial(
        pl.kernel,
        mesh=_mesh(),
        compiler_params=pltpu.CompilerParams(use_tc_tiling_on_sc=False),
        out_type=jax.ShapeDtypeStruct((N_ROWS, DIM), jnp.float32),
        scratch_types=[
            pltpu.VMEM((C,), jnp.int32),
            pltpu.VMEM((C,), jnp.int32),
            pltpu.VMEM((C,), jnp.float32),
            pltpu.VMEM((C,), jnp.float32),
            pltpu.VMEM((C, DIM), jnp.float32),
            pltpu.VMEM((C, DIM), jnp.float32),
            pltpu.VMEM((C, DIM), jnp.float32),
            pltpu.VMEM((C, DIM), jnp.float32),
            pltpu.SemaphoreType.DMA,
            pltpu.SemaphoreType.DMA,
            pltpu.SemaphoreType.DMA,
            pltpu.SemaphoreType.DMA,
        ],
    )
    def sc_call(ids_h, base_h, prior_h, gate_h, out_h,
                idx0, idx1, gte0, gte1, bb0, bb1, pb0, pb1,
                gsem0, gsem1, ssem0, ssem1):
        wid = lax.axis_index("s") * nc + lax.axis_index("c")
        wbase = wid * rows_per_w
        slots = ((idx0, gte0, bb0, pb0, gsem0, ssem0),
                 (idx1, gte1, bb1, pb1, gsem1, ssem1))

        def fire_gathers(c, slot):
            idxb, gteb, bb, pb, gsem, _ = slot
            row0 = wbase + c * C
            pltpu.sync_copy(ids_h.at[pl.ds(row0, C)], idxb)
            for j in range(NSUB):
                sl = pl.ds(j * SUB, SUB)
                pltpu.async_copy(base_h.at[idxb.at[sl]], bb.at[sl, :], gsem)
                pltpu.async_copy(prior_h.at[idxb.at[sl]], pb.at[sl, :], gsem)
                pltpu.async_copy(gate_h.at[idxb.at[sl]], gteb.at[sl], gsem)

        def wait_gathers(slot):
            idxb, gteb, bb, pb, gsem, _ = slot
            for j in range(NSUB):
                sl = pl.ds(j * SUB, SUB)
                pltpu.make_async_copy(
                    base_h.at[idxb.at[sl]], bb.at[sl, :], gsem).wait()
                pltpu.make_async_copy(
                    prior_h.at[idxb.at[sl]], pb.at[sl, :], gsem).wait()
                pltpu.make_async_copy(
                    gate_h.at[idxb.at[sl]], gteb.at[sl], gsem).wait()

        def compute(slot):
            _, gteb, bb, pb, _, _ = slot

            def group(i, carry):
                g16 = gteb[pl.ds(i * 16, 16)]
                w16 = G_MIN + (1.0 - G_MIN) / (1.0 + jnp.exp(-g16))
                for r in range(16):
                    row = i * 16 + r
                    wr = lax.gather(
                        w16, jnp.full((16, 1), r, jnp.int32), _DNUMS, (1,),
                        mode=lax.GatherScatterMode.PROMISE_IN_BOUNDS)
                    for dc in range(DIM // 16):
                        dsl = pl.ds(dc * 16, 16)
                        bb[row, dsl] = bb[row, dsl] + wr * pb[row, dsl]
                return carry

            lax.fori_loop(0, C // 16, group, 0)

        def fire_store(c, slot):
            _, _, bb, _, _, ssem = slot
            row0 = wbase + c * C
            pltpu.async_copy(bb, out_h.at[pl.ds(row0, C)], ssem)

        def wait_store(c, slot):
            _, _, bb, _, _, ssem = slot
            row0 = wbase + c * C
            pltpu.make_async_copy(bb, out_h.at[pl.ds(row0, C)], ssem).wait()

        fire_gathers(0, slots[0])
        fire_gathers(1, slots[1])

        def pair(p, carry):
            c0 = 2 * p
            c1 = c0 + 1
            wait_gathers(slots[0])
            compute(slots[0])
            fire_store(c0, slots[0])

            @pl.when(p < npairs - 1)
            def _():
                wait_store(c0, slots[0])
                fire_gathers(c0 + 2, slots[0])

            wait_gathers(slots[1])
            compute(slots[1])
            fire_store(c1, slots[1])

            @pl.when(p < npairs - 1)
            def _():
                wait_store(c1, slots[1])
                fire_gathers(c1 + 2, slots[1])

            return carry

        lax.fori_loop(0, npairs, pair, 0)
        wait_store(nchunks - 2, slots[0])
        wait_store(nchunks - 1, slots[1])

    return sc_call


_GATHER = _build_gather()


@jax.jit
def kernel(input_ids, base_weight, prior_matrix, gate_logits):
    ids_flat = input_ids.reshape(-1).astype(jnp.int32)
    out = _GATHER(ids_flat, base_weight, prior_matrix, gate_logits)
    return out.reshape(*input_ids.shape, DIM)

# --- scband reference (transcript-rebuilt; emitter-appended) ---
"""Pipeline reference for scband-gated-prior-embedding-59459527246505 (READ-ONLY COPY).

The authoritative reference and input builder live on the scoring server;
editing this copy changes nothing except your own understanding.
"""

import jax, jax.numpy as jnp
import numpy as np
import math

VOCAB = 1000000
DIM = 64
G_MIN = 0.1
INIT_W = 0.5

def _logit(p):
    p = min(max(p, 1e-06), 1 - 1e-06)
    return math.log(p / (1 - p))

def setup_inputs(seed: int = 0) -> dict:
    key = jax.random.key(seed)
    k1, k2, k3 = jax.random.split(key, 3)
    input_ids = jax.random.randint(k1, (4096, 200), 0, VOCAB)
    base_weight = jax.random.normal(k2, (VOCAB, DIM), dtype=jnp.float32)
    prior_matrix = jax.random.normal(k3, (VOCAB, DIM), dtype=jnp.float32)
    inner = (INIT_W - G_MIN) / max(1e-06, 1.0 - G_MIN)
    gate_logits = jnp.full((VOCAB,), _logit(inner), dtype=jnp.float32)
    return {"input_ids": input_ids, "base_weight": base_weight, "prior_matrix": prior_matrix, "gate_logits": gate_logits}

def reference(input_ids, base_weight, prior_matrix, gate_logits):
    base_emb = jnp.take(base_weight, input_ids, axis=0)
    prior_emb = jnp.take(prior_matrix, input_ids, axis=0)
    logits = jnp.take(gate_logits, input_ids, axis=0)
    w = G_MIN + (1.0 - G_MIN) * jax.nn.sigmoid(logits)
    return base_emb + w[..., None] * prior_emb

if __name__ == "__main__":
    import jax
    _d = setup_inputs()
    print(jax.jit(kernel)(*tuple(_d.values())))

</pallas_src>

<mosaic_0001>
#map = affine_map<(d0, d1) -> (0)>
#map1 = affine_map<(d0, d1) -> (0, 0)>
module attributes {stable_mosaic.version = 14 : i64} {
  func.func @sc_call(%arg0: i32, %arg1: i32, %arg2: memref<819200xi32, #tpu.memory_space<hbm>>, %arg3: memref<1000000x64xf32, #tpu.memory_space<hbm>>, %arg4: memref<1000000x64xf32, #tpu.memory_space<hbm>>, %arg5: memref<1000000xf32, #tpu.memory_space<hbm>>, %arg6: memref<819200x64xf32, #tpu.memory_space<hbm>>, %arg7: memref<256xi32, #tpu.memory_space<vmem>>, %arg8: memref<256xi32, #tpu.memory_space<vmem>>, %arg9: memref<256xf32, #tpu.memory_space<vmem>>, %arg10: memref<256xf32, #tpu.memory_space<vmem>>, %arg11: memref<256x64xf32, #tpu.memory_space<vmem>>, %arg12: memref<256x64xf32, #tpu.memory_space<vmem>>, %arg13: memref<256x64xf32, #tpu.memory_space<vmem>>, %arg14: memref<256x64xf32, #tpu.memory_space<vmem>>, %arg15: memref<!tpu.dma_semaphore, #tpu.memory_space<semaphore_mem>>, %arg16: memref<!tpu.dma_semaphore, #tpu.memory_space<semaphore_mem>>, %arg17: memref<!tpu.dma_semaphore, #tpu.memory_space<semaphore_mem>>, %arg18: memref<!tpu.dma_semaphore, #tpu.memory_space<semaphore_mem>>) attributes {dimension_semantics = [#tpu.dimension_semantics<core_parallel>, #tpu.dimension_semantics<subcore_parallel>], iteration_bounds = array<i64: 2, 16>, scalar_prefetch = 0 : i64, scratch_operands = 12 : i64, tpu.core_type = #tpu.core_type<sc_vector_subcore>, window_params = [{transform_indices = #map}, {transform_indices = #map1}, {transform_indices = #map1}, {transform_indices = #map}, {transform_indices = #map1}]} {
    %mul3A = arith.constant 2 : i32
    %mul3A_0 = arith.muli %arg1, %mul3A : i32
    %add3A = arith.addi %mul3A_0, %arg0 : i32
    %mul3A_1 = arith.constant 25600 : i32
    %mul3A_2 = arith.muli %add3A, %mul3A_1 : i32
    %add3A_3 = arith.constant 0 : i32
    %add3A_4 = arith.addi %mul3A_2, %add3A_3 : i32
    "tpu.region"() ({
      %run_scoped3A = tpu.sem_alloc : memref<!tpu.dma_semaphore, #tpu.memory_space<semaphore_mem>>
      %dma_start3A_110 = tpu.memref_slice %arg2[%add3A_4] : memref<819200xi32, #tpu.memory_space<hbm>> -> memref<256xi32, #tpu.memory_space<hbm>>
      %dma_start3A_111 = tpu.memref_slice %arg2[%add3A_4] : memref<819200xi32, #tpu.memory_space<hbm>> -> memref<256xi32, #tpu.memory_space<hbm>>
      tpu.enqueue_dma source(%dma_start3A_111 : memref<256xi32, #tpu.memory_space<hbm>>) target(%arg7 : memref<256xi32, #tpu.memory_space<vmem>>) target_semaphore(%run_scoped3A : memref<!tpu.dma_semaphore, #tpu.memory_space<semaphore_mem>>)
      %dma_wait3A_112 = tpu.memref_slice %arg2[%add3A_4] : memref<819200xi32, #tpu.memory_space<hbm>> -> memref<256xi32, #tpu.memory_space<hbm>>
      %dma_wait3A_113 = tpu.memref_slice %arg2[%add3A_4] : memref<819200xi32, #tpu.memory_space<hbm>> -> memref<256xi32, #tpu.memory_space<hbm>>
      tpu.wait_dma2 semaphore(%run_scoped3A : memref<!tpu.dma_semaphore, #tpu.memory_space<semaphore_mem>>) src(%dma_wait3A_113 : memref<256xi32, #tpu.memory_space<hbm>>) dst(%arg7 : memref<256xi32, #tpu.memory_space<vmem>>)
      tpu.yield
    }) : () -> ()
    %dma_start3A = arith.constant 0 : i32
    %dma_start3A_5 = arith.constant 0 : i32
    %dma_start3A_6 = tpu.memref_slice %arg11[%dma_start3A, %dma_start3A_5] : memref<256x64xf32, #tpu.memory_space<vmem>> -> memref<128x64xf32, #tpu.memory_space<vmem>>
    %dma_start3A_7 = arith.constant 0 : i32
    %dma_start3A_8 = tpu.memref_slice %arg7[%dma_start3A_7] : memref<256xi32, #tpu.memory_space<vmem>> -> memref<128xi32, #tpu.memory_space<vmem>>
    %dma_start3A_9 = arith.constant 0 : i32
    %dma_start3A_10 = arith.constant 0 : i32
    %dma_start3A_11 = tpu.memref_slice %arg3[%dma_start3A_9, %dma_start3A_10] : memref<1000000x64xf32, #tpu.memory_space<hbm>> -> memref<1000000x64xf32, #tpu.memory_space<hbm>>
    tpu.enqueue_indirect_dma source(%dma_start3A_11 : memref<1000000x64xf32, #tpu.memory_space<hbm>>) target(%dma_start3A_6 : memref<128x64xf32, #tpu.memory_space<vmem>>) offsets(%dma_start3A_8 : memref<128xi32, #tpu.memory_space<vmem>>) semaphore(%arg15 : memref<!tpu.dma_semaphore, #tpu.memory_space<semaphore_mem>>)
    %dma_start3A_12 = arith.constant 0 : i32
    %dma_start3A_13 = arith.constant 0 : i32
    %dma_start3A_14 = tpu.memref_slice %arg13[%dma_start3A_12, %dma_start3A_13] : memref<256x64xf32, #tpu.memory_space<vmem>> -> memref<128x64xf32, #tpu.memory_space<vmem>>
    %dma_start3A_15 = arith.constant 0 : i32
    %dma_start3A_16 = tpu.memref_slice %arg7[%dma_start3A_15] : memref<256xi32, #tpu.memory_space<vmem>> -> memref<128xi32, #tpu.memory_space<vmem>>
    %dma_start3A_17 = arith.constant 0 : i32
    %dma_start3A_18 = arith.constant 0 : i32
    %dma_start3A_19 = tpu.memref_slice %arg4[%dma_start3A_17, %dma_start3A_18] : memref<1000000x64xf32, #tpu.memory_space<hbm>> -> memref<1000000x64xf32, #tpu.memory_space<hbm>>
    tpu.enqueue_indirect_dma source(%dma_start3A_19 : memref<1000000x64xf32, #tpu.memory_space<hbm>>) target(%dma_start3A_14 : memref<128x64xf32, #tpu.memory_space<vmem>>) offsets(%dma_start3A_16 : memref<128xi32, #tpu.memory_space<vmem>>) semaphore(%arg15 : memref<!tpu.dma_semaphore, #tpu.memory_space<semaphore_mem>>)
    %dma_start3A_20 = arith.constant 0 : i32
    %dma_start3A_21 = tpu.memref_slice %arg9[%dma_start3A_20] : memref<256xf32, #tpu.memory_space<vmem>> -> memref<128xf32, #tpu.memory_space<vmem>>
    %dma_start3A_22 = arith.constant 0 : i32
    %dma_start3A_23 = tpu.memref_slice %arg7[%dma_start3A_22] : memref<256xi32, #tpu.memory_space<vmem>> -> memref<128xi32, #tpu.memory_space<vmem>>
    %dma_start3A_24 = arith.constant 0 : i32
    %dma_start3A_25 = tpu.memref_slice %arg5[%dma_start3A_24] : memref<1000000xf32, #tpu.memory_space<hbm>> -> memref<1000000xf32, #tpu.memory_space<hbm>>
    tpu.enqueue_indirect_dma source(%dma_start3A_25 : memref<1000000xf32, #tpu.memory_space<hbm>>) target(%dma_start3A_21 : memref<128xf32, #tpu.memory_space<vmem>>) offsets(%dma_start3A_23 : memref<128xi32, #tpu.memory_space<vmem>>) semaphore(%arg15 : memref<!tpu.dma_semaphore, #tpu.memory_space<semaphore_mem>>)
    %dma_start3A_26 = arith.constant 128 : i32
    %dma_start3A_27 = arith.constant 0 : i32
    %dma_start3A_28 = tpu.memref_slice %arg11[%dma_start3A_26, %dma_start3A_27] : memref<256x64xf32, #tpu.memory_space<vmem>> -> memref<128x64xf32, #tpu.memory_space<vmem>>
    %dma_start3A_29 = arith.constant 128 : i32
    %dma_start3A_30 = tpu.memref_slice %arg7[%dma_start3A_29] : memref<256xi32, #tpu.memory_space<vmem>> -> memref<128xi32, #tpu.memory_space<vmem>>
    %dma_start3A_31 = arith.constant 0 : i32
    %dma_start3A_32 = arith.constant 0 : i32
    %dma_start3A_33 = tpu.memref_slice %arg3[%dma_start3A_31, %dma_start3A_32] : memref<1000000x64xf32, #tpu.memory_space<hbm>> -> memref<1000000x64xf32, #tpu.memory_space<hbm>>
    tpu.enqueue_indirect_dma source(%dma_start3A_33 : memref<1000000x64xf32, #tpu.memory_space<hbm>>) target(%dma_start3A_28 : memref<128x64xf32, #tpu.memory_space<vmem>>) offsets(%dma_start3A_30 : memref<128xi32, #tpu.memory_space<vmem>>) semaphore(%arg15 : memref<!tpu.dma_semaphore, #tpu.memory_space<semaphore_mem>>)
    %dma_start3A_34 = arith.constant 128 : i32
    %dma_start3A_35 = arith.constant 0 : i32
    %dma_start3A_36 = tpu.memref_slice %arg13[%dma_start3A_34, %dma_start3A_35] : memref<256x64xf32, #tpu.memory_space<vmem>> -> memref<128x64xf32, #tpu.memory_space<vmem>>
    %dma_start3A_37 = arith.constant 128 : i32
    %dma_start3A_38 = tpu.memref_slice %arg7[%dma_start3A_37] : memref<256xi32, #tpu.memory_space<vmem>> -> memref<128xi32, #tpu.memory_space<vmem>>
    %dma_start3A_39 = arith.constant 0 : i32
    %dma_start3A_40 = arith.constant 0 : i32
    %dma_start3A_41 = tpu.memref_slice %arg4[%dma_start3A_39, %dma_start3A_40] : memref<1000000x64xf32, #tpu.memory_space<hbm>> -> memref<1000000x64xf32, #tpu.memory_space<hbm>>
    tpu.enqueue_indirect_dma source(%dma_start3A_41 : memref<1000000x64xf32, #tpu.memory_space<hbm>>) target(%dma_start3A_36 : memref<128x64xf32, #tpu.memory_space<vmem>>) offsets(%dma_start3A_38 : memref<128xi32, #tpu.memory_space<vmem>>) semaphore(%arg15 : memref<!tpu.dma_semaphore, #tpu.memory_space<semaphore_mem>>)
    %dma_start3A_42 = arith.constant 128 : i32
    %dma_start3A_43 = tpu.memref_slice %arg9[%dma_start3A_42] : memref<256xf32, #tpu.memory_space<vmem>> -> memref<128xf32, #tpu.memory_space<vmem>>
    %dma_start3A_44 = arith.constant 128 : i32
    %dma_start3A_45 = tpu.memref_slice %arg7[%dma_start3A_44] : memref<256xi32, #tpu.memory_space<vmem>> -> memref<128xi32, #tpu.memory_space<vmem>>
    %dma_start3A_46 = arith.constant 0 : i32
    %dma_start3A_47 = tpu.memref_slice %arg5[%dma_start3A_46] : memref<1000000xf32, #tpu.memory_space<hbm>> -> memref<1000000xf32, #tpu.memory_space<hbm>>
    tpu.enqueue_indirect_dma source(%dma_start3A_47 : memref<1000000xf32, #tpu.memory_space<hbm>>) target(%dma_start3A_43 : memref<128xf32, #tpu.memory_space<vmem>>) offsets(%dma_start3A_45 : memref<128xi32, #tpu.memory_space<vmem>>) semaphore(%arg15 : memref<!tpu.dma_semaphore, #tpu.memory_space<semaphore_mem>>)
    %add3A_48 = arith.constant 256 : i32
    %add3A_49 = arith.addi %mul3A_2, %add3A_48 : i32
    "tpu.region"() ({
      %run_scoped3A = tpu.sem_alloc : memref<!tpu.dma_semaphore, #tpu.memory_space<semaphore_mem>>
      %dma_start3A_110 = tpu.memref_slice %arg2[%add3A_49] : memref<819200xi32, #tpu.memory_space<hbm>> -> memref<256xi32, #tpu.memory_space<hbm>>
      %dma_start3A_111 = tpu.memref_slice %arg2[%add3A_49] : memref<819200xi32, #tpu.memory_space<hbm>> -> memref<256xi32, #tpu.memory_space<hbm>>
      tpu.enqueue_dma source(%dma_start3A_111 : memref<256xi32, #tpu.memory_space<hbm>>) target(%arg8 : memref<256xi32, #tpu.memory_space<vmem>>) target_semaphore(%run_scoped3A : memref<!tpu.dma_semaphore, #tpu.memory_space<semaphore_mem>>)
      %dma_wait3A_112 = tpu.memref_slice %arg2[%add3A_49] : memref<819200xi32, #tpu.memory_space<hbm>> -> memref<256xi32, #tpu.memory_space<hbm>>
      %dma_wait3A_113 = tpu.memref_slice %arg2[%add3A_49] : memref<819200xi32, #tpu.memory_space<hbm>> -> memref<256xi32, #tpu.memory_space<hbm>>
      tpu.wait_dma2 semaphore(%run_scoped3A : memref<!tpu.dma_semaphore, #tpu.memory_space<semaphore_mem>>) src(%dma_wait3A_113 : memref<256xi32, #tpu.memory_space<hbm>>) dst(%arg8 : memref<256xi32, #tpu.memory_space<vmem>>)
      tpu.yield
    }) : () -> ()
    %dma_start3A_50 = arith.constant 0 : i32
    %dma_start3A_51 = arith.constant 0 : i32
    %dma_start3A_52 = tpu.memref_slice %arg12[%dma_start3A_50, %dma_start3A_51] : memref<256x64xf32, #tpu.memory_space<vmem>> -> memref<128x64xf32, #tpu.memory_space<vmem>>
    %dma_start3A_53 = arith.constant 0 : i32
    %dma_start3A_54 = tpu.memref_slice %arg8[%dma_start3A_53] : memref<256xi32, #tpu.memory_space<vmem>> -> memref<128xi32, #tpu.memory_space<vmem>>
    %dma_start3A_55 = arith.constant 0 : i32
    %dma_start3A_56 = arith.constant 0 : i32
    %dma_start3A_57 = tpu.memref_slice %arg3[%dma_start3A_55, %dma_start3A_56] : memref<1000000x64xf32, #tpu.memory_space<hbm>> -> memref<1000000x64xf32, #tpu.memory_space<hbm>>
    tpu.enqueue_indirect_dma source(%dma_start3A_57 : memref<1000000x64xf32, #tpu.memory_space<hbm>>) target(%dma_start3A_52 : memref<128x64xf32, #tpu.memory_space<vmem>>) offsets(%dma_start3A_54 : memref<128xi32, #tpu.memory_space<vmem>>) semaphore(%arg16 : memref<!tpu.dma_semaphore, #tpu.memory_space<semaphore_mem>>)
    %dma_start3A_58 = arith.constant 0 : i32
    %dma_start3A_59 = arith.constant 0 : i32
    %dma_start3A_60 = tpu.memref_slice %arg14[%dma_start3A_58, %dma_start3A_59] : memref<256x64xf32, #tpu.memory_space<vmem>> -> memref<128x64xf32, #tpu.memory_space<vmem>>
    %dma_start3A_61 = arith.constant 0 : i32
    %dma_start3A_62 = tpu.memref_slice %arg8[%dma_start3A_61] : memref<256xi32, #tpu.memory_space<vmem>> -> memref<128xi32, #tpu.memory_space<vmem>>
    %dma_start3A_63 = arith.constant 0 : i32
    %dma_start3A_64 = arith.constant 0 : i32
    %dma_start3A_65 = tpu.memref_slice %arg4[%dma_start3A_63, %dma_start3A_64] : memref<1000000x64xf32, #tpu.memory_space<hbm>> -> memref<1000000x64xf32, #tpu.memory_space<hbm>>
    tpu.enqueue_indirect_dma source(%dma_start3A_65 : memref<1000000x64xf32, #tpu.memory_space<hbm>>) target(%dma_start3A_60 : memref<128x64xf32, #tpu.memory_space<vmem>>) offsets(%dma_start3A_62 : memref<128xi32, #tpu.memory_space<vmem>>) semaphore(%arg16 : memref<!tpu.dma_semaphore, #tpu.memory_space<semaphore_mem>>)
    %dma_start3A_66 = arith.constant 0 : i32
    %dma_start3A_67 = tpu.memref_slice %arg10[%dma_start3A_66] : memref<256xf32, #tpu.memory_space<vmem>> -> memref<128xf32, #tpu.memory_space<vmem>>
    %dma_start3A_68 = arith.constant 0 : i32
    %dma_start3A_69 = tpu.memref_slice %arg8[%dma_start3A_68] : memref<256xi32, #tpu.memory_space<vmem>> -> memref<128xi32, #tpu.memory_space<vmem>>
    %dma_start3A_70 = arith.constant 0 : i32
    %dma_start3A_71 = tpu.memref_slice %arg5[%dma_start3A_70] : memref<1000000xf32, #tpu.memory_space<hbm>> -> memref<1000000xf32, #tpu.memory_space<hbm>>
    tpu.enqueue_indirect_dma source(%dma_start3A_71 : memref<1000000xf32, #tpu.memory_space<hbm>>) target(%dma_start3A_67 : memref<128xf32, #tpu.memory_space<vmem>>) offsets(%dma_start3A_69 : memref<128xi32, #tpu.memory_space<vmem>>) semaphore(%arg16 : memref<!tpu.dma_semaphore, #tpu.memory_space<semaphore_mem>>)
    %dma_start3A_72 = arith.constant 128 : i32
    %dma_start3A_73 = arith.constant 0 : i32
    %dma_start3A_74 = tpu.memref_slice %arg12[%dma_start3A_72, %dma_start3A_73] : memref<256x64xf32, #tpu.memory_space<vmem>> -> memref<128x64xf32, #tpu.memory_space<vmem>>
    %dma_start3A_75 = arith.constant 128 : i32
    %dma_start3A_76 = tpu.memref_slice %arg8[%dma_start3A_75] : memref<256xi32, #tpu.memory_space<vmem>> -> memref<128xi32, #tpu.memory_space<vmem>>
    %dma_start3A_77 = arith.constant 0 : i32
    %dma_start3A_78 = arith.constant 0 : i32
    %dma_start3A_79 = tpu.memref_slice %arg3[%dma_start3A_77, %dma_start3A_78] : memref<1000000x64xf32, #tpu.memory_space<hbm>> -> memref<1000000x64xf32, #tpu.memory_space<hbm>>
    tpu.enqueue_indirect_dma source(%dma_start3A_79 : memref<1000000x64xf32, #tpu.memory_space<hbm>>) target(%dma_start3A_74 : memref<128x64xf32, #tpu.memory_space<vmem>>) offsets(%dma_start3A_76 : memref<128xi32, #tpu.memory_space<vmem>>) semaphore(%arg16 : memref<!tpu.dma_semaphore, #tpu.memory_space<semaphore_mem>>)
    %dma_start3A_80 = arith.constant 128 : i32
    %dma_start3A_81 = arith.constant 0 : i32
    %dma_start3A_82 = tpu.memref_slice %arg14[%dma_start3A_80, %dma_start3A_81] : memref<256x64xf32, #tpu.memory_space<vmem>> -> memref<128x64xf32, #tpu.memory_space<vmem>>
    %dma_start3A_83 = arith.constant 128 : i32
    %dma_start3A_84 = tpu.memref_slice %arg8[%dma_start3A_83] : memref<256xi32, #tpu.memory_space<vmem>> -> memref<128xi32, #tpu.memory_space<vmem>>
    %dma_start3A_85 = arith.constant 0 : i32
    %dma_start3A_86 = arith.constant 0 : i32
    %dma_start3A_87 = tpu.memref_slice %arg4[%dma_start3A_85, %dma_start3A_86] : memref<1000000x64xf32, #tpu.memory_space<hbm>> -> memref<1000000x64xf32, #tpu.memory_space<hbm>>
    tpu.enqueue_indirect_dma source(%dma_start3A_87 : memref<1000000x64xf32, #tpu.memory_space<hbm>>) target(%dma_start3A_82 : memref<128x64xf32, #tpu.memory_space<vmem>>) offsets(%dma_start3A_84 : memref<128xi32, #tpu.memory_space<vmem>>) semaphore(%arg16 : memref<!tpu.dma_semaphore, #tpu.memory_space<semaphore_mem>>)
    %dma_start3A_88 = arith.constant 128 : i32
    %dma_start3A_89 = tpu.memref_slice %arg10[%dma_start3A_88] : memref<256xf32, #tpu.memory_space<vmem>> -> memref<128xf32, #tpu.memory_space<vmem>>
    %dma_start3A_90 = arith.constant 128 : i32
    %dma_start3A_91 = tpu.memref_slice %arg8[%dma_start3A_90] : memref<256xi32, #tpu.memory_space<vmem>> -> memref<128xi32, #tpu.memory_space<vmem>>
    %dma_start3A_92 = arith.constant 0 : i32
    %dma_start3A_93 = tpu.memref_slice %arg5[%dma_start3A_92] : memref<1000000xf32, #tpu.memory_space<hbm>> -> memref<1000000xf32, #tpu.memory_space<hbm>>
    tpu.enqueue_indirect_dma source(%dma_start3A_93 : memref<1000000xf32, #tpu.memory_space<hbm>>) target(%dma_start3A_89 : memref<128xf32, #tpu.memory_space<vmem>>) offsets(%dma_start3A_91 : memref<128xi32, #tpu.memory_space<vmem>>) semaphore(%arg16 : memref<!tpu.dma_semaphore, #tpu.memory_space<semaphore_mem>>)
    %scan3A = arith.constant 0 : i32
    %scan3A_94 = arith.constant 0 : i32
    %scan3A_95 = arith.constant 50 : i32
    %scan3A_96 = arith.addi %scan3A_94, %scan3A_95 : i32
    %scan3A_97 = arith.constant 1 : i32
    scf.for %scan3A_110 = %scan3A_94 to %scan3A_96 step %scan3A_97  : i32 {
      %mul3A_111 = arith.constant 2 : i32
      %mul3A_112 = arith.muli %mul3A_111, %scan3A_110 : i32
      %add3A_113 = arith.constant 1 : i32
      %add3A_114 = arith.addi %mul3A_112, %add3A_113 : i32
      %dma_wait3A_115 = arith.constant 0 : i32
      %dma_wait3A_116 = arith.constant 0 : i32
      %dma_wait3A_117 = tpu.memref_slice %arg11[%dma_wait3A_115, %dma_wait3A_116] : memref<256x64xf32, #tpu.memory_space<vmem>> -> memref<128x64xf32, #tpu.memory_space<vmem>>
      %dma_wait3A_118 = arith.constant 0 : i32
      %dma_wait3A_119 = tpu.memref_slice %arg7[%dma_wait3A_118] : memref<256xi32, #tpu.memory_space<vmem>> -> memref<128xi32, #tpu.memory_space<vmem>>
      %dma_wait3A_120 = arith.constant 0 : i32
      %dma_wait3A_121 = arith.constant 0 : i32
      %dma_wait3A_122 = tpu.memref_slice %arg3[%dma_wait3A_120, %dma_wait3A_121] : memref<1000000x64xf32, #tpu.memory_space<hbm>> -> memref<1000000x64xf32, #tpu.memory_space<hbm>>
      tpu.wait_indirect_dma semaphore(%arg15 : memref<!tpu.dma_semaphore, #tpu.memory_space<semaphore_mem>>) src(%dma_wait3A_122 : memref<1000000x64xf32, #tpu.memory_space<hbm>>) dst(%dma_wait3A_117 : memref<128x64xf32, #tpu.memory_space<vmem>>)
      %dma_wait3A_123 = arith.constant 0 : i32
      %dma_wait3A_124 = arith.constant 0 : i32
      %dma_wait3A_125 = tpu.memref_slice %arg13[%dma_wait3A_123, %dma_wait3A_124] : memref<256x64xf32, #tpu.memory_space<vmem>> -> memref<128x64xf32, #tpu.memory_space<vmem>>
      %dma_wait3A_126 = arith.constant 0 : i32
      %dma_wait3A_127 = tpu.memref_slice %arg7[%dma_wait3A_126] : memref<256xi32, #tpu.memory_space<vmem>> -> memref<128xi32, #tpu.memory_space<vmem>>
      %dma_wait3A_128 = arith.constant 0 : i32
      %dma_wait3A_129 = arith.constant 0 : i32
      %dma_wait3A_130 = tpu.memref_slice %arg4[%dma_wait3A_128, %dma_wait3A_129] : memref<1000000x64xf32, #tpu.memory_space<hbm>> -> memref<1000000x64xf32, #tpu.memory_space<hbm>>
      tpu.wait_indirect_dma semaphore(%arg15 : memref<!tpu.dma_semaphore, #tpu.memory_space<semaphore_mem>>) src(%dma_wait3A_130 : memref<1000000x64xf32, #tpu.memory_space<hbm>>) dst(%dma_wait3A_125 : memref<128x64xf32, #tpu.memory_space<vmem>>)
      %dma_wait3A_131 = arith.constant 0 : i32
      %dma_wait3A_132 = tpu.memref_slice %arg9[%dma_wait3A_131] : memref<256xf32, #tpu.memory_space<vmem>> -> memref<128xf32, #tpu.memory_space<vmem>>
      %dma_wait3A_133 = arith.constant 0 : i32
      %dma_wait3A_134 = tpu.memref_slice %arg7[%dma_wait3A_133] : memref<256xi32, #tpu.memory_space<vmem>> -> memref<128xi32, #tpu.memory_space<vmem>>
      %dma_wait3A_135 = arith.constant 0 : i32
      %dma_wait3A_136 = tpu.memref_slice %arg5[%dma_wait3A_135] : memref<1000000xf32, #tpu.memory_space<hbm>> -> memref<1000000xf32, #tpu.memory_space<hbm>>
      tpu.wait_indirect_dma semaphore(%arg15 : memref<!tpu.dma_semaphore, #tpu.memory_space<semaphore_mem>>) src(%dma_wait3A_136 : memref<1000000xf32, #tpu.memory_space<hbm>>) dst(%dma_wait3A_132 : memref<128xf32, #tpu.memory_space<vmem>>)
      %dma_wait3A_137 = arith.constant 128 : i32
      %dma_wait3A_138 = arith.constant 0 : i32
      %dma_wait3A_139 = tpu.memref_slice %arg11[%dma_wait3A_137, %dma_wait3A_138] : memref<256x64xf32, #tpu.memory_space<vmem>> -> memref<128x64xf32, #tpu.memory_space<vmem>>
      %dma_wait3A_140 = arith.constant 128 : i32
      %dma_wait3A_141 = tpu.memref_slice %arg7[%dma_wait3A_140] : memref<256xi32, #tpu.memory_space<vmem>> -> memref<128xi32, #tpu.memory_space<vmem>>
      %dma_wait3A_142 = arith.constant 0 : i32
      %dma_wait3A_143 = arith.constant 0 : i32
      %dma_wait3A_144 = tpu.memref_slice %arg3[%dma_wait3A_142, %dma_wait3A_143] : memref<1000000x64xf32, #tpu.memory_space<hbm>> -> memref<1000000x64xf32, #tpu.memory_space<hbm>>
      tpu.wait_indirect_dma semaphore(%arg15 : memref<!tpu.dma_semaphore, #tpu.memory_space<semaphore_mem>>) src(%dma_wait3A_144 : memref<1000000x64xf32, #tpu.memory_space<hbm>>) dst(%dma_wait3A_139 : memref<128x64xf32, #tpu.memory_space<vmem>>)
      %dma_wait3A_145 = arith.constant 128 : i32
      %dma_wait3A_146 = arith.constant 0 : i32
      %dma_wait3A_147 = tpu.memref_slice %arg13[%dma_wait3A_145, %dma_wait3A_146] : memref<256x64xf32, #tpu.memory_space<vmem>> -> memref<128x64xf32, #tpu.memory_space<vmem>>
      %dma_wait3A_148 = arith.constant 128 : i32
      %dma_wait3A_149 = tpu.memref_slice %arg7[%dma_wait3A_148] : memref<256xi32, #tpu.memory_space<vmem>> -> memref<128xi32, #tpu.memory_space<vmem>>
      %dma_wait3A_150 = arith.constant 0 : i32
      %dma_wait3A_151 = arith.constant 0 : i32
      %dma_wait3A_152 = tpu.memref_slice %arg4[%dma_wait3A_150, %dma_wait3A_151] : memref<1000000x64xf32, #tpu.memory_space<hbm>> -> memref<1000000x64xf32, #tpu.memory_space<hbm>>
      tpu.wait_indirect_dma semaphore(%arg15 : memref<!tpu.dma_semaphore, #tpu.memory_space<semaphore_mem>>) src(%dma_wait3A_152 : memref<1000000x64xf32, #tpu.memory_space<hbm>>) dst(%dma_wait3A_147 : memref<128x64xf32, #tpu.memory_space<vmem>>)
      %dma_wait3A_153 = arith.constant 128 : i32
      %dma_wait3A_154 = tpu.memref_slice %arg9[%dma_wait3A_153] : memref<256xf32, #tpu.memory_space<vmem>> -> memref<128xf32, #tpu.memory_space<vmem>>
      %dma_wait3A_155 = arith.constant 128 : i32
      %dma_wait3A_156 = tpu.memref_slice %arg7[%dma_wait3A_155] : memref<256xi32, #tpu.memory_space<vmem>> -> memref<128xi32, #tpu.memory_space<vmem>>
      %dma_wait3A_157 = arith.constant 0 : i32
      %dma_wait3A_158 = tpu.memref_slice %arg5[%dma_wait3A_157] : memref<1000000xf32, #tpu.memory_space<hbm>> -> memref<1000000xf32, #tpu.memory_space<hbm>>
      tpu.wait_indirect_dma semaphore(%arg15 : memref<!tpu.dma_semaphore, #tpu.memory_space<semaphore_mem>>) src(%dma_wait3A_158 : memref<1000000xf32, #tpu.memory_space<hbm>>) dst(%dma_wait3A_154 : memref<128xf32, #tpu.memory_space<vmem>>)
      %scan3A_159 = arith.constant 0 : i32
      %scan3A_160 = arith.constant 0 : i32
      %scan3A_161 = arith.constant 16 : i32
      %scan3A_162 = arith.addi %scan3A_160, %scan3A_161 : i32
      %scan3A_163 = arith.constant 1 : i32
      scf.for %scan3A_236 = %scan3A_160 to %scan3A_162 step %scan3A_163  : i32 {
        %mul3A_237 = arith.constant 16 : i32
        %mul3A_238 = arith.muli %scan3A_236, %mul3A_237 : i32
        %get3A = arith.index_cast %mul3A_238 : i32 to index
        %get3A_239 = tpu.vector_load %arg9[%get3A] {strides = array<i32>} : memref<256xf32, #tpu.memory_space<vmem>>, vector<16xf32>,
        %get3A_240 = vector.shape_cast %get3A_239 : vector<16xf32> to vector<16xf32>
        %neg3A = arith.constant 0.000000e+00 : f32
        %neg3A_241 = vector.broadcast %neg3A : f32 to vector<16xf32>
        %neg3A_242 = arith.subf %neg3A_241, %get3A_240 : vector<16xf32>
        %exp3A = math.exp %neg3A_242 : vector<16xf32>
        %add3A_243 = arith.constant 1.000000e+00 : f32
        %add3A_244 = vector.broadcast %add3A_243 : f32 to vector<16xf32>
        %add3A_245 = arith.addf %add3A_244, %exp3A : vector<16xf32>
        %div3A = arith.constant 0.899999976 : f32
        %div3A_246 = vector.broadcast %div3A : f32 to vector<16xf32>
        %div3A_247 = arith.divf %div3A_246, %add3A_245 : vector<16xf32>
        %add3A_248 = arith.constant 1.000000e-01 : f32
        %add3A_249 = vector.broadcast %add3A_248 : f32 to vector<16xf32>
        %add3A_250 = arith.addf %add3A_249, %div3A_247 : vector<16xf32>
        %mul3A_251 = arith.constant 16 : i32
        %mul3A_252 = arith.muli %scan3A_236, %mul3A_251 : i32
        %add3A_253 = arith.constant 0 : i32
        %add3A_254 = arith.addi %mul3A_252, %add3A_253 : i32
        %broadcast_in_dim3A = arith.constant 0 : i32
        %broadcast_in_dim3A_255 = vector.broadcast %broadcast_in_dim3A : i32 to vector<16x1xi32>
        %gather3A = vector.shape_cast %broadcast_in_dim3A_255 : vector<16x1xi32> to vector<16xi32>
        %gather3A_256 = tpu.dynamic_gather %add3A_250[%gather3A] in [0] : vector<16xf32>, vector<16xi32> -> vector<16xf32>
        %get3A_257 = arith.index_cast %add3A_254 : i32 to index
        %get3A_258 = arith.constant 0 : index
        %get3A_259 = tpu.vector_load %arg11[%get3A_257, %get3A_258] {strides = array<i32>} : memref<256x64xf32, #tpu.memory_space<vmem>>, vector<1x16xf32>,
        %get3A_260 = vector.shape_cast %get3A_259 : vector<1x16xf32> to vector<16xf32>
        %get3A_261 = arith.index_cast %add3A_254 : i32 to index
        %get3A_262 = arith.constant 0 : index
        %get3A_263 = tpu.vector_load %arg13[%get3A_261, %get3A_262] {strides = array<i32>} : memref<256x64xf32, #tpu.memory_space<vmem>>, vector<1x16xf32>,
        %get3A_264 = vector.shape_cast %get3A_263 : vector<1x16xf32> to vector<16xf32>
        %mul3A_265 = arith.mulf %gather3A_256, %get3A_264 : vector<16xf32>
        %add3A_266 = arith.addf %get3A_260, %mul3A_265 : vector<16xf32>
        %swap3A = arith.index_cast %add3A_254 : i32 to index
        %swap3A_267 = arith.constant 0 : index
        %swap3A_268 = tpu.vector_load %arg11[%swap3A, %swap3A_267] {strides = array<i32>} : memref<256x64xf32, #tpu.memory_space<vmem>>, vector<1x16xf32>,
        %swap3A_269 = vector.shape_cast %swap3A_268 : vector<1x16xf32> to vector<16xf32>
        %swap3A_270 = vector.shape_cast %add3A_266 : vector<16xf32> to vector<1x16xf32>
        tpu.vector_store %arg11[%swap3A, %swap3A_267], %swap3A_270 {strides = array<i32>} : memref<256x64xf32, #tpu.memory_space<vmem>>, vector<1x16xf32>,
        %get3A_271 = arith.index_cast %add3A_254 : i32 to index
        %get3A_272 = arith.constant 16 : index
        %get3A_273 = tpu.vector_load %arg11[%get3A_271, %get3A_272] {strides = array<i32>} : memref<256x64xf32, #tpu.memory_space<vmem>>, vector<1x16xf32>,
        %get3A_274 = vector.shape_cast %get3A_273 : vector<1x16xf32> to vector<16xf32>
        %get3A_275 = arith.index_cast %add3A_254 : i32 to index
        %get3A_276 = arith.constant 16 : index
        %get3A_277 = tpu.vector_load %arg13[%get3A_275, %get3A_276] {strides = array<i32>} : memref<256x64xf32, #tpu.memory_space<vmem>>, vector<1x16xf32>,
        %get3A_278 = vector.shape_cast %get3A_277 : vector<1x16xf32> to vector<16xf32>
        %mul3A_279 = arith.mulf %gather3A_256, %get3A_278 : vector<16xf32>
        %add3A_280 = arith.addf %get3A_274, %mul3A_279 : vector<16xf32>
        %swap3A_281 = arith.index_cast %add3A_254 : i32 to index
        %swap3A_282 = arith.constant 16 : index
        %swap3A_283 = tpu.vector_load %arg11[%swap3A_281, %swap3A_282] {strides = array<i32>} : memref<256x64xf32, #tpu.memory_space<vmem>>, vector<1x16xf32>,
        %swap3A_284 = vector.shape_cast %swap3A_283 : vector<1x16xf32> to vector<16xf32>
        %swap3A_285 = vector.shape_cast %add3A_280 : vector<16xf32> to vector<1x16xf32>
        tpu.vector_store %arg11[%swap3A_281, %swap3A_282], %swap3A_285 {strides = array<i32>} : memref<256x64xf32, #tpu.memory_space<vmem>>, vector<1x16xf32>,
        %get3A_286 = arith.index_cast %add3A_254 : i32 to index
        %get3A_287 = arith.constant 32 : index
        %get3A_288 = tpu.vector_load %arg11[%get3A_286, %get3A_287] {strides = array<i32>} : memref<256x64xf32, #tpu.memory_space<vmem>>, vector<1x16xf32>,
        %get3A_289 = vector.shape_cast %get3A_288 : vector<1x16xf32> to vector<16xf32>
        %get3A_290 = arith.index_cast %add3A_254 : i32 to index
        %get3A_291 = arith.constant 32 : index
        %get3A_292 = tpu.vector_load %arg13[%get3A_290, %get3A_291] {strides = array<i32>} : memref<256x64xf32, #tpu.memory_space<vmem>>, vector<1x16xf32>,
        %get3A_293 = vector.shape_cast %get3A_292 : vector<1x16xf32> to vector<16xf32>
        %mul3A_294 = arith.mulf %gather3A_256, %get3A_293 : vector<16xf32>
        %add3A_295 = arith.addf %get3A_289, %mul3A_294 : vector<16xf32>
        %swap3A_296 = arith.index_cast %add3A_254 : i32 to index
        %swap3A_297 = arith.constant 32 : index
        %swap3A_298 = tpu.vector_load %arg11[%swap3A_296, %swap3A_297] {strides = array<i32>} : memref<256x64xf32, #tpu.memory_space<vmem>>, vector<1x16xf32>,
        %swap3A_299 = vector.shape_cast %swap3A_298 : vector<1x16xf32> to vector<16xf32>
        %swap3A_300 = vector.shape_cast %add3A_295 : vector<16xf32> to vector<1x16xf32>
        tpu.vector_store %arg11[%swap3A_296, %swap3A_297], %swap3A_300 {strides = array<i32>} : memref<256x64xf32, #tpu.memory_space<vmem>>, vector<1x16xf32>,
        %get3A_301 = arith.index_cast %add3A_254 : i32 to index
        %get3A_302 = arith.constant 48 : index
        %get3A_303 = tpu.vector_load %arg11[%get3A_301, %get3A_302] {strides = array<i32>} : memref<256x64xf32, #tpu.memory_space<vmem>>, vector<1x16xf32>,
        %get3A_304 = vector.shape_cast %get3A_303 : vector<1x16xf32> to vector<16xf32>
        %get3A_305 = arith.index_cast %add3A_254 : i32 to index
        %get3A_306 = arith.constant 48 : index
        %get3A_307 = tpu.vector_load %arg13[%get3A_305, %get3A_306] {strides = array<i32>} : memref<256x64xf32, #tpu.memory_space<vmem>>, vector<1x16xf32>,
        %get3A_308 = vector.shape_cast %get3A_307 : vector<1x16xf32> to vector<16xf32>
        %mul3A_309 = arith.mulf %gather3A_256, %get3A_308 : vector<16xf32>
        %add3A_310 = arith.addf %get3A_304, %mul3A_309 : vector<16xf32>
        %swap3A_311 = arith.index_cast %add3A_254 : i32 to index
        %swap3A_312 = arith.constant 48 : index
        %swap3A_313 = tpu.vector_load %arg11[%swap3A_311, %swap3A_312] {strides = array<i32>} : memref<256x64xf32, #tpu.memory_space<vmem>>, vector<1x16xf32>,
        %swap3A_314 = vector.shape_cast %swap3A_313 : vector<1x16xf32> to vector<16xf32>
        %swap3A_315 = vector.shape_cast %add3A_310 : vector<16xf32> to vector<1x16xf32>
        tpu.vector_store %arg11[%swap3A_311, %swap3A_312], %swap3A_315 {strides = array<i32>} : memref<256x64xf32, #tpu.memory_space<vmem>>, vector<1x16xf32>,
        %mul3A_316 = arith.constant 16 : i32
        %mul3A_317 = arith.muli %scan3A_236, %mul3A_316 : i32
        %add3A_318 = arith.constant 1 : i32
        %add3A_319 = arith.addi %mul3A_317, %add3A_318 : i32
        %broadcast_in_dim3A_320 = arith.constant 1 : i32
        %broadcast_in_dim3A_321 = vector.broadcast %broadcast_in_dim3A_320 : i32 to vector<16x1xi32>
        %gather3A_322 = vector.shape_cast %broadcast_in_dim3A_321 : vector<16x1xi32> to vector<16xi32>
        %gather3A_323 = tpu.dynamic_gather %add3A_250[%gather3A_322] in [0] : vector<16xf32>, vector<16xi32> -> vector<16xf32>
        %get3A_324 = arith.index_cast %add3A_319 : i32 to index
        %get3A_325 = arith.constant 0 : index
        %get3A_326 = tpu.vector_load %arg11[%get3A_324, %get3A_325] {strides = array<i32>} : memref<256x64xf32, #tpu.memory_space<vmem>>, vector<1x16xf32>,
        %get3A_327 = vector.shape_cast %get3A_326 : vector<1x16xf32> to vector<16xf32>
        %get3A_328 = arith.index_cast %add3A_319 : i32 to index
        %get3A_329 = arith.constant 0 : index
        %get3A_330 = tpu.vector_load %arg13[%get3A_328, %get3A_329] {strides = array<i32>} : memref<256x64xf32, #tpu.memory_space<vmem>>, vector<1x16xf32>,
        %get3A_331 = vector.shape_cast %get3A_330 : vector<1x16xf32> to vector<16xf32>
        %mul3A_332 = arith.mulf %gather3A_323, %get3A_331 : vector<16xf32>
        %add3A_333 = arith.addf %get3A_327, %mul3A_332 : vector<16xf32>
        %swap3A_334 = arith.index_cast %add3A_319 : i32 to index
        %swap3A_335 = arith.constant 0 : index
        %swap3A_336 = tpu.vector_load %arg11[%swap3A_334, %swap3A_335] {strides = array<i32>} : memref<256x64xf32, #tpu.memory_space<vmem>>, vector<1x16xf32>,
        %swap3A_337 = vector.shape_cast %swap3A_336 : vector<1x16xf32> to vector<16xf32>
        %swap3A_338 = vector.shape_cast %add3A_333 : vector<16xf32> to vector<1x16xf32>
        tpu.vector_store %arg11[%swap3A_334, %swap3A_335], %swap3A_338 {strides = array<i32>} : memref<256x64xf32, #tpu.memory_space<vmem>>, vector<1x16xf32>,
        %get3A_339 = arith.index_cast %add3A_319 : i32 to index
        %get3A_340 = arith.constant 16 : index
        %get3A_341 = tpu.vector_load %arg11[%get3A_339, %get3A_340] {strides = array<i32>} : memref<256x64xf32, #tpu.memory_space<vmem>>, vector<1x16xf32>,
        %get3A_342 = vector.shape_cast %get3A_341 : vector<1x16xf32> to vector<16xf32>
        %get3A_343 = arith.index_cast %add3A_319 : i32 to index
        %get3A_344 = arith.constant 16 : index
        %get3A_345 = tpu.vector_load %arg13[%get3A_343, %get3A_344] {strides = array<i32>} : memref<256x64xf32, #tpu.memory_space<vmem>>, vector<1x16xf32>,
        %get3A_346 = vector.shape_cast %get3A_345 : vector<1x16xf32> to vector<16xf32>
        %mul3A_347 = arith.mulf %gather3A_323, %get3A_346 : vector<16xf32>
        %add3A_348 = arith.addf %get3A_342, %mul3A_347 : vector<16xf32>
        %swap3A_349 = arith.index_cast %add3A_319 : i32 to index
        %swap3A_350 = arith.constant 16 : index
        %swap3A_351 = tpu.vector_load %arg11[%swap3A_349, %swap3A_350] {strides = array<i32>} : memref<256x64xf32, #tpu.memory_space<vmem>>, vector<1x16xf32>,
        %swap3A_352 = vector.shape_cast %swap3A_351 : vector<1x16xf32> to vector<16xf32>
        %swap3A_353 = vector.shape_cast %add3A_348 : vector<16xf32> to vector<1x16xf32>
        tpu.vector_store %arg11[%swap3A_349, %swap3A_350], %swap3A_353 {strides = array<i32>} : memref<256x64xf32, #tpu.memory_space<vmem>>, vector<1x16xf32>,
        %get3A_354 = arith.index_cast %add3A_319 : i32 to index
        %get3A_355 = arith.constant 32 : index
        %get3A_356 = tpu.vector_load %arg11[%get3A_354, %get3A_355] {strides = array<i32>} : memref<256x64xf32, #tpu.memory_space<vmem>>, vector<1x16xf32>,
        %get3A_357 = vector.shape_cast %get3A_356 : vector<1x16xf32> to vector<16xf32>
        %get3A_358 = arith.index_cast %add3A_319 : i32 to index
        %get3A_359 = arith.constant 32 : index
        %get3A_360 = tpu.vector_load %arg13[%get3A_358, %get3A_359] {strides = array<i32>} : memref<256x64xf32, #tpu.memory_space<vmem>>, vector<1x16xf32>,
        %get3A_361 = vector.shape_cast %get3A_360 : vector<1x16xf32> to vector<16xf32>
        %mul3A_362 = arith.mulf %gather3A_323, %get3A_361 : vector<16xf32>
        %add3A_363 = arith.addf %get3A_357, %mul3A_362 : vector<16xf32>
        %swap3A_364 = arith.index_cast %add3A_319 : i32 to index
        %swap3A_365 = arith.constant 32 : index
        %swap3A_366 = tpu.vector_load %arg11[%swap3A_364, %swap3A_365] {strides = array<i32>} : memref<256x64xf32, #tpu.memory_space<vmem>>, vector<1x16xf32>,
        %swap3A_367 = vector.shape_cast %swap3A_366 : vector<1x16xf32> to vector<16xf32>
        %swap3A_368 = vector.shape_cast %add3A_363 : vector<16xf32> to vector<1x16xf32>
        tpu.vector_store %arg11[%swap3A_364, %swap3A_365], %swap3A_368 {strides = array<i32>} : memref<256x64xf32, #tpu.memory_space<vmem>>, vector<1x16xf32>,
        %get3A_369 = arith.index_cast %add3A_319 : i32 to index
        %get3A_370 = arith.constant 48 : index
        %get3A_371 = tpu.vector_load %arg11[%get3A_369, %get3A_370] {strides = array<i32>} : memref<256x64xf32, #tpu.memory_space<vmem>>, vector<1x16xf32>,
        %get3A_372 = vector.shape_cast %get3A_371 : vector<1x16xf32> to vector<16xf32>
        %get3A_373 = arith.index_cast %add3A_319 : i32 to index
        %get3A_374 = arith.constant 48 : index
        %get3A_375 = tpu.vector_load %arg13[%get3A_373, %get3A_374] {strides = array<i32>} : memref<256x64xf32, #tpu.memory_space<vmem>>, vector<1x16xf32>,
        %get3A_376 = vector.shape_cast %get3A_375 : vector<1x16xf32> to vector<16xf32>
        %mul3A_377 = arith.mulf %gather3A_323, %get3A_376 : vector<16xf32>
        %add3A_378 = arith.addf %get3A_372, %mul3A_377 : vector<16xf32>
        %swap3A_379 = arith.index_cast %add3A_319 : i32 to index
        %swap3A_380 = arith.constant 48 : index
        %swap3A_381 = tpu.vector_load %arg11[%swap3A_379, %swap3A_380] {strides = array<i32>} : memref<256x64xf32, #tpu.memory_space<vmem>>, vector<1x16xf32>,
        %swap3A_382 = vector.shape_cast %swap3A_381 : vector<1x16xf32> to vector<16xf32>
        %swap3A_383 = vector.shape_cast %add3A_378 : vector<16xf32> to vector<1x16xf32>
        tpu.vector_store %arg11[%swap3A_379, %swap3A_380], %swap3A_383 {strides = array<i32>} : memref<256x64xf32, #tpu.memory_space<vmem>>, vector<1x16xf32>,
        %mul3A_384 = arith.constant 16 : i32
        %mul3A_385 = arith.muli %scan3A_236, %mul3A_384 : i32
        %add3A_386 = arith.constant 2 : i32
        %add3A_387 = arith.addi %mul3A_385, %add3A_386 : i32
        %broadcast_in_dim3A_388 = arith.constant 2 : i32
        %broadcast_in_dim3A_389 = vector.broadcast %broadcast_in_dim3A_388 : i32 to vector<16x1xi32>
        %gather3A_390 = vector.shape_cast %broadcast_in_dim3A_389 : vector<16x1xi32> to vector<16xi32>
        %gather3A_391 = tpu.dynamic_gather %add3A_250[%gather3A_390] in [0] : vector<16xf32>, vector<16xi32> -> vector<16xf32>
        %get3A_392 = arith.index_cast %add3A_387 : i32 to index
        %get3A_393 = arith.constant 0 : index
        %get3A_394 = tpu.vector_load %arg11[%get3A_392, %get3A_393] {strides = array<i32>} : memref<256x64xf32, #tpu.memory_space<vmem>>, vector<1x16xf32>,
        %get3A_395 = vector.shape_cast %get3A_394 : vector<1x16xf32> to vector<16xf32>
        %get3A_396 = arith.index_cast %add3A_387 : i32 to index
        %get3A_397 = arith.constant 0 : index
        %get3A_398 = tpu.vector_load %arg13[%get3A_396, %get3A_397] {strides = array<i32>} : memref<256x64xf32, #tpu.memory_space<vmem>>, vector<1x16xf32>,
        %get3A_399 = vector.shape_cast %get3A_398 : vector<1x16xf32> to vector<16xf32>
        %mul3A_400 = arith.mulf %gather3A_391, %get3A_399 : vector<16xf32>
        %add3A_401 = arith.addf %get3A_395, %mul3A_400 : vector<16xf32>
        %swap3A_402 = arith.index_cast %add3A_387 : i32 to index
        %swap3A_403 = arith.constant 0 : index
        %swap3A_404 = tpu.vector_load %arg11[%swap3A_402, %swap3A_403] {strides = array<i32>} : memref<256x64xf32, #tpu.memory_space<vmem>>, vector<1x16xf32>,
        %swap3A_405 = vector.shape_cast %swap3A_404 : vector<1x16xf32> to vector<16xf32>
        %swap3A_406 = vector.shape_cast %add3A_401 : vector<16xf32> to vector<1x16xf32>
        tpu.vector_store %arg11[%swap3A_402, %swap3A_403], %swap3A_406 {strides = array<i32>} : memref<256x64xf32, #tpu.memory_space<vmem>>, vector<1x16xf32>,
        %get3A_407 = arith.index_cast %add3A_387 : i32 to index
        %get3A_408 = arith.constant 16 : index
        %get3A_409 = tpu.vector_load %arg11[%get3A_407, %get3A_408] {strides = array<i32>} : memref<256x64xf32, #tpu.memory_space<vmem>>, vector<1x16xf32>,
        %get3A_410 = vector.shape_cast %get3A_409 : vector<1x16xf32> to vector<16xf32>
        %get3A_411 = arith.index_cast %add3A_387 : i32 to index
        %get3A_412 = arith.constant 16 : index
        %get3A_413 = tpu.vector_load %arg13[%get3A_411, %get3A_412] {strides = array<i32>} : memref<256x64xf32, #tpu.memory_space<vmem>>, vector<1x16xf32>,
        %get3A_414 = vector.shape_cast %get3A_413 : vector<1x16xf32> to vector<16xf32>
        %mul3A_415 = arith.mulf %gather3A_391, %get3A_414 : vector<16xf32>
        %add3A_416 = arith.addf %get3A_410, %mul3A_415 : vector<16xf32>
        %swap3A_417 = arith.index_cast %add3A_387 : i32 to index
        %swap3A_418 = arith.constant 16 : index
        %swap3A_419 = tpu.vector_load %arg11[%swap3A_417, %swap3A_418] {strides = array<i32>} : memref<256x64xf32, #tpu.memory_space<vmem>>, vector<1x16xf32>,
        %swap3A_420 = vector.shape_cast %swap3A_419 : vector<1x16xf32> to vector<16xf32>
        %swap3A_421 = vector.shape_cast %add3A_416 : vector<16xf32> to vector<1x16xf32>
        tpu.vector_store %arg11[%swap3A_417, %swap3A_418], %swap3A_421 {strides = array<i32>} : memref<256x64xf32, #tpu.memory_space<vmem>>, vector<1x16xf32>,
        %get3A_422 = arith.index_cast %add3A_387 : i32 to index
        %get3A_423 = arith.constant 32 : index
        %get3A_424 = tpu.vector_load %arg11[%get3A_422, %get3A_423] {strides = array<i32>} : memref<256x64xf32, #tpu.memory_space<vmem>>, vector<1x16xf32>,
        %get3A_425 = vector.shape_cast %get3A_424 : vector<1x16xf32> to vector<16xf32>
        %get3A_426 = arith.index_cast %add3A_387 : i32 to index
        %get3A_427 = arith.constant 32 : index
        %get3A_428 = tpu.vector_load %arg13[%get3A_426, %get3A_427] {strides = array<i32>} : memref<256x64xf32, #tpu.memory_space<vmem>>, vector<1x16xf32>,
        %get3A_429 = vector.shape_cast %get3A_428 : vector<1x16xf32> to vector<16xf32>
        %mul3A_430 = arith.mulf %gather3A_391, %get3A_429 : vector<16xf32>
        %add3A_431 = arith.addf %get3A_425, %mul3A_430 : vector<16xf32>
        %swap3A_432 = arith.index_cast %add3A_387 : i32 to index
        %swap3A_433 = arith.constant 32 : index
        %swap3A_434 = tpu.vector_load %arg11[%swap3A_432, %swap3A_433] {strides = array<i32>} : memref<256x64xf32, #tpu.memory_space<vmem>>, vector<1x16xf32>,
        %swap3A_435 = vector.shape_cast %swap3A_434 : vector<1x16xf32> to vector<16xf32>
        %swap3A_436 = vector.shape_cast %add3A_431 : vector<16xf32> to vector<1x16xf32>
        tpu.vector_store %arg11[%swap3A_432, %swap3A_433], %swap3A_436 {strides = array<i32>} : memref<256x64xf32, #tpu.memory_space<vmem>>, vector<1x16xf32>,
        %get3A_437 = arith.index_cast %add3A_387 : i32 to index
        %get3A_438 = arith.constant 48 : index
        %get3A_439 = tpu.vector_load %arg11[%get3A_437, %get3A_438] {strides = array<i32>} : memref<256x64xf32, #tpu.memory_space<vmem>>, vector<1x16xf32>,
        %get3A_440 = vector.shape_cast %get3A_439 : vector<1x16xf32> to vector<16xf32>
        %get3A_441 = arith.index_cast %add3A_387 : i32 to index
        %get3A_442 = arith.constant 48 : index
        %get3A_443 = tpu.vector_load %arg13[%get3A_441, %get3A_442] {strides = array<i32>} : memref<256x64xf32, #tpu.memory_space<vmem>>, vector<1x16xf32>,
        %get3A_444 = vector.shape_cast %get3A_443 : vector<1x16xf32> to vector<16xf32>
        %mul3A_445 = arith.mulf %gather3A_391, %get3A_444 : vector<16xf32>
        %add3A_446 = arith.addf %get3A_440, %mul3A_445 : vector<16xf32>
        %swap3A_447 = arith.index_cast %add3A_387 : i32 to index
        %swap3A_448 = arith.constant 48 : index
        %swap3A_449 = tpu.vector_load %arg11[%swap3A_447, %swap3A_448] {strides = array<i32>} : memref<256x64xf32, #tpu.memory_space<vmem>>, vector<1x16xf32>,
        %swap3A_450 = vector.shape_cast %swap3A_449 : vector<1x16xf32> to vector<16xf32>
        %swap3A_451 = vector.shape_cast %add3A_446 : vector<16xf32> to vector<1x16xf32>
        tpu.vector_store %arg11[%swap3A_447, %swap3A_448], %swap3A_451 {strides = array<i32>} : memref<256x64xf32, #tpu.memory_space<vmem>>, vector<1x16xf32>,
        %mul3A_452 = arith.constant 16 : i32
        %mul3A_453 = arith.muli %scan3A_236, %mul3A_452 : i32
        %add3A_454 = arith.constant 3 : i32
        %add3A_455 = arith.addi %mul3A_453, %add3A_454 : i32
        %broadcast_in_dim3A_456 = arith.constant 3 : i32
        %broadcast_in_dim3A_457 = vector.broadcast %broadcast_in_dim3A_456 : i32 to vector<16x1xi32>
        %gather3A_458 = vector.shape_cast %broadcast_in_dim3A_457 : vector<16x1xi32> to vector<16xi32>
        %gather3A_459 = tpu.dynamic_gather %add3A_250[%gather3A_458] in [0] : vector<16xf32>, vector<16xi32> -> vector<16xf32>
        %get3A_460 = arith.index_cast %add3A_455 : i32 to index
        %get3A_461 = arith.constant 0 : index
        %get3A_462 = tpu.vector_load %arg11[%get3A_460, %get3A_461] {strides = array<i32>} : memref<256x64xf32, #tpu.memory_space<vmem>>, vector<1x16xf32>,
        %get3A_463 = vector.shape_cast %get3A_462 : vector<1x16xf32> to vector<16xf32>
        %get3A_464 = arith.index_cast %add3A_455 : i32 to index
        %get3A_465 = arith.constant 0 : index
        %get3A_466 = tpu.vector_load %arg13[%get3A_464, %get3A_465] {strides = array<i32>} : memref<256x64xf32, #tpu.memory_space<vmem>>, vector<1x16xf32>,
        %get3A_467 = vector.shape_cast %get3A_466 : vector<1x16xf32> to vector<16xf32>
        %mul3A_468 = arith.mulf %gather3A_459, %get3A_467 : vector<16xf32>
        %add3A_469 = arith.addf %get3A_463, %mul3A_468 : vector<16xf32>
        %swap3A_470 = arith.index_cast %add3A_455 : i32 to index
        %swap3A_471 = arith.constant 0 : index
        %swap3A_472 = tpu.vector_load %arg11[%swap3A_470, %swap3A_471] {strides = array<i32>} : memref<256x64xf32, #tpu.memory_space<vmem>>, vector<1x16xf32>,
        %swap3A_473 = vector.shape_cast %swap3A_472 : vector<1x16xf32> to vector<16xf32>
        %swap3A_474 = vector.shape_cast %add3A_469 : vector<16xf32> to vector<1x16xf32>
        tpu.vector_store %arg11[%swap3A_470, %swap3A_471], %swap3A_474 {strides = array<i32>} : memref<256x64xf32, #tpu.memory_space<vmem>>, vector<1x16xf32>,
        %get3A_475 = arith.index_cast %add3A_455 : i32 to index
        %get3A_476 = arith.constant 16 : index
        %get3A_477 = tpu.vector_load %arg11[%get3A_475, %get3A_476] {strides = array<i32>} : memref<256x64xf32, #tpu.memory_space<vmem>>, vector<1x16xf32>,
        %get3A_478 = vector.shape_cast %get3A_477 : vector<1x16xf32> to vector<16xf32>
        %get3A_479 = arith.index_cast %add3A_455 : i32 to index
        %get3A_480 = arith.constant 16 : index
        %get3A_481 = tpu.vector_load %arg13[%get3A_479, %get3A_480] {strides = array<i32>} : memref<256x64xf32, #tpu.memory_space<vmem>>, vector<1x16xf32>,
        %get3A_482 = vector.shape_cast %get3A_481 : vector<1x16xf32> to vector<16xf32>
        %mul3A_483 = arith.mulf %gather3A_459, %get3A_482 : vector<16xf32>
        %add3A_484 = arith.addf %get3A_478, %mul3A_483 : vector<16xf32>
        %swap3A_485 = arith.index_cast %add3A_455 : i32 to index
        %swap3A_486 = arith.constant 16 : index
        %swap3A_487 = tpu.vector_load %arg11[%swap3A_485, %swap3A_486] {strides = array<i32>} : memref<256x64xf32, #tpu.memory_space<vmem>>, vector<1x16xf32>,
        %swap3A_488 = vector.shape_cast %swap3A_487 : vector<1x16xf32> to vector<16xf32>
        %swap3A_489 = vector.shape_cast %add3A_484 : vector<16xf32> to vector<1x16xf32>
        tpu.vector_store %arg11[%swap3A_485, %swap3A_486], %swap3A_489 {strides = array<i32>} : memref<256x64xf32, #tpu.memory_space<vmem>>, vector<1x16xf32>,
        %get3A_490 = arith.index_cast %add3A_455 : i32 to index
        %get3A_491 = arith.constant 32 : index
        %get3A_492 = tpu.vector_load %arg11[%get3A_490, %get3A_491] {strides = array<i32>} : memref<256x64xf32, #tpu.memory_space<vmem>>, vector<1x16xf32>,
        %get3A_493 = vector.shape_cast %get3A_492 : vector<1x16xf32> to vector<16xf32>
        %get3A_494 = arith.index_cast %add3A_455 : i32 to index
        %get3A_495 = arith.constant 32 : index
        %get3A_496 = tpu.vector_load %arg13[%get3A_494, %get3A_495] {strides = array<i32>} : memref<256x64xf32, #tpu.memory_space<vmem>>, vector<1x16xf32>,
        %get3A_497 = vector.shape_cast %get3A_496 : vector<1x16xf32> to vector<16xf32>
        %mul3A_498 = arith.mulf %gather3A_459, %get3A_497 : vector<16xf32>
        %add3A_499 = arith.addf %get3A_493, %mul3A_498 : vector<16xf32>
        %swap3A_500 = arith.index_cast %add3A_455 : i32 to index
        %swap3A_501 = arith.constant 32 : index
        %swap3A_502 = tpu.vector_load %arg11[%swap3A_500, %swap3A_501] {strides = array<i32>} : memref<256x64xf32, #tpu.memory_space<vmem>>, vector<1x16xf32>,
        %swap3A_503 = vector.shape_cast %swap3A_502 : vector<1x16xf32> to vector<16xf32>
        %swap3A_504 = vector.shape_cast %add3A_499 : vector<16xf32> to vector<1x16xf32>
        tpu.vector_store %arg11[%swap3A_500, %swap3A_501], %swap3A_504 {strides = array<i32>} : memref<256x64xf32, #tpu.memory_space<vmem>>, vector<1x16xf32>,
        %get3A_505 = arith.index_cast %add3A_455 : i32 to index
        %get3A_506 = arith.constant 48 : index
        %get3A_507 = tpu.vector_load %arg11[%get3A_505, %get3A_506] {strides = array<i32>} : memref<256x64xf32, #tpu.memory_space<vmem>>, vector<1x16xf32>,
        %get3A_508 = vector.shape_cast %get3A_507 : vector<1x16xf32> to vector<16xf32>
        %get3A_509 = arith.index_cast %add3A_455 : i32 to index
        %get3A_510 = arith.constant 48 : index
        %get3A_511 = tpu.vector_load %arg13[%get3A_509, %get3A_510] {strides = array<i32>} : memref<256x64xf32, #tpu.memory_space<vmem>>, vector<1x16xf32>,
        %get3A_512 = vector.shape_cast %get3A_511 : vector<1x16xf32> to vector<16xf32>
        %mul3A_513 = arith.mulf %gather3A_459, %get3A_512 : vector<16xf32>
        %add3A_514 = arith.addf %get3A_508, %mul3A_513 : vector<16xf32>
        %swap3A_515 = arith.index_cast %add3A_455 : i32 to index
        %swap3A_516 = arith.constant 48 : index
        %swap3A_517 = tpu.vector_load %arg11[%swap3A_515, %swap3A_516] {strides = array<i32>} : memref<256x64xf32, #tpu.memory_space<vmem>>, vector<1x16xf32>,
        %swap3A_518 = vector.shape_cast %swap3A_517 : vector<1x16xf32> to vector<16xf32>
        %swap3A_519 = vector.shape_cast %add3A_514 : vector<16xf32> to vector<1x16xf32>
        tpu.vector_store %arg11[%swap3A_515, %swap3A_516], %swap3A_519 {strides = array<i32>} : memref<256x64xf32, #tpu.memory_space<vmem>>, vector<1x16xf32>,
        %mul3A_520 = arith.constant 16 : i32
        %mul3A_521 = arith.muli %scan3A_236, %mul3A_520 : i32
        %add3A_522 = arith.constant 4 : i32
        %add3A_523 = arith.addi %mul3A_521, %add3A_522 : i32
        %broadcast_in_dim3A_524 = arith.constant 4 : i32
        %broadcast_in_dim3A_525 = vector.broadcast %broadcast_in_dim3A_524 : i32 to vector<16x1xi32>
        %gather3A_526 = vector.shape_cast %broadcast_in_dim3A_525 : vector<16x1xi32> to vector<16xi32>
        %gather3A_527 = tpu.dynamic_gather %add3A_250[%gather3A_526] in [0] : vector<16xf32>, vector<16xi32> -> vector<16xf32>
        %get3A_528 = arith.index_cast %add3A_523 : i32 to index
        %get3A_529 = arith.constant 0 : index
        %get3A_530 = tpu.vector_load %arg11[%get3A_528, %get3A_529] {strides = array<i32>} : memref<256x64xf32, #tpu.memory_space<vmem>>, vector<1x16xf32>,
        %get3A_531 = vector.shape_cast %get3A_530 : vector<1x16xf32> to vector<16xf32>
        %get3A_532 = arith.index_cast %add3A_523 : i32 to index
        %get3A_533 = arith.constant 0 : index
        %get3A_534 = tpu.vector_load %arg13[%get3A_532, %get3A_533] {strides = array<i32>} : memref<256x64xf32, #tpu.memory_space<vmem>>, vector<1x16xf32>,
        %get3A_535 = vector.shape_cast %get3A_534 : vector<1x16xf32> to vector<16xf32>
        %mul3A_536 = arith.mulf %gather3A_527, %get3A_535 : vector<16xf32>
        %add3A_537 = arith.addf %get3A_531, %mul3A_536 : vector<16xf32>
        %swap3A_538 = arith.index_cast %add3A_523 : i32 to index
        %swap3A_539 = arith.constant 0 : index
        %swap3A_540 = tpu.vector_load %arg11[%swap3A_538, %swap3A_539] {strides = array<i32>} : memref<256x64xf32, #tpu.memory_space<vmem>>, vector<1x16xf32>,
        %swap3A_541 = vector.shape_cast %swap3A_540 : vector<1x16xf32> to vector<16xf32>
        %swap3A_542 = vector.shape_cast %add3A_537 : vector<16xf32> to vector<1x16xf32>
        tpu.vector_store %arg11[%swap3A_538, %swap3A_539], %swap3A_542 {strides = array<i32>} : memref<256x64xf32, #tpu.memory_space<vmem>>, vector<1x16xf32>,
        %get3A_543 = arith.index_cast %add3A_523 : i32 to index
        %get3A_544 = arith.constant 16 : index
        %get3A_545 = tpu.vector_load %arg11[%get3A_543, %get3A_544] {strides = array<i32>} : memref<256x64xf32, #tpu.memory_space<vmem>>, vector<1x16xf32>,
        %get3A_546 = vector.shape_cast %get3A_545 : vector<1x16xf32> to vector<16xf32>
        %get3A_547 = arith.index_cast %add3A_523 : i32 to index
        %get3A_548 = arith.constant 16 : index
        %get3A_549 = tpu.vector_load %arg13[%get3A_547, %get3A_548] {strides = array<i32>} : memref<256x64xf32, #tpu.memory_space<vmem>>, vector<1x16xf32>,
        %get3A_550 = vector.shape_cast %get3A_549 : vector<1x16xf32> to vector<16xf32>
        %mul3A_551 = arith.mulf %gather3A_527, %get3A_550 : vector<16xf32>
        %add3A_552 = arith.addf %get3A_546, %mul3A_551 : vector<16xf32>
        %swap3A_553 = arith.index_cast %add3A_523 : i32 to index
        %swap3A_554 = arith.constant 16 : index
        %swap3A_555 = tpu.vector_load %arg11[%swap3A_553, %swap3A_554] {strides = array<i32>} : memref<256x64xf32, #tpu.memory_space<vmem>>, vector<1x16xf32>,
        %swap3A_556 = vector.shape_cast %swap3A_555 : vector<1x16xf32> to vector<16xf32>
        %swap3A_557 = vector.shape_cast %add3A_552 : vector<16xf32> to vector<1x16xf32>
        tpu.vector_store %arg11[%swap3A_553, %swap3A_554], %swap3A_557 {strides = array<i32>} : memref<256x64xf32, #tpu.memory_space<vmem>>, vector<1x16xf32>,
        %get3A_558 = arith.index_cast %add3A_523 : i32 to index
        %get3A_559 = arith.constant 32 : index
        %get3A_560 = tpu.vector_load %arg11[%get3A_558, %get3A_559] {strides = array<i32>} : memref<256x64xf32, #tpu.memory_space<vmem>>, vector<1x16xf32>,
        %get3A_561 = vector.shape_cast %get3A_560 : vector<1x16xf32> to vector<16xf32>
        %get3A_562 = arith.index_cast %add3A_523 : i32 to index
        %get3A_563 = arith.constant 32 : index
        %get3A_564 = tpu.vector_load %arg13[%get3A_562, %get3A_563] {strides = array<i32>} : memref<256x64xf32, #tpu.memory_space<vmem>>, vector<1x16xf32>,
        %get3A_565 = vector.shape_cast %get3A_564 : vector<1x16xf32> to vector<16xf32>
        %mul3A_566 = arith.mulf %gather3A_527, %get3A_565 : vector<16xf32>
        %add3A_567 = arith.addf %get3A_561, %mul3A_566 : vector<16xf32>
        %swap3A_568 = arith.index_cast %add3A_523 : i32 to index
        %swap3A_569 = arith.constant 32 : index
        %swap3A_570 = tpu.vector_load %arg11[%swap3A_568, %swap3A_569] {strides = array<i32>} : memref<256x64xf32, #tpu.memory_space<vmem>>, vector<1x16xf32>,
        %swap3A_571 = vector.shape_cast %swap3A_570 : vector<1x16xf32> to vector<16xf32>
        %swap3A_572 = vector.shape_cast %add3A_567 : vector<16xf32> to vector<1x16xf32>
        tpu.vector_store %arg11[%swap3A_568, %swap3A_569], %swap3A_572 {strides = array<i32>} : memref<256x64xf32, #tpu.memory_space<vmem>>, vector<1x16xf32>,
        %get3A_573 = arith.index_cast %add3A_523 : i32 to index
        %get3A_574 = arith.constant 48 : index
        %get3A_575 = tpu.vector_load %arg11[%get3A_573, %get3A_574] {strides = array<i32>} : memref<256x64xf32, #tpu.memory_space<vmem>>, vector<1x16xf32>,
        %get3A_576 = vector.shape_cast %get3A_575 : vector<1x16xf32> to vector<16xf32>
        %get3A_577 = arith.index_cast %add3A_523 : i32 to index
        %get3A_578 = arith.constant 48 : index
        %get3A_579 = tpu.vector_load %arg13[%get3A_577, %get3A_578] {strides = array<i32>} : memref<256x64xf32, #tpu.memory_space<vmem>>, vector<1x16xf32>,
        %get3A_580 = vector.shape_cast %get3A_579 : vector<1x16xf32> to vector<16xf32>
        %mul3A_581 = arith.mulf %gather3A_527, %get3A_580 : vector<16xf32>
        %add3A_582 = arith.addf %get3A_576, %mul3A_581 : vector<16xf32>
        %swap3A_583 = arith.index_cast %add3A_523 : i32 to index
        %swap3A_584 = arith.constant 48 : index
        %swap3A_585 = tpu.vector_load %arg11[%swap3A_583, %swap3A_584] {strides = array<i32>} : memref<256x64xf32, #tpu.memory_space<vmem>>, vector<1x16xf32>,
        %swap3A_586 = vector.shape_cast %swap3A_585 : vector<1x16xf32> to vector<16xf32>
        %swap3A_587 = vector.shape_cast %add3A_582 : vector<16xf32> to vector<1x16xf32>
        tpu.vector_store %arg11[%swap3A_583, %swap3A_584], %swap3A_587 {strides = array<i32>} : memref<256x64xf32, #tpu.memory_space<vmem>>, vector<1x16xf32>,
        %mul3A_588 = arith.constant 16 : i32
        %mul3A_589 = arith.muli %scan3A_236, %mul3A_588 : i32
        %add3A_590 = arith.constant 5 : i32
        %add3A_591 = arith.addi %mul3A_589, %add3A_590 : i32
        %broadcast_in_dim3A_592 = arith.constant 5 : i32
        %broadcast_in_dim3A_593 = vector.broadcast %broadcast_in_dim3A_592 : i32 to vector<16x1xi32>
        %gather3A_594 = vector.shape_cast %broadcast_in_dim3A_593 : vector<16x1xi32> to vector<16xi32>
        %gather3A_595 = tpu.dynamic_gather %add3A_250[%gather3A_594] in [0] : vector<16xf32>, vector<16xi32> -> vector<16xf32>
        %get3A_596 = arith.index_cast %add3A_591 : i32 to index
        %get3A_597 = arith.constant 0 : index
        %get3A_598 = tpu.vector_load %arg11[%get3A_596, %get3A_597] {strides = array<i32>} : memref<256x64xf32, #tpu.memory_space<vmem>>, vector<1x16xf32>,
        %get3A_599 = vector.shape_cast %get3A_598 : vector<1x16xf32> to vector<16xf32>
        %get3A_600 = arith.index_cast %add3A_591 : i32 to index
        %get3A_601 = arith.constant 0 : index
        %get3A_602 = tpu.vector_load %arg13[%get3A_600, %get3A_601] {strides = array<i32>} : memref<256x64xf32, #tpu.memory_space<vmem>>, vector<1x16xf32>,
        %get3A_603 = vector.shape_cast %get3A_602 : vector<1x16xf32> to vector<16xf32>
        %mul3A_604 = arith.mulf %gather3A_595, %get3A_603 : vector<16xf32>
        %add3A_605 = arith.addf %get3A_599, %mul3A_604 : vector<16xf32>
        %swap3A_606 = arith.index_cast %add3A_591 : i32 to index
        %swap3A_607 = arith.constant 0 : index
        %swap3A_608 = tpu.vector_load %arg11[%swap3A_606, %swap3A_607] {strides = array<i32>} : memref<256x64xf32, #tpu.memory_space<vmem>>, vector<1x16xf32>,
        %swap3A_609 = vector.shape_cast %swap3A_608 : vector<1x16xf32> to vector<16xf32>
        %swap3A_610 = vector.shape_cast %add3A_605 : vector<16xf32> to vector<1x16xf32>
        tpu.vector_store %arg11[%swap3A_606, %swap3A_607], %swap3A_610 {strides = array<i32>} : memref<256x64xf32, #tpu.memory_space<vmem>>, vector<1x16xf32>,
        %get3A_611 = arith.index_cast %add3A_591 : i32 to index
        %get3A_612 = arith.constant 16 : index
        %get3A_613 = tpu.vector_load %arg11[%get3A_611, %get3A_612] {strides = array<i32>} : memref<256x64xf32, #tpu.memory_space<vmem>>, vector<1x16xf32>,
        %get3A_614 = vector.shape_cast %get3A_613 : vector<1x16xf32> to vector<16xf32>
        %get3A_615 = arith.index_cast %add3A_591 : i32 to index
        %get3A_616 = arith.constant 16 : index
        %get3A_617 = tpu.vector_load %arg13[%get3A_615, %get3A_616] {strides = array<i32>} : memref<256x64xf32, #tpu.memory_space<vmem>>, vector<1x16xf32>,
        %get3A_618 = vector.shape_cast %get3A_617 : vector<1x16xf32> to vector<16xf32>
        %mul3A_619 = arith.mulf %gather3A_595, %get3A_618 : vector<16xf32>
        %add3A_620 = arith.addf %get3A_614, %mul3A_619 : vector<16xf32>
        %swap3A_621 = arith.index_cast %add3A_591 : i32 to index
        %swap3A_622 = arith.constant 16 : index
        %swap3A_623 = tpu.vector_load %arg11[%swap3A_621, %swap3A_622] {strides = array<i32>} : memref<256x64xf32, #tpu.memory_space<vmem>>, vector<1x16xf32>,
        %swap3A_624 = vector.shape_cast %swap3A_623 : vector<1x16xf32> to vector<16xf32>
        %swap3A_625 = vector.shape_cast %add3A_620 : vector<16xf32> to vector<1x16xf32>
        tpu.vector_store %arg11[%swap3A_621, %swap3A_622], %swap3A_625 {strides = array<i32>} : memref<256x64xf32, #tpu.memory_space<vmem>>, vector<1x16xf32>,
        %get3A_626 = arith.index_cast %add3A_591 : i32 to index
        %get3A_627 = arith.constant 32 : index
        %get3A_628 = tpu.vector_load %arg11[%get3A_626, %get3A_627] {strides = array<i32>} : memref<256x64xf32, #tpu.memory_space<vmem>>, vector<1x16xf32>,
        %get3A_629 = vector.shape_cast %get3A_628 : vector<1x16xf32> to vector<16xf32>
        %get3A_630 = arith.index_cast %add3A_591 : i32 to index
        %get3A_631 = arith.constant 32 : index
        %get3A_632 = tpu.vector_load %arg13[%get3A_630, %get3A_631] {strides = array<i32>} : memref<256x64xf32, #tpu.memory_space<vmem>>, vector<1x16xf32>,
        %get3A_633 = vector.shape_cast %get3A_632 : vector<1x16xf32> to vector<16xf32>
        %mul3A_634 = arith.mulf %gather3A_595, %get3A_633 : vector<16xf32>
        %add3A_635 = arith.addf %get3A_629, %mul3A_634 : vector<16xf32>
        %swap3A_636 = arith.index_cast %add3A_591 : i32 to index
        %swap3A_637 = arith.constant 32 : index
        %swap3A_638 = tpu.vector_load %arg11[%swap3A_636, %swap3A_637] {strides = array<i32>} : memref<256x64xf32, #tpu.memory_space<vmem>>, vector<1x16xf32>,
        %swap3A_639 = vector.shape_cast %swap3A_638 : vector<1x16xf32> to vector<16xf32>
        %swap3A_640 = vector.shape_cast %add3A_635 : vector<16xf32> to vector<1x16xf32>
        tpu.vector_store %arg11[%swap3A_636, %swap3A_637], %swap3A_640 {strides = array<i32>} : memref<256x64xf32, #tpu.memory_space<vmem>>, vector<1x16xf32>,
        %get3A_641 = arith.index_cast %add3A_591 : i32 to index
        %get3A_642 = arith.constant 48 : index
        %get3A_643 = tpu.vector_load %arg11[%get3A_641, %get3A_642] {strides = array<i32>} : memref<256x64xf32, #tpu.memory_space<vmem>>, vector<1x16xf32>,
        %get3A_644 = vector.shape_cast %get3A_643 : vector<1x16xf32> to vector<16xf32>
        %get3A_645 = arith.index_cast %add3A_591 : i32 to index
        %get3A_646 = arith.constant 48 : index
        %get3A_647 = tpu.vector_load %arg13[%get3A_645, %get3A_646] {strides = array<i32>} : memref<256x64xf32, #tpu.memory_space<vmem>>, vector<1x16xf32>,
        %get3A_648 = vector.shape_cast %get3A_647 : vector<1x16xf32> to vector<16xf32>
        %mul3A_649 = arith.mulf %gather3A_595, %get3A_648 : vector<16xf32>
        %add3A_650 = arith.addf %get3A_644, %mul3A_649 : vector<16xf32>
        %swap3A_651 = arith.index_cast %add3A_591 : i32 to index
        %swap3A_652 = arith.constant 48 : index
        %swap3A_653 = tpu.vector_load %arg11[%swap3A_651, %swap3A_652] {strides = array<i32>} : memref<256x64xf32, #tpu.memory_space<vmem>>, vector<1x16xf32>,
        %swap3A_654 = vector.shape_cast %swap3A_653 : vector<1x16xf32> to vector<16xf32>
        %swap3A_655 = vector.shape_cast %add3A_650 : vector<16xf32> to vector<1x16xf32>
        tpu.vector_store %arg11[%swap3A_651, %swap3A_652], %swap3A_655 {strides = array<i32>} : memref<256x64xf32, #tpu.memory_space<vmem>>, vector<1x16xf32>,
        %mul3A_656 = arith.constant 16 : i32
        %mul3A_657 = arith.muli %scan3A_236, %mul3A_656 : i32
        %add3A_658 = arith.constant 6 : i32
        %add3A_659 = arith.addi %mul3A_657, %add3A_658 : i32
        %broadcast_in_dim3A_660 = arith.constant 6 : i32
        %broadcast_in_dim3A_661 = vector.broadcast %broadcast_in_dim3A_660 : i32 to vector<16x1xi32>
        %gather3A_662 = vector.shape_cast %broadcast_in_dim3A_661 : vector<16x1xi32> to vector<16xi32>
        %gather3A_663 = tpu.dynamic_gather %add3A_250[%gather3A_662] in [0] : vector<16xf32>, vector<16xi32> -> vector<16xf32>
        %get3A_664 = arith.index_cast %add3A_659 : i32 to index
        %get3A_665 = arith.constant 0 : index
        %get3A_666 = tpu.vector_load %arg11[%get3A_664, %get3A_665] {strides = array<i32>} : memref<256x64xf32, #tpu.memory_space<vmem>>, vector<1x16xf32>,
        %get3A_667 = vector.shape_cast %get3A_666 : vector<1x16xf32> to vector<16xf32>
        %get3A_668 = arith.index_cast %add3A_659 : i32 to index
        %get3A_669 = arith.constant 0 : index
        %get3A_670 = tpu.vector_load %arg13[%get3A_668, %get3A_669] {strides = array<i32>} : memref<256x64xf32, #tpu.memory_space<vmem>>, vector<1x16xf32>,
        %get3A_671 = vector.shape_cast %get3A_670 : vector<1x16xf32> to vector<16xf32>
        %mul3A_672 = arith.mulf %gather3A_663, %get3A_671 : vector<16xf32>
        %add3A_673 = arith.addf %get3A_667, %mul3A_672 : vector<16xf32>
        %swap3A_674 = arith.index_cast %add3A_659 : i32 to index
        %swap3A_675 = arith.constant 0 : index
        %swap3A_676 = tpu.vector_load %arg11[%swap3A_674, %swap3A_675] {strides = array<i32>} : memref<256x64xf32, #tpu.memory_space<vmem>>, vector<1x16xf32>,
        %swap3A_677 = vector.shape_cast %swap3A_676 : vector<1x16xf32> to vector<16xf32>
        %swap3A_678 = vector.shape_cast %add3A_673 : vector<16xf32> to vector<1x16xf32>
        tpu.vector_store %arg11[%swap3A_674, %swap3A_675], %swap3A_678 {strides = array<i32>} : memref<256x64xf32, #tpu.memory_space<vmem>>, vector<1x16xf32>,
        %get3A_679 = arith.index_cast %add3A_659 : i32 to index
        %get3A_680 = arith.constant 16 : index
        %get3A_681 = tpu.vector_load %arg11[%get3A_679, %get3A_680] {strides = array<i32>} : memref<256x64xf32, #tpu.memory_space<vmem>>, vector<1x16xf32>,
        %get3A_682 = vector.shape_cast %get3A_681 : vector<1x16xf32> to vector<16xf32>
        %get3A_683 = arith.index_cast %add3A_659 : i32 to index
        %get3A_684 = arith.constant 16 : index
        %get3A_685 = tpu.vector_load %arg13[%get3A_683, %get3A_684] {strides = array<i32>} : memref<256x64xf32, #tpu.memory_space<vmem>>, vector<1x16xf32>,
        %get3A_686 = vector.shape_cast %get3A_685 : vector<1x16xf32> to vector<16xf32>
        %mul3A_687 = arith.mulf %gather3A_663, %get3A_686 : vector<16xf32>
        %add3A_688 = arith.addf %get3A_682, %mul3A_687 : vector<16xf32>
        %swap3A_689 = arith.index_cast %add3A_659 : i32 to index
        %swap3A_690 = arith.constant 16 : index
        %swap3A_691 = tpu.vector_load %arg11[%swap3A_689, %swap3A_690] {strides = array<i32>} : memref<256x64xf32, #tpu.memory_space<vmem>>, vector<1x16xf32>,
        %swap3A_692 = vector.shape_cast %swap3A_691 : vector<1x16xf32> to vector<16xf32>
        %swap3A_693 = vector.shape_cast %add3A_688 : vector<16xf32> to vector<1x16xf32>
        tpu.vector_store %arg11[%swap3A_689, %swap3A_690], %swap3A_693 {strides = array<i32>} : memref<256x64xf32, #tpu.memory_space<vmem>>, vector<1x16xf32>,
        %get3A_694 = arith.index_cast %add3A_659 : i32 to index
        %get3A_695 = arith.constant 32 : index
        %get3A_696 = tpu.vector_load %arg11[%get3A_694, %get3A_695] {strides = array<i32>} : memref<256x64xf32, #tpu.memory_space<vmem>>, vector<1x16xf32>,
        %get3A_697 = vector.shape_cast %get3A_696 : vector<1x16xf32> to vector<16xf32>
        %get3A_698 = arith.index_cast %add3A_659 : i32 to index
        %get3A_699 = arith.constant 32 : index
        %get3A_700 = tpu.vector_load %arg13[%get3A_698, %get3A_699] {strides = array<i32>} : memref<256x64xf32, #tpu.memory_space<vmem>>, vector<1x16xf32>,
        %get3A_701 = vector.shape_cast %get3A_700 : vector<1x16xf32> to vector<16xf32>
        %mul3A_702 = arith.mulf %gather3A_663, %get3A_701 : vector<16xf32>
        %add3A_703 = arith.addf %get3A_697, %mul3A_702 : vector<16xf32>
        %swap3A_704 = arith.index_cast %add3A_659 : i32 to index
        %swap3A_705 = arith.constant 32 : index
        %swap3A_706 = tpu.vector_load %arg11[%swap3A_704, %swap3A_705] {strides = array<i32>} : memref<256x64xf32, #tpu.memory_space<vmem>>, vector<1x16xf32>,
        %swap3A_707 = vector.shape_cast %swap3A_706 : vector<1x16xf32> to vector<16xf32>
        %swap3A_708 = vector.shape_cast %add3A_703 : vector<16xf32> to vector<1x16xf32>
        tpu.vector_store %arg11[%swap3A_704, %swap3A_705], %swap3A_708 {strides = array<i32>} : memref<256x64xf32, #tpu.memory_space<vmem>>, vector<1x16xf32>,
        %get3A_709 = arith.index_cast %add3A_659 : i32 to index
        %get3A_710 = arith.constant 48 : index
        %get3A_711 = tpu.vector_load %arg11[%get3A_709, %get3A_710] {strides = array<i32>} : memref<256x64xf32, #tpu.memory_space<vmem>>, vector<1x16xf32>,
        %get3A_712 = vector.shape_cast %get3A_711 : vector<1x16xf32> to vector<16xf32>
        %get3A_713 = arith.index_cast %add3A_659 : i32 to index
        %get3A_714 = arith.constant 48 : index
        %get3A_715 = tpu.vector_load %arg13[%get3A_713, %get3A_714] {strides = array<i32>} : memref<256x64xf32, #tpu.memory_space<vmem>>, vector<1x16xf32>,
        %get3A_716 = vector.shape_cast %get3A_715 : vector<1x16xf32> to vector<16xf32>
        %mul3A_717 = arith.mulf %gather3A_663, %get3A_716 : vector<16xf32>
        %add3A_718 = arith.addf %get3A_712, %mul3A_717 : vector<16xf32>
        %swap3A_719 = arith.index_cast %add3A_659 : i32 to index
        %swap3A_720 = arith.constant 48 : index
        %swap3A_721 = tpu.vector_load %arg11[%swap3A_719, %swap3A_720] {strides = array<i32>} : memref<256x64xf32, #tpu.memory_space<vmem>>, vector<1x16xf32>,
        %swap3A_722 = vector.shape_cast %swap3A_721 : vector<1x16xf32> to vector<16xf32>
        %swap3A_723 = vector.shape_cast %add3A_718 : vector<16xf32> to vector<1x16xf32>
        tpu.vector_store %arg11[%swap3A_719, %swap3A_720], %swap3A_723 {strides = array<i32>} : memref<256x64xf32, #tpu.memory_space<vmem>>, vector<1x16xf32>,
        %mul3A_724 = arith.constant 16 : i32
        %mul3A_725 = arith.muli %scan3A_236, %mul3A_724 : i32
        %add3A_726 = arith.constant 7 : i32
        %add3A_727 = arith.addi %mul3A_725, %add3A_726 : i32
        %broadcast_in_dim3A_728 = arith.constant 7 : i32
        %broadcast_in_dim3A_729 = vector.broadcast %broadcast_in_dim3A_728 : i32 to vector<16x1xi32>
        %gather3A_730 = vector.shape_cast %broadcast_in_dim3A_729 : vector<16x1xi32> to vector<16xi32>
        %gather3A_731 = tpu.dynamic_gather %add3A_250[%gather3A_730] in [0] : vector<16xf32>, vector<16xi32> -> vector<16xf32>
        %get3A_732 = arith.index_cast %add3A_727 : i32 to index
        %get3A_733 = arith.constant 0 : index
        %get3A_734 = tpu.vector_load %arg11[%get3A_732, %get3A_733] {strides = array<i32>} : memref<256x64xf32, #tpu.memory_space<vmem>>, vector<1x16xf32>,
        %get3A_735 = vector.shape_cast %get3A_734 : vector<1x16xf32> to vector<16xf32>
        %get3A_736 = arith.index_cast %add3A_727 : i32 to index
        %get3A_737 = arith.constant 0 : index
        %get3A_738 = tpu.vector_load %arg13[%get3A_736, %get3A_737] {strides = array<i32>} : memref<256x64xf32, #tpu.memory_space<vmem>>, vector<1x16xf32>,
        %get3A_739 = vector.shape_cast %get3A_738 : vector<1x16xf32> to vector<16xf32>
        %mul3A_740 = arith.mulf %gather3A_731, %get3A_739 : vector<16xf32>
        %add3A_741 = arith.addf %get3A_735, %mul3A_740 : vector<16xf32>
        %swap3A_742 = arith.index_cast %add3A_727 : i32 to index
        %swap3A_743 = arith.constant 0 : index
        %swap3A_744 = tpu.vector_load %arg11[%swap3A_742, %swap3A_743] {strides = array<i32>} : memref<256x64xf32, #tpu.memory_space<vmem>>, vector<1x16xf32>,
        %swap3A_745 = vector.shape_cast %swap3A_744 : vector<1x16xf32> to vector<16xf32>
        %swap3A_746 = vector.shape_cast %add3A_741 : vector<16xf32> to vector<1x16xf32>
        tpu.vector_store %arg11[%swap3A_742, %swap3A_743], %swap3A_746 {strides = array<i32>} : memref<256x64xf32, #tpu.memory_space<vmem>>, vector<1x16xf32>,
        %get3A_747 = arith.index_cast %add3A_727 : i32 to index
        %get3A_748 = arith.constant 16 : index
        %get3A_749 = tpu.vector_load %arg11[%get3A_747, %get3A_748] {strides = array<i32>} : memref<256x64xf32, #tpu.memory_space<vmem>>, vector<1x16xf32>,
        %get3A_750 = vector.shape_cast %get3A_749 : vector<1x16xf32> to vector<16xf32>
        %get3A_751 = arith.index_cast %add3A_727 : i32 to index
        %get3A_752 = arith.constant 16 : index
        %get3A_753 = tpu.vector_load %arg13[%get3A_751, %get3A_752] {strides = array<i32>} : memref<256x64xf32, #tpu.memory_space<vmem>>, vector<1x16xf32>,
        %get3A_754 = vector.shape_cast %get3A_753 : vector<1x16xf32> to vector<16xf32>
        %mul3A_755 = arith.mulf %gather3A_731, %get3A_754 : vector<16xf32>
        %add3A_756 = arith.addf %get3A_750, %mul3A_755 : vector<16xf32>
        %swap3A_757 = arith.index_cast %add3A_727 : i32 to index
        %swap3A_758 = arith.constant 16 : index
        %swap3A_759 = tpu.vector_load %arg11[%swap3A_757, %swap3A_758] {strides = array<i32>} : memref<256x64xf32, #tpu.memory_space<vmem>>, vector<1x16xf32>,
        %swap3A_760 = vector.shape_cast %swap3A_759 : vector<1x16xf32> to vector<16xf32>
        %swap3A_761 = vector.shape_cast %add3A_756 : vector<16xf32> to vector<1x16xf32>
        tpu.vector_store %arg11[%swap3A_757, %swap3A_758], %swap3A_761 {strides = array<i32>} : memref<256x64xf32, #tpu.memory_space<vmem>>, vector<1x16xf32>,
        %get3A_762 = arith.index_cast %add3A_727 : i32 to index
        %get3A_763 = arith.constant 32 : index
        %get3A_764 = tpu.vector_load %arg11[%get3A_762, %get3A_763] {strides = array<i32>} : memref<256x64xf32, #tpu.memory_space<vmem>>, vector<1x16xf32>,
        %get3A_765 = vector.shape_cast %get3A_764 : vector<1x16xf32> to vector<16xf32>
        %get3A_766 = arith.index_cast %add3A_727 : i32 to index
        %get3A_767 = arith.constant 32 : index
        %get3A_768 = tpu.vector_load %arg13[%get3A_766, %get3A_767] {strides = array<i32>} : memref<256x64xf32, #tpu.memory_space<vmem>>, vector<1x16xf32>,
        %get3A_769 = vector.shape_cast %get3A_768 : vector<1x16xf32> to vector<16xf32>
        %mul3A_770 = arith.mulf %gather3A_731, %get3A_769 : vector<16xf32>
        %add3A_771 = arith.addf %get3A_765, %mul3A_770 : vector<16xf32>
        %swap3A_772 = arith.index_cast %add3A_727 : i32 to index
        %swap3A_773 = arith.constant 32 : index
        %swap3A_774 = tpu.vector_load %arg11[%swap3A_772, %swap3A_773] {strides = array<i32>} : memref<256x64xf32, #tpu.memory_space<vmem>>, vector<1x16xf32>,
        %swap3A_775 = vector.shape_cast %swap3A_774 : vector<1x16xf32> to vector<16xf32>
        %swap3A_776 = vector.shape_cast %add3A_771 : vector<16xf32> to vector<1x16xf32>
        tpu.vector_store %arg11[%swap3A_772, %swap3A_773], %swap3A_776 {strides = array<i32>} : memref<256x64xf32, #tpu.memory_space<vmem>>, vector<1x16xf32>,
        %get3A_777 = arith.index_cast %add3A_727 : i32 to index
        %get3A_778 = arith.constant 48 : index
        %get3A_779 = tpu.vector_load %arg11[%get3A_777, %get3A_778] {strides = array<i32>} : memref<256x64xf32, #tpu.memory_space<vmem>>, vector<1x16xf32>,
        %get3A_780 = vector.shape_cast %get3A_779 : vector<1x16xf32> to vector<16xf32>
        %get3A_781 = arith.index_cast %add3A_727 : i32 to index
        %get3A_782 = arith.constant 48 : index
        %get3A_783 = tpu.vector_load %arg13[%get3A_781, %get3A_782] {strides = array<i32>} : memref<256x64xf32, #tpu.memory_space<vmem>>, vector<1x16xf32>,
        %get3A_784 = vector.shape_cast %get3A_783 : vector<1x16xf32> to vector<16xf32>
        %mul3A_785 = arith.mulf %gather3A_731, %get3A_784 : vector<16xf32>
        %add3A_786 = arith.addf %get3A_780, %mul3A_785 : vector<16xf32>
        %swap3A_787 = arith.index_cast %add3A_727 : i32 to index
        %swap3A_788 = arith.constant 48 : index
        %swap3A_789 = tpu.vector_load %arg11[%swap3A_787, %swap3A_788] {strides = array<i32>} : memref<256x64xf32, #tpu.memory_space<vmem>>, vector<1x16xf32>,
        %swap3A_790 = vector.shape_cast %swap3A_789 : vector<1x16xf32> to vector<16xf32>
        %swap3A_791 = vector.shape_cast %add3A_786 : vector<16xf32> to vector<1x16xf32>
        tpu.vector_store %arg11[%swap3A_787, %swap3A_788], %swap3A_791 {strides = array<i32>} : memref<256x64xf32, #tpu.memory_space<vmem>>, vector<1x16xf32>,
        %mul3A_792 = arith.constant 16 : i32
        %mul3A_793 = arith.muli %scan3A_236, %mul3A_792 : i32
        %add3A_794 = arith.constant 8 : i32
        %add3A_795 = arith.addi %mul3A_793, %add3A_794 : i32
        %broadcast_in_dim3A_796 = arith.constant 8 : i32
        %broadcast_in_dim3A_797 = vector.broadcast %broadcast_in_dim3A_796 : i32 to vector<16x1xi32>
        %gather3A_798 = vector.shape_cast %broadcast_in_dim3A_797 : vector<16x1xi32> to vector<16xi32>
        %gather3A_799 = tpu.dynamic_gather %add3A_250[%gather3A_798] in [0] : vector<16xf32>, vector<16xi32> -> vector<16xf32>
        %get3A_800 = arith.index_cast %add3A_795 : i32 to index
        %get3A_801 = arith.constant 0 : index
        %get3A_802 = tpu.vector_load %arg11[%get3A_800, %get3A_801] {strides = array<i32>} : memref<256x64xf32, #tpu.memory_space<vmem>>, vector<1x16xf32>,
        %get3A_803 = vector.shape_cast %get3A_802 : vector<1x16xf32> to vector<16xf32>
        %get3A_804 = arith.index_cast %add3A_795 : i32 to index
        %get3A_805 = arith.constant 0 : index
        %get3A_806 = tpu.vector_load %arg13[%get3A_804, %get3A_805] {strides = array<i32>} : memref<256x64xf32, #tpu.memory_space<vmem>>, vector<1x16xf32>,
        %get3A_807 = vector.shape_cast %get3A_806 : vector<1x16xf32> to vector<16xf32>
        %mul3A_808 = arith.mulf %gather3A_799, %get3A_807 : vector<16xf32>
        %add3A_809 = arith.addf %get3A_803, %mul3A_808 : vector<16xf32>
        %swap3A_810 = arith.index_cast %add3A_795 : i32 to index
        %swap3A_811 = arith.constant 0 : index
        %swap3A_812 = tpu.vector_load %arg11[%swap3A_810, %swap3A_811] {strides = array<i32>} : memref<256x64xf32, #tpu.memory_space<vmem>>, vector<1x16xf32>,
        %swap3A_813 = vector.shape_cast %swap3A_812 : vector<1x16xf32> to vector<16xf32>
        %swap3A_814 = vector.shape_cast %add3A_809 : vector<16xf32> to vector<1x16xf32>
        tpu.vector_store %arg11[%swap3A_810, %swap3A_811], %swap3A_814 {strides = array<i32>} : memref<256x64xf32, #tpu.memory_space<vmem>>, vector<1x16xf32>,
        %get3A_815 = arith.index_cast %add3A_795 : i32 to index
        %get3A_816 = arith.constant 16 : index
        %get3A_817 = tpu.vector_load %arg11[%get3A_815, %get3A_816] {strides = array<i32>} : memref<256x64xf32, #tpu.memory_space<vmem>>, vector<1x16xf32>,
        %get3A_818 = vector.shape_cast %get3A_817 : vector<1x16xf32> to vector<16xf32>
        %get3A_819 = arith.index_cast %add3A_795 : i32 to index
        %get3A_820 = arith.constant 16 : index
        %get3A_821 = tpu.vector_load %arg13[%get3A_819, %get3A_820] {strides = array<i32>} : memref<256x64xf32, #tpu.memory_space<vmem>>, vector<1x16xf32>,
        %get3A_822 = vector.shape_cast %get3A_821 : vector<1x16xf32> to vector<16xf32>
        %mul3A_823 = arith.mulf %gather3A_799, %get3A_822 : vector<16xf32>
        %add3A_824 = arith.addf %get3A_818, %mul3A_823 : vector<16xf32>
        %swap3A_825 = arith.index_cast %add3A_795 : i32 to index
        %swap3A_826 = arith.constant 16 : index
        %swap3A_827 = tpu.vector_load %arg11[%swap3A_825, %swap3A_826] {strides = array<i32>} : memref<256x64xf32, #tpu.memory_space<vmem>>, vector<1x16xf32>,
        %swap3A_828 = vector.shape_cast %swap3A_827 : vector<1x16xf32> to vector<16xf32>
        %swap3A_829 = vector.shape_cast %add3A_824 : vector<16xf32> to vector<1x16xf32>
        tpu.vector_store %arg11[%swap3A_825, %swap3A_826], %swap3A_829 {strides = array<i32>} : memref<256x64xf32, #tpu.memory_space<vmem>>, vector<1x16xf32>,
        %get3A_830 = arith.index_cast %add3A_795 : i32 to index
        %get3A_831 = arith.constant 32 : index
        %get3A_832 = tpu.vector_load %arg11[%get3A_830, %get3A_831] {strides = array<i32>} : memref<256x64xf32, #tpu.memory_space<vmem>>, vector<1x16xf32>,
        %get3A_833 = vector.shape_cast %get3A_832 : vector<1x16xf32> to vector<16xf32>
        %get3A_834 = arith.index_cast %add3A_795 : i32 to index
        %get3A_835 = arith.constant 32 : index
        %get3A_836 = tpu.vector_load %arg13[%get3A_834, %get3A_835] {strides = array<i32>} : memref<256x64xf32, #tpu.memory_space<vmem>>, vector<1x16xf32>,
        %get3A_837 = vector.shape_cast %get3A_836 : vector<1x16xf32> to vector<16xf32>
        %mul3A_838 = arith.mulf %gather3A_799, %get3A_837 : vector<16xf32>
        %add3A_839 = arith.addf %get3A_833, %mul3A_838 : vector<16xf32>
        %swap3A_840 = arith.index_cast %add3A_795 : i32 to index
        %swap3A_841 = arith.constant 32 : index
        %swap3A_842 = tpu.vector_load %arg11[%swap3A_840, %swap3A_841] {strides = array<i32>} : memref<256x64xf32, #tpu.memory_space<vmem>>, vector<1x16xf32>,
        %swap3A_843 = vector.shape_cast %swap3A_842 : vector<1x16xf32> to vector<16xf32>
        %swap3A_844 = vector.shape_cast %add3A_839 : vector<16xf32> to vector<1x16xf32>
        tpu.vector_store %arg11[%swap3A_840, %swap3A_841], %swap3A_844 {strides = array<i32>} : memref<256x64xf32, #tpu.memory_space<vmem>>, vector<1x16xf32>,
        %get3A_845 = arith.index_cast %add3A_795 : i32 to index
        %get3A_846 = arith.constant 48 : index
        %get3A_847 = tpu.vector_load %arg11[%get3A_845, %get3A_846] {strides = array<i32>} : memref<256x64xf32, #tpu.memory_space<vmem>>, vector<1x16xf32>,
        %get3A_848 = vector.shape_cast %get3A_847 : vector<1x16xf32> to vector<16xf32>
        %get3A_849 = arith.index_cast %add3A_795 : i32 to index
        %get3A_850 = arith.constant 48 : index
        %get3A_851 = tpu.vector_load %arg13[%get3A_849, %get3A_850] {strides = array<i32>} : memref<256x64xf32, #tpu.memory_space<vmem>>, vector<1x16xf32>,
        %get3A_852 = vector.shape_cast %get3A_851 : vector<1x16xf32> to vector<16xf32>
        %mul3A_853 = arith.mulf %gather3A_799, %get3A_852 : vector<16xf32>
        %add3A_854 = arith.addf %get3A_848, %mul3A_853 : vector<16xf32>
        %swap3A_855 = arith.index_cast %add3A_795 : i32 to index
        %swap3A_856 = arith.constant 48 : index
        %swap3A_857 = tpu.vector_load %arg11[%swap3A_855, %swap3A_856] {strides = array<i32>} : memref<256x64xf32, #tpu.memory_space<vmem>>, vector<1x16xf32>,
        %swap3A_858 = vector.shape_cast %swap3A_857 : vector<1x16xf32> to vector<16xf32>
        %swap3A_859 = vector.shape_cast %add3A_854 : vector<16xf32> to vector<1x16xf32>
        tpu.vector_store %arg11[%swap3A_855, %swap3A_856], %swap3A_859 {strides = array<i32>} : memref<256x64xf32, #tpu.memory_space<vmem>>, vector<1x16xf32>,
        %mul3A_860 = arith.constant 16 : i32
        %mul3A_861 = arith.muli %scan3A_236, %mul3A_860 : i32
        %add3A_862 = arith.constant 9 : i32
        %add3A_863 = arith.addi %mul3A_861, %add3A_862 : i32
        %broadcast_in_dim3A_864 = arith.constant 9 : i32
        %broadcast_in_dim3A_865 = vector.broadcast %broadcast_in_dim3A_864 : i32 to vector<16x1xi32>
        %gather3A_866 = vector.shape_cast %broadcast_in_dim3A_865 : vector<16x1xi32> to vector<16xi32>
        %gather3A_867 = tpu.dynamic_gather %add3A_250[%gather3A_866] in [0] : vector<16xf32>, vector<16xi32> -> vector<16xf32>
        %get3A_868 = arith.index_cast %add3A_863 : i32 to index
        %get3A_869 = arith.constant 0 : index
        %get3A_870 = tpu.vector_load %arg11[%get3A_868, %get3A_869] {strides = array<i32>} : memref<256x64xf32, #tpu.memory_space<vmem>>, vector<1x16xf32>,
        %get3A_871 = vector.shape_cast %get3A_870 : vector<1x16xf32> to vector<16xf32>
        %get3A_872 = arith.index_cast %add3A_863 : i32 to index
        %get3A_873 = arith.constant 0 : index
        %get3A_874 = tpu.vector_load %arg13[%get3A_872, %get3A_873] {strides = array<i32>} : memref<256x64xf32, #tpu.memory_space<vmem>>, vector<1x16xf32>,
        %get3A_875 = vector.shape_cast %get3A_874 : vector<1x16xf32> to vector<16xf32>
        %mul3A_876 = arith.mulf %gather3A_867, %get3A_875 : vector<16xf32>
        %add3A_877 = arith.addf %get3A_871, %mul3A_876 : vector<16xf32>
        %swap3A_878 = arith.index_cast %add3A_863 : i32 to index
        %swap3A_879 = arith.constant 0 : index
        %swap3A_880 = tpu.vector_load %arg11[%swap3A_878, %swap3A_879] {strides = array<i32>} : memref<256x64xf32, #tpu.memory_space<vmem>>, vector<1x16xf32>,
        %swap3A_881 = vector.shape_cast %swap3A_880 : vector<1x16xf32> to vector<16xf32>
        %swap3A_882 = vector.shape_cast %add3A_877 : vector<16xf32> to vector<1x16xf32>
        tpu.vector_store %arg11[%swap3A_878, %swap3A_879], %swap3A_882 {strides = array<i32>} : memref<256x64xf32, #tpu.memory_space<vmem>>, vector<1x16xf32>,
        %get3A_883 = arith.index_cast %add3A_863 : i32 to index
        %get3A_884 = arith.constant 16 : index
        %get3A_885 = tpu.vector_load %arg11[%get3A_883, %get3A_884] {strides = array<i32>} : memref<256x64xf32, #tpu.memory_space<vmem>>, vector<1x16xf32>,
        %get3A_886 = vector.shape_cast %get3A_885 : vector<1x16xf32> to vector<16xf32>
        %get3A_887 = arith.index_cast %add3A_863 : i32 to index
        %get3A_888 = arith.constant 16 : index
        %get3A_889 = tpu.vector_load %arg13[%get3A_887, %get3A_888] {strides = array<i32>} : memref<256x64xf32, #tpu.memory_space<vmem>>, vector<1x16xf32>,
        %get3A_890 = vector.shape_cast %get3A_889 : vector<1x16xf32> to vector<16xf32>
        %mul3A_891 = arith.mulf %gather3A_867, %get3A_890 : vector<16xf32>
        %add3A_892 = arith.addf %get3A_886, %mul3A_891 : vector<16xf32>
        %swap3A_893 = arith.index_cast %add3A_863 : i32 to index
        %swap3A_894 = arith.constant 16 : index
        %swap3A_895 = tpu.vector_load %arg11[%swap3A_893, %swap3A_894] {strides = array<i32>} : memref<256x64xf32, #tpu.memory_space<vmem>>, vector<1x16xf32>,
        %swap3A_896 = vector.shape_cast %swap3A_895 : vector<1x16xf32> to vector<16xf32>
        %swap3A_897 = vector.shape_cast %add3A_892 : vector<16xf32> to vector<1x16xf32>
        tpu.vector_store %arg11[%swap3A_893, %swap3A_894], %swap3A_897 {strides = array<i32>} : memref<256x64xf32, #tpu.memory_space<vmem>>, vector<1x16xf32>,
        %get3A_898 = arith.index_cast %add3A_863 : i32 to index
        %get3A_899 = arith.constant 32 : index
        %get3A_900 = tpu.vector_load %arg11[%get3A_898, %get3A_899] {strides = array<i32>} : memref<256x64xf32, #tpu.memory_space<vmem>>, vector<1x16xf32>,
        %get3A_901 = vector.shape_cast %get3A_900 : vector<1x16xf32> to vector<16xf32>
        %get3A_902 = arith.index_cast %add3A_863 : i32 to index
        %get3A_903 = arith.constant 32 : index
        %get3A_904 = tpu.vector_load %arg13[%get3A_902, %get3A_903] {strides = array<i32>} : memref<256x64xf32, #tpu.memory_space<vmem>>, vector<1x16xf32>,
        %get3A_905 = vector.shape_cast %get3A_904 : vector<1x16xf32> to vector<16xf32>
        %mul3A_906 = arith.mulf %gather3A_867, %get3A_905 : vector<16xf32>
        %add3A_907 = arith.addf %get3A_901, %mul3A_906 : vector<16xf32>
        %swap3A_908 = arith.index_cast %add3A_863 : i32 to index
        %swap3A_909 = arith.constant 32 : index
        %swap3A_910 = tpu.vector_load %arg11[%swap3A_908, %swap3A_909] {strides = array<i32>} : memref<256x64xf32, #tpu.memory_space<vmem>>, vector<1x16xf32>,
        %swap3A_911 = vector.shape_cast %swap3A_910 : vector<1x16xf32> to vector<16xf32>
        %swap3A_912 = vector.shape_cast %add3A_907 : vector<16xf32> to vector<1x16xf32>
        tpu.vector_store %arg11[%swap3A_908, %swap3A_909], %swap3A_912 {strides = array<i32>} : memref<256x64xf32, #tpu.memory_space<vmem>>, vector<1x16xf32>,
        %get3A_913 = arith.index_cast %add3A_863 : i32 to index
        %get3A_914 = arith.constant 48 : index
        %get3A_915 = tpu.vector_load %arg11[%get3A_913, %get3A_914] {strides = array<i32>} : memref<256x64xf32, #tpu.memory_space<vmem>>, vector<1x16xf32>,
        %get3A_916 = vector.shape_cast %get3A_915 : vector<1x16xf32> to vector<16xf32>
        %get3A_917 = arith.index_cast %add3A_863 : i32 to index
        %get3A_918 = arith.constant 48 : index
        %get3A_919 = tpu.vector_load %arg13[%get3A_917, %get3A_918] {strides = array<i32>} : memref<256x64xf32, #tpu.memory_space<vmem>>, vector<1x16xf32>,
        %get3A_920 = vector.shape_cast %get3A_919 : vector<1x16xf32> to vector<16xf32>
        %mul3A_921 = arith.mulf %gather3A_867, %get3A_920 : vector<16xf32>
        %add3A_922 = arith.addf %get3A_916, %mul3A_921 : vector<16xf32>
        %swap3A_923 = arith.index_cast %add3A_863 : i32 to index
        %swap3A_924 = arith.constant 48 : index
        %swap3A_925 = tpu.vector_load %arg11[%swap3A_923, %swap3A_924] {strides = array<i32>} : memref<256x64xf32, #tpu.memory_space<vmem>>, vector<1x16xf32>,
        %swap3A_926 = vector.shape_cast %swap3A_925 : vector<1x16xf32> to vector<16xf32>
        %swap3A_927 = vector.shape_cast %add3A_922 : vector<16xf32> to vector<1x16xf32>
        tpu.vector_store %arg11[%swap3A_923, %swap3A_924], %swap3A_927 {strides = array<i32>} : memref<256x64xf32, #tpu.memory_space<vmem>>, vector<1x16xf32>,
        %mul3A_928 = arith.constant 16 : i32
        %mul3A_929 = arith.muli %scan3A_236, %mul3A_928 : i32
        %add3A_930 = arith.constant 10 : i32
        %add3A_931 = arith.addi %mul3A_929, %add3A_930 : i32
        %broadcast_in_dim3A_932 = arith.constant 10 : i32
        %broadcast_in_dim3A_933 = vector.broadcast %broadcast_in_dim3A_932 : i32 to vector<16x1xi32>
        %gather3A_934 = vector.shape_cast %broadcast_in_dim3A_933 : vector<16x1xi32> to vector<16xi32>
        %gather3A_935 = tpu.dynamic_gather %add3A_250[%gather3A_934] in [0] : vector<16xf32>, vector<16xi32> -> vector<16xf32>
        %get3A_936 = arith.index_cast %add3A_931 : i32 to index
        %get3A_937 = arith.constant 0 : index
        %get3A_938 = tpu.vector_load %arg11[%get3A_936, %get3A_937] {strides = array<i32>} : memref<256x64xf32, #tpu.memory_space<vmem>>, vector<1x16xf32>,
        %get3A_939 = vector.shape_cast %get3A_938 : vector<1x16xf32> to vector<16xf32>
        %get3A_940 = arith.index_cast %add3A_931 : i32 to index
        %get3A_941 = arith.constant 0 : index
        %get3A_942 = tpu.vector_load %arg13[%get3A_940, %get3A_941] {strides = array<i32>} : memref<256x64xf32, #tpu.memory_space<vmem>>, vector<1x16xf32>,
        %get3A_943 = vector.shape_cast %get3A_942 : vector<1x16xf32> to vector<16xf32>
        %mul3A_944 = arith.mulf %gather3A_935, %get3A_943 : vector<16xf32>
        %add3A_945 = arith.addf %get3A_939, %mul3A_944 : vector<16xf32>
        %swap3A_946 = arith.index_cast %add3A_931 : i32 to index
        %swap3A_947 = arith.constant 0 : index
        %swap3A_948 = tpu.vector_load %arg11[%swap3A_946, %swap3A_947] {strides = array<i32>} : memref<256x64xf32, #tpu.memory_space<vmem>>, vector<1x16xf32>,
        %swap3A_949 = vector.shape_cast %swap3A_948 : vector<1x16xf32> to vector<16xf32>
        %swap3A_950 = vector.shape_cast %add3A_945 : vector<16xf32> to vector<1x16xf32>
        tpu.vector_store %arg11[%swap3A_946, %swap3A_947], %swap3A_950 {strides = array<i32>} : memref<256x64xf32, #tpu.memory_space<vmem>>, vector<1x16xf32>,
        %get3A_951 = arith.index_cast %add3A_931 : i32 to index
        %get3A_952 = arith.constant 16 : index
        %get3A_953 = tpu.vector_load %arg11[%get3A_951, %get3A_952] {strides = array<i32>} : memref<256x64xf32, #tpu.memory_space<vmem>>, vector<1x16xf32>,
        %get3A_954 = vector.shape_cast %get3A_953 : vector<1x16xf32> to vector<16xf32>
        %get3A_955 = arith.index_cast %add3A_931 : i32 to index
        %get3A_956 = arith.constant 16 : index
        %get3A_957 = tpu.vector_load %arg13[%get3A_955, %get3A_956] {strides = array<i32>} : memref<256x64xf32, #tpu.memory_space<vmem>>, vector<1x16xf32>,
        %get3A_958 = vector.shape_cast %get3A_957 : vector<1x16xf32> to vector<16xf32>
        %mul3A_959 = arith.mulf %gather3A_935, %get3A_958 : vector<16xf32>
        %add3A_960 = arith.addf %get3A_954, %mul3A_959 : vector<16xf32>
        %swap3A_961 = arith.index_cast %add3A_931 : i32 to index
        %swap3A_962 = arith.constant 16 : index
        %swap3A_963 = tpu.vector_load %arg11[%swap3A_961, %swap3A_962] {strides = array<i32>} : memref<256x64xf32, #tpu.memory_space<vmem>>, vector<1x16xf32>,
        %swap3A_964 = vector.shape_cast %swap3A_963 : vector<1x16xf32> to vector<16xf32>
        %swap3A_965 = vector.shape_cast %add3A_960 : vector<16xf32> to vector<1x16xf32>
        tpu.vector_store %arg11[%swap3A_961, %swap3A_962], %swap3A_965 {strides = array<i32>} : memref<256x64xf32, #tpu.memory_space<vmem>>, vector<1x16xf32>,
        %get3A_966 = arith.index_cast %add3A_931 : i32 to index
        %get3A_967 = arith.constant 32 : index
        %get3A_968 = tpu.vector_load %arg11[%get3A_966, %get3A_967] {strides = array<i32>} : memref<256x64xf32, #tpu.memory_space<vmem>>, vector<1x16xf32>,
        %get3A_969 = vector.shape_cast %get3A_968 : vector<1x16xf32> to vector<16xf32>
        %get3A_970 = arith.index_cast %add3A_931 : i32 to index
        %get3A_971 = arith.constant 32 : index
        %get3A_972 = tpu.vector_load %arg13[%get3A_970, %get3A_971] {strides = array<i32>} : memref<256x64xf32, #tpu.memory_space<vmem>>, vector<1x16xf32>,
        %get3A_973 = vector.shape_cast %get3A_972 : vector<1x16xf32> to vector<16xf32>
        %mul3A_974 = arith.mulf %gather3A_935, %get3A_973 : vector<16xf32>
        %add3A_975 = arith.addf %get3A_969, %mul3A_974 : vector<16xf32>
        %swap3A_976 = arith.index_cast %add3A_931 : i32 to index
        %swap3A_977 = arith.constant 32 : index
        %swap3A_978 = tpu.vector_load %arg11[%swap3A_976, %swap3A_977] {strides = array<i32>} : memref<256x64xf32, #tpu.memory_space<vmem>>, vector<1x16xf32>,
        %swap3A_979 = vector.shape_cast %swap3A_978 : vector<1x16xf32> to vector<16xf32>
        %swap3A_980 = vector.shape_cast %add3A_975 : vector<16xf32> to vector<1x16xf32>
        tpu.vector_store %arg11[%swap3A_976, %swap3A_977], %swap3A_980 {strides = array<i32>} : memref<256x64xf32, #tpu.memory_space<vmem>>, vector<1x16xf32>,
        %get3A_981 = arith.index_cast %add3A_931 : i32 to index
        %get3A_982 = arith.constant 48 : index
        %get3A_983 = tpu.vector_load %arg11[%get3A_981, %get3A_982] {strides = array<i32>} : memref<256x64xf32, #tpu.memory_space<vmem>>, vector<1x16xf32>,
        %get3A_984 = vector.shape_cast %get3A_983 : vector<1x16xf32> to vector<16xf32>
        %get3A_985 = arith.index_cast %add3A_931 : i32 to index
        %get3A_986 = arith.constant 48 : index
        %get3A_987 = tpu.vector_load %arg13[%get3A_985, %get3A_986] {strides = array<i32>} : memref<256x64xf32, #tpu.memory_space<vmem>>, vector<1x16xf32>,
        %get3A_988 = vector.shape_cast %get3A_987 : vector<1x16xf32> to vector<16xf32>
        %mul3A_989 = arith.mulf %gather3A_935, %get3A_988 : vector<16xf32>
        %add3A_990 = arith.addf %get3A_984, %mul3A_989 : vector<16xf32>
        %swap3A_991 = arith.index_cast %add3A_931 : i32 to index
        %swap3A_992 = arith.constant 48 : index
        %swap3A_993 = tpu.vector_load %arg11[%swap3A_991, %swap3A_992] {strides = array<i32>} : memref<256x64xf32, #tpu.memory_space<vmem>>, vector<1x16xf32>,
        %swap3A_994 = vector.shape_cast %swap3A_993 : vector<1x16xf32> to vector<16xf32>
        %swap3A_995 = vector.shape_cast %add3A_990 : vector<16xf32> to vector<1x16xf32>
        tpu.vector_store %arg11[%swap3A_991, %swap3A_992], %swap3A_995 {strides = array<i32>} : memref<256x64xf32, #tpu.memory_space<vmem>>, vector<1x16xf32>,
        %mul3A_996 = arith.constant 16 : i32
        %mul3A_997 = arith.muli %scan3A_236, %mul3A_996 : i32
        %add3A_998 = arith.constant 11 : i32
        %add3A_999 = arith.addi %mul3A_997, %add3A_998 : i32
        %broadcast_in_dim3A_1000 = arith.constant 11 : i32
        %broadcast_in_dim3A_1001 = vector.broadcast %broadcast_in_dim3A_1000 : i32 to vector<16x1xi32>
        %gather3A_1002 = vector.shape_cast %broadcast_in_dim3A_1001 : vector<16x1xi32> to vector<16xi32>
        %gather3A_1003 = tpu.dynamic_gather %add3A_250[%gather3A_1002] in [0] : vector<16xf32>, vector<16xi32> -> vector<16xf32>
        %get3A_1004 = arith.index_cast %add3A_999 : i32 to index
        %get3A_1005 = arith.constant 0 : index
        %get3A_1006 = tpu.vector_load %arg11[%get3A_1004, %get3A_1005] {strides = array<i32>} : memref<256x64xf32, #tpu.memory_space<vmem>>, vector<1x16xf32>,
        %get3A_1007 = vector.shape_cast %get3A_1006 : vector<1x16xf32> to vector<16xf32>
        %get3A_1008 = arith.index_cast %add3A_999 : i32 to index
        %get3A_1009 = arith.constant 0 : index
        %get3A_1010 = tpu.vector_load %arg13[%get3A_1008, %get3A_1009] {strides = array<i32>} : memref<256x64xf32, #tpu.memory_space<vmem>>, vector<1x16xf32>,
        %get3A_1011 = vector.shape_cast %get3A_1010 : vector<1x16xf32> to vector<16xf32>
        %mul3A_1012 = arith.mulf %gather3A_1003, %get3A_1011 : vector<16xf32>
        %add3A_1013 = arith.addf %get3A_1007, %mul3A_1012 : vector<16xf32>
        %swap3A_1014 = arith.index_cast %add3A_999 : i32 to index
        %swap3A_1015 = arith.constant 0 : index
        %swap3A_1016 = tpu.vector_load %arg11[%swap3A_1014, %swap3A_1015] {strides = array<i32>} : memref<256x64xf32, #tpu.memory_space<vmem>>, vector<1x16xf32>,
        %swap3A_1017 = vector.shape_cast %swap3A_1016 : vector<1x16xf32> to vector<16xf32>
        %swap3A_1018 = vector.shape_cast %add3A_1013 : vector<16xf32> to vector<1x16xf32>
        tpu.vector_store %arg11[%swap3A_1014, %swap3A_1015], %swap3A_1018 {strides = array<i32>} : memref<256x64xf32, #tpu.memory_space<vmem>>, vector<1x16xf32>,
        %get3A_1019 = arith.index_cast %add3A_999 : i32 to index
        %get3A_1020 = arith.constant 16 : index
        %get3A_1021 = tpu.vector_load %arg11[%get3A_1019, %get3A_1020] {strides = array<i32>} : memref<256x64xf32, #tpu.memory_space<vmem>>, vector<1x16xf32>,
        %get3A_1022 = vector.shape_cast %get3A_1021 : vector<1x16xf32> to vector<16xf32>
        %get3A_1023 = arith.index_cast %add3A_999 : i32 to index
        %get3A_1024 = arith.constant 16 : index
        %get3A_1025 = tpu.vector_load %arg13[%get3A_1023, %get3A_1024] {strides = array<i32>} : memref<256x64xf32, #tpu.memory_space<vmem>>, vector<1x16xf32>,
        %get3A_1026 = vector.shape_cast %get3A_1025 : vector<1x16xf32> to vector<16xf32>
        %mul3A_1027 = arith.mulf %gather3A_1003, %get3A_1026 : vector<16xf32>
        %add3A_1028 = arith.addf %get3A_1022, %mul3A_1027 : vector<16xf32>
        %swap3A_1029 = arith.index_cast %add3A_999 : i32 to index
        %swap3A_1030 = arith.constant 16 : index
        %swap3A_1031 = tpu.vector_load %arg11[%swap3A_1029, %swap3A_1030] {strides = array<i32>} : memref<256x64xf32, #tpu.memory_space<vmem>>, vector<1x16xf32>,
        %swap3A_1032 = vector.shape_cast %swap3A_1031 : vector<1x16xf32> to vector<16xf32>
        %swap3A_1033 = vector.shape_cast %add3A_1028 : vector<16xf32> to vector<1x16xf32>
        tpu.vector_store %arg11[%swap3A_1029, %swap3A_1030], %swap3A_1033 {strides = array<i32>} : memref<256x64xf32, #tpu.memory_space<vmem>>, vector<1x16xf32>,
        %get3A_1034 = arith.index_cast %add3A_999 : i32 to index
        %get3A_1035 = arith.constant 32 : index
        %get3A_1036 = tpu.vector_load %arg11[%get3A_1034, %get3A_1035] {strides = array<i32>} : memref<256x64xf32, #tpu.memory_space<vmem>>, vector<1x16xf32>,
        %get3A_1037 = vector.shape_cast %get3A_1036 : vector<1x16xf32> to vector<16xf32>
        %get3A_1038 = arith.index_cast %add3A_999 : i32 to index
        %get3A_1039 = arith.constant 32 : index
        %get3A_1040 = tpu.vector_load %arg13[%get3A_1038, %get3A_1039] {strides = array<i32>} : memref<256x64xf32, #tpu.memory_space<vmem>>, vector<1x16xf32>,
        %get3A_1041 = vector.shape_cast %get3A_1040 : vector<1x16xf32> to vector<16xf32>
        %mul3A_1042 = arith.mulf %gather3A_1003, %get3A_1041 : vector<16xf32>
        %add3A_1043 = arith.addf %get3A_1037, %mul3A_1042 : vector<16xf32>
        %swap3A_1044 = arith.index_cast %add3A_999 : i32 to index
        %swap3A_1045 = arith.constant 32 : index
        %swap3A_1046 = tpu.vector_load %arg11[%swap3A_1044, %swap3A_1045] {strides = array<i32>} : memref<256x64xf32, #tpu.memory_space<vmem>>, vector<1x16xf32>,
        %swap3A_1047 = vector.shape_cast %swap3A_1046 : vector<1x16xf32> to vector<16xf32>
        %swap3A_1048 = vector.shape_cast %add3A_1043 : vector<16xf32> to vector<1x16xf32>
        tpu.vector_store %arg11[%swap3A_1044, %swap3A_1045], %swap3A_1048 {strides = array<i32>} : memref<256x64xf32, #tpu.memory_space<vmem>>, vector<1x16xf32>,
        %get3A_1049 = arith.index_cast %add3A_999 : i32 to index
        %get3A_1050 = arith.constant 48 : index
        %get3A_1051 = tpu.vector_load %arg11[%get3A_1049, %get3A_1050] {strides = array<i32>} : memref<256x64xf32, #tpu.memory_space<vmem>>, vector<1x16xf32>,
        %get3A_1052 = vector.shape_cast %get3A_1051 : vector<1x16xf32> to vector<16xf32>
        %get3A_1053 = arith.index_cast %add3A_999 : i32 to index
        %get3A_1054 = arith.constant 48 : index
        %get3A_1055 = tpu.vector_load %arg13[%get3A_1053, %get3A_1054] {strides = array<i32>} : memref<256x64xf32, #tpu.memory_space<vmem>>, vector<1x16xf32>,
        %get3A_1056 = vector.shape_cast %get3A_1055 : vector<1x16xf32> to vector<16xf32>
        %mul3A_1057 = arith.mulf %gather3A_1003, %get3A_1056 : vector<16xf32>
        %add3A_1058 = arith.addf %get3A_1052, %mul3A_1057 : vector<16xf32>
        %swap3A_1059 = arith.index_cast %add3A_999 : i32 to index
        %swap3A_1060 = arith.constant 48 : index
        %swap3A_1061 = tpu.vector_load %arg11[%swap3A_1059, %swap3A_1060] {strides = array<i32>} : memref<256x64xf32, #tpu.memory_space<vmem>>, vector<1x16xf32>,
        %swap3A_1062 = vector.shape_cast %swap3A_1061 : vector<1x16xf32> to vector<16xf32>
        %swap3A_1063 = vector.shape_cast %add3A_1058 : vector<16xf32> to vector<1x16xf32>
        tpu.vector_store %arg11[%swap3A_1059, %swap3A_1060], %swap3A_1063 {strides = array<i32>} : memref<256x64xf32, #tpu.memory_space<vmem>>, vector<1x16xf32>,
        %mul3A_1064 = arith.constant 16 : i32
        %mul3A_1065 = arith.muli %scan3A_236, %mul3A_1064 : i32
        %add3A_1066 = arith.constant 12 : i32
        %add3A_1067 = arith.addi %mul3A_1065, %add3A_1066 : i32
        %broadcast_in_dim3A_1068 = arith.constant 12 : i32
        %broadcast_in_dim3A_1069 = vector.broadcast %broadcast_in_dim3A_1068 : i32 to vector<16x1xi32>
        %gather3A_1070 = vector.shape_cast %broadcast_in_dim3A_1069 : vector<16x1xi32> to vector<16xi32>
        %gather3A_1071 = tpu.dynamic_gather %add3A_250[%gather3A_1070] in [0] : vector<16xf32>, vector<16xi32> -> vector<16xf32>
        %get3A_1072 = arith.index_cast %add3A_1067 : i32 to index
        %get3A_1073 = arith.constant 0 : index
        %get3A_1074 = tpu.vector_load %arg11[%get3A_1072, %get3A_1073] {strides = array<i32>} : memref<256x64xf32, #tpu.memory_space<vmem>>, vector<1x16xf32>,
        %get3A_1075 = vector.shape_cast %get3A_1074 : vector<1x16xf32> to vector<16xf32>
        %get3A_1076 = arith.index_cast %add3A_1067 : i32 to index
        %get3A_1077 = arith.constant 0 : index
        %get3A_1078 = tpu.vector_load %arg13[%get3A_1076, %get3A_1077] {strides = array<i32>} : memref<256x64xf32, #tpu.memory_space<vmem>>, vector<1x16xf32>,
        %get3A_1079 = vector.shape_cast %get3A_1078 : vector<1x16xf32> to vector<16xf32>
        %mul3A_1080 = arith.mulf %gather3A_1071, %get3A_1079 : vector<16xf32>
        %add3A_1081 = arith.addf %get3A_1075, %mul3A_1080 : vector<16xf32>
        %swap3A_1082 = arith.index_cast %add3A_1067 : i32 to index
        %swap3A_1083 = arith.constant 0 : index
        %swap3A_1084 = tpu.vector_load %arg11[%swap3A_1082, %swap3A_1083] {strides = array<i32>} : memref<256x64xf32, #tpu.memory_space<vmem>>, vector<1x16xf32>,
        %swap3A_1085 = vector.shape_cast %swap3A_1084 : vector<1x16xf32> to vector<16xf32>
        %swap3A_1086 = vector.shape_cast %add3A_1081 : vector<16xf32> to vector<1x16xf32>
        tpu.vector_store %arg11[%swap3A_1082, %swap3A_1083], %swap3A_1086 {strides = array<i32>} : memref<256x64xf32, #tpu.memory_space<vmem>>, vector<1x16xf32>,
        %get3A_1087 = arith.index_cast %add3A_1067 : i32 to index
        %get3A_1088 = arith.constant 16 : index
        %get3A_1089 = tpu.vector_load %arg11[%get3A_1087, %get3A_1088] {strides = array<i32>} : memref<256x64xf32, #tpu.memory_space<vmem>>, vector<1x16xf32>,
        %get3A_1090 = vector.shape_cast %get3A_1089 : vector<1x16xf32> to vector<16xf32>
        %get3A_1091 = arith.index_cast %add3A_1067 : i32 to index
        %get3A_1092 = arith.constant 16 : index
        %get3A_1093 = tpu.vector_load %arg13[%get3A_1091, %get3A_1092] {strides = array<i32>} : memref<256x64xf32, #tpu.memory_space<vmem>>, vector<1x16xf32>,
        %get3A_1094 = vector.shape_cast %get3A_1093 : vector<1x16xf32> to vector<16xf32>
        %mul3A_1095 = arith.mulf %gather3A_1071, %get3A_1094 : vector<16xf32>
        %add3A_1096 = arith.addf %get3A_1090, %mul3A_1095 : vector<16xf32>
        %swap3A_1097 = arith.index_cast %add3A_1067 : i32 to index
        %swap3A_1098 = arith.constant 16 : index
        %swap3A_1099 = tpu.vector_load %arg11[%swap3A_1097, %swap3A_1098] {strides = array<i32>} : memref<256x64xf32, #tpu.memory_space<vmem>>, vector<1x16xf32>,
        %swap3A_1100 = vector.shape_cast %swap3A_1099 : vector<1x16xf32> to vector<16xf32>
        %swap3A_1101 = vector.shape_cast %add3A_1096 : vector<16xf32> to vector<1x16xf32>
        tpu.vector_store %arg11[%swap3A_1097, %swap3A_1098], %swap3A_1101 {strides = array<i32>} : memref<256x64xf32, #tpu.memory_space<vmem>>, vector<1x16xf32>,
        %get3A_1102 = arith.index_cast %add3A_1067 : i32 to index
        %get3A_1103 = arith.constant 32 : index
        %get3A_1104 = tpu.vector_load %arg11[%get3A_1102, %get3A_1103] {strides = array<i32>} : memref<256x64xf32, #tpu.memory_space<vmem>>, vector<1x16xf32>,
        %get3A_1105 = vector.shape_cast %get3A_1104 : vector<1x16xf32> to vector<16xf32>
        %get3A_1106 = arith.index_cast %add3A_1067 : i32 to index
        %get3A_1107 = arith.constant 32 : index
        %get3A_1108 = tpu.vector_load %arg13[%get3A_1106, %get3A_1107] {strides = array<i32>} : memref<256x64xf32, #tpu.memory_space<vmem>>, vector<1x16xf32>,
        %get3A_1109 = vector.shape_cast %get3A_1108 : vector<1x16xf32> to vector<16xf32>
        %mul3A_1110 = arith.mulf %gather3A_1071, %get3A_1109 : vector<16xf32>
        %add3A_1111 = arith.addf %get3A_1105, %mul3A_1110 : vector<16xf32>
        %swap3A_1112 = arith.index_cast %add3A_1067 : i32 to index
        %swap3A_1113 = arith.constant 32 : index
        %swap3A_1114 = tpu.vector_load %arg11[%swap3A_1112, %swap3A_1113] {strides = array<i32>} : memref<256x64xf32, #tpu.memory_space<vmem>>, vector<1x16xf32>,
        %swap3A_1115 = vector.shape_cast %swap3A_1114 : vector<1x16xf32> to vector<16xf32>
        %swap3A_1116 = vector.shape_cast %add3A_1111 : vector<16xf32> to vector<1x16xf32>
        tpu.vector_store %arg11[%swap3A_1112, %swap3A_1113], %swap3A_1116 {strides = array<i32>} : memref<256x64xf32, #tpu.memory_space<vmem>>, vector<1x16xf32>,
        %get3A_1117 = arith.index_cast %add3A_1067 : i32 to index
        %get3A_1118 = arith.constant 48 : index
        %get3A_1119 = tpu.vector_load %arg11[%get3A_1117, %get3A_1118] {strides = array<i32>} : memref<256x64xf32, #tpu.memory_space<vmem>>, vector<1x16xf32>,
        %get3A_1120 = vector.shape_cast %get3A_1119 : vector<1x16xf32> to vector<16xf32>
        %get3A_1121 = arith.index_cast %add3A_1067 : i32 to index
        %get3A_1122 = arith.constant 48 : index
        %get3A_1123 = tpu.vector_load %arg13[%get3A_1121, %get3A_1122] {strides = array<i32>} : memref<256x64xf32, #tpu.memory_space<vmem>>, vector<1x16xf32>,
        %get3A_1124 = vector.shape_cast %get3A_1123 : vector<1x16xf32> to vector<16xf32>
        %mul3A_1125 = arith.mulf %gather3A_1071, %get3A_1124 : vector<16xf32>
        %add3A_1126 = arith.addf %get3A_1120, %mul3A_1125 : vector<16xf32>
        %swap3A_1127 = arith.index_cast %add3A_1067 : i32 to index
        %swap3A_1128 = arith.constant 48 : index
        %swap3A_1129 = tpu.vector_load %arg11[%swap3A_1127, %swap3A_1128] {strides = array<i32>} : memref<256x64xf32, #tpu.memory_space<vmem>>, vector<1x16xf32>,
        %swap3A_1130 = vector.shape_cast %swap3A_1129 : vector<1x16xf32> to vector<16xf32>
        %swap3A_1131 = vector.shape_cast %add3A_1126 : vector<16xf32> to vector<1x16xf32>
        tpu.vector_store %arg11[%swap3A_1127, %swap3A_1128], %swap3A_1131 {strides = array<i32>} : memref<256x64xf32, #tpu.memory_space<vmem>>, vector<1x16xf32>,
        %mul3A_1132 = arith.constant 16 : i32
        %mul3A_1133 = arith.muli %scan3A_236, %mul3A_1132 : i32
        %add3A_1134 = arith.constant 13 : i32
        %add3A_1135 = arith.addi %mul3A_1133, %add3A_1134 : i32
        %broadcast_in_dim3A_1136 = arith.constant 13 : i32
        %broadcast_in_dim3A_1137 = vector.broadcast %broadcast_in_dim3A_1136 : i32 to vector<16x1xi32>
        %gather3A_1138 = vector.shape_cast %broadcast_in_dim3A_1137 : vector<16x1xi32> to vector<16xi32>
        %gather3A_1139 = tpu.dynamic_gather %add3A_250[%gather3A_1138] in [0] : vector<16xf32>, vector<16xi32> -> vector<16xf32>
        %get3A_1140 = arith.index_cast %add3A_1135 : i32 to index
        %get3A_1141 = arith.constant 0 : index
        %get3A_1142 = tpu.vector_load %arg11[%get3A_1140, %get3A_1141] {strides = array<i32>} : memref<256x64xf32, #tpu.memory_space<vmem>>, vector<1x16xf32>,
        %get3A_1143 = vector.shape_cast %get3A_1142 : vector<1x16xf32> to vector<16xf32>
        %get3A_1144 = arith.index_cast %add3A_1135 : i32 to index
        %get3A_1145 = arith.constant 0 : index
        %get3A_1146 = tpu.vector_load %arg13[%get3A_1144, %get3A_1145] {strides = array<i32>} : memref<256x64xf32, #tpu.memory_space<vmem>>, vector<1x16xf32>,
        %get3A_1147 = vector.shape_cast %get3A_1146 : vector<1x16xf32> to vector<16xf32>
        %mul3A_1148 = arith.mulf %gather3A_1139, %get3A_1147 : vector<16xf32>
        %add3A_1149 = arith.addf %get3A_1143, %mul3A_1148 : vector<16xf32>
        %swap3A_1150 = arith.index_cast %add3A_1135 : i32 to index
        %swap3A_1151 = arith.constant 0 : index
        %swap3A_1152 = tpu.vector_load %arg11[%swap3A_1150, %swap3A_1151] {strides = array<i32>} : memref<256x64xf32, #tpu.memory_space<vmem>>, vector<1x16xf32>,
        %swap3A_1153 = vector.shape_cast %swap3A_1152 : vector<1x16xf32> to vector<16xf32>
        %swap3A_1154 = vector.shape_cast %add3A_1149 : vector<16xf32> to vector<1x16xf32>
        tpu.vector_store %arg11[%swap3A_1150, %swap3A_1151], %swap3A_1154 {strides = array<i32>} : memref<256x64xf32, #tpu.memory_space<vmem>>, vector<1x16xf32>,
        %get3A_1155 = arith.index_cast %add3A_1135 : i32 to index
        %get3A_1156 = arith.constant 16 : index
        %get3A_1157 = tpu.vector_load %arg11[%get3A_1155, %get3A_1156] {strides = array<i32>} : memref<256x64xf32, #tpu.memory_space<vmem>>, vector<1x16xf32>,
        %get3A_1158 = vector.shape_cast %get3A_1157 : vector<1x16xf32> to vector<16xf32>
        %get3A_1159 = arith.index_cast %add3A_1135 : i32 to index
        %get3A_1160 = arith.constant 16 : index
        %get3A_1161 = tpu.vector_load %arg13[%get3A_1159, %get3A_1160] {strides = array<i32>} : memref<256x64xf32, #tpu.memory_space<vmem>>, vector<1x16xf32>,
        %get3A_1162 = vector.shape_cast %get3A_1161 : vector<1x16xf32> to vector<16xf32>
        %mul3A_1163 = arith.mulf %gather3A_1139, %get3A_1162 : vector<16xf32>
        %add3A_1164 = arith.addf %get3A_1158, %mul3A_1163 : vector<16xf32>
        %swap3A_1165 = arith.index_cast %add3A_1135 : i32 to index
        %swap3A_1166 = arith.constant 16 : index
        %swap3A_1167 = tpu.vector_load %arg11[%swap3A_1165, %swap3A_1166] {strides = array<i32>} : memref<256x64xf32, #tpu.memory_space<vmem>>, vector<1x16xf32>,
        %swap3A_1168 = vector.shape_cast %swap3A_1167 : vector<1x16xf32> to vector<16xf32>
        %swap3A_1169 = vector.shape_cast %add3A_1164 : vector<16xf32> to vector<1x16xf32>
        tpu.vector_store %arg11[%swap3A_1165, %swap3A_1166], %swap3A_1169 {strides = array<i32>} : memref<256x64xf32, #tpu.memory_space<vmem>>, vector<1x16xf32>,
        %get3A_1170 = arith.index_cast %add3A_1135 : i32 to index
        %get3A_1171 = arith.constant 32 : index
        %get3A_1172 = tpu.vector_load %arg11[%get3A_1170, %get3A_1171] {strides = array<i32>} : memref<256x64xf32, #tpu.memory_space<vmem>>, vector<1x16xf32>,
        %get3A_1173 = vector.shape_cast %get3A_1172 : vector<1x16xf32> to vector<16xf32>
        %get3A_1174 = arith.index_cast %add3A_1135 : i32 to index
        %get3A_1175 = arith.constant 32 : index
        %get3A_1176 = tpu.vector_load %arg13[%get3A_1174, %get3A_1175] {strides = array<i32>} : memref<256x64xf32, #tpu.memory_space<vmem>>, vector<1x16xf32>,
        %get3A_1177 = vector.shape_cast %get3A_1176 : vector<1x16xf32> to vector<16xf32>
        %mul3A_1178 = arith.mulf %gather3A_1139, %get3A_1177 : vector<16xf32>
        %add3A_1179 = arith.addf %get3A_1173, %mul3A_1178 : vector<16xf32>
        %swap3A_1180 = arith.index_cast %add3A_1135 : i32 to index
        %swap3A_1181 = arith.constant 32 : index
        %swap3A_1182 = tpu.vector_load %arg11[%swap3A_1180, %swap3A_1181] {strides = array<i32>} : memref<256x64xf32, #tpu.memory_space<vmem>>, vector<1x16xf32>,
        %swap3A_1183 = vector.shape_cast %swap3A_1182 : vector<1x16xf32> to vector<16xf32>
        %swap3A_1184 = vector.shape_cast %add3A_1179 : vector<16xf32> to vector<1x16xf32>
        tpu.vector_store %arg11[%swap3A_1180, %swap3A_1181], %swap3A_1184 {strides = array<i32>} : memref<256x64xf32, #tpu.memory_space<vmem>>, vector<1x16xf32>,
        %get3A_1185 = arith.index_cast %add3A_1135 : i32 to index
        %get3A_1186 = arith.constant 48 : index
        %get3A_1187 = tpu.vector_load %arg11[%get3A_1185, %get3A_1186] {strides = array<i32>} : memref<256x64xf32, #tpu.memory_space<vmem>>, vector<1x16xf32>,
        %get3A_1188 = vector.shape_cast %get3A_1187 : vector<1x16xf32> to vector<16xf32>
        %get3A_1189 = arith.index_cast %add3A_1135 : i32 to index
        %get3A_1190 = arith.constant 48 : index
        %get3A_1191 = tpu.vector_load %arg13[%get3A_1189, %get3A_1190] {strides = array<i32>} : memref<256x64xf32, #tpu.memory_space<vmem>>, vector<1x16xf32>,
        %get3A_1192 = vector.shape_cast %get3A_1191 : vector<1x16xf32> to vector<16xf32>
        %mul3A_1193 = arith.mulf %gather3A_1139, %get3A_1192 : vector<16xf32>
        %add3A_1194 = arith.addf %get3A_1188, %mul3A_1193 : vector<16xf32>
        %swap3A_1195 = arith.index_cast %add3A_1135 : i32 to index
        %swap3A_1196 = arith.constant 48 : index
        %swap3A_1197 = tpu.vector_load %arg11[%swap3A_1195, %swap3A_1196] {strides = array<i32>} : memref<256x64xf32, #tpu.memory_space<vmem>>, vector<1x16xf32>,
        %swap3A_1198 = vector.shape_cast %swap3A_1197 : vector<1x16xf32> to vector<16xf32>
        %swap3A_1199 = vector.shape_cast %add3A_1194 : vector<16xf32> to vector<1x16xf32>
        tpu.vector_store %arg11[%swap3A_1195, %swap3A_1196], %swap3A_1199 {strides = array<i32>} : memref<256x64xf32, #tpu.memory_space<vmem>>, vector<1x16xf32>,
        %mul3A_1200 = arith.constant 16 : i32
        %mul3A_1201 = arith.muli %scan3A_236, %mul3A_1200 : i32
        %add3A_1202 = arith.constant 14 : i32
        %add3A_1203 = arith.addi %mul3A_1201, %add3A_1202 : i32
        %broadcast_in_dim3A_1204 = arith.constant 14 : i32
        %broadcast_in_dim3A_1205 = vector.broadcast %broadcast_in_dim3A_1204 : i32 to vector<16x1xi32>
        %gather3A_1206 = vector.shape_cast %broadcast_in_dim3A_1205 : vector<16x1xi32> to vector<16xi32>
        %gather3A_1207 = tpu.dynamic_gather %add3A_250[%gather3A_1206] in [0] : vector<16xf32>, vector<16xi32> -> vector<16xf32>
        %get3A_1208 = arith.index_cast %add3A_1203 : i32 to index
        %get3A_1209 = arith.constant 0 : index
        %get3A_1210 = tpu.vector_load %arg11[%get3A_1208, %get3A_1209] {strides = array<i32>} : memref<256x64xf32, #tpu.memory_space<vmem>>, vector<1x16xf32>,
        %get3A_1211 = vector.shape_cast %get3A_1210 : vector<1x16xf32> to vector<16xf32>
        %get3A_1212 = arith.index_cast %add3A_1203 : i32 to index
        %get3A_1213 = arith.constant 0 : index
        %get3A_1214 = tpu.vector_load %arg13[%get3A_1212, %get3A_1213] {strides = array<i32>} : memref<256x64xf32, #tpu.memory_space<vmem>>, vector<1x16xf32>,
        %get3A_1215 = vector.shape_cast %get3A_1214 : vector<1x16xf32> to vector<16xf32>
        %mul3A_1216 = arith.mulf %gather3A_1207, %get3A_1215 : vector<16xf32>
        %add3A_1217 = arith.addf %get3A_1211, %mul3A_1216 : vector<16xf32>
        %swap3A_1218 = arith.index_cast %add3A_1203 : i32 to index
        %swap3A_1219 = arith.constant 0 : index
        %swap3A_1220 = tpu.vector_load %arg11[%swap3A_1218, %swap3A_1219] {strides = array<i32>} : memref<256x64xf32, #tpu.memory_space<vmem>>, vector<1x16xf32>,
        %swap3A_1221 = vector.shape_cast %swap3A_1220 : vector<1x16xf32> to vector<16xf32>
        %swap3A_1222 = vector.shape_cast %add3A_1217 : vector<16xf32> to vector<1x16xf32>
        tpu.vector_store %arg11[%swap3A_1218, %swap3A_1219], %swap3A_1222 {strides = array<i32>} : memref<256x64xf32, #tpu.memory_space<vmem>>, vector<1x16xf32>,
        %get3A_1223 = arith.index_cast %add3A_1203 : i32 to index
        %get3A_1224 = arith.constant 16 : index
        %get3A_1225 = tpu.vector_load %arg11[%get3A_1223, %get3A_1224] {strides = array<i32>} : memref<256x64xf32, #tpu.memory_space<vmem>>, vector<1x16xf32>,
        %get3A_1226 = vector.shape_cast %get3A_1225 : vector<1x16xf32> to vector<16xf32>
        %get3A_1227 = arith.index_cast %add3A_1203 : i32 to index
        %get3A_1228 = arith.constant 16 : index
        %get3A_1229 = tpu.vector_load %arg13[%get3A_1227, %get3A_1228] {strides = array<i32>} : memref<256x64xf32, #tpu.memory_space<vmem>>, vector<1x16xf32>,
        %get3A_1230 = vector.shape_cast %get3A_1229 : vector<1x16xf32> to vector<16xf32>
        %mul3A_1231 = arith.mulf %gather3A_1207, %get3A_1230 : vector<16xf32>
        %add3A_1232 = arith.addf %get3A_1226, %mul3A_1231 : vector<16xf32>
        %swap3A_1233 = arith.index_cast %add3A_1203 : i32 to index
        %swap3A_1234 = arith.constant 16 : index
        %swap3A_1235 = tpu.vector_load %arg11[%swap3A_1233, %swap3A_1234] {strides = array<i32>} : memref<256x64xf32, #tpu.memory_space<vmem>>, vector<1x16xf32>,
        %swap3A_1236 = vector.shape_cast %swap3A_1235 : vector<1x16xf32> to vector<16xf32>
        %swap3A_1237 = vector.shape_cast %add3A_1232 : vector<16xf32> to vector<1x16xf32>
        tpu.vector_store %arg11[%swap3A_1233, %swap3A_1234], %swap3A_1237 {strides = array<i32>} : memref<256x64xf32, #tpu.memory_space<vmem>>, vector<1x16xf32>,
        %get3A_1238 = arith.index_cast %add3A_1203 : i32 to index
        %get3A_1239 = arith.constant 32 : index
        %get3A_1240 = tpu.vector_load %arg11[%get3A_1238, %get3A_1239] {strides = array<i32>} : memref<256x64xf32, #tpu.memory_space<vmem>>, vector<1x16xf32>,
        %get3A_1241 = vector.shape_cast %get3A_1240 : vector<1x16xf32> to vector<16xf32>
        %get3A_1242 = arith.index_cast %add3A_1203 : i32 to index
        %get3A_1243 = arith.constant 32 : index
        %get3A_1244 = tpu.vector_load %arg13[%get3A_1242, %get3A_1243] {strides = array<i32>} : memref<256x64xf32, #tpu.memory_space<vmem>>, vector<1x16xf32>,
        %get3A_1245 = vector.shape_cast %get3A_1244 : vector<1x16xf32> to vector<16xf32>
        %mul3A_1246 = arith.mulf %gather3A_1207, %get3A_1245 : vector<16xf32>
        %add3A_1247 = arith.addf %get3A_1241, %mul3A_1246 : vector<16xf32>
        %swap3A_1248 = arith.index_cast %add3A_1203 : i32 to index
        %swap3A_1249 = arith.constant 32 : index
        %swap3A_1250 = tpu.vector_load %arg11[%swap3A_1248, %swap3A_1249] {strides = array<i32>} : memref<256x64xf32, #tpu.memory_space<vmem>>, vector<1x16xf32>,
        %swap3A_1251 = vector.shape_cast %swap3A_1250 : vector<1x16xf32> to vector<16xf32>
        %swap3A_1252 = vector.shape_cast %add3A_1247 : vector<16xf32> to vector<1x16xf32>
        tpu.vector_store %arg11[%swap3A_1248, %swap3A_1249], %swap3A_1252 {strides = array<i32>} : memref<256x64xf32, #tpu.memory_space<vmem>>, vector<1x16xf32>,
        %get3A_1253 = arith.index_cast %add3A_1203 : i32 to index
        %get3A_1254 = arith.constant 48 : index
        %get3A_1255 = tpu.vector_load %arg11[%get3A_1253, %get3A_1254] {strides = array<i32>} : memref<256x64xf32, #tpu.memory_space<vmem>>, vector<1x16xf32>,
        %get3A_1256 = vector.shape_cast %get3A_1255 : vector<1x16xf32> to vector<16xf32>
        %get3A_1257 = arith.index_cast %add3A_1203 : i32 to index
        %get3A_1258 = arith.constant 48 : index
        %get3A_1259 = tpu.vector_load %arg13[%get3A_1257, %get3A_1258] {strides = array<i32>} : memref<256x64xf32, #tpu.memory_space<vmem>>, vector<1x16xf32>,
        %get3A_1260 = vector.shape_cast %get3A_1259 : vector<1x16xf32> to vector<16xf32>
        %mul3A_1261 = arith.mulf %gather3A_1207, %get3A_1260 : vector<16xf32>
        %add3A_1262 = arith.addf %get3A_1256, %mul3A_1261 : vector<16xf32>
        %swap3A_1263 = arith.index_cast %add3A_1203 : i32 to index
        %swap3A_1264 = arith.constant 48 : index
        %swap3A_1265 = tpu.vector_load %arg11[%swap3A_1263, %swap3A_1264] {strides = array<i32>} : memref<256x64xf32, #tpu.memory_space<vmem>>, vector<1x16xf32>,
        %swap3A_1266 = vector.shape_cast %swap3A_1265 : vector<1x16xf32> to vector<16xf32>
        %swap3A_1267 = vector.shape_cast %add3A_1262 : vector<16xf32> to vector<1x16xf32>
        tpu.vector_store %arg11[%swap3A_1263, %swap3A_1264], %swap3A_1267 {strides = array<i32>} : memref<256x64xf32, #tpu.memory_space<vmem>>, vector<1x16xf32>,
        %mul3A_1268 = arith.constant 16 : i32
        %mul3A_1269 = arith.muli %scan3A_236, %mul3A_1268 : i32
        %add3A_1270 = arith.constant 15 : i32
        %add3A_1271 = arith.addi %mul3A_1269, %add3A_1270 : i32
        %broadcast_in_dim3A_1272 = arith.constant 15 : i32
        %broadcast_in_dim3A_1273 = vector.broadcast %broadcast_in_dim3A_1272 : i32 to vector<16x1xi32>
        %gather3A_1274 = vector.shape_cast %broadcast_in_dim3A_1273 : vector<16x1xi32> to vector<16xi32>
        %gather3A_1275 = tpu.dynamic_gather %add3A_250[%gather3A_1274] in [0] : vector<16xf32>, vector<16xi32> -> vector<16xf32>
        %get3A_1276 = arith.index_cast %add3A_1271 : i32 to index
        %get3A_1277 = arith.constant 0 : index
        %get3A_1278 = tpu.vector_load %arg11[%get3A_1276, %get3A_1277] {strides = array<i32>} : memref<256x64xf32, #tpu.memory_space<vmem>>, vector<1x16xf32>,
        %get3A_1279 = vector.shape_cast %get3A_1278 : vector<1x16xf32> to vector<16xf32>
        %get3A_1280 = arith.index_cast %add3A_1271 : i32 to index
        %get3A_1281 = arith.constant 0 : index
        %get3A_1282 = tpu.vector_load %arg13[%get3A_1280, %get3A_1281] {strides = array<i32>} : memref<256x64xf32, #tpu.memory_space<vmem>>, vector<1x16xf32>,
        %get3A_1283 = vector.shape_cast %get3A_1282 : vector<1x16xf32> to vector<16xf32>
        %mul3A_1284 = arith.mulf %gather3A_1275, %get3A_1283 : vector<16xf32>
        %add3A_1285 = arith.addf %get3A_1279, %mul3A_1284 : vector<16xf32>
        %swap3A_1286 = arith.index_cast %add3A_1271 : i32 to index
        %swap3A_1287 = arith.constant 0 : index
        %swap3A_1288 = tpu.vector_load %arg11[%swap3A_1286, %swap3A_1287] {strides = array<i32>} : memref<256x64xf32, #tpu.memory_space<vmem>>, vector<1x16xf32>,
        %swap3A_1289 = vector.shape_cast %swap3A_1288 : vector<1x16xf32> to vector<16xf32>
        %swap3A_1290 = vector.shape_cast %add3A_1285 : vector<16xf32> to vector<1x16xf32>
        tpu.vector_store %arg11[%swap3A_1286, %swap3A_1287], %swap3A_1290 {strides = array<i32>} : memref<256x64xf32, #tpu.memory_space<vmem>>, vector<1x16xf32>,
        %get3A_1291 = arith.index_cast %add3A_1271 : i32 to index
        %get3A_1292 = arith.constant 16 : index
        %get3A_1293 = tpu.vector_load %arg11[%get3A_1291, %get3A_1292] {strides = array<i32>} : memref<256x64xf32, #tpu.memory_space<vmem>>, vector<1x16xf32>,
        %get3A_1294 = vector.shape_cast %get3A_1293 : vector<1x16xf32> to vector<16xf32>
        %get3A_1295 = arith.index_cast %add3A_1271 : i32 to index
        %get3A_1296 = arith.constant 16 : index
        %get3A_1297 = tpu.vector_load %arg13[%get3A_1295, %get3A_1296] {strides = array<i32>} : memref<256x64xf32, #tpu.memory_space<vmem>>, vector<1x16xf32>,
        %get3A_1298 = vector.shape_cast %get3A_1297 : vector<1x16xf32> to vector<16xf32>
        %mul3A_1299 = arith.mulf %gather3A_1275, %get3A_1298 : vector<16xf32>
        %add3A_1300 = arith.addf %get3A_1294, %mul3A_1299 : vector<16xf32>
        %swap3A_1301 = arith.index_cast %add3A_1271 : i32 to index
        %swap3A_1302 = arith.constant 16 : index
        %swap3A_1303 = tpu.vector_load %arg11[%swap3A_1301, %swap3A_1302] {strides = array<i32>} : memref<256x64xf32, #tpu.memory_space<vmem>>, vector<1x16xf32>,
        %swap3A_1304 = vector.shape_cast %swap3A_1303 : vector<1x16xf32> to vector<16xf32>
        %swap3A_1305 = vector.shape_cast %add3A_1300 : vector<16xf32> to vector<1x16xf32>
        tpu.vector_store %arg11[%swap3A_1301, %swap3A_1302], %swap3A_1305 {strides = array<i32>} : memref<256x64xf32, #tpu.memory_space<vmem>>, vector<1x16xf32>,
        %get3A_1306 = arith.index_cast %add3A_1271 : i32 to index
        %get3A_1307 = arith.constant 32 : index
        %get3A_1308 = tpu.vector_load %arg11[%get3A_1306, %get3A_1307] {strides = array<i32>} : memref<256x64xf32, #tpu.memory_space<vmem>>, vector<1x16xf32>,
        %get3A_1309 = vector.shape_cast %get3A_1308 : vector<1x16xf32> to vector<16xf32>
        %get3A_1310 = arith.index_cast %add3A_1271 : i32 to index
        %get3A_1311 = arith.constant 32 : index
        %get3A_1312 = tpu.vector_load %arg13[%get3A_1310, %get3A_1311] {strides = array<i32>} : memref<256x64xf32, #tpu.memory_space<vmem>>, vector<1x16xf32>,
        %get3A_1313 = vector.shape_cast %get3A_1312 : vector<1x16xf32> to vector<16xf32>
        %mul3A_1314 = arith.mulf %gather3A_1275, %get3A_1313 : vector<16xf32>
        %add3A_1315 = arith.addf %get3A_1309, %mul3A_1314 : vector<16xf32>
        %swap3A_1316 = arith.index_cast %add3A_1271 : i32 to index
        %swap3A_1317 = arith.constant 32 : index
        %swap3A_1318 = tpu.vector_load %arg11[%swap3A_1316, %swap3A_1317] {strides = array<i32>} : memref<256x64xf32, #tpu.memory_space<vmem>>, vector<1x16xf32>,
        %swap3A_1319 = vector.shape_cast %swap3A_1318 : vector<1x16xf32> to vector<16xf32>
        %swap3A_1320 = vector.shape_cast %add3A_1315 : vector<16xf32> to vector<1x16xf32>
        tpu.vector_store %arg11[%swap3A_1316, %swap3A_1317], %swap3A_1320 {strides = array<i32>} : memref<256x64xf32, #tpu.memory_space<vmem>>, vector<1x16xf32>,
        %get3A_1321 = arith.index_cast %add3A_1271 : i32 to index
        %get3A_1322 = arith.constant 48 : index
        %get3A_1323 = tpu.vector_load %arg11[%get3A_1321, %get3A_1322] {strides = array<i32>} : memref<256x64xf32, #tpu.memory_space<vmem>>, vector<1x16xf32>,
        %get3A_1324 = vector.shape_cast %get3A_1323 : vector<1x16xf32> to vector<16xf32>
        %get3A_1325 = arith.index_cast %add3A_1271 : i32 to index
        %get3A_1326 = arith.constant 48 : index
        %get3A_1327 = tpu.vector_load %arg13[%get3A_1325, %get3A_1326] {strides = array<i32>} : memref<256x64xf32, #tpu.memory_space<vmem>>, vector<1x16xf32>,
        %get3A_1328 = vector.shape_cast %get3A_1327 : vector<1x16xf32> to vector<16xf32>
        %mul3A_1329 = arith.mulf %gather3A_1275, %get3A_1328 : vector<16xf32>
        %add3A_1330 = arith.addf %get3A_1324, %mul3A_1329 : vector<16xf32>
        %swap3A_1331 = arith.index_cast %add3A_1271 : i32 to index
        %swap3A_1332 = arith.constant 48 : index
        %swap3A_1333 = tpu.vector_load %arg11[%swap3A_1331, %swap3A_1332] {strides = array<i32>} : memref<256x64xf32, #tpu.memory_space<vmem>>, vector<1x16xf32>,
        %swap3A_1334 = vector.shape_cast %swap3A_1333 : vector<1x16xf32> to vector<16xf32>
        %swap3A_1335 = vector.shape_cast %add3A_1330 : vector<16xf32> to vector<1x16xf32>
        tpu.vector_store %arg11[%swap3A_1331, %swap3A_1332], %swap3A_1335 {strides = array<i32>} : memref<256x64xf32, #tpu.memory_space<vmem>>, vector<1x16xf32>,
      }
      %scan3A_164 = arith.constant 16 : i32
      %mul3A_165 = arith.constant 256 : i32
      %mul3A_166 = arith.muli %mul3A_112, %mul3A_165 : i32
      %add3A_167 = arith.addi %mul3A_2, %mul3A_166 : i32
      %dma_start3A_168 = arith.constant 0 : i32
      %dma_start3A_169 = tpu.memref_slice %arg6[%add3A_167, %dma_start3A_168] : memref<819200x64xf32, #tpu.memory_space<hbm>> -> memref<256x64xf32, #tpu.memory_space<hbm>>
      %dma_start3A_170 = arith.constant 0 : i32
      %dma_start3A_171 = tpu.memref_slice %arg6[%add3A_167, %dma_start3A_170] : memref<819200x64xf32, #tpu.memory_space<hbm>> -> memref<256x64xf32, #tpu.memory_space<hbm>>
      tpu.enqueue_dma source(%arg11 : memref<256x64xf32, #tpu.memory_space<vmem>>) target(%dma_start3A_171 : memref<256x64xf32, #tpu.memory_space<hbm>>) target_semaphore(%arg17 : memref<!tpu.dma_semaphore, #tpu.memory_space<semaphore_mem>>)
      %lt3A = arith.constant 49 : i32
      %lt3A_172 = arith.cmpi slt, %scan3A_110, %lt3A : i32
      %convert_element_type3A = arith.extui %lt3A_172 : i1 to i32
      %cond3A = arith.constant 0 : i32
      %cond3A_173 = arith.cmpi ne, %convert_element_type3A, %cond3A : i32
      scf.if %cond3A_173 {
        %mul3A_236 = arith.constant 256 : i32
        %mul3A_237 = arith.muli %mul3A_112, %mul3A_236 : i32
        %add3A_238 = arith.addi %mul3A_2, %mul3A_237 : i32
        %dma_wait3A_239 = arith.constant 0 : i32
        %dma_wait3A_240 = tpu.memref_slice %arg6[%add3A_238, %dma_wait3A_239] : memref<819200x64xf32, #tpu.memory_space<hbm>> -> memref<256x64xf32, #tpu.memory_space<hbm>>
        %dma_wait3A_241 = arith.constant 0 : i32
        %dma_wait3A_242 = tpu.memref_slice %arg6[%add3A_238, %dma_wait3A_241] : memref<819200x64xf32, #tpu.memory_space<hbm>> -> memref<256x64xf32, #tpu.memory_space<hbm>>
        tpu.wait_dma2 semaphore(%arg17 : memref<!tpu.dma_semaphore, #tpu.memory_space<semaphore_mem>>) src(%arg11 : memref<256x64xf32, #tpu.memory_space<vmem>>) dst(%dma_wait3A_242 : memref<256x64xf32, #tpu.memory_space<hbm>>)
        %add3A_243 = arith.constant 2 : i32
        %add3A_244 = arith.addi %mul3A_112, %add3A_243 : i32
        %mul3A_245 = arith.constant 256 : i32
        %mul3A_246 = arith.muli %add3A_244, %mul3A_245 : i32
        %add3A_247 = arith.addi %mul3A_2, %mul3A_246 : i32
        "tpu.region"() ({
          %run_scoped3A = tpu.sem_alloc : memref<!tpu.dma_semaphore, #tpu.memory_space<semaphore_mem>>
          %dma_start3A_292 = tpu.memref_slice %arg2[%add3A_247] : memref<819200xi32, #tpu.memory_space<hbm>> -> memref<256xi32, #tpu.memory_space<hbm>>
          %dma_start3A_293 = tpu.memref_slice %arg2[%add3A_247] : memref<819200xi32, #tpu.memory_space<hbm>> -> memref<256xi32, #tpu.memory_space<hbm>>
          tpu.enqueue_dma source(%dma_start3A_293 : memref<256xi32, #tpu.memory_space<hbm>>) target(%arg7 : memref<256xi32, #tpu.memory_space<vmem>>) target_semaphore(%run_scoped3A : memref<!tpu.dma_semaphore, #tpu.memory_space<semaphore_mem>>)
          %dma_wait3A_294 = tpu.memref_slice %arg2[%add3A_247] : memref<819200xi32, #tpu.memory_space<hbm>> -> memref<256xi32, #tpu.memory_space<hbm>>
          %dma_wait3A_295 = tpu.memref_slice %arg2[%add3A_247] : memref<819200xi32, #tpu.memory_space<hbm>> -> memref<256xi32, #tpu.memory_space<hbm>>
          tpu.wait_dma2 semaphore(%run_scoped3A : memref<!tpu.dma_semaphore, #tpu.memory_space<semaphore_mem>>) src(%dma_wait3A_295 : memref<256xi32, #tpu.memory_space<hbm>>) dst(%arg7 : memref<256xi32, #tpu.memory_space<vmem>>)
          tpu.yield
        }) : () -> ()
        %dma_start3A_248 = arith.constant 0 : i32
        %dma_start3A_249 = arith.constant 0 : i32
        %dma_start3A_250 = tpu.memref_slice %arg11[%dma_start3A_248, %dma_start3A_249] : memref<256x64xf32, #tpu.memory_space<vmem>> -> memref<128x64xf32, #tpu.memory_space<vmem>>
        %dma_start3A_251 = arith.constant 0 : i32
        %dma_start3A_252 = tpu.memref_slice %arg7[%dma_start3A_251] : memref<256xi32, #tpu.memory_space<vmem>> -> memref<128xi32, #tpu.memory_space<vmem>>
        %dma_start3A_253 = arith.constant 0 : i32
        %dma_start3A_254 = arith.constant 0 : i32
        %dma_start3A_255 = tpu.memref_slice %arg3[%dma_start3A_253, %dma_start3A_254] : memref<1000000x64xf32, #tpu.memory_space<hbm>> -> memref<1000000x64xf32, #tpu.memory_space<hbm>>
        tpu.enqueue_indirect_dma source(%dma_start3A_255 : memref<1000000x64xf32, #tpu.memory_space<hbm>>) target(%dma_start3A_250 : memref<128x64xf32, #tpu.memory_space<vmem>>) offsets(%dma_start3A_252 : memref<128xi32, #tpu.memory_space<vmem>>) semaphore(%arg15 : memref<!tpu.dma_semaphore, #tpu.memory_space<semaphore_mem>>)
        %dma_start3A_256 = arith.constant 0 : i32
        %dma_start3A_257 = arith.constant 0 : i32
        %dma_start3A_258 = tpu.memref_slice %arg13[%dma_start3A_256, %dma_start3A_257] : memref<256x64xf32, #tpu.memory_space<vmem>> -> memref<128x64xf32, #tpu.memory_space<vmem>>
        %dma_start3A_259 = arith.constant 0 : i32
        %dma_start3A_260 = tpu.memref_slice %arg7[%dma_start3A_259] : memref<256xi32, #tpu.memory_space<vmem>> -> memref<128xi32, #tpu.memory_space<vmem>>
        %dma_start3A_261 = arith.constant 0 : i32
        %dma_start3A_262 = arith.constant 0 : i32
        %dma_start3A_263 = tpu.memref_slice %arg4[%dma_start3A_261, %dma_start3A_262] : memref<1000000x64xf32, #tpu.memory_space<hbm>> -> memref<1000000x64xf32, #tpu.memory_space<hbm>>
        tpu.enqueue_indirect_dma source(%dma_start3A_263 : memref<1000000x64xf32, #tpu.memory_space<hbm>>) target(%dma_start3A_258 : memref<128x64xf32, #tpu.memory_space<vmem>>) offsets(%dma_start3A_260 : memref<128xi32, #tpu.memory_space<vmem>>) semaphore(%arg15 : memref<!tpu.dma_semaphore, #tpu.memory_space<semaphore_mem>>)
        %dma_start3A_264 = arith.constant 0 : i32
        %dma_start3A_265 = tpu.memref_slice %arg9[%dma_start3A_264] : memref<256xf32, #tpu.memory_space<vmem>> -> memref<128xf32, #tpu.memory_space<vmem>>
        %dma_start3A_266 = arith.constant 0 : i32
        %dma_start3A_267 = tpu.memref_slice %arg7[%dma_start3A_266] : memref<256xi32, #tpu.memory_space<vmem>> -> memref<128xi32, #tpu.memory_space<vmem>>
        %dma_start3A_268 = arith.constant 0 : i32
        %dma_start3A_269 = tpu.memref_slice %arg5[%dma_start3A_268] : memref<1000000xf32, #tpu.memory_space<hbm>> -> memref<1000000xf32, #tpu.memory_space<hbm>>
        tpu.enqueue_indirect_dma source(%dma_start3A_269 : memref<1000000xf32, #tpu.memory_space<hbm>>) target(%dma_start3A_265 : memref<128xf32, #tpu.memory_space<vmem>>) offsets(%dma_start3A_267 : memref<128xi32, #tpu.memory_space<vmem>>) semaphore(%arg15 : memref<!tpu.dma_semaphore, #tpu.memory_space<semaphore_mem>>)
        %dma_start3A_270 = arith.constant 128 : i32
        %dma_start3A_271 = arith.constant 0 : i32
        %dma_start3A_272 = tpu.memref_slice %arg11[%dma_start3A_270, %dma_start3A_271] : memref<256x64xf32, #tpu.memory_space<vmem>> -> memref<128x64xf32, #tpu.memory_space<vmem>>
        %dma_start3A_273 = arith.constant 128 : i32
        %dma_start3A_274 = tpu.memref_slice %arg7[%dma_start3A_273] : memref<256xi32, #tpu.memory_space<vmem>> -> memref<128xi32, #tpu.memory_space<vmem>>
        %dma_start3A_275 = arith.constant 0 : i32
        %dma_start3A_276 = arith.constant 0 : i32
        %dma_start3A_277 = tpu.memref_slice %arg3[%dma_start3A_275, %dma_start3A_276] : memref<1000000x64xf32, #tpu.memory_space<hbm>> -> memref<1000000x64xf32, #tpu.memory_space<hbm>>
        tpu.enqueue_indirect_dma source(%dma_start3A_277 : memref<1000000x64xf32, #tpu.memory_space<hbm>>) target(%dma_start3A_272 : memref<128x64xf32, #tpu.memory_space<vmem>>) offsets(%dma_start3A_274 : memref<128xi32, #tpu.memory_space<vmem>>) semaphore(%arg15 : memref<!tpu.dma_semaphore, #tpu.memory_space<semaphore_mem>>)
        %dma_start3A_278 = arith.constant 128 : i32
        %dma_start3A_279 = arith.constant 0 : i32
        %dma_start3A_280 = tpu.memref_slice %arg13[%dma_start3A_278, %dma_start3A_279] : memref<256x64xf32, #tpu.memory_space<vmem>> -> memref<128x64xf32, #tpu.memory_space<vmem>>
        %dma_start3A_281 = arith.constant 128 : i32
        %dma_start3A_282 = tpu.memref_slice %arg7[%dma_start3A_281] : memref<256xi32, #tpu.memory_space<vmem>> -> memref<128xi32, #tpu.memory_space<vmem>>
        %dma_start3A_283 = arith.constant 0 : i32
        %dma_start3A_284 = arith.constant 0 : i32
        %dma_start3A_285 = tpu.memref_slice %arg4[%dma_start3A_283, %dma_start3A_284] : memref<1000000x64xf32, #tpu.memory_space<hbm>> -> memref<1000000x64xf32, #tpu.memory_space<hbm>>
        tpu.enqueue_indirect_dma source(%dma_start3A_285 : memref<1000000x64xf32, #tpu.memory_space<hbm>>) target(%dma_start3A_280 : memref<128x64xf32, #tpu.memory_space<vmem>>) offsets(%dma_start3A_282 : memref<128xi32, #tpu.memory_space<vmem>>) semaphore(%arg15 : memref<!tpu.dma_semaphore, #tpu.memory_space<semaphore_mem>>)
        %dma_start3A_286 = arith.constant 128 : i32
        %dma_start3A_287 = tpu.memref_slice %arg9[%dma_start3A_286] : memref<256xf32, #tpu.memory_space<vmem>> -> memref<128xf32, #tpu.memory_space<vmem>>
        %dma_start3A_288 = arith.constant 128 : i32
        %dma_start3A_289 = tpu.memref_slice %arg7[%dma_start3A_288] : memref<256xi32, #tpu.memory_space<vmem>> -> memref<128xi32, #tpu.memory_space<vmem>>
        %dma_start3A_290 = arith.constant 0 : i32
        %dma_start3A_291 = tpu.memref_slice %arg5[%dma_start3A_290] : memref<1000000xf32, #tpu.memory_space<hbm>> -> memref<1000000xf32, #tpu.memory_space<hbm>>
        tpu.enqueue_indirect_dma source(%dma_start3A_291 : memref<1000000xf32, #tpu.memory_space<hbm>>) target(%dma_start3A_287 : memref<128xf32, #tpu.memory_space<vmem>>) offsets(%dma_start3A_289 : memref<128xi32, #tpu.memory_space<vmem>>) semaphore(%arg15 : memref<!tpu.dma_semaphore, #tpu.memory_space<semaphore_mem>>)
      } else {
      }
      %dma_wait3A_174 = arith.constant 0 : i32
      %dma_wait3A_175 = arith.constant 0 : i32
      %dma_wait3A_176 = tpu.memref_slice %arg12[%dma_wait3A_174, %dma_wait3A_175] : memref<256x64xf32, #tpu.memory_space<vmem>> -> memref<128x64xf32, #tpu.memory_space<vmem>>
      %dma_wait3A_177 = arith.constant 0 : i32
      %dma_wait3A_178 = tpu.memref_slice %arg8[%dma_wait3A_177] : memref<256xi32, #tpu.memory_space<vmem>> -> memref<128xi32, #tpu.memory_space<vmem>>
      %dma_wait3A_179 = arith.constant 0 : i32
      %dma_wait3A_180 = arith.constant 0 : i32
      %dma_wait3A_181 = tpu.memref_slice %arg3[%dma_wait3A_179, %dma_wait3A_180] : memref<1000000x64xf32, #tpu.memory_space<hbm>> -> memref<1000000x64xf32, #tpu.memory_space<hbm>>
      tpu.wait_indirect_dma semaphore(%arg16 : memref<!tpu.dma_semaphore, #tpu.memory_space<semaphore_mem>>) src(%dma_wait3A_181 : memref<1000000x64xf32, #tpu.memory_space<hbm>>) dst(%dma_wait3A_176 : memref<128x64xf32, #tpu.memory_space<vmem>>)
      %dma_wait3A_182 = arith.constant 0 : i32
      %dma_wait3A_183 = arith.constant 0 : i32
      %dma_wait3A_184 = tpu.memref_slice %arg14[%dma_wait3A_182, %dma_wait3A_183] : memref<256x64xf32, #tpu.memory_space<vmem>> -> memref<128x64xf32, #tpu.memory_space<vmem>>
      %dma_wait3A_185 = arith.constant 0 : i32
      %dma_wait3A_186 = tpu.memref_slice %arg8[%dma_wait3A_185] : memref<256xi32, #tpu.memory_space<vmem>> -> memref<128xi32, #tpu.memory_space<vmem>>
      %dma_wait3A_187 = arith.constant 0 : i32
      %dma_wait3A_188 = arith.constant 0 : i32
      %dma_wait3A_189 = tpu.memref_slice %arg4[%dma_wait3A_187, %dma_wait3A_188] : memref<1000000x64xf32, #tpu.memory_space<hbm>> -> memref<1000000x64xf32, #tpu.memory_space<hbm>>
      tpu.wait_indirect_dma semaphore(%arg16 : memref<!tpu.dma_semaphore, #tpu.memory_space<semaphore_mem>>) src(%dma_wait3A_189 : memref<1000000x64xf32, #tpu.memory_space<hbm>>) dst(%dma_wait3A_184 : memref<128x64xf32, #tpu.memory_space<vmem>>)
      %dma_wait3A_190 = arith.constant 0 : i32
      %dma_wait3A_191 = tpu.memref_slice %arg10[%dma_wait3A_190] : memref<256xf32, #tpu.memory_space<vmem>> -> memref<128xf32, #tpu.memory_space<vmem>>
      %dma_wait3A_192 = arith.constant 0 : i32
      %dma_wait3A_193 = tpu.memref_slice %arg8[%dma_wait3A_192] : memref<256xi32, #tpu.memory_space<vmem>> -> memref<128xi32, #tpu.memory_space<vmem>>
      %dma_wait3A_194 = arith.constant 0 : i32
      %dma_wait3A_195 = tpu.memref_slice %arg5[%dma_wait3A_194] : memref<1000000xf32, #tpu.memory_space<hbm>> -> memref<1000000xf32, #tpu.memory_space<hbm>>
      tpu.wait_indirect_dma semaphore(%arg16 : memref<!tpu.dma_semaphore, #tpu.memory_space<semaphore_mem>>) src(%dma_wait3A_195 : memref<1000000xf32, #tpu.memory_space<hbm>>) dst(%dma_wait3A_191 : memref<128xf32, #tpu.memory_space<vmem>>)
      %dma_wait3A_196 = arith.constant 128 : i32
      %dma_wait3A_197 = arith.constant 0 : i32
      %dma_wait3A_198 = tpu.memref_slice %arg12[%dma_wait3A_196, %dma_wait3A_197] : memref<256x64xf32, #tpu.memory_space<vmem>> -> memref<128x64xf32, #tpu.memory_space<vmem>>
      %dma_wait3A_199 = arith.constant 128 : i32
      %dma_wait3A_200 = tpu.memref_slice %arg8[%dma_wait3A_199] : memref<256xi32, #tpu.memory_space<vmem>> -> memref<128xi32, #tpu.memory_space<vmem>>
      %dma_wait3A_201 = arith.constant 0 : i32
      %dma_wait3A_202 = arith.constant 0 : i32
      %dma_wait3A_203 = tpu.memref_slice %arg3[%dma_wait3A_201, %dma_wait3A_202] : memref<1000000x64xf32, #tpu.memory_space<hbm>> -> memref<1000000x64xf32, #tpu.memory_space<hbm>>
      tpu.wait_indirect_dma semaphore(%arg16 : memref<!tpu.dma_semaphore, #tpu.memory_space<semaphore_mem>>) src(%dma_wait3A_203 : memref<1000000x64xf32, #tpu.memory_space<hbm>>) dst(%dma_wait3A_198 : memref<128x64xf32, #tpu.memory_space<vmem>>)
      %dma_wait3A_204 = arith.constant 128 : i32
      %dma_wait3A_205 = arith.constant 0 : i32
      %dma_wait3A_206 = tpu.memref_slice %arg14[%dma_wait3A_204, %dma_wait3A_205] : memref<256x64xf32, #tpu.memory_space<vmem>> -> memref<128x64xf32, #tpu.memory_space<vmem>>
      %dma_wait3A_207 = arith.constant 128 : i32
      %dma_wait3A_208 = tpu.memref_slice %arg8[%dma_wait3A_207] : memref<256xi32, #tpu.memory_space<vmem>> -> memref<128xi32, #tpu.memory_space<vmem>>
      %dma_wait3A_209 = arith.constant 0 : i32
      %dma_wait3A_210 = arith.constant 0 : i32
      %dma_wait3A_211 = tpu.memref_slice %arg4[%dma_wait3A_209, %dma_wait3A_210] : memref<1000000x64xf32, #tpu.memory_space<hbm>> -> memref<1000000x64xf32, #tpu.memory_space<hbm>>
      tpu.wait_indirect_dma semaphore(%arg16 : memref<!tpu.dma_semaphore, #tpu.memory_space<semaphore_mem>>) src(%dma_wait3A_211 : memref<1000000x64xf32, #tpu.memory_space<hbm>>) dst(%dma_wait3A_206 : memref<128x64xf32, #tpu.memory_space<vmem>>)
      %dma_wait3A_212 = arith.constant 128 : i32
      %dma_wait3A_213 = tpu.memref_slice %arg10[%dma_wait3A_212] : memref<256xf32, #tpu.memory_space<vmem>> -> memref<128xf32, #tpu.memory_space<vmem>>
      %dma_wait3A_214 = arith.constant 128 : i32
      %dma_wait3A_215 = tpu.memref_slice %arg8[%dma_wait3A_214] : memref<256xi32, #tpu.memory_space<vmem>> -> memref<128xi32, #tpu.memory_space<vmem>>
      %dma_wait3A_216 = arith.constant 0 : i32
      %dma_wait3A_217 = tpu.memref_slice %arg5[%dma_wait3A_216] : memref<1000000xf32, #tpu.memory_space<hbm>> -> memref<1000000xf32, #tpu.memory_space<hbm>>
      tpu.wait_indirect_dma semaphore(%arg16 : memref<!tpu.dma_semaphore, #tpu.memory_space<semaphore_mem>>) src(%dma_wait3A_217 : memref<1000000xf32, #tpu.memory_space<hbm>>) dst(%dma_wait3A_213 : memref<128xf32, #tpu.memory_space<vmem>>)
      %scan3A_218 = arith.constant 0 : i32
      %scan3A_219 = arith.constant 0 : i32
      %scan3A_220 = arith.constant 16 : i32
      %scan3A_221 = arith.addi %scan3A_219, %scan3A_220 : i32
      %scan3A_222 = arith.constant 1 : i32
      scf.for %scan3A_236 = %scan3A_219 to %scan3A_221 step %scan3A_222  : i32 {
        %mul3A_237 = arith.constant 16 : i32
        %mul3A_238 = arith.muli %scan3A_236, %mul3A_237 : i32
        %get3A = arith.index_cast %mul3A_238 : i32 to index
        %get3A_239 = tpu.vector_load %arg10[%get3A] {strides = array<i32>} : memref<256xf32, #tpu.memory_space<vmem>>, vector<16xf32>,
        %get3A_240 = vector.shape_cast %get3A_239 : vector<16xf32> to vector<16xf32>
        %neg3A = arith.constant 0.000000e+00 : f32
        %neg3A_241 = vector.broadcast %neg3A : f32 to vector<16xf32>
        %neg3A_242 = arith.subf %neg3A_241, %get3A_240 : vector<16xf32>
        %exp3A = math.exp %neg3A_242 : vector<16xf32>
        %add3A_243 = arith.constant 1.000000e+00 : f32
        %add3A_244 = vector.broadcast %add3A_243 : f32 to vector<16xf32>
        %add3A_245 = arith.addf %add3A_244, %exp3A : vector<16xf32>
        %div3A = arith.constant 0.899999976 : f32
        %div3A_246 = vector.broadcast %div3A : f32 to vector<16xf32>
        %div3A_247 = arith.divf %div3A_246, %add3A_245 : vector<16xf32>
        %add3A_248 = arith.constant 1.000000e-01 : f32
        %add3A_249 = vector.broadcast %add3A_248 : f32 to vector<16xf32>
        %add3A_250 = arith.addf %add3A_249, %div3A_247 : vector<16xf32>
        %mul3A_251 = arith.constant 16 : i32
        %mul3A_252 = arith.muli %scan3A_236, %mul3A_251 : i32
        %add3A_253 = arith.constant 0 : i32
        %add3A_254 = arith.addi %mul3A_252, %add3A_253 : i32
        %broadcast_in_dim3A = arith.constant 0 : i32
        %broadcast_in_dim3A_255 = vector.broadcast %broadcast_in_dim3A : i32 to vector<16x1xi32>
        %gather3A = vector.shape_cast %broadcast_in_dim3A_255 : vector<16x1xi32> to vector<16xi32>
        %gather3A_256 = tpu.dynamic_gather %add3A_250[%gather3A] in [0] : vector<16xf32>, vector<16xi32> -> vector<16xf32>
        %get3A_257 = arith.index_cast %add3A_254 : i32 to index
        %get3A_258 = arith.constant 0 : index
        %get3A_259 = tpu.vector_load %arg12[%get3A_257, %get3A_258] {strides = array<i32>} : memref<256x64xf32, #tpu.memory_space<vmem>>, vector<1x16xf32>,
        %get3A_260 = vector.shape_cast %get3A_259 : vector<1x16xf32> to vector<16xf32>
        %get3A_261 = arith.index_cast %add3A_254 : i32 to index
        %get3A_262 = arith.constant 0 : index
        %get3A_263 = tpu.vector_load %arg14[%get3A_261, %get3A_262] {strides = array<i32>} : memref<256x64xf32, #tpu.memory_space<vmem>>, vector<1x16xf32>,
        %get3A_264 = vector.shape_cast %get3A_263 : vector<1x16xf32> to vector<16xf32>
        %mul3A_265 = arith.mulf %gather3A_256, %get3A_264 : vector<16xf32>
        %add3A_266 = arith.addf %get3A_260, %mul3A_265 : vector<16xf32>
        %swap3A = arith.index_cast %add3A_254 : i32 to index
        %swap3A_267 = arith.constant 0 : index
        %swap3A_268 = tpu.vector_load %arg12[%swap3A, %swap3A_267] {strides = array<i32>} : memref<256x64xf32, #tpu.memory_space<vmem>>, vector<1x16xf32>,
        %swap3A_269 = vector.shape_cast %swap3A_268 : vector<1x16xf32> to vector<16xf32>
        %swap3A_270 = vector.shape_cast %add3A_266 : vector<16xf32> to vector<1x16xf32>
        tpu.vector_store %arg12[%swap3A, %swap3A_267], %swap3A_270 {strides = array<i32>} : memref<256x64xf32, #tpu.memory_space<vmem>>, vector<1x16xf32>,
        %get3A_271 = arith.index_cast %add3A_254 : i32 to index
        %get3A_272 = arith.constant 16 : index
        %get3A_273 = tpu.vector_load %arg12[%get3A_271, %get3A_272] {strides = array<i32>} : memref<256x64xf32, #tpu.memory_space<vmem>>, vector<1x16xf32>,
        %get3A_274 = vector.shape_cast %get3A_273 : vector<1x16xf32> to vector<16xf32>
        %get3A_275 = arith.index_cast %add3A_254 : i32 to index
        %get3A_276 = arith.constant 16 : index
        %get3A_277 = tpu.vector_load %arg14[%get3A_275, %get3A_276] {strides = array<i32>} : memref<256x64xf32, #tpu.memory_space<vmem>>, vector<1x16xf32>,
        %get3A_278 = vector.shape_cast %get3A_277 : vector<1x16xf32> to vector<16xf32>
        %mul3A_279 = arith.mulf %gather3A_256, %get3A_278 : vector<16xf32>
        %add3A_280 = arith.addf %get3A_274, %mul3A_279 : vector<16xf32>
        %swap3A_281 = arith.index_cast %add3A_254 : i32 to index
        %swap3A_282 = arith.constant 16 : index
        %swap3A_283 = tpu.vector_load %arg12[%swap3A_281, %swap3A_282] {strides = array<i32>} : memref<256x64xf32, #tpu.memory_space<vmem>>, vector<1x16xf32>,
        %swap3A_284 = vector.shape_cast %swap3A_283 : vector<1x16xf32> to vector<16xf32>
        %swap3A_285 = vector.shape_cast %add3A_280 : vector<16xf32> to vector<1x16xf32>
        tpu.vector_store %arg12[%swap3A_281, %swap3A_282], %swap3A_285 {strides = array<i32>} : memref<256x64xf32, #tpu.memory_space<vmem>>, vector<1x16xf32>,
        %get3A_286 = arith.index_cast %add3A_254 : i32 to index
        %get3A_287 = arith.constant 32 : index
        %get3A_288 = tpu.vector_load %arg12[%get3A_286, %get3A_287] {strides = array<i32>} : memref<256x64xf32, #tpu.memory_space<vmem>>, vector<1x16xf32>,
        %get3A_289 = vector.shape_cast %get3A_288 : vector<1x16xf32> to vector<16xf32>
        %get3A_290 = arith.index_cast %add3A_254 : i32 to index
        %get3A_291 = arith.constant 32 : index
        %get3A_292 = tpu.vector_load %arg14[%get3A_290, %get3A_291] {strides = array<i32>} : memref<256x64xf32, #tpu.memory_space<vmem>>, vector<1x16xf32>,
        %get3A_293 = vector.shape_cast %get3A_292 : vector<1x16xf32> to vector<16xf32>
        %mul3A_294 = arith.mulf %gather3A_256, %get3A_293 : vector<16xf32>
        %add3A_295 = arith.addf %get3A_289, %mul3A_294 : vector<16xf32>
        %swap3A_296 = arith.index_cast %add3A_254 : i32 to index
        %swap3A_297 = arith.constant 32 : index
        %swap3A_298 = tpu.vector_load %arg12[%swap3A_296, %swap3A_297] {strides = array<i32>} : memref<256x64xf32, #tpu.memory_space<vmem>>, vector<1x16xf32>,
        %swap3A_299 = vector.shape_cast %swap3A_298 : vector<1x16xf32> to vector<16xf32>
        %swap3A_300 = vector.shape_cast %add3A_295 : vector<16xf32> to vector<1x16xf32>
        tpu.vector_store %arg12[%swap3A_296, %swap3A_297], %swap3A_300 {strides = array<i32>} : memref<256x64xf32, #tpu.memory_space<vmem>>, vector<1x16xf32>,
        %get3A_301 = arith.index_cast %add3A_254 : i32 to index
        %get3A_302 = arith.constant 48 : index
        %get3A_303 = tpu.vector_load %arg12[%get3A_301, %get3A_302] {strides = array<i32>} : memref<256x64xf32, #tpu.memory_space<vmem>>, vector<1x16xf32>,
        %get3A_304 = vector.shape_cast %get3A_303 : vector<1x16xf32> to vector<16xf32>
        %get3A_305 = arith.index_cast %add3A_254 : i32 to index
        %get3A_306 = arith.constant 48 : index
        %get3A_307 = tpu.vector_load %arg14[%get3A_305, %get3A_306] {strides = array<i32>} : memref<256x64xf32, #tpu.memory_space<vmem>>, vector<1x16xf32>,
        %get3A_308 = vector.shape_cast %get3A_307 : vector<1x16xf32> to vector<16xf32>
        %mul3A_309 = arith.mulf %gather3A_256, %get3A_308 : vector<16xf32>
        %add3A_310 = arith.addf %get3A_304, %mul3A_309 : vector<16xf32>
        %swap3A_311 = arith.index_cast %add3A_254 : i32 to index
        %swap3A_312 = arith.constant 48 : index
        %swap3A_313 = tpu.vector_load %arg12[%swap3A_311, %swap3A_312] {strides = array<i32>} : memref<256x64xf32, #tpu.memory_space<vmem>>, vector<1x16xf32>,
        %swap3A_314 = vector.shape_cast %swap3A_313 : vector<1x16xf32> to vector<16xf32>
        %swap3A_315 = vector.shape_cast %add3A_310 : vector<16xf32> to vector<1x16xf32>
        tpu.vector_store %arg12[%swap3A_311, %swap3A_312], %swap3A_315 {strides = array<i32>} : memref<256x64xf32, #tpu.memory_space<vmem>>, vector<1x16xf32>,
        %mul3A_316 = arith.constant 16 : i32
        %mul3A_317 = arith.muli %scan3A_236, %mul3A_316 : i32
        %add3A_318 = arith.constant 1 : i32
        %add3A_319 = arith.addi %mul3A_317, %add3A_318 : i32
        %broadcast_in_dim3A_320 = arith.constant 1 : i32
        %broadcast_in_dim3A_321 = vector.broadcast %broadcast_in_dim3A_320 : i32 to vector<16x1xi32>
        %gather3A_322 = vector.shape_cast %broadcast_in_dim3A_321 : vector<16x1xi32> to vector<16xi32>
        %gather3A_323 = tpu.dynamic_gather %add3A_250[%gather3A_322] in [0] : vector<16xf32>, vector<16xi32> -> vector<16xf32>
        %get3A_324 = arith.index_cast %add3A_319 : i32 to index
        %get3A_325 = arith.constant 0 : index
        %get3A_326 = tpu.vector_load %arg12[%get3A_324, %get3A_325] {strides = array<i32>} : memref<256x64xf32, #tpu.memory_space<vmem>>, vector<1x16xf32>,
        %get3A_327 = vector.shape_cast %get3A_326 : vector<1x16xf32> to vector<16xf32>
        %get3A_328 = arith.index_cast %add3A_319 : i32 to index
        %get3A_329 = arith.constant 0 : index
        %get3A_330 = tpu.vector_load %arg14[%get3A_328, %get3A_329] {strides = array<i32>} : memref<256x64xf32, #tpu.memory_space<vmem>>, vector<1x16xf32>,
        %get3A_331 = vector.shape_cast %get3A_330 : vector<1x16xf32> to vector<16xf32>
        %mul3A_332 = arith.mulf %gather3A_323, %get3A_331 : vector<16xf32>
        %add3A_333 = arith.addf %get3A_327, %mul3A_332 : vector<16xf32>
        %swap3A_334 = arith.index_cast %add3A_319 : i32 to index
        %swap3A_335 = arith.constant 0 : index
        %swap3A_336 = tpu.vector_load %arg12[%swap3A_334, %swap3A_335] {strides = array<i32>} : memref<256x64xf32, #tpu.memory_space<vmem>>, vector<1x16xf32>,
        %swap3A_337 = vector.shape_cast %swap3A_336 : vector<1x16xf32> to vector<16xf32>
        %swap3A_338 = vector.shape_cast %add3A_333 : vector<16xf32> to vector<1x16xf32>
        tpu.vector_store %arg12[%swap3A_334, %swap3A_335], %swap3A_338 {strides = array<i32>} : memref<256x64xf32, #tpu.memory_space<vmem>>, vector<1x16xf32>,
        %get3A_339 = arith.index_cast %add3A_319 : i32 to index
        %get3A_340 = arith.constant 16 : index
        %get3A_341 = tpu.vector_load %arg12[%get3A_339, %get3A_340] {strides = array<i32>} : memref<256x64xf32, #tpu.memory_space<vmem>>, vector<1x16xf32>,
        %get3A_342 = vector.shape_cast %get3A_341 : vector<1x16xf32> to vector<16xf32>
        %get3A_343 = arith.index_cast %add3A_319 : i32 to index
        %get3A_344 = arith.constant 16 : index
        %get3A_345 = tpu.vector_load %arg14[%get3A_343, %get3A_344] {strides = array<i32>} : memref<256x64xf32, #tpu.memory_space<vmem>>, vector<1x16xf32>,
        %get3A_346 = vector.shape_cast %get3A_345 : vector<1x16xf32> to vector<16xf32>
        %mul3A_347 = arith.mulf %gather3A_323, %get3A_346 : vector<16xf32>
        %add3A_348 = arith.addf %get3A_342, %mul3A_347 : vector<16xf32>
        %swap3A_349 = arith.index_cast %add3A_319 : i32 to index
        %swap3A_350 = arith.constant 16 : index
        %swap3A_351 = tpu.vector_load %arg12[%swap3A_349, %swap3A_350] {strides = array<i32>} : memref<256x64xf32, #tpu.memory_space<vmem>>, vector<1x16xf32>,
        %swap3A_352 = vector.shape_cast %swap3A_351 : vector<1x16xf32> to vector<16xf32>
        %swap3A_353 = vector.shape_cast %add3A_348 : vector<16xf32> to vector<1x16xf32>
        tpu.vector_store %arg12[%swap3A_349, %swap3A_350], %swap3A_353 {strides = array<i32>} : memref<256x64xf32, #tpu.memory_space<vmem>>, vector<1x16xf32>,
        %get3A_354 = arith.index_cast %add3A_319 : i32 to index
        %get3A_355 = arith.constant 32 : index
        %get3A_356 = tpu.vector_load %arg12[%get3A_354, %get3A_355] {strides = array<i32>} : memref<256x64xf32, #tpu.memory_space<vmem>>, vector<1x16xf32>,
        %get3A_357 = vector.shape_cast %get3A_356 : vector<1x16xf32> to vector<16xf32>
        %get3A_358 = arith.index_cast %add3A_319 : i32 to index
        %get3A_359 = arith.constant 32 : index
        %get3A_360 = tpu.vector_load %arg14[%get3A_358, %get3A_359] {strides = array<i32>} : memref<256x64xf32, #tpu.memory_space<vmem>>, vector<1x16xf32>,
        %get3A_361 = vector.shape_cast %get3A_360 : vector<1x16xf32> to vector<16xf32>
        %mul3A_362 = arith.mulf %gather3A_323, %get3A_361 : vector<16xf32>
        %add3A_363 = arith.addf %get3A_357, %mul3A_362 : vector<16xf32>
        %swap3A_364 = arith.index_cast %add3A_319 : i32 to index
        %swap3A_365 = arith.constant 32 : index
        %swap3A_366 = tpu.vector_load %arg12[%swap3A_364, %swap3A_365] {strides = array<i32>} : memref<256x64xf32, #tpu.memory_space<vmem>>, vector<1x16xf32>,
        %swap3A_367 = vector.shape_cast %swap3A_366 : vector<1x16xf32> to vector<16xf32>
        %swap3A_368 = vector.shape_cast %add3A_363 : vector<16xf32> to vector<1x16xf32>
        tpu.vector_store %arg12[%swap3A_364, %swap3A_365], %swap3A_368 {strides = array<i32>} : memref<256x64xf32, #tpu.memory_space<vmem>>, vector<1x16xf32>,
        %get3A_369 = arith.index_cast %add3A_319 : i32 to index
        %get3A_370 = arith.constant 48 : index
        %get3A_371 = tpu.vector_load %arg12[%get3A_369, %get3A_370] {strides = array<i32>} : memref<256x64xf32, #tpu.memory_space<vmem>>, vector<1x16xf32>,
        %get3A_372 = vector.shape_cast %get3A_371 : vector<1x16xf32> to vector<16xf32>
        %get3A_373 = arith.index_cast %add3A_319 : i32 to index
        %get3A_374 = arith.constant 48 : index
        %get3A_375 = tpu.vector_load %arg14[%get3A_373, %get3A_374] {strides = array<i32>} : memref<256x64xf32, #tpu.memory_space<vmem>>, vector<1x16xf32>,
        %get3A_376 = vector.shape_cast %get3A_375 : vector<1x16xf32> to vector<16xf32>
        %mul3A_377 = arith.mulf %gather3A_323, %get3A_376 : vector<16xf32>
        %add3A_378 = arith.addf %get3A_372, %mul3A_377 : vector<16xf32>
        %swap3A_379 = arith.index_cast %add3A_319 : i32 to index
        %swap3A_380 = arith.constant 48 : index
        %swap3A_381 = tpu.vector_load %arg12[%swap3A_379, %swap3A_380] {strides = array<i32>} : memref<256x64xf32, #tpu.memory_space<vmem>>, vector<1x16xf32>,
        %swap3A_382 = vector.shape_cast %swap3A_381 : vector<1x16xf32> to vector<16xf32>
        %swap3A_383 = vector.shape_cast %add3A_378 : vector<16xf32> to vector<1x16xf32>
        tpu.vector_store %arg12[%swap3A_379, %swap3A_380], %swap3A_383 {strides = array<i32>} : memref<256x64xf32, #tpu.memory_space<vmem>>, vector<1x16xf32>,
        %mul3A_384 = arith.constant 16 : i32
        %mul3A_385 = arith.muli %scan3A_236, %mul3A_384 : i32
        %add3A_386 = arith.constant 2 : i32
        %add3A_387 = arith.addi %mul3A_385, %add3A_386 : i32
        %broadcast_in_dim3A_388 = arith.constant 2 : i32
        %broadcast_in_dim3A_389 = vector.broadcast %broadcast_in_dim3A_388 : i32 to vector<16x1xi32>
        %gather3A_390 = vector.shape_cast %broadcast_in_dim3A_389 : vector<16x1xi32> to vector<16xi32>
        %gather3A_391 = tpu.dynamic_gather %add3A_250[%gather3A_390] in [0] : vector<16xf32>, vector<16xi32> -> vector<16xf32>
        %get3A_392 = arith.index_cast %add3A_387 : i32 to index
        %get3A_393 = arith.constant 0 : index
        %get3A_394 = tpu.vector_load %arg12[%get3A_392, %get3A_393] {strides = array<i32>} : memref<256x64xf32, #tpu.memory_space<vmem>>, vector<1x16xf32>,
        %get3A_395 = vector.shape_cast %get3A_394 : vector<1x16xf32> to vector<16xf32>
        %get3A_396 = arith.index_cast %add3A_387 : i32 to index
        %get3A_397 = arith.constant 0 : index
        %get3A_398 = tpu.vector_load %arg14[%get3A_396, %get3A_397] {strides = array<i32>} : memref<256x64xf32, #tpu.memory_space<vmem>>, vector<1x16xf32>,
        %get3A_399 = vector.shape_cast %get3A_398 : vector<1x16xf32> to vector<16xf32>
        %mul3A_400 = arith.mulf %gather3A_391, %get3A_399 : vector<16xf32>
        %add3A_401 = arith.addf %get3A_395, %mul3A_400 : vector<16xf32>
        %swap3A_402 = arith.index_cast %add3A_387 : i32 to index
        %swap3A_403 = arith.constant 0 : index
        %swap3A_404 = tpu.vector_load %arg12[%swap3A_402, %swap3A_403] {strides = array<i32>} : memref<256x64xf32, #tpu.memory_space<vmem>>, vector<1x16xf32>,
        %swap3A_405 = vector.shape_cast %swap3A_404 : vector<1x16xf32> to vector<16xf32>
        %swap3A_406 = vector.shape_cast %add3A_401 : vector<16xf32> to vector<1x16xf32>
        tpu.vector_store %arg12[%swap3A_402, %swap3A_403], %swap3A_406 {strides = array<i32>} : memref<256x64xf32, #tpu.memory_space<vmem>>, vector<1x16xf32>,
        %get3A_407 = arith.index_cast %add3A_387 : i32 to index
        %get3A_408 = arith.constant 16 : index
        %get3A_409 = tpu.vector_load %arg12[%get3A_407, %get3A_408] {strides = array<i32>} : memref<256x64xf32, #tpu.memory_space<vmem>>, vector<1x16xf32>,
        %get3A_410 = vector.shape_cast %get3A_409 : vector<1x16xf32> to vector<16xf32>
        %get3A_411 = arith.index_cast %add3A_387 : i32 to index
        %get3A_412 = arith.constant 16 : index
        %get3A_413 = tpu.vector_load %arg14[%get3A_411, %get3A_412] {strides = array<i32>} : memref<256x64xf32, #tpu.memory_space<vmem>>, vector<1x16xf32>,
        %get3A_414 = vector.shape_cast %get3A_413 : vector<1x16xf32> to vector<16xf32>
        %mul3A_415 = arith.mulf %gather3A_391, %get3A_414 : vector<16xf32>
        %add3A_416 = arith.addf %get3A_410, %mul3A_415 : vector<16xf32>
        %swap3A_417 = arith.index_cast %add3A_387 : i32 to index
        %swap3A_418 = arith.constant 16 : index
        %swap3A_419 = tpu.vector_load %arg12[%swap3A_417, %swap3A_418] {strides = array<i32>} : memref<256x64xf32, #tpu.memory_space<vmem>>, vector<1x16xf32>,
        %swap3A_420 = vector.shape_cast %swap3A_419 : vector<1x16xf32> to vector<16xf32>
        %swap3A_421 = vector.shape_cast %add3A_416 : vector<16xf32> to vector<1x16xf32>
        tpu.vector_store %arg12[%swap3A_417, %swap3A_418], %swap3A_421 {strides = array<i32>} : memref<256x64xf32, #tpu.memory_space<vmem>>, vector<1x16xf32>,
        %get3A_422 = arith.index_cast %add3A_387 : i32 to index
        %get3A_423 = arith.constant 32 : index
        %get3A_424 = tpu.vector_load %arg12[%get3A_422, %get3A_423] {strides = array<i32>} : memref<256x64xf32, #tpu.memory_space<vmem>>, vector<1x16xf32>,
        %get3A_425 = vector.shape_cast %get3A_424 : vector<1x16xf32> to vector<16xf32>
        %get3A_426 = arith.index_cast %add3A_387 : i32 to index
        %get3A_427 = arith.constant 32 : index
        %get3A_428 = tpu.vector_load %arg14[%get3A_426, %get3A_427] {strides = array<i32>} : memref<256x64xf32, #tpu.memory_space<vmem>>, vector<1x16xf32>,
        %get3A_429 = vector.shape_cast %get3A_428 : vector<1x16xf32> to vector<16xf32>
        %mul3A_430 = arith.mulf %gather3A_391, %get3A_429 : vector<16xf32>
        %add3A_431 = arith.addf %get3A_425, %mul3A_430 : vector<16xf32>
        %swap3A_432 = arith.index_cast %add3A_387 : i32 to index
        %swap3A_433 = arith.constant 32 : index
        %swap3A_434 = tpu.vector_load %arg12[%swap3A_432, %swap3A_433] {strides = array<i32>} : memref<256x64xf32, #tpu.memory_space<vmem>>, vector<1x16xf32>,
        %swap3A_435 = vector.shape_cast %swap3A_434 : vector<1x16xf32> to vector<16xf32>
        %swap3A_436 = vector.shape_cast %add3A_431 : vector<16xf32> to vector<1x16xf32>
        tpu.vector_store %arg12[%swap3A_432, %swap3A_433], %swap3A_436 {strides = array<i32>} : memref<256x64xf32, #tpu.memory_space<vmem>>, vector<1x16xf32>,
        %get3A_437 = arith.index_cast %add3A_387 : i32 to index
        %get3A_438 = arith.constant 48 : index
        %get3A_439 = tpu.vector_load %arg12[%get3A_437, %get3A_438] {strides = array<i32>} : memref<256x64xf32, #tpu.memory_space<vmem>>, vector<1x16xf32>,
        %get3A_440 = vector.shape_cast %get3A_439 : vector<1x16xf32> to vector<16xf32>
        %get3A_441 = arith.index_cast %add3A_387 : i32 to index
        %get3A_442 = arith.constant 48 : index
        %get3A_443 = tpu.vector_load %arg14[%get3A_441, %get3A_442] {strides = array<i32>} : memref<256x64xf32, #tpu.memory_space<vmem>>, vector<1x16xf32>,
        %get3A_444 = vector.shape_cast %get3A_443 : vector<1x16xf32> to vector<16xf32>
        %mul3A_445 = arith.mulf %gather3A_391, %get3A_444 : vector<16xf32>
        %add3A_446 = arith.addf %get3A_440, %mul3A_445 : vector<16xf32>
        %swap3A_447 = arith.index_cast %add3A_387 : i32 to index
        %swap3A_448 = arith.constant 48 : index
        %swap3A_449 = tpu.vector_load %arg12[%swap3A_447, %swap3A_448] {strides = array<i32>} : memref<256x64xf32, #tpu.memory_space<vmem>>, vector<1x16xf32>,
        %swap3A_450 = vector.shape_cast %swap3A_449 : vector<1x16xf32> to vector<16xf32>
        %swap3A_451 = vector.shape_cast %add3A_446 : vector<16xf32> to vector<1x16xf32>
        tpu.vector_store %arg12[%swap3A_447, %swap3A_448], %swap3A_451 {strides = array<i32>} : memref<256x64xf32, #tpu.memory_space<vmem>>, vector<1x16xf32>,
        %mul3A_452 = arith.constant 16 : i32
        %mul3A_453 = arith.muli %scan3A_236, %mul3A_452 : i32
        %add3A_454 = arith.constant 3 : i32
        %add3A_455 = arith.addi %mul3A_453, %add3A_454 : i32
        %broadcast_in_dim3A_456 = arith.constant 3 : i32
        %broadcast_in_dim3A_457 = vector.broadcast %broadcast_in_dim3A_456 : i32 to vector<16x1xi32>
        %gather3A_458 = vector.shape_cast %broadcast_in_dim3A_457 : vector<16x1xi32> to vector<16xi32>
        %gather3A_459 = tpu.dynamic_gather %add3A_250[%gather3A_458] in [0] : vector<16xf32>, vector<16xi32> -> vector<16xf32>
        %get3A_460 = arith.index_cast %add3A_455 : i32 to index
        %get3A_461 = arith.constant 0 : index
        %get3A_462 = tpu.vector_load %arg12[%get3A_460, %get3A_461] {strides = array<i32>} : memref<256x64xf32, #tpu.memory_space<vmem>>, vector<1x16xf32>,
        %get3A_463 = vector.shape_cast %get3A_462 : vector<1x16xf32> to vector<16xf32>
        %get3A_464 = arith.index_cast %add3A_455 : i32 to index
        %get3A_465 = arith.constant 0 : index
        %get3A_466 = tpu.vector_load %arg14[%get3A_464, %get3A_465] {strides = array<i32>} : memref<256x64xf32, #tpu.memory_space<vmem>>, vector<1x16xf32>,
        %get3A_467 = vector.shape_cast %get3A_466 : vector<1x16xf32> to vector<16xf32>
        %mul3A_468 = arith.mulf %gather3A_459, %get3A_467 : vector<16xf32>
        %add3A_469 = arith.addf %get3A_463, %mul3A_468 : vector<16xf32>
        %swap3A_470 = arith.index_cast %add3A_455 : i32 to index
        %swap3A_471 = arith.constant 0 : index
        %swap3A_472 = tpu.vector_load %arg12[%swap3A_470, %swap3A_471] {strides = array<i32>} : memref<256x64xf32, #tpu.memory_space<vmem>>, vector<1x16xf32>,
        %swap3A_473 = vector.shape_cast %swap3A_472 : vector<1x16xf32> to vector<16xf32>
        %swap3A_474 = vector.shape_cast %add3A_469 : vector<16xf32> to vector<1x16xf32>
        tpu.vector_store %arg12[%swap3A_470, %swap3A_471], %swap3A_474 {strides = array<i32>} : memref<256x64xf32, #tpu.memory_space<vmem>>, vector<1x16xf32>,
        %get3A_475 = arith.index_cast %add3A_455 : i32 to index
        %get3A_476 = arith.constant 16 : index
        %get3A_477 = tpu.vector_load %arg12[%get3A_475, %get3A_476] {strides = array<i32>} : memref<256x64xf32, #tpu.memory_space<vmem>>, vector<1x16xf32>,
        %get3A_478 = vector.shape_cast %get3A_477 : vector<1x16xf32> to vector<16xf32>
        %get3A_479 = arith.index_cast %add3A_455 : i32 to index
        %get3A_480 = arith.constant 16 : index
        %get3A_481 = tpu.vector_load %arg14[%get3A_479, %get3A_480] {strides = array<i32>} : memref<256x64xf32, #tpu.memory_space<vmem>>, vector<1x16xf32>,
        %get3A_482 = vector.shape_cast %get3A_481 : vector<1x16xf32> to vector<16xf32>
        %mul3A_483 = arith.mulf %gather3A_459, %get3A_482 : vector<16xf32>
        %add3A_484 = arith.addf %get3A_478, %mul3A_483 : vector<16xf32>
        %swap3A_485 = arith.index_cast %add3A_455 : i32 to index
        %swap3A_486 = arith.constant 16 : index
        %swap3A_487 = tpu.vector_load %arg12[%swap3A_485, %swap3A_486] {strides = array<i32>} : memref<256x64xf32, #tpu.memory_space<vmem>>, vector<1x16xf32>,
        %swap3A_488 = vector.shape_cast %swap3A_487 : vector<1x16xf32> to vector<16xf32>
        %swap3A_489 = vector.shape_cast %add3A_484 : vector<16xf32> to vector<1x16xf32>
        tpu.vector_store %arg12[%swap3A_485, %swap3A_486], %swap3A_489 {strides = array<i32>} : memref<256x64xf32, #tpu.memory_space<vmem>>, vector<1x16xf32>,
        %get3A_490 = arith.index_cast %add3A_455 : i32 to index
        %get3A_491 = arith.constant 32 : index
        %get3A_492 = tpu.vector_load %arg12[%get3A_490, %get3A_491] {strides = array<i32>} : memref<256x64xf32, #tpu.memory_space<vmem>>, vector<1x16xf32>,
        %get3A_493 = vector.shape_cast %get3A_492 : vector<1x16xf32> to vector<16xf32>
        %get3A_494 = arith.index_cast %add3A_455 : i32 to index
        %get3A_495 = arith.constant 32 : index
        %get3A_496 = tpu.vector_load %arg14[%get3A_494, %get3A_495] {strides = array<i32>} : memref<256x64xf32, #tpu.memory_space<vmem>>, vector<1x16xf32>,
        %get3A_497 = vector.shape_cast %get3A_496 : vector<1x16xf32> to vector<16xf32>
        %mul3A_498 = arith.mulf %gather3A_459, %get3A_497 : vector<16xf32>
        %add3A_499 = arith.addf %get3A_493, %mul3A_498 : vector<16xf32>
        %swap3A_500 = arith.index_cast %add3A_455 : i32 to index
        %swap3A_501 = arith.constant 32 : index
        %swap3A_502 = tpu.vector_load %arg12[%swap3A_500, %swap3A_501] {strides = array<i32>} : memref<256x64xf32, #tpu.memory_space<vmem>>, vector<1x16xf32>,
        %swap3A_503 = vector.shape_cast %swap3A_502 : vector<1x16xf32> to vector<16xf32>
        %swap3A_504 = vector.shape_cast %add3A_499 : vector<16xf32> to vector<1x16xf32>
        tpu.vector_store %arg12[%swap3A_500, %swap3A_501], %swap3A_504 {strides = array<i32>} : memref<256x64xf32, #tpu.memory_space<vmem>>, vector<1x16xf32>,
        %get3A_505 = arith.index_cast %add3A_455 : i32 to index
        %get3A_506 = arith.constant 48 : index
        %get3A_507 = tpu.vector_load %arg12[%get3A_505, %get3A_506] {strides = array<i32>} : memref<256x64xf32, #tpu.memory_space<vmem>>, vector<1x16xf32>,
        %get3A_508 = vector.shape_cast %get3A_507 : vector<1x16xf32> to vector<16xf32>
        %get3A_509 = arith.index_cast %add3A_455 : i32 to index
        %get3A_510 = arith.constant 48 : index
        %get3A_511 = tpu.vector_load %arg14[%get3A_509, %get3A_510] {strides = array<i32>} : memref<256x64xf32, #tpu.memory_space<vmem>>, vector<1x16xf32>,
        %get3A_512 = vector.shape_cast %get3A_511 : vector<1x16xf32> to vector<16xf32>
        %mul3A_513 = arith.mulf %gather3A_459, %get3A_512 : vector<16xf32>
        %add3A_514 = arith.addf %get3A_508, %mul3A_513 : vector<16xf32>
        %swap3A_515 = arith.index_cast %add3A_455 : i32 to index
        %swap3A_516 = arith.constant 48 : index
        %swap3A_517 = tpu.vector_load %arg12[%swap3A_515, %swap3A_516] {strides = array<i32>} : memref<256x64xf32, #tpu.memory_space<vmem>>, vector<1x16xf32>,
        %swap3A_518 = vector.shape_cast %swap3A_517 : vector<1x16xf32> to vector<16xf32>
        %swap3A_519 = vector.shape_cast %add3A_514 : vector<16xf32> to vector<1x16xf32>
        tpu.vector_store %arg12[%swap3A_515, %swap3A_516], %swap3A_519 {strides = array<i32>} : memref<256x64xf32, #tpu.memory_space<vmem>>, vector<1x16xf32>,
        %mul3A_520 = arith.constant 16 : i32
        %mul3A_521 = arith.muli %scan3A_236, %mul3A_520 : i32
        %add3A_522 = arith.constant 4 : i32
        %add3A_523 = arith.addi %mul3A_521, %add3A_522 : i32
        %broadcast_in_dim3A_524 = arith.constant 4 : i32
        %broadcast_in_dim3A_525 = vector.broadcast %broadcast_in_dim3A_524 : i32 to vector<16x1xi32>
        %gather3A_526 = vector.shape_cast %broadcast_in_dim3A_525 : vector<16x1xi32> to vector<16xi32>
        %gather3A_527 = tpu.dynamic_gather %add3A_250[%gather3A_526] in [0] : vector<16xf32>, vector<16xi32> -> vector<16xf32>
        %get3A_528 = arith.index_cast %add3A_523 : i32 to index
        %get3A_529 = arith.constant 0 : index
        %get3A_530 = tpu.vector_load %arg12[%get3A_528, %get3A_529] {strides = array<i32>} : memref<256x64xf32, #tpu.memory_space<vmem>>, vector<1x16xf32>,
        %get3A_531 = vector.shape_cast %get3A_530 : vector<1x16xf32> to vector<16xf32>
        %get3A_532 = arith.index_cast %add3A_523 : i32 to index
        %get3A_533 = arith.constant 0 : index
        %get3A_534 = tpu.vector_load %arg14[%get3A_532, %get3A_533] {strides = array<i32>} : memref<256x64xf32, #tpu.memory_space<vmem>>, vector<1x16xf32>,
        %get3A_535 = vector.shape_cast %get3A_534 : vector<1x16xf32> to vector<16xf32>
        %mul3A_536 = arith.mulf %gather3A_527, %get3A_535 : vector<16xf32>
        %add3A_537 = arith.addf %get3A_531, %mul3A_536 : vector<16xf32>
        %swap3A_538 = arith.index_cast %add3A_523 : i32 to index
        %swap3A_539 = arith.constant 0 : index
        %swap3A_540 = tpu.vector_load %arg12[%swap3A_538, %swap3A_539] {strides = array<i32>} : memref<256x64xf32, #tpu.memory_space<vmem>>, vector<1x16xf32>,
        %swap3A_541 = vector.shape_cast %swap3A_540 : vector<1x16xf32> to vector<16xf32>
        %swap3A_542 = vector.shape_cast %add3A_537 : vector<16xf32> to vector<1x16xf32>
        tpu.vector_store %arg12[%swap3A_538, %swap3A_539], %swap3A_542 {strides = array<i32>} : memref<256x64xf32, #tpu.memory_space<vmem>>, vector<1x16xf32>,
        %get3A_543 = arith.index_cast %add3A_523 : i32 to index
        %get3A_544 = arith.constant 16 : index
        %get3A_545 = tpu.vector_load %arg12[%get3A_543, %get3A_544] {strides = array<i32>} : memref<256x64xf32, #tpu.memory_space<vmem>>, vector<1x16xf32>,
        %get3A_546 = vector.shape_cast %get3A_545 : vector<1x16xf32> to vector<16xf32>
        %get3A_547 = arith.index_cast %add3A_523 : i32 to index
        %get3A_548 = arith.constant 16 : index
        %get3A_549 = tpu.vector_load %arg14[%get3A_547, %get3A_548] {strides = array<i32>} : memref<256x64xf32, #tpu.memory_space<vmem>>, vector<1x16xf32>,
        %get3A_550 = vector.shape_cast %get3A_549 : vector<1x16xf32> to vector<16xf32>
        %mul3A_551 = arith.mulf %gather3A_527, %get3A_550 : vector<16xf32>
        %add3A_552 = arith.addf %get3A_546, %mul3A_551 : vector<16xf32>
        %swap3A_553 = arith.index_cast %add3A_523 : i32 to index
        %swap3A_554 = arith.constant 16 : index
        %swap3A_555 = tpu.vector_load %arg12[%swap3A_553, %swap3A_554] {strides = array<i32>} : memref<256x64xf32, #tpu.memory_space<vmem>>, vector<1x16xf32>,
        %swap3A_556 = vector.shape_cast %swap3A_555 : vector<1x16xf32> to vector<16xf32>
        %swap3A_557 = vector.shape_cast %add3A_552 : vector<16xf32> to vector<1x16xf32>
        tpu.vector_store %arg12[%swap3A_553, %swap3A_554], %swap3A_557 {strides = array<i32>} : memref<256x64xf32, #tpu.memory_space<vmem>>, vector<1x16xf32>,
        %get3A_558 = arith.index_cast %add3A_523 : i32 to index
        %get3A_559 = arith.constant 32 : index
        %get3A_560 = tpu.vector_load %arg12[%get3A_558, %get3A_559] {strides = array<i32>} : memref<256x64xf32, #tpu.memory_space<vmem>>, vector<1x16xf32>,
        %get3A_561 = vector.shape_cast %get3A_560 : vector<1x16xf32> to vector<16xf32>
        %get3A_562 = arith.index_cast %add3A_523 : i32 to index
        %get3A_563 = arith.constant 32 : index
        %get3A_564 = tpu.vector_load %arg14[%get3A_562, %get3A_563] {strides = array<i32>} : memref<256x64xf32, #tpu.memory_space<vmem>>, vector<1x16xf32>,
        %get3A_565 = vector.shape_cast %get3A_564 : vector<1x16xf32> to vector<16xf32>
        %mul3A_566 = arith.mulf %gather3A_527, %get3A_565 : vector<16xf32>
        %add3A_567 = arith.addf %get3A_561, %mul3A_566 : vector<16xf32>
        %swap3A_568 = arith.index_cast %add3A_523 : i32 to index
        %swap3A_569 = arith.constant 32 : index
        %swap3A_570 = tpu.vector_load %arg12[%swap3A_568, %swap3A_569] {strides = array<i32>} : memref<256x64xf32, #tpu.memory_space<vmem>>, vector<1x16xf32>,
        %swap3A_571 = vector.shape_cast %swap3A_570 : vector<1x16xf32> to vector<16xf32>
        %swap3A_572 = vector.shape_cast %add3A_567 : vector<16xf32> to vector<1x16xf32>
        tpu.vector_store %arg12[%swap3A_568, %swap3A_569], %swap3A_572 {strides = array<i32>} : memref<256x64xf32, #tpu.memory_space<vmem>>, vector<1x16xf32>,
        %get3A_573 = arith.index_cast %add3A_523 : i32 to index
        %get3A_574 = arith.constant 48 : index
        %get3A_575 = tpu.vector_load %arg12[%get3A_573, %get3A_574] {strides = array<i32>} : memref<256x64xf32, #tpu.memory_space<vmem>>, vector<1x16xf32>,
        %get3A_576 = vector.shape_cast %get3A_575 : vector<1x16xf32> to vector<16xf32>
        %get3A_577 = arith.index_cast %add3A_523 : i32 to index
        %get3A_578 = arith.constant 48 : index
        %get3A_579 = tpu.vector_load %arg14[%get3A_577, %get3A_578] {strides = array<i32>} : memref<256x64xf32, #tpu.memory_space<vmem>>, vector<1x16xf32>,
        %get3A_580 = vector.shape_cast %get3A_579 : vector<1x16xf32> to vector<16xf32>
        %mul3A_581 = arith.mulf %gather3A_527, %get3A_580 : vector<16xf32>
        %add3A_582 = arith.addf %get3A_576, %mul3A_581 : vector<16xf32>
        %swap3A_583 = arith.index_cast %add3A_523 : i32 to index
        %swap3A_584 = arith.constant 48 : index
        %swap3A_585 = tpu.vector_load %arg12[%swap3A_583, %swap3A_584] {strides = array<i32>} : memref<256x64xf32, #tpu.memory_space<vmem>>, vector<1x16xf32>,
        %swap3A_586 = vector.shape_cast %swap3A_585 : vector<1x16xf32> to vector<16xf32>
        %swap3A_587 = vector.shape_cast %add3A_582 : vector<16xf32> to vector<1x16xf32>
        tpu.vector_store %arg12[%swap3A_583, %swap3A_584], %swap3A_587 {strides = array<i32>} : memref<256x64xf32, #tpu.memory_space<vmem>>, vector<1x16xf32>,
        %mul3A_588 = arith.constant 16 : i32
        %mul3A_589 = arith.muli %scan3A_236, %mul3A_588 : i32
        %add3A_590 = arith.constant 5 : i32
        %add3A_591 = arith.addi %mul3A_589, %add3A_590 : i32
        %broadcast_in_dim3A_592 = arith.constant 5 : i32
        %broadcast_in_dim3A_593 = vector.broadcast %broadcast_in_dim3A_592 : i32 to vector<16x1xi32>
        %gather3A_594 = vector.shape_cast %broadcast_in_dim3A_593 : vector<16x1xi32> to vector<16xi32>
        %gather3A_595 = tpu.dynamic_gather %add3A_250[%gather3A_594] in [0] : vector<16xf32>, vector<16xi32> -> vector<16xf32>
        %get3A_596 = arith.index_cast %add3A_591 : i32 to index
        %get3A_597 = arith.constant 0 : index
        %get3A_598 = tpu.vector_load %arg12[%get3A_596, %get3A_597] {strides = array<i32>} : memref<256x64xf32, #tpu.memory_space<vmem>>, vector<1x16xf32>,
        %get3A_599 = vector.shape_cast %get3A_598 : vector<1x16xf32> to vector<16xf32>
        %get3A_600 = arith.index_cast %add3A_591 : i32 to index
        %get3A_601 = arith.constant 0 : index
        %get3A_602 = tpu.vector_load %arg14[%get3A_600, %get3A_601] {strides = array<i32>} : memref<256x64xf32, #tpu.memory_space<vmem>>, vector<1x16xf32>,
        %get3A_603 = vector.shape_cast %get3A_602 : vector<1x16xf32> to vector<16xf32>
        %mul3A_604 = arith.mulf %gather3A_595, %get3A_603 : vector<16xf32>
        %add3A_605 = arith.addf %get3A_599, %mul3A_604 : vector<16xf32>
        %swap3A_606 = arith.index_cast %add3A_591 : i32 to index
        %swap3A_607 = arith.constant 0 : index
        %swap3A_608 = tpu.vector_load %arg12[%swap3A_606, %swap3A_607] {strides = array<i32>} : memref<256x64xf32, #tpu.memory_space<vmem>>, vector<1x16xf32>,
        %swap3A_609 = vector.shape_cast %swap3A_608 : vector<1x16xf32> to vector<16xf32>
        %swap3A_610 = vector.shape_cast %add3A_605 : vector<16xf32> to vector<1x16xf32>
        tpu.vector_store %arg12[%swap3A_606, %swap3A_607], %swap3A_610 {strides = array<i32>} : memref<256x64xf32, #tpu.memory_space<vmem>>, vector<1x16xf32>,
        %get3A_611 = arith.index_cast %add3A_591 : i32 to index
        %get3A_612 = arith.constant 16 : index
        %get3A_613 = tpu.vector_load %arg12[%get3A_611, %get3A_612] {strides = array<i32>} : memref<256x64xf32, #tpu.memory_space<vmem>>, vector<1x16xf32>,
        %get3A_614 = vector.shape_cast %get3A_613 : vector<1x16xf32> to vector<16xf32>
        %get3A_615 = arith.index_cast %add3A_591 : i32 to index
        %get3A_616 = arith.constant 16 : index
        %get3A_617 = tpu.vector_load %arg14[%get3A_615, %get3A_616] {strides = array<i32>} : memref<256x64xf32, #tpu.memory_space<vmem>>, vector<1x16xf32>,
        %get3A_618 = vector.shape_cast %get3A_617 : vector<1x16xf32> to vector<16xf32>
        %mul3A_619 = arith.mulf %gather3A_595, %get3A_618 : vector<16xf32>
        %add3A_620 = arith.addf %get3A_614, %mul3A_619 : vector<16xf32>
        %swap3A_621 = arith.index_cast %add3A_591 : i32 to index
        %swap3A_622 = arith.constant 16 : index
        %swap3A_623 = tpu.vector_load %arg12[%swap3A_621, %swap3A_622] {strides = array<i32>} : memref<256x64xf32, #tpu.memory_space<vmem>>, vector<1x16xf32>,
        %swap3A_624 = vector.shape_cast %swap3A_623 : vector<1x16xf32> to vector<16xf32>
        %swap3A_625 = vector.shape_cast %add3A_620 : vector<16xf32> to vector<1x16xf32>
        tpu.vector_store %arg12[%swap3A_621, %swap3A_622], %swap3A_625 {strides = array<i32>} : memref<256x64xf32, #tpu.memory_space<vmem>>, vector<1x16xf32>,
        %get3A_626 = arith.index_cast %add3A_591 : i32 to index
        %get3A_627 = arith.constant 32 : index
        %get3A_628 = tpu.vector_load %arg12[%get3A_626, %get3A_627] {strides = array<i32>} : memref<256x64xf32, #tpu.memory_space<vmem>>, vector<1x16xf32>,
        %get3A_629 = vector.shape_cast %get3A_628 : vector<1x16xf32> to vector<16xf32>
        %get3A_630 = arith.index_cast %add3A_591 : i32 to index
        %get3A_631 = arith.constant 32 : index
        %get3A_632 = tpu.vector_load %arg14[%get3A_630, %get3A_631] {strides = array<i32>} : memref<256x64xf32, #tpu.memory_space<vmem>>, vector<1x16xf32>,
        %get3A_633 = vector.shape_cast %get3A_632 : vector<1x16xf32> to vector<16xf32>
        %mul3A_634 = arith.mulf %gather3A_595, %get3A_633 : vector<16xf32>
        %add3A_635 = arith.addf %get3A_629, %mul3A_634 : vector<16xf32>
        %swap3A_636 = arith.index_cast %add3A_591 : i32 to index
        %swap3A_637 = arith.constant 32 : index
        %swap3A_638 = tpu.vector_load %arg12[%swap3A_636, %swap3A_637] {strides = array<i32>} : memref<256x64xf32, #tpu.memory_space<vmem>>, vector<1x16xf32>,
        %swap3A_639 = vector.shape_cast %swap3A_638 : vector<1x16xf32> to vector<16xf32>
        %swap3A_640 = vector.shape_cast %add3A_635 : vector<16xf32> to vector<1x16xf32>
        tpu.vector_store %arg12[%swap3A_636, %swap3A_637], %swap3A_640 {strides = array<i32>} : memref<256x64xf32, #tpu.memory_space<vmem>>, vector<1x16xf32>,
        %get3A_641 = arith.index_cast %add3A_591 : i32 to index
        %get3A_642 = arith.constant 48 : index
        %get3A_643 = tpu.vector_load %arg12[%get3A_641, %get3A_642] {strides = array<i32>} : memref<256x64xf32, #tpu.memory_space<vmem>>, vector<1x16xf32>,
        %get3A_644 = vector.shape_cast %get3A_643 : vector<1x16xf32> to vector<16xf32>
        %get3A_645 = arith.index_cast %add3A_591 : i32 to index
        %get3A_646 = arith.constant 48 : index
        %get3A_647 = tpu.vector_load %arg14[%get3A_645, %get3A_646] {strides = array<i32>} : memref<256x64xf32, #tpu.memory_space<vmem>>, vector<1x16xf32>,
        %get3A_648 = vector.shape_cast %get3A_647 : vector<1x16xf32> to vector<16xf32>
        %mul3A_649 = arith.mulf %gather3A_595, %get3A_648 : vector<16xf32>
        %add3A_650 = arith.addf %get3A_644, %mul3A_649 : vector<16xf32>
        %swap3A_651 = arith.index_cast %add3A_591 : i32 to index
        %swap3A_652 = arith.constant 48 : index
        %swap3A_653 = tpu.vector_load %arg12[%swap3A_651, %swap3A_652] {strides = array<i32>} : memref<256x64xf32, #tpu.memory_space<vmem>>, vector<1x16xf32>,
        %swap3A_654 = vector.shape_cast %swap3A_653 : vector<1x16xf32> to vector<16xf32>
        %swap3A_655 = vector.shape_cast %add3A_650 : vector<16xf32> to vector<1x16xf32>
        tpu.vector_store %arg12[%swap3A_651, %swap3A_652], %swap3A_655 {strides = array<i32>} : memref<256x64xf32, #tpu.memory_space<vmem>>, vector<1x16xf32>,
        %mul3A_656 = arith.constant 16 : i32
        %mul3A_657 = arith.muli %scan3A_236, %mul3A_656 : i32
        %add3A_658 = arith.constant 6 : i32
        %add3A_659 = arith.addi %mul3A_657, %add3A_658 : i32
        %broadcast_in_dim3A_660 = arith.constant 6 : i32
        %broadcast_in_dim3A_661 = vector.broadcast %broadcast_in_dim3A_660 : i32 to vector<16x1xi32>
        %gather3A_662 = vector.shape_cast %broadcast_in_dim3A_661 : vector<16x1xi32> to vector<16xi32>
        %gather3A_663 = tpu.dynamic_gather %add3A_250[%gather3A_662] in [0] : vector<16xf32>, vector<16xi32> -> vector<16xf32>
        %get3A_664 = arith.index_cast %add3A_659 : i32 to index
        %get3A_665 = arith.constant 0 : index
        %get3A_666 = tpu.vector_load %arg12[%get3A_664, %get3A_665] {strides = array<i32>} : memref<256x64xf32, #tpu.memory_space<vmem>>, vector<1x16xf32>,
        %get3A_667 = vector.shape_cast %get3A_666 : vector<1x16xf32> to vector<16xf32>
        %get3A_668 = arith.index_cast %add3A_659 : i32 to index
        %get3A_669 = arith.constant 0 : index
        %get3A_670 = tpu.vector_load %arg14[%get3A_668, %get3A_669] {strides = array<i32>} : memref<256x64xf32, #tpu.memory_space<vmem>>, vector<1x16xf32>,
        %get3A_671 = vector.shape_cast %get3A_670 : vector<1x16xf32> to vector<16xf32>
        %mul3A_672 = arith.mulf %gather3A_663, %get3A_671 : vector<16xf32>
        %add3A_673 = arith.addf %get3A_667, %mul3A_672 : vector<16xf32>
        %swap3A_674 = arith.index_cast %add3A_659 : i32 to index
        %swap3A_675 = arith.constant 0 : index
        %swap3A_676 = tpu.vector_load %arg12[%swap3A_674, %swap3A_675] {strides = array<i32>} : memref<256x64xf32, #tpu.memory_space<vmem>>, vector<1x16xf32>,
        %swap3A_677 = vector.shape_cast %swap3A_676 : vector<1x16xf32> to vector<16xf32>
        %swap3A_678 = vector.shape_cast %add3A_673 : vector<16xf32> to vector<1x16xf32>
        tpu.vector_store %arg12[%swap3A_674, %swap3A_675], %swap3A_678 {strides = array<i32>} : memref<256x64xf32, #tpu.memory_space<vmem>>, vector<1x16xf32>,
        %get3A_679 = arith.index_cast %add3A_659 : i32 to index
        %get3A_680 = arith.constant 16 : index
        %get3A_681 = tpu.vector_load %arg12[%get3A_679, %get3A_680] {strides = array<i32>} : memref<256x64xf32, #tpu.memory_space<vmem>>, vector<1x16xf32>,
        %get3A_682 = vector.shape_cast %get3A_681 : vector<1x16xf32> to vector<16xf32>
        %get3A_683 = arith.index_cast %add3A_659 : i32 to index
        %get3A_684 = arith.constant 16 : index
        %get3A_685 = tpu.vector_load %arg14[%get3A_683, %get3A_684] {strides = array<i32>} : memref<256x64xf32, #tpu.memory_space<vmem>>, vector<1x16xf32>,
        %get3A_686 = vector.shape_cast %get3A_685 : vector<1x16xf32> to vector<16xf32>
        %mul3A_687 = arith.mulf %gather3A_663, %get3A_686 : vector<16xf32>
        %add3A_688 = arith.addf %get3A_682, %mul3A_687 : vector<16xf32>
        %swap3A_689 = arith.index_cast %add3A_659 : i32 to index
        %swap3A_690 = arith.constant 16 : index
        %swap3A_691 = tpu.vector_load %arg12[%swap3A_689, %swap3A_690] {strides = array<i32>} : memref<256x64xf32, #tpu.memory_space<vmem>>, vector<1x16xf32>,
        %swap3A_692 = vector.shape_cast %swap3A_691 : vector<1x16xf32> to vector<16xf32>
        %swap3A_693 = vector.shape_cast %add3A_688 : vector<16xf32> to vector<1x16xf32>
        tpu.vector_store %arg12[%swap3A_689, %swap3A_690], %swap3A_693 {strides = array<i32>} : memref<256x64xf32, #tpu.memory_space<vmem>>, vector<1x16xf32>,
        %get3A_694 = arith.index_cast %add3A_659 : i32 to index
        %get3A_695 = arith.constant 32 : index
        %get3A_696 = tpu.vector_load %arg12[%get3A_694, %get3A_695] {strides = array<i32>} : memref<256x64xf32, #tpu.memory_space<vmem>>, vector<1x16xf32>,
        %get3A_697 = vector.shape_cast %get3A_696 : vector<1x16xf32> to vector<16xf32>
        %get3A_698 = arith.index_cast %add3A_659 : i32 to index
        %get3A_699 = arith.constant 32 : index
        %get3A_700 = tpu.vector_load %arg14[%get3A_698, %get3A_699] {strides = array<i32>} : memref<256x64xf32, #tpu.memory_space<vmem>>, vector<1x16xf32>,
        %get3A_701 = vector.shape_cast %get3A_700 : vector<1x16xf32> to vector<16xf32>
        %mul3A_702 = arith.mulf %gather3A_663, %get3A_701 : vector<16xf32>
        %add3A_703 = arith.addf %get3A_697, %mul3A_702 : vector<16xf32>
        %swap3A_704 = arith.index_cast %add3A_659 : i32 to index
        %swap3A_705 = arith.constant 32 : index
        %swap3A_706 = tpu.vector_load %arg12[%swap3A_704, %swap3A_705] {strides = array<i32>} : memref<256x64xf32, #tpu.memory_space<vmem>>, vector<1x16xf32>,
        %swap3A_707 = vector.shape_cast %swap3A_706 : vector<1x16xf32> to vector<16xf32>
        %swap3A_708 = vector.shape_cast %add3A_703 : vector<16xf32> to vector<1x16xf32>
        tpu.vector_store %arg12[%swap3A_704, %swap3A_705], %swap3A_708 {strides = array<i32>} : memref<256x64xf32, #tpu.memory_space<vmem>>, vector<1x16xf32>,
        %get3A_709 = arith.index_cast %add3A_659 : i32 to index
        %get3A_710 = arith.constant 48 : index
        %get3A_711 = tpu.vector_load %arg12[%get3A_709, %get3A_710] {strides = array<i32>} : memref<256x64xf32, #tpu.memory_space<vmem>>, vector<1x16xf32>,
        %get3A_712 = vector.shape_cast %get3A_711 : vector<1x16xf32> to vector<16xf32>
        %get3A_713 = arith.index_cast %add3A_659 : i32 to index
        %get3A_714 = arith.constant 48 : index
        %get3A_715 = tpu.vector_load %arg14[%get3A_713, %get3A_714] {strides = array<i32>} : memref<256x64xf32, #tpu.memory_space<vmem>>, vector<1x16xf32>,
        %get3A_716 = vector.shape_cast %get3A_715 : vector<1x16xf32> to vector<16xf32>
        %mul3A_717 = arith.mulf %gather3A_663, %get3A_716 : vector<16xf32>
        %add3A_718 = arith.addf %get3A_712, %mul3A_717 : vector<16xf32>
        %swap3A_719 = arith.index_cast %add3A_659 : i32 to index
        %swap3A_720 = arith.constant 48 : index
        %swap3A_721 = tpu.vector_load %arg12[%swap3A_719, %swap3A_720] {strides = array<i32>} : memref<256x64xf32, #tpu.memory_space<vmem>>, vector<1x16xf32>,
        %swap3A_722 = vector.shape_cast %swap3A_721 : vector<1x16xf32> to vector<16xf32>
        %swap3A_723 = vector.shape_cast %add3A_718 : vector<16xf32> to vector<1x16xf32>
        tpu.vector_store %arg12[%swap3A_719, %swap3A_720], %swap3A_723 {strides = array<i32>} : memref<256x64xf32, #tpu.memory_space<vmem>>, vector<1x16xf32>,
        %mul3A_724 = arith.constant 16 : i32
        %mul3A_725 = arith.muli %scan3A_236, %mul3A_724 : i32
        %add3A_726 = arith.constant 7 : i32
        %add3A_727 = arith.addi %mul3A_725, %add3A_726 : i32
        %broadcast_in_dim3A_728 = arith.constant 7 : i32
        %broadcast_in_dim3A_729 = vector.broadcast %broadcast_in_dim3A_728 : i32 to vector<16x1xi32>
        %gather3A_730 = vector.shape_cast %broadcast_in_dim3A_729 : vector<16x1xi32> to vector<16xi32>
        %gather3A_731 = tpu.dynamic_gather %add3A_250[%gather3A_730] in [0] : vector<16xf32>, vector<16xi32> -> vector<16xf32>
        %get3A_732 = arith.index_cast %add3A_727 : i32 to index
        %get3A_733 = arith.constant 0 : index
        %get3A_734 = tpu.vector_load %arg12[%get3A_732, %get3A_733] {strides = array<i32>} : memref<256x64xf32, #tpu.memory_space<vmem>>, vector<1x16xf32>,
        %get3A_735 = vector.shape_cast %get3A_734 : vector<1x16xf32> to vector<16xf32>
        %get3A_736 = arith.index_cast %add3A_727 : i32 to index
        %get3A_737 = arith.constant 0 : index
        %get3A_738 = tpu.vector_load %arg14[%get3A_736, %get3A_737] {strides = array<i32>} : memref<256x64xf32, #tpu.memory_space<vmem>>, vector<1x16xf32>,
        %get3A_739 = vector.shape_cast %get3A_738 : vector<1x16xf32> to vector<16xf32>
        %mul3A_740 = arith.mulf %gather3A_731, %get3A_739 : vector<16xf32>
        %add3A_741 = arith.addf %get3A_735, %mul3A_740 : vector<16xf32>
        %swap3A_742 = arith.index_cast %add3A_727 : i32 to index
        %swap3A_743 = arith.constant 0 : index
        %swap3A_744 = tpu.vector_load %arg12[%swap3A_742, %swap3A_743] {strides = array<i32>} : memref<256x64xf32, #tpu.memory_space<vmem>>, vector<1x16xf32>,
        %swap3A_745 = vector.shape_cast %swap3A_744 : vector<1x16xf32> to vector<16xf32>
        %swap3A_746 = vector.shape_cast %add3A_741 : vector<16xf32> to vector<1x16xf32>
        tpu.vector_store %arg12[%swap3A_742, %swap3A_743], %swap3A_746 {strides = array<i32>} : memref<256x64xf32, #tpu.memory_space<vmem>>, vector<1x16xf32>,
        %get3A_747 = arith.index_cast %add3A_727 : i32 to index
        %get3A_748 = arith.constant 16 : index
        %get3A_749 = tpu.vector_load %arg12[%get3A_747, %get3A_748] {strides = array<i32>} : memref<256x64xf32, #tpu.memory_space<vmem>>, vector<1x16xf32>,
        %get3A_750 = vector.shape_cast %get3A_749 : vector<1x16xf32> to vector<16xf32>
        %get3A_751 = arith.index_cast %add3A_727 : i32 to index
        %get3A_752 = arith.constant 16 : index
        %get3A_753 = tpu.vector_load %arg14[%get3A_751, %get3A_752] {strides = array<i32>} : memref<256x64xf32, #tpu.memory_space<vmem>>, vector<1x16xf32>,
        %get3A_754 = vector.shape_cast %get3A_753 : vector<1x16xf32> to vector<16xf32>
        %mul3A_755 = arith.mulf %gather3A_731, %get3A_754 : vector<16xf32>
        %add3A_756 = arith.addf %get3A_750, %mul3A_755 : vector<16xf32>
        %swap3A_757 = arith.index_cast %add3A_727 : i32 to index
        %swap3A_758 = arith.constant 16 : index
        %swap3A_759 = tpu.vector_load %arg12[%swap3A_757, %swap3A_758] {strides = array<i32>} : memref<256x64xf32, #tpu.memory_space<vmem>>, vector<1x16xf32>,
        %swap3A_760 = vector.shape_cast %swap3A_759 : vector<1x16xf32> to vector<16xf32>
        %swap3A_761 = vector.shape_cast %add3A_756 : vector<16xf32> to vector<1x16xf32>
        tpu.vector_store %arg12[%swap3A_757, %swap3A_758], %swap3A_761 {strides = array<i32>} : memref<256x64xf32, #tpu.memory_space<vmem>>, vector<1x16xf32>,
        %get3A_762 = arith.index_cast %add3A_727 : i32 to index
        %get3A_763 = arith.constant 32 : index
        %get3A_764 = tpu.vector_load %arg12[%get3A_762, %get3A_763] {strides = array<i32>} : memref<256x64xf32, #tpu.memory_space<vmem>>, vector<1x16xf32>,
        %get3A_765 = vector.shape_cast %get3A_764 : vector<1x16xf32> to vector<16xf32>
        %get3A_766 = arith.index_cast %add3A_727 : i32 to index
        %get3A_767 = arith.constant 32 : index
        %get3A_768 = tpu.vector_load %arg14[%get3A_766, %get3A_767] {strides = array<i32>} : memref<256x64xf32, #tpu.memory_space<vmem>>, vector<1x16xf32>,
        %get3A_769 = vector.shape_cast %get3A_768 : vector<1x16xf32> to vector<16xf32>
        %mul3A_770 = arith.mulf %gather3A_731, %get3A_769 : vector<16xf32>
        %add3A_771 = arith.addf %get3A_765, %mul3A_770 : vector<16xf32>
        %swap3A_772 = arith.index_cast %add3A_727 : i32 to index
        %swap3A_773 = arith.constant 32 : index
        %swap3A_774 = tpu.vector_load %arg12[%swap3A_772, %swap3A_773] {strides = array<i32>} : memref<256x64xf32, #tpu.memory_space<vmem>>, vector<1x16xf32>,
        %swap3A_775 = vector.shape_cast %swap3A_774 : vector<1x16xf32> to vector<16xf32>
        %swap3A_776 = vector.shape_cast %add3A_771 : vector<16xf32> to vector<1x16xf32>
        tpu.vector_store %arg12[%swap3A_772, %swap3A_773], %swap3A_776 {strides = array<i32>} : memref<256x64xf32, #tpu.memory_space<vmem>>, vector<1x16xf32>,
        %get3A_777 = arith.index_cast %add3A_727 : i32 to index
        %get3A_778 = arith.constant 48 : index
        %get3A_779 = tpu.vector_load %arg12[%get3A_777, %get3A_778] {strides = array<i32>} : memref<256x64xf32, #tpu.memory_space<vmem>>, vector<1x16xf32>,
        %get3A_780 = vector.shape_cast %get3A_779 : vector<1x16xf32> to vector<16xf32>
        %get3A_781 = arith.index_cast %add3A_727 : i32 to index
        %get3A_782 = arith.constant 48 : index
        %get3A_783 = tpu.vector_load %arg14[%get3A_781, %get3A_782] {strides = array<i32>} : memref<256x64xf32, #tpu.memory_space<vmem>>, vector<1x16xf32>,
        %get3A_784 = vector.shape_cast %get3A_783 : vector<1x16xf32> to vector<16xf32>
        %mul3A_785 = arith.mulf %gather3A_731, %get3A_784 : vector<16xf32>
        %add3A_786 = arith.addf %get3A_780, %mul3A_785 : vector<16xf32>
        %swap3A_787 = arith.index_cast %add3A_727 : i32 to index
        %swap3A_788 = arith.constant 48 : index
        %swap3A_789 = tpu.vector_load %arg12[%swap3A_787, %swap3A_788] {strides = array<i32>} : memref<256x64xf32, #tpu.memory_space<vmem>>, vector<1x16xf32>,
        %swap3A_790 = vector.shape_cast %swap3A_789 : vector<1x16xf32> to vector<16xf32>
        %swap3A_791 = vector.shape_cast %add3A_786 : vector<16xf32> to vector<1x16xf32>
        tpu.vector_store %arg12[%swap3A_787, %swap3A_788], %swap3A_791 {strides = array<i32>} : memref<256x64xf32, #tpu.memory_space<vmem>>, vector<1x16xf32>,
        %mul3A_792 = arith.constant 16 : i32
        %mul3A_793 = arith.muli %scan3A_236, %mul3A_792 : i32
        %add3A_794 = arith.constant 8 : i32
        %add3A_795 = arith.addi %mul3A_793, %add3A_794 : i32
        %broadcast_in_dim3A_796 = arith.constant 8 : i32
        %broadcast_in_dim3A_797 = vector.broadcast %broadcast_in_dim3A_796 : i32 to vector<16x1xi32>
        %gather3A_798 = vector.shape_cast %broadcast_in_dim3A_797 : vector<16x1xi32> to vector<16xi32>
        %gather3A_799 = tpu.dynamic_gather %add3A_250[%gather3A_798] in [0] : vector<16xf32>, vector<16xi32> -> vector<16xf32>
        %get3A_800 = arith.index_cast %add3A_795 : i32 to index
        %get3A_801 = arith.constant 0 : index
        %get3A_802 = tpu.vector_load %arg12[%get3A_800, %get3A_801] {strides = array<i32>} : memref<256x64xf32, #tpu.memory_space<vmem>>, vector<1x16xf32>,
        %get3A_803 = vector.shape_cast %get3A_802 : vector<1x16xf32> to vector<16xf32>
        %get3A_804 = arith.index_cast %add3A_795 : i32 to index
        %get3A_805 = arith.constant 0 : index
        %get3A_806 = tpu.vector_load %arg14[%get3A_804, %get3A_805] {strides = array<i32>} : memref<256x64xf32, #tpu.memory_space<vmem>>, vector<1x16xf32>,
        %get3A_807 = vector.shape_cast %get3A_806 : vector<1x16xf32> to vector<16xf32>
        %mul3A_808 = arith.mulf %gather3A_799, %get3A_807 : vector<16xf32>
        %add3A_809 = arith.addf %get3A_803, %mul3A_808 : vector<16xf32>
        %swap3A_810 = arith.index_cast %add3A_795 : i32 to index
        %swap3A_811 = arith.constant 0 : index
        %swap3A_812 = tpu.vector_load %arg12[%swap3A_810, %swap3A_811] {strides = array<i32>} : memref<256x64xf32, #tpu.memory_space<vmem>>, vector<1x16xf32>,
        %swap3A_813 = vector.shape_cast %swap3A_812 : vector<1x16xf32> to vector<16xf32>
        %swap3A_814 = vector.shape_cast %add3A_809 : vector<16xf32> to vector<1x16xf32>
        tpu.vector_store %arg12[%swap3A_810, %swap3A_811], %swap3A_814 {strides = array<i32>} : memref<256x64xf32, #tpu.memory_space<vmem>>, vector<1x16xf32>,
        %get3A_815 = arith.index_cast %add3A_795 : i32 to index
        %get3A_816 = arith.constant 16 : index
        %get3A_817 = tpu.vector_load %arg12[%get3A_815, %get3A_816] {strides = array<i32>} : memref<256x64xf32, #tpu.memory_space<vmem>>, vector<1x16xf32>,
        %get3A_818 = vector.shape_cast %get3A_817 : vector<1x16xf32> to vector<16xf32>
        %get3A_819 = arith.index_cast %add3A_795 : i32 to index
        %get3A_820 = arith.constant 16 : index
        %get3A_821 = tpu.vector_load %arg14[%get3A_819, %get3A_820] {strides = array<i32>} : memref<256x64xf32, #tpu.memory_space<vmem>>, vector<1x16xf32>,
        %get3A_822 = vector.shape_cast %get3A_821 : vector<1x16xf32> to vector<16xf32>
        %mul3A_823 = arith.mulf %gather3A_799, %get3A_822 : vector<16xf32>
        %add3A_824 = arith.addf %get3A_818, %mul3A_823 : vector<16xf32>
        %swap3A_825 = arith.index_cast %add3A_795 : i32 to index
        %swap3A_826 = arith.constant 16 : index
        %swap3A_827 = tpu.vector_load %arg12[%swap3A_825, %swap3A_826] {strides = array<i32>} : memref<256x64xf32, #tpu.memory_space<vmem>>, vector<1x16xf32>,
        %swap3A_828 = vector.shape_cast %swap3A_827 : vector<1x16xf32> to vector<16xf32>
        %swap3A_829 = vector.shape_cast %add3A_824 : vector<16xf32> to vector<1x16xf32>
        tpu.vector_store %arg12[%swap3A_825, %swap3A_826], %swap3A_829 {strides = array<i32>} : memref<256x64xf32, #tpu.memory_space<vmem>>, vector<1x16xf32>,
        %get3A_830 = arith.index_cast %add3A_795 : i32 to index
        %get3A_831 = arith.constant 32 : index
        %get3A_832 = tpu.vector_load %arg12[%get3A_830, %get3A_831] {strides = array<i32>} : memref<256x64xf32, #tpu.memory_space<vmem>>, vector<1x16xf32>,
        %get3A_833 = vector.shape_cast %get3A_832 : vector<1x16xf32> to vector<16xf32>
        %get3A_834 = arith.index_cast %add3A_795 : i32 to index
        %get3A_835 = arith.constant 32 : index
        %get3A_836 = tpu.vector_load %arg14[%get3A_834, %get3A_835] {strides = array<i32>} : memref<256x64xf32, #tpu.memory_space<vmem>>, vector<1x16xf32>,
        %get3A_837 = vector.shape_cast %get3A_836 : vector<1x16xf32> to vector<16xf32>
        %mul3A_838 = arith.mulf %gather3A_799, %get3A_837 : vector<16xf32>
        %add3A_839 = arith.addf %get3A_833, %mul3A_838 : vector<16xf32>
        %swap3A_840 = arith.index_cast %add3A_795 : i32 to index
        %swap3A_841 = arith.constant 32 : index
        %swap3A_842 = tpu.vector_load %arg12[%swap3A_840, %swap3A_841] {strides = array<i32>} : memref<256x64xf32, #tpu.memory_space<vmem>>, vector<1x16xf32>,
        %swap3A_843 = vector.shape_cast %swap3A_842 : vector<1x16xf32> to vector<16xf32>
        %swap3A_844 = vector.shape_cast %add3A_839 : vector<16xf32> to vector<1x16xf32>
        tpu.vector_store %arg12[%swap3A_840, %swap3A_841], %swap3A_844 {strides = array<i32>} : memref<256x64xf32, #tpu.memory_space<vmem>>, vector<1x16xf32>,
        %get3A_845 = arith.index_cast %add3A_795 : i32 to index
        %get3A_846 = arith.constant 48 : index
        %get3A_847 = tpu.vector_load %arg12[%get3A_845, %get3A_846] {strides = array<i32>} : memref<256x64xf32, #tpu.memory_space<vmem>>, vector<1x16xf32>,
        %get3A_848 = vector.shape_cast %get3A_847 : vector<1x16xf32> to vector<16xf32>
        %get3A_849 = arith.index_cast %add3A_795 : i32 to index
        %get3A_850 = arith.constant 48 : index
        %get3A_851 = tpu.vector_load %arg14[%get3A_849, %get3A_850] {strides = array<i32>} : memref<256x64xf32, #tpu.memory_space<vmem>>, vector<1x16xf32>,
        %get3A_852 = vector.shape_cast %get3A_851 : vector<1x16xf32> to vector<16xf32>
        %mul3A_853 = arith.mulf %gather3A_799, %get3A_852 : vector<16xf32>
        %add3A_854 = arith.addf %get3A_848, %mul3A_853 : vector<16xf32>
        %swap3A_855 = arith.index_cast %add3A_795 : i32 to index
        %swap3A_856 = arith.constant 48 : index
        %swap3A_857 = tpu.vector_load %arg12[%swap3A_855, %swap3A_856] {strides = array<i32>} : memref<256x64xf32, #tpu.memory_space<vmem>>, vector<1x16xf32>,
        %swap3A_858 = vector.shape_cast %swap3A_857 : vector<1x16xf32> to vector<16xf32>
        %swap3A_859 = vector.shape_cast %add3A_854 : vector<16xf32> to vector<1x16xf32>
        tpu.vector_store %arg12[%swap3A_855, %swap3A_856], %swap3A_859 {strides = array<i32>} : memref<256x64xf32, #tpu.memory_space<vmem>>, vector<1x16xf32>,
        %mul3A_860 = arith.constant 16 : i32
        %mul3A_861 = arith.muli %scan3A_236, %mul3A_860 : i32
        %add3A_862 = arith.constant 9 : i32
        %add3A_863 = arith.addi %mul3A_861, %add3A_862 : i32
        %broadcast_in_dim3A_864 = arith.constant 9 : i32
        %broadcast_in_dim3A_865 = vector.broadcast %broadcast_in_dim3A_864 : i32 to vector<16x1xi32>
        %gather3A_866 = vector.shape_cast %broadcast_in_dim3A_865 : vector<16x1xi32> to vector<16xi32>
        %gather3A_867 = tpu.dynamic_gather %add3A_250[%gather3A_866] in [0] : vector<16xf32>, vector<16xi32> -> vector<16xf32>
        %get3A_868 = arith.index_cast %add3A_863 : i32 to index
        %get3A_869 = arith.constant 0 : index
        %get3A_870 = tpu.vector_load %arg12[%get3A_868, %get3A_869] {strides = array<i32>} : memref<256x64xf32, #tpu.memory_space<vmem>>, vector<1x16xf32>,
        %get3A_871 = vector.shape_cast %get3A_870 : vector<1x16xf32> to vector<16xf32>
        %get3A_872 = arith.index_cast %add3A_863 : i32 to index
        %get3A_873 = arith.constant 0 : index
        %get3A_874 = tpu.vector_load %arg14[%get3A_872, %get3A_873] {strides = array<i32>} : memref<256x64xf32, #tpu.memory_space<vmem>>, vector<1x16xf32>,
        %get3A_875 = vector.shape_cast %get3A_874 : vector<1x16xf32> to vector<16xf32>
        %mul3A_876 = arith.mulf %gather3A_867, %get3A_875 : vector<16xf32>
        %add3A_877 = arith.addf %get3A_871, %mul3A_876 : vector<16xf32>
        %swap3A_878 = arith.index_cast %add3A_863 : i32 to index
        %swap3A_879 = arith.constant 0 : index
        %swap3A_880 = tpu.vector_load %arg12[%swap3A_878, %swap3A_879] {strides = array<i32>} : memref<256x64xf32, #tpu.memory_space<vmem>>, vector<1x16xf32>,
        %swap3A_881 = vector.shape_cast %swap3A_880 : vector<1x16xf32> to vector<16xf32>
        %swap3A_882 = vector.shape_cast %add3A_877 : vector<16xf32> to vector<1x16xf32>
        tpu.vector_store %arg12[%swap3A_878, %swap3A_879], %swap3A_882 {strides = array<i32>} : memref<256x64xf32, #tpu.memory_space<vmem>>, vector<1x16xf32>,
        %get3A_883 = arith.index_cast %add3A_863 : i32 to index
        %get3A_884 = arith.constant 16 : index
        %get3A_885 = tpu.vector_load %arg12[%get3A_883, %get3A_884] {strides = array<i32>} : memref<256x64xf32, #tpu.memory_space<vmem>>, vector<1x16xf32>,
        %get3A_886 = vector.shape_cast %get3A_885 : vector<1x16xf32> to vector<16xf32>
        %get3A_887 = arith.index_cast %add3A_863 : i32 to index
        %get3A_888 = arith.constant 16 : index
        %get3A_889 = tpu.vector_load %arg14[%get3A_887, %get3A_888] {strides = array<i32>} : memref<256x64xf32, #tpu.memory_space<vmem>>, vector<1x16xf32>,
        %get3A_890 = vector.shape_cast %get3A_889 : vector<1x16xf32> to vector<16xf32>
        %mul3A_891 = arith.mulf %gather3A_867, %get3A_890 : vector<16xf32>
        %add3A_892 = arith.addf %get3A_886, %mul3A_891 : vector<16xf32>
        %swap3A_893 = arith.index_cast %add3A_863 : i32 to index
        %swap3A_894 = arith.constant 16 : index
        %swap3A_895 = tpu.vector_load %arg12[%swap3A_893, %swap3A_894] {strides = array<i32>} : memref<256x64xf32, #tpu.memory_space<vmem>>, vector<1x16xf32>,
        %swap3A_896 = vector.shape_cast %swap3A_895 : vector<1x16xf32> to vector<16xf32>
        %swap3A_897 = vector.shape_cast %add3A_892 : vector<16xf32> to vector<1x16xf32>
        tpu.vector_store %arg12[%swap3A_893, %swap3A_894], %swap3A_897 {strides = array<i32>} : memref<256x64xf32, #tpu.memory_space<vmem>>, vector<1x16xf32>,
        %get3A_898 = arith.index_cast %add3A_863 : i32 to index
        %get3A_899 = arith.constant 32 : index
        %get3A_900 = tpu.vector_load %arg12[%get3A_898, %get3A_899] {strides = array<i32>} : memref<256x64xf32, #tpu.memory_space<vmem>>, vector<1x16xf32>,
        %get3A_901 = vector.shape_cast %get3A_900 : vector<1x16xf32> to vector<16xf32>
        %get3A_902 = arith.index_cast %add3A_863 : i32 to index
        %get3A_903 = arith.constant 32 : index
        %get3A_904 = tpu.vector_load %arg14[%get3A_902, %get3A_903] {strides = array<i32>} : memref<256x64xf32, #tpu.memory_space<vmem>>, vector<1x16xf32>,
        %get3A_905 = vector.shape_cast %get3A_904 : vector<1x16xf32> to vector<16xf32>
        %mul3A_906 = arith.mulf %gather3A_867, %get3A_905 : vector<16xf32>
        %add3A_907 = arith.addf %get3A_901, %mul3A_906 : vector<16xf32>
        %swap3A_908 = arith.index_cast %add3A_863 : i32 to index
        %swap3A_909 = arith.constant 32 : index
        %swap3A_910 = tpu.vector_load %arg12[%swap3A_908, %swap3A_909] {strides = array<i32>} : memref<256x64xf32, #tpu.memory_space<vmem>>, vector<1x16xf32>,
        %swap3A_911 = vector.shape_cast %swap3A_910 : vector<1x16xf32> to vector<16xf32>
        %swap3A_912 = vector.shape_cast %add3A_907 : vector<16xf32> to vector<1x16xf32>
        tpu.vector_store %arg12[%swap3A_908, %swap3A_909], %swap3A_912 {strides = array<i32>} : memref<256x64xf32, #tpu.memory_space<vmem>>, vector<1x16xf32>,
        %get3A_913 = arith.index_cast %add3A_863 : i32 to index
        %get3A_914 = arith.constant 48 : index
        %get3A_915 = tpu.vector_load %arg12[%get3A_913, %get3A_914] {strides = array<i32>} : memref<256x64xf32, #tpu.memory_space<vmem>>, vector<1x16xf32>,
        %get3A_916 = vector.shape_cast %get3A_915 : vector<1x16xf32> to vector<16xf32>
        %get3A_917 = arith.index_cast %add3A_863 : i32 to index
        %get3A_918 = arith.constant 48 : index
        %get3A_919 = tpu.vector_load %arg14[%get3A_917, %get3A_918] {strides = array<i32>} : memref<256x64xf32, #tpu.memory_space<vmem>>, vector<1x16xf32>,
        %get3A_920 = vector.shape_cast %get3A_919 : vector<1x16xf32> to vector<16xf32>
        %mul3A_921 = arith.mulf %gather3A_867, %get3A_920 : vector<16xf32>
        %add3A_922 = arith.addf %get3A_916, %mul3A_921 : vector<16xf32>
        %swap3A_923 = arith.index_cast %add3A_863 : i32 to index
        %swap3A_924 = arith.constant 48 : index
        %swap3A_925 = tpu.vector_load %arg12[%swap3A_923, %swap3A_924] {strides = array<i32>} : memref<256x64xf32, #tpu.memory_space<vmem>>, vector<1x16xf32>,
        %swap3A_926 = vector.shape_cast %swap3A_925 : vector<1x16xf32> to vector<16xf32>
        %swap3A_927 = vector.shape_cast %add3A_922 : vector<16xf32> to vector<1x16xf32>
        tpu.vector_store %arg12[%swap3A_923, %swap3A_924], %swap3A_927 {strides = array<i32>} : memref<256x64xf32, #tpu.memory_space<vmem>>, vector<1x16xf32>,
        %mul3A_928 = arith.constant 16 : i32
        %mul3A_929 = arith.muli %scan3A_236, %mul3A_928 : i32
        %add3A_930 = arith.constant 10 : i32
        %add3A_931 = arith.addi %mul3A_929, %add3A_930 : i32
        %broadcast_in_dim3A_932 = arith.constant 10 : i32
        %broadcast_in_dim3A_933 = vector.broadcast %broadcast_in_dim3A_932 : i32 to vector<16x1xi32>
        %gather3A_934 = vector.shape_cast %broadcast_in_dim3A_933 : vector<16x1xi32> to vector<16xi32>
        %gather3A_935 = tpu.dynamic_gather %add3A_250[%gather3A_934] in [0] : vector<16xf32>, vector<16xi32> -> vector<16xf32>
        %get3A_936 = arith.index_cast %add3A_931 : i32 to index
        %get3A_937 = arith.constant 0 : index
        %get3A_938 = tpu.vector_load %arg12[%get3A_936, %get3A_937] {strides = array<i32>} : memref<256x64xf32, #tpu.memory_space<vmem>>, vector<1x16xf32>,
        %get3A_939 = vector.shape_cast %get3A_938 : vector<1x16xf32> to vector<16xf32>
        %get3A_940 = arith.index_cast %add3A_931 : i32 to index
        %get3A_941 = arith.constant 0 : index
        %get3A_942 = tpu.vector_load %arg14[%get3A_940, %get3A_941] {strides = array<i32>} : memref<256x64xf32, #tpu.memory_space<vmem>>, vector<1x16xf32>,
        %get3A_943 = vector.shape_cast %get3A_942 : vector<1x16xf32> to vector<16xf32>
        %mul3A_944 = arith.mulf %gather3A_935, %get3A_943 : vector<16xf32>
        %add3A_945 = arith.addf %get3A_939, %mul3A_944 : vector<16xf32>
        %swap3A_946 = arith.index_cast %add3A_931 : i32 to index
        %swap3A_947 = arith.constant 0 : index
        %swap3A_948 = tpu.vector_load %arg12[%swap3A_946, %swap3A_947] {strides = array<i32>} : memref<256x64xf32, #tpu.memory_space<vmem>>, vector<1x16xf32>,
        %swap3A_949 = vector.shape_cast %swap3A_948 : vector<1x16xf32> to vector<16xf32>
        %swap3A_950 = vector.shape_cast %add3A_945 : vector<16xf32> to vector<1x16xf32>
        tpu.vector_store %arg12[%swap3A_946, %swap3A_947], %swap3A_950 {strides = array<i32>} : memref<256x64xf32, #tpu.memory_space<vmem>>, vector<1x16xf32>,
        %get3A_951 = arith.index_cast %add3A_931 : i32 to index
        %get3A_952 = arith.constant 16 : index
        %get3A_953 = tpu.vector_load %arg12[%get3A_951, %get3A_952] {strides = array<i32>} : memref<256x64xf32, #tpu.memory_space<vmem>>, vector<1x16xf32>,
        %get3A_954 = vector.shape_cast %get3A_953 : vector<1x16xf32> to vector<16xf32>
        %get3A_955 = arith.index_cast %add3A_931 : i32 to index
        %get3A_956 = arith.constant 16 : index
        %get3A_957 = tpu.vector_load %arg14[%get3A_955, %get3A_956] {strides = array<i32>} : memref<256x64xf32, #tpu.memory_space<vmem>>, vector<1x16xf32>,
        %get3A_958 = vector.shape_cast %get3A_957 : vector<1x16xf32> to vector<16xf32>
        %mul3A_959 = arith.mulf %gather3A_935, %get3A_958 : vector<16xf32>
        %add3A_960 = arith.addf %get3A_954, %mul3A_959 : vector<16xf32>
        %swap3A_961 = arith.index_cast %add3A_931 : i32 to index
        %swap3A_962 = arith.constant 16 : index
        %swap3A_963 = tpu.vector_load %arg12[%swap3A_961, %swap3A_962] {strides = array<i32>} : memref<256x64xf32, #tpu.memory_space<vmem>>, vector<1x16xf32>,
        %swap3A_964 = vector.shape_cast %swap3A_963 : vector<1x16xf32> to vector<16xf32>
        %swap3A_965 = vector.shape_cast %add3A_960 : vector<16xf32> to vector<1x16xf32>
        tpu.vector_store %arg12[%swap3A_961, %swap3A_962], %swap3A_965 {strides = array<i32>} : memref<256x64xf32, #tpu.memory_space<vmem>>, vector<1x16xf32>,
        %get3A_966 = arith.index_cast %add3A_931 : i32 to index
        %get3A_967 = arith.constant 32 : index
        %get3A_968 = tpu.vector_load %arg12[%get3A_966, %get3A_967] {strides = array<i32>} : memref<256x64xf32, #tpu.memory_space<vmem>>, vector<1x16xf32>,
        %get3A_969 = vector.shape_cast %get3A_968 : vector<1x16xf32> to vector<16xf32>
        %get3A_970 = arith.index_cast %add3A_931 : i32 to index
        %get3A_971 = arith.constant 32 : index
        %get3A_972 = tpu.vector_load %arg14[%get3A_970, %get3A_971] {strides = array<i32>} : memref<256x64xf32, #tpu.memory_space<vmem>>, vector<1x16xf32>,
        %get3A_973 = vector.shape_cast %get3A_972 : vector<1x16xf32> to vector<16xf32>
        %mul3A_974 = arith.mulf %gather3A_935, %get3A_973 : vector<16xf32>
        %add3A_975 = arith.addf %get3A_969, %mul3A_974 : vector<16xf32>
        %swap3A_976 = arith.index_cast %add3A_931 : i32 to index
        %swap3A_977 = arith.constant 32 : index
        %swap3A_978 = tpu.vector_load %arg12[%swap3A_976, %swap3A_977] {strides = array<i32>} : memref<256x64xf32, #tpu.memory_space<vmem>>, vector<1x16xf32>,
        %swap3A_979 = vector.shape_cast %swap3A_978 : vector<1x16xf32> to vector<16xf32>
        %swap3A_980 = vector.shape_cast %add3A_975 : vector<16xf32> to vector<1x16xf32>
        tpu.vector_store %arg12[%swap3A_976, %swap3A_977], %swap3A_980 {strides = array<i32>} : memref<256x64xf32, #tpu.memory_space<vmem>>, vector<1x16xf32>,
        %get3A_981 = arith.index_cast %add3A_931 : i32 to index
        %get3A_982 = arith.constant 48 : index
        %get3A_983 = tpu.vector_load %arg12[%get3A_981, %get3A_982] {strides = array<i32>} : memref<256x64xf32, #tpu.memory_space<vmem>>, vector<1x16xf32>,
        %get3A_984 = vector.shape_cast %get3A_983 : vector<1x16xf32> to vector<16xf32>
        %get3A_985 = arith.index_cast %add3A_931 : i32 to index
        %get3A_986 = arith.constant 48 : index
        %get3A_987 = tpu.vector_load %arg14[%get3A_985, %get3A_986] {strides = array<i32>} : memref<256x64xf32, #tpu.memory_space<vmem>>, vector<1x16xf32>,
        %get3A_988 = vector.shape_cast %get3A_987 : vector<1x16xf32> to vector<16xf32>
        %mul3A_989 = arith.mulf %gather3A_935, %get3A_988 : vector<16xf32>
        %add3A_990 = arith.addf %get3A_984, %mul3A_989 : vector<16xf32>
        %swap3A_991 = arith.index_cast %add3A_931 : i32 to index
        %swap3A_992 = arith.constant 48 : index
        %swap3A_993 = tpu.vector_load %arg12[%swap3A_991, %swap3A_992] {strides = array<i32>} : memref<256x64xf32, #tpu.memory_space<vmem>>, vector<1x16xf32>,
        %swap3A_994 = vector.shape_cast %swap3A_993 : vector<1x16xf32> to vector<16xf32>
        %swap3A_995 = vector.shape_cast %add3A_990 : vector<16xf32> to vector<1x16xf32>
        tpu.vector_store %arg12[%swap3A_991, %swap3A_992], %swap3A_995 {strides = array<i32>} : memref<256x64xf32, #tpu.memory_space<vmem>>, vector<1x16xf32>,
        %mul3A_996 = arith.constant 16 : i32
        %mul3A_997 = arith.muli %scan3A_236, %mul3A_996 : i32
        %add3A_998 = arith.constant 11 : i32
        %add3A_999 = arith.addi %mul3A_997, %add3A_998 : i32
        %broadcast_in_dim3A_1000 = arith.constant 11 : i32
        %broadcast_in_dim3A_1001 = vector.broadcast %broadcast_in_dim3A_1000 : i32 to vector<16x1xi32>
        %gather3A_1002 = vector.shape_cast %broadcast_in_dim3A_1001 : vector<16x1xi32> to vector<16xi32>
        %gather3A_1003 = tpu.dynamic_gather %add3A_250[%gather3A_1002] in [0] : vector<16xf32>, vector<16xi32> -> vector<16xf32>
        %get3A_1004 = arith.index_cast %add3A_999 : i32 to index
        %get3A_1005 = arith.constant 0 : index
        %get3A_1006 = tpu.vector_load %arg12[%get3A_1004, %get3A_1005] {strides = array<i32>} : memref<256x64xf32, #tpu.memory_space<vmem>>, vector<1x16xf32>,
        %get3A_1007 = vector.shape_cast %get3A_1006 : vector<1x16xf32> to vector<16xf32>
        %get3A_1008 = arith.index_cast %add3A_999 : i32 to index
        %get3A_1009 = arith.constant 0 : index
        %get3A_1010 = tpu.vector_load %arg14[%get3A_1008, %get3A_1009] {strides = array<i32>} : memref<256x64xf32, #tpu.memory_space<vmem>>, vector<1x16xf32>,
        %get3A_1011 = vector.shape_cast %get3A_1010 : vector<1x16xf32> to vector<16xf32>
        %mul3A_1012 = arith.mulf %gather3A_1003, %get3A_1011 : vector<16xf32>
        %add3A_1013 = arith.addf %get3A_1007, %mul3A_1012 : vector<16xf32>
        %swap3A_1014 = arith.index_cast %add3A_999 : i32 to index
        %swap3A_1015 = arith.constant 0 : index
        %swap3A_1016 = tpu.vector_load %arg12[%swap3A_1014, %swap3A_1015] {strides = array<i32>} : memref<256x64xf32, #tpu.memory_space<vmem>>, vector<1x16xf32>,
        %swap3A_1017 = vector.shape_cast %swap3A_1016 : vector<1x16xf32> to vector<16xf32>
        %swap3A_1018 = vector.shape_cast %add3A_1013 : vector<16xf32> to vector<1x16xf32>
        tpu.vector_store %arg12[%swap3A_1014, %swap3A_1015], %swap3A_1018 {strides = array<i32>} : memref<256x64xf32, #tpu.memory_space<vmem>>, vector<1x16xf32>,
        %get3A_1019 = arith.index_cast %add3A_999 : i32 to index
        %get3A_1020 = arith.constant 16 : index
        %get3A_1021 = tpu.vector_load %arg12[%get3A_1019, %get3A_1020] {strides = array<i32>} : memref<256x64xf32, #tpu.memory_space<vmem>>, vector<1x16xf32>,
        %get3A_1022 = vector.shape_cast %get3A_1021 : vector<1x16xf32> to vector<16xf32>
        %get3A_1023 = arith.index_cast %add3A_999 : i32 to index
        %get3A_1024 = arith.constant 16 : index
        %get3A_1025 = tpu.vector_load %arg14[%get3A_1023, %get3A_1024] {strides = array<i32>} : memref<256x64xf32, #tpu.memory_space<vmem>>, vector<1x16xf32>,
        %get3A_1026 = vector.shape_cast %get3A_1025 : vector<1x16xf32> to vector<16xf32>
        %mul3A_1027 = arith.mulf %gather3A_1003, %get3A_1026 : vector<16xf32>
        %add3A_1028 = arith.addf %get3A_1022, %mul3A_1027 : vector<16xf32>
        %swap3A_1029 = arith.index_cast %add3A_999 : i32 to index
        %swap3A_1030 = arith.constant 16 : index
        %swap3A_1031 = tpu.vector_load %arg12[%swap3A_1029, %swap3A_1030] {strides = array<i32>} : memref<256x64xf32, #tpu.memory_space<vmem>>, vector<1x16xf32>,
        %swap3A_1032 = vector.shape_cast %swap3A_1031 : vector<1x16xf32> to vector<16xf32>
        %swap3A_1033 = vector.shape_cast %add3A_1028 : vector<16xf32> to vector<1x16xf32>
        tpu.vector_store %arg12[%swap3A_1029, %swap3A_1030], %swap3A_1033 {strides = array<i32>} : memref<256x64xf32, #tpu.memory_space<vmem>>, vector<1x16xf32>,
        %get3A_1034 = arith.index_cast %add3A_999 : i32 to index
        %get3A_1035 = arith.constant 32 : index
        %get3A_1036 = tpu.vector_load %arg12[%get3A_1034, %get3A_1035] {strides = array<i32>} : memref<256x64xf32, #tpu.memory_space<vmem>>, vector<1x16xf32>,
        %get3A_1037 = vector.shape_cast %get3A_1036 : vector<1x16xf32> to vector<16xf32>
        %get3A_1038 = arith.index_cast %add3A_999 : i32 to index
        %get3A_1039 = arith.constant 32 : index
        %get3A_1040 = tpu.vector_load %arg14[%get3A_1038, %get3A_1039] {strides = array<i32>} : memref<256x64xf32, #tpu.memory_space<vmem>>, vector<1x16xf32>,
        %get3A_1041 = vector.shape_cast %get3A_1040 : vector<1x16xf32> to vector<16xf32>
        %mul3A_1042 = arith.mulf %gather3A_1003, %get3A_1041 : vector<16xf32>
        %add3A_1043 = arith.addf %get3A_1037, %mul3A_1042 : vector<16xf32>
        %swap3A_1044 = arith.index_cast %add3A_999 : i32 to index
        %swap3A_1045 = arith.constant 32 : index
        %swap3A_1046 = tpu.vector_load %arg12[%swap3A_1044, %swap3A_1045] {strides = array<i32>} : memref<256x64xf32, #tpu.memory_space<vmem>>, vector<1x16xf32>,
        %swap3A_1047 = vector.shape_cast %swap3A_1046 : vector<1x16xf32> to vector<16xf32>
        %swap3A_1048 = vector.shape_cast %add3A_1043 : vector<16xf32> to vector<1x16xf32>
        tpu.vector_store %arg12[%swap3A_1044, %swap3A_1045], %swap3A_1048 {strides = array<i32>} : memref<256x64xf32, #tpu.memory_space<vmem>>, vector<1x16xf32>,
        %get3A_1049 = arith.index_cast %add3A_999 : i32 to index
        %get3A_1050 = arith.constant 48 : index
        %get3A_1051 = tpu.vector_load %arg12[%get3A_1049, %get3A_1050] {strides = array<i32>} : memref<256x64xf32, #tpu.memory_space<vmem>>, vector<1x16xf32>,
        %get3A_1052 = vector.shape_cast %get3A_1051 : vector<1x16xf32> to vector<16xf32>
        %get3A_1053 = arith.index_cast %add3A_999 : i32 to index
        %get3A_1054 = arith.constant 48 : index
        %get3A_1055 = tpu.vector_load %arg14[%get3A_1053, %get3A_1054] {strides = array<i32>} : memref<256x64xf32, #tpu.memory_space<vmem>>, vector<1x16xf32>,
        %get3A_1056 = vector.shape_cast %get3A_1055 : vector<1x16xf32> to vector<16xf32>
        %mul3A_1057 = arith.mulf %gather3A_1003, %get3A_1056 : vector<16xf32>
        %add3A_1058 = arith.addf %get3A_1052, %mul3A_1057 : vector<16xf32>
        %swap3A_1059 = arith.index_cast %add3A_999 : i32 to index
        %swap3A_1060 = arith.constant 48 : index
        %swap3A_1061 = tpu.vector_load %arg12[%swap3A_1059, %swap3A_1060] {strides = array<i32>} : memref<256x64xf32, #tpu.memory_space<vmem>>, vector<1x16xf32>,
        %swap3A_1062 = vector.shape_cast %swap3A_1061 : vector<1x16xf32> to vector<16xf32>
        %swap3A_1063 = vector.shape_cast %add3A_1058 : vector<16xf32> to vector<1x16xf32>
        tpu.vector_store %arg12[%swap3A_1059, %swap3A_1060], %swap3A_1063 {strides = array<i32>} : memref<256x64xf32, #tpu.memory_space<vmem>>, vector<1x16xf32>,
        %mul3A_1064 = arith.constant 16 : i32
        %mul3A_1065 = arith.muli %scan3A_236, %mul3A_1064 : i32
        %add3A_1066 = arith.constant 12 : i32
        %add3A_1067 = arith.addi %mul3A_1065, %add3A_1066 : i32
        %broadcast_in_dim3A_1068 = arith.constant 12 : i32
        %broadcast_in_dim3A_1069 = vector.broadcast %broadcast_in_dim3A_1068 : i32 to vector<16x1xi32>
        %gather3A_1070 = vector.shape_cast %broadcast_in_dim3A_1069 : vector<16x1xi32> to vector<16xi32>
        %gather3A_1071 = tpu.dynamic_gather %add3A_250[%gather3A_1070] in [0] : vector<16xf32>, vector<16xi32> -> vector<16xf32>
        %get3A_1072 = arith.index_cast %add3A_1067 : i32 to index
        %get3A_1073 = arith.constant 0 : index
        %get3A_1074 = tpu.vector_load %arg12[%get3A_1072, %get3A_1073] {strides = array<i32>} : memref<256x64xf32, #tpu.memory_space<vmem>>, vector<1x16xf32>,
        %get3A_1075 = vector.shape_cast %get3A_1074 : vector<1x16xf32> to vector<16xf32>
        %get3A_1076 = arith.index_cast %add3A_1067 : i32 to index
        %get3A_1077 = arith.constant 0 : index
        %get3A_1078 = tpu.vector_load %arg14[%get3A_1076, %get3A_1077] {strides = array<i32>} : memref<256x64xf32, #tpu.memory_space<vmem>>, vector<1x16xf32>,
        %get3A_1079 = vector.shape_cast %get3A_1078 : vector<1x16xf32> to vector<16xf32>
        %mul3A_1080 = arith.mulf %gather3A_1071, %get3A_1079 : vector<16xf32>
        %add3A_1081 = arith.addf %get3A_1075, %mul3A_1080 : vector<16xf32>
        %swap3A_1082 = arith.index_cast %add3A_1067 : i32 to index
        %swap3A_1083 = arith.constant 0 : index
        %swap3A_1084 = tpu.vector_load %arg12[%swap3A_1082, %swap3A_1083] {strides = array<i32>} : memref<256x64xf32, #tpu.memory_space<vmem>>, vector<1x16xf32>,
        %swap3A_1085 = vector.shape_cast %swap3A_1084 : vector<1x16xf32> to vector<16xf32>
        %swap3A_1086 = vector.shape_cast %add3A_1081 : vector<16xf32> to vector<1x16xf32>
        tpu.vector_store %arg12[%swap3A_1082, %swap3A_1083], %swap3A_1086 {strides = array<i32>} : memref<256x64xf32, #tpu.memory_space<vmem>>, vector<1x16xf32>,
        %get3A_1087 = arith.index_cast %add3A_1067 : i32 to index
        %get3A_1088 = arith.constant 16 : index
        %get3A_1089 = tpu.vector_load %arg12[%get3A_1087, %get3A_1088] {strides = array<i32>} : memref<256x64xf32, #tpu.memory_space<vmem>>, vector<1x16xf32>,
        %get3A_1090 = vector.shape_cast %get3A_1089 : vector<1x16xf32> to vector<16xf32>
        %get3A_1091 = arith.index_cast %add3A_1067 : i32 to index
        %get3A_1092 = arith.constant 16 : index
        %get3A_1093 = tpu.vector_load %arg14[%get3A_1091, %get3A_1092] {strides = array<i32>} : memref<256x64xf32, #tpu.memory_space<vmem>>, vector<1x16xf32>,
        %get3A_1094 = vector.shape_cast %get3A_1093 : vector<1x16xf32> to vector<16xf32>
        %mul3A_1095 = arith.mulf %gather3A_1071, %get3A_1094 : vector<16xf32>
        %add3A_1096 = arith.addf %get3A_1090, %mul3A_1095 : vector<16xf32>
        %swap3A_1097 = arith.index_cast %add3A_1067 : i32 to index
        %swap3A_1098 = arith.constant 16 : index
        %swap3A_1099 = tpu.vector_load %arg12[%swap3A_1097, %swap3A_1098] {strides = array<i32>} : memref<256x64xf32, #tpu.memory_space<vmem>>, vector<1x16xf32>,
        %swap3A_1100 = vector.shape_cast %swap3A_1099 : vector<1x16xf32> to vector<16xf32>
        %swap3A_1101 = vector.shape_cast %add3A_1096 : vector<16xf32> to vector<1x16xf32>
        tpu.vector_store %arg12[%swap3A_1097, %swap3A_1098], %swap3A_1101 {strides = array<i32>} : memref<256x64xf32, #tpu.memory_space<vmem>>, vector<1x16xf32>,
        %get3A_1102 = arith.index_cast %add3A_1067 : i32 to index
        %get3A_1103 = arith.constant 32 : index
        %get3A_1104 = tpu.vector_load %arg12[%get3A_1102, %get3A_1103] {strides = array<i32>} : memref<256x64xf32, #tpu.memory_space<vmem>>, vector<1x16xf32>,
        %get3A_1105 = vector.shape_cast %get3A_1104 : vector<1x16xf32> to vector<16xf32>
        %get3A_1106 = arith.index_cast %add3A_1067 : i32 to index
        %get3A_1107 = arith.constant 32 : index
        %get3A_1108 = tpu.vector_load %arg14[%get3A_1106, %get3A_1107] {strides = array<i32>} : memref<256x64xf32, #tpu.memory_space<vmem>>, vector<1x16xf32>,
        %get3A_1109 = vector.shape_cast %get3A_1108 : vector<1x16xf32> to vector<16xf32>
        %mul3A_1110 = arith.mulf %gather3A_1071, %get3A_1109 : vector<16xf32>
        %add3A_1111 = arith.addf %get3A_1105, %mul3A_1110 : vector<16xf32>
        %swap3A_1112 = arith.index_cast %add3A_1067 : i32 to index
        %swap3A_1113 = arith.constant 32 : index
        %swap3A_1114 = tpu.vector_load %arg12[%swap3A_1112, %swap3A_1113] {strides = array<i32>} : memref<256x64xf32, #tpu.memory_space<vmem>>, vector<1x16xf32>,
        %swap3A_1115 = vector.shape_cast %swap3A_1114 : vector<1x16xf32> to vector<16xf32>
        %swap3A_1116 = vector.shape_cast %add3A_1111 : vector<16xf32> to vector<1x16xf32>
        tpu.vector_store %arg12[%swap3A_1112, %swap3A_1113], %swap3A_1116 {strides = array<i32>} : memref<256x64xf32, #tpu.memory_space<vmem>>, vector<1x16xf32>,
        %get3A_1117 = arith.index_cast %add3A_1067 : i32 to index
        %get3A_1118 = arith.constant 48 : index
        %get3A_1119 = tpu.vector_load %arg12[%get3A_1117, %get3A_1118] {strides = array<i32>} : memref<256x64xf32, #tpu.memory_space<vmem>>, vector<1x16xf32>,
        %get3A_1120 = vector.shape_cast %get3A_1119 : vector<1x16xf32> to vector<16xf32>
        %get3A_1121 = arith.index_cast %add3A_1067 : i32 to index
        %get3A_1122 = arith.constant 48 : index
        %get3A_1123 = tpu.vector_load %arg14[%get3A_1121, %get3A_1122] {strides = array<i32>} : memref<256x64xf32, #tpu.memory_space<vmem>>, vector<1x16xf32>,
        %get3A_1124 = vector.shape_cast %get3A_1123 : vector<1x16xf32> to vector<16xf32>
        %mul3A_1125 = arith.mulf %gather3A_1071, %get3A_1124 : vector<16xf32>
        %add3A_1126 = arith.addf %get3A_1120, %mul3A_1125 : vector<16xf32>
        %swap3A_1127 = arith.index_cast %add3A_1067 : i32 to index
        %swap3A_1128 = arith.constant 48 : index
        %swap3A_1129 = tpu.vector_load %arg12[%swap3A_1127, %swap3A_1128] {strides = array<i32>} : memref<256x64xf32, #tpu.memory_space<vmem>>, vector<1x16xf32>,
        %swap3A_1130 = vector.shape_cast %swap3A_1129 : vector<1x16xf32> to vector<16xf32>
        %swap3A_1131 = vector.shape_cast %add3A_1126 : vector<16xf32> to vector<1x16xf32>
        tpu.vector_store %arg12[%swap3A_1127, %swap3A_1128], %swap3A_1131 {strides = array<i32>} : memref<256x64xf32, #tpu.memory_space<vmem>>, vector<1x16xf32>,
        %mul3A_1132 = arith.constant 16 : i32
        %mul3A_1133 = arith.muli %scan3A_236, %mul3A_1132 : i32
        %add3A_1134 = arith.constant 13 : i32
        %add3A_1135 = arith.addi %mul3A_1133, %add3A_1134 : i32
        %broadcast_in_dim3A_1136 = arith.constant 13 : i32
        %broadcast_in_dim3A_1137 = vector.broadcast %broadcast_in_dim3A_1136 : i32 to vector<16x1xi32>
        %gather3A_1138 = vector.shape_cast %broadcast_in_dim3A_1137 : vector<16x1xi32> to vector<16xi32>
        %gather3A_1139 = tpu.dynamic_gather %add3A_250[%gather3A_1138] in [0] : vector<16xf32>, vector<16xi32> -> vector<16xf32>
        %get3A_1140 = arith.index_cast %add3A_1135 : i32 to index
        %get3A_1141 = arith.constant 0 : index
        %get3A_1142 = tpu.vector_load %arg12[%get3A_1140, %get3A_1141] {strides = array<i32>} : memref<256x64xf32, #tpu.memory_space<vmem>>, vector<1x16xf32>,
        %get3A_1143 = vector.shape_cast %get3A_1142 : vector<1x16xf32> to vector<16xf32>
        %get3A_1144 = arith.index_cast %add3A_1135 : i32 to index
        %get3A_1145 = arith.constant 0 : index
        %get3A_1146 = tpu.vector_load %arg14[%get3A_1144, %get3A_1145] {strides = array<i32>} : memref<256x64xf32, #tpu.memory_space<vmem>>, vector<1x16xf32>,
        %get3A_1147 = vector.shape_cast %get3A_1146 : vector<1x16xf32> to vector<16xf32>
        %mul3A_1148 = arith.mulf %gather3A_1139, %get3A_1147 : vector<16xf32>
        %add3A_1149 = arith.addf %get3A_1143, %mul3A_1148 : vector<16xf32>
        %swap3A_1150 = arith.index_cast %add3A_1135 : i32 to index
        %swap3A_1151 = arith.constant 0 : index
        %swap3A_1152 = tpu.vector_load %arg12[%swap3A_1150, %swap3A_1151] {strides = array<i32>} : memref<256x64xf32, #tpu.memory_space<vmem>>, vector<1x16xf32>,
        %swap3A_1153 = vector.shape_cast %swap3A_1152 : vector<1x16xf32> to vector<16xf32>
        %swap3A_1154 = vector.shape_cast %add3A_1149 : vector<16xf32> to vector<1x16xf32>
        tpu.vector_store %arg12[%swap3A_1150, %swap3A_1151], %swap3A_1154 {strides = array<i32>} : memref<256x64xf32, #tpu.memory_space<vmem>>, vector<1x16xf32>,
        %get3A_1155 = arith.index_cast %add3A_1135 : i32 to index
        %get3A_1156 = arith.constant 16 : index
        %get3A_1157 = tpu.vector_load %arg12[%get3A_1155, %get3A_1156] {strides = array<i32>} : memref<256x64xf32, #tpu.memory_space<vmem>>, vector<1x16xf32>,
        %get3A_1158 = vector.shape_cast %get3A_1157 : vector<1x16xf32> to vector<16xf32>
        %get3A_1159 = arith.index_cast %add3A_1135 : i32 to index
        %get3A_1160 = arith.constant 16 : index
        %get3A_1161 = tpu.vector_load %arg14[%get3A_1159, %get3A_1160] {strides = array<i32>} : memref<256x64xf32, #tpu.memory_space<vmem>>, vector<1x16xf32>,
        %get3A_1162 = vector.shape_cast %get3A_1161 : vector<1x16xf32> to vector<16xf32>
        %mul3A_1163 = arith.mulf %gather3A_1139, %get3A_1162 : vector<16xf32>
        %add3A_1164 = arith.addf %get3A_1158, %mul3A_1163 : vector<16xf32>
        %swap3A_1165 = arith.index_cast %add3A_1135 : i32 to index
        %swap3A_1166 = arith.constant 16 : index
        %swap3A_1167 = tpu.vector_load %arg12[%swap3A_1165, %swap3A_1166] {strides = array<i32>} : memref<256x64xf32, #tpu.memory_space<vmem>>, vector<1x16xf32>,
        %swap3A_1168 = vector.shape_cast %swap3A_1167 : vector<1x16xf32> to vector<16xf32>
        %swap3A_1169 = vector.shape_cast %add3A_1164 : vector<16xf32> to vector<1x16xf32>
        tpu.vector_store %arg12[%swap3A_1165, %swap3A_1166], %swap3A_1169 {strides = array<i32>} : memref<256x64xf32, #tpu.memory_space<vmem>>, vector<1x16xf32>,
        %get3A_1170 = arith.index_cast %add3A_1135 : i32 to index
        %get3A_1171 = arith.constant 32 : index
        %get3A_1172 = tpu.vector_load %arg12[%get3A_1170, %get3A_1171] {strides = array<i32>} : memref<256x64xf32, #tpu.memory_space<vmem>>, vector<1x16xf32>,
        %get3A_1173 = vector.shape_cast %get3A_1172 : vector<1x16xf32> to vector<16xf32>
        %get3A_1174 = arith.index_cast %add3A_1135 : i32 to index
        %get3A_1175 = arith.constant 32 : index
        %get3A_1176 = tpu.vector_load %arg14[%get3A_1174, %get3A_1175] {strides = array<i32>} : memref<256x64xf32, #tpu.memory_space<vmem>>, vector<1x16xf32>,
        %get3A_1177 = vector.shape_cast %get3A_1176 : vector<1x16xf32> to vector<16xf32>
        %mul3A_1178 = arith.mulf %gather3A_1139, %get3A_1177 : vector<16xf32>
        %add3A_1179 = arith.addf %get3A_1173, %mul3A_1178 : vector<16xf32>
        %swap3A_1180 = arith.index_cast %add3A_1135 : i32 to index
        %swap3A_1181 = arith.constant 32 : index
        %swap3A_1182 = tpu.vector_load %arg12[%swap3A_1180, %swap3A_1181] {strides = array<i32>} : memref<256x64xf32, #tpu.memory_space<vmem>>, vector<1x16xf32>,
        %swap3A_1183 = vector.shape_cast %swap3A_1182 : vector<1x16xf32> to vector<16xf32>
        %swap3A_1184 = vector.shape_cast %add3A_1179 : vector<16xf32> to vector<1x16xf32>
        tpu.vector_store %arg12[%swap3A_1180, %swap3A_1181], %swap3A_1184 {strides = array<i32>} : memref<256x64xf32, #tpu.memory_space<vmem>>, vector<1x16xf32>,
        %get3A_1185 = arith.index_cast %add3A_1135 : i32 to index
        %get3A_1186 = arith.constant 48 : index
        %get3A_1187 = tpu.vector_load %arg12[%get3A_1185, %get3A_1186] {strides = array<i32>} : memref<256x64xf32, #tpu.memory_space<vmem>>, vector<1x16xf32>,
        %get3A_1188 = vector.shape_cast %get3A_1187 : vector<1x16xf32> to vector<16xf32>
        %get3A_1189 = arith.index_cast %add3A_1135 : i32 to index
        %get3A_1190 = arith.constant 48 : index
        %get3A_1191 = tpu.vector_load %arg14[%get3A_1189, %get3A_1190] {strides = array<i32>} : memref<256x64xf32, #tpu.memory_space<vmem>>, vector<1x16xf32>,
        %get3A_1192 = vector.shape_cast %get3A_1191 : vector<1x16xf32> to vector<16xf32>
        %mul3A_1193 = arith.mulf %gather3A_1139, %get3A_1192 : vector<16xf32>
        %add3A_1194 = arith.addf %get3A_1188, %mul3A_1193 : vector<16xf32>
        %swap3A_1195 = arith.index_cast %add3A_1135 : i32 to index
        %swap3A_1196 = arith.constant 48 : index
        %swap3A_1197 = tpu.vector_load %arg12[%swap3A_1195, %swap3A_1196] {strides = array<i32>} : memref<256x64xf32, #tpu.memory_space<vmem>>, vector<1x16xf32>,
        %swap3A_1198 = vector.shape_cast %swap3A_1197 : vector<1x16xf32> to vector<16xf32>
        %swap3A_1199 = vector.shape_cast %add3A_1194 : vector<16xf32> to vector<1x16xf32>
        tpu.vector_store %arg12[%swap3A_1195, %swap3A_1196], %swap3A_1199 {strides = array<i32>} : memref<256x64xf32, #tpu.memory_space<vmem>>, vector<1x16xf32>,
        %mul3A_1200 = arith.constant 16 : i32
        %mul3A_1201 = arith.muli %scan3A_236, %mul3A_1200 : i32
        %add3A_1202 = arith.constant 14 : i32
        %add3A_1203 = arith.addi %mul3A_1201, %add3A_1202 : i32
        %broadcast_in_dim3A_1204 = arith.constant 14 : i32
        %broadcast_in_dim3A_1205 = vector.broadcast %broadcast_in_dim3A_1204 : i32 to vector<16x1xi32>
        %gather3A_1206 = vector.shape_cast %broadcast_in_dim3A_1205 : vector<16x1xi32> to vector<16xi32>
        %gather3A_1207 = tpu.dynamic_gather %add3A_250[%gather3A_1206] in [0] : vector<16xf32>, vector<16xi32> -> vector<16xf32>
        %get3A_1208 = arith.index_cast %add3A_1203 : i32 to index
        %get3A_1209 = arith.constant 0 : index
        %get3A_1210 = tpu.vector_load %arg12[%get3A_1208, %get3A_1209] {strides = array<i32>} : memref<256x64xf32, #tpu.memory_space<vmem>>, vector<1x16xf32>,
        %get3A_1211 = vector.shape_cast %get3A_1210 : vector<1x16xf32> to vector<16xf32>
        %get3A_1212 = arith.index_cast %add3A_1203 : i32 to index
        %get3A_1213 = arith.constant 0 : index
        %get3A_1214 = tpu.vector_load %arg14[%get3A_1212, %get3A_1213] {strides = array<i32>} : memref<256x64xf32, #tpu.memory_space<vmem>>, vector<1x16xf32>,
        %get3A_1215 = vector.shape_cast %get3A_1214 : vector<1x16xf32> to vector<16xf32>
        %mul3A_1216 = arith.mulf %gather3A_1207, %get3A_1215 : vector<16xf32>
        %add3A_1217 = arith.addf %get3A_1211, %mul3A_1216 : vector<16xf32>
        %swap3A_1218 = arith.index_cast %add3A_1203 : i32 to index
        %swap3A_1219 = arith.constant 0 : index
        %swap3A_1220 = tpu.vector_load %arg12[%swap3A_1218, %swap3A_1219] {strides = array<i32>} : memref<256x64xf32, #tpu.memory_space<vmem>>, vector<1x16xf32>,
        %swap3A_1221 = vector.shape_cast %swap3A_1220 : vector<1x16xf32> to vector<16xf32>
        %swap3A_1222 = vector.shape_cast %add3A_1217 : vector<16xf32> to vector<1x16xf32>
        tpu.vector_store %arg12[%swap3A_1218, %swap3A_1219], %swap3A_1222 {strides = array<i32>} : memref<256x64xf32, #tpu.memory_space<vmem>>, vector<1x16xf32>,
        %get3A_1223 = arith.index_cast %add3A_1203 : i32 to index
        %get3A_1224 = arith.constant 16 : index
        %get3A_1225 = tpu.vector_load %arg12[%get3A_1223, %get3A_1224] {strides = array<i32>} : memref<256x64xf32, #tpu.memory_space<vmem>>, vector<1x16xf32>,
        %get3A_1226 = vector.shape_cast %get3A_1225 : vector<1x16xf32> to vector<16xf32>
        %get3A_1227 = arith.index_cast %add3A_1203 : i32 to index
        %get3A_1228 = arith.constant 16 : index
        %get3A_1229 = tpu.vector_load %arg14[%get3A_1227, %get3A_1228] {strides = array<i32>} : memref<256x64xf32, #tpu.memory_space<vmem>>, vector<1x16xf32>,
        %get3A_1230 = vector.shape_cast %get3A_1229 : vector<1x16xf32> to vector<16xf32>
        %mul3A_1231 = arith.mulf %gather3A_1207, %get3A_1230 : vector<16xf32>
        %add3A_1232 = arith.addf %get3A_1226, %mul3A_1231 : vector<16xf32>
        %swap3A_1233 = arith.index_cast %add3A_1203 : i32 to index
        %swap3A_1234 = arith.constant 16 : index
        %swap3A_1235 = tpu.vector_load %arg12[%swap3A_1233, %swap3A_1234] {strides = array<i32>} : memref<256x64xf32, #tpu.memory_space<vmem>>, vector<1x16xf32>,
        %swap3A_1236 = vector.shape_cast %swap3A_1235 : vector<1x16xf32> to vector<16xf32>
        %swap3A_1237 = vector.shape_cast %add3A_1232 : vector<16xf32> to vector<1x16xf32>
        tpu.vector_store %arg12[%swap3A_1233, %swap3A_1234], %swap3A_1237 {strides = array<i32>} : memref<256x64xf32, #tpu.memory_space<vmem>>, vector<1x16xf32>,
        %get3A_1238 = arith.index_cast %add3A_1203 : i32 to index
        %get3A_1239 = arith.constant 32 : index
        %get3A_1240 = tpu.vector_load %arg12[%get3A_1238, %get3A_1239] {strides = array<i32>} : memref<256x64xf32, #tpu.memory_space<vmem>>, vector<1x16xf32>,
        %get3A_1241 = vector.shape_cast %get3A_1240 : vector<1x16xf32> to vector<16xf32>
        %get3A_1242 = arith.index_cast %add3A_1203 : i32 to index
        %get3A_1243 = arith.constant 32 : index
        %get3A_1244 = tpu.vector_load %arg14[%get3A_1242, %get3A_1243] {strides = array<i32>} : memref<256x64xf32, #tpu.memory_space<vmem>>, vector<1x16xf32>,
        %get3A_1245 = vector.shape_cast %get3A_1244 : vector<1x16xf32> to vector<16xf32>
        %mul3A_1246 = arith.mulf %gather3A_1207, %get3A_1245 : vector<16xf32>
        %add3A_1247 = arith.addf %get3A_1241, %mul3A_1246 : vector<16xf32>
        %swap3A_1248 = arith.index_cast %add3A_1203 : i32 to index
        %swap3A_1249 = arith.constant 32 : index
        %swap3A_1250 = tpu.vector_load %arg12[%swap3A_1248, %swap3A_1249] {strides = array<i32>} : memref<256x64xf32, #tpu.memory_space<vmem>>, vector<1x16xf32>,
        %swap3A_1251 = vector.shape_cast %swap3A_1250 : vector<1x16xf32> to vector<16xf32>
        %swap3A_1252 = vector.shape_cast %add3A_1247 : vector<16xf32> to vector<1x16xf32>
        tpu.vector_store %arg12[%swap3A_1248, %swap3A_1249], %swap3A_1252 {strides = array<i32>} : memref<256x64xf32, #tpu.memory_space<vmem>>, vector<1x16xf32>,
        %get3A_1253 = arith.index_cast %add3A_1203 : i32 to index
        %get3A_1254 = arith.constant 48 : index
        %get3A_1255 = tpu.vector_load %arg12[%get3A_1253, %get3A_1254] {strides = array<i32>} : memref<256x64xf32, #tpu.memory_space<vmem>>, vector<1x16xf32>,
        %get3A_1256 = vector.shape_cast %get3A_1255 : vector<1x16xf32> to vector<16xf32>
        %get3A_1257 = arith.index_cast %add3A_1203 : i32 to index
        %get3A_1258 = arith.constant 48 : index
        %get3A_1259 = tpu.vector_load %arg14[%get3A_1257, %get3A_1258] {strides = array<i32>} : memref<256x64xf32, #tpu.memory_space<vmem>>, vector<1x16xf32>,
        %get3A_1260 = vector.shape_cast %get3A_1259 : vector<1x16xf32> to vector<16xf32>
        %mul3A_1261 = arith.mulf %gather3A_1207, %get3A_1260 : vector<16xf32>
        %add3A_1262 = arith.addf %get3A_1256, %mul3A_1261 : vector<16xf32>
        %swap3A_1263 = arith.index_cast %add3A_1203 : i32 to index
        %swap3A_1264 = arith.constant 48 : index
        %swap3A_1265 = tpu.vector_load %arg12[%swap3A_1263, %swap3A_1264] {strides = array<i32>} : memref<256x64xf32, #tpu.memory_space<vmem>>, vector<1x16xf32>,
        %swap3A_1266 = vector.shape_cast %swap3A_1265 : vector<1x16xf32> to vector<16xf32>
        %swap3A_1267 = vector.shape_cast %add3A_1262 : vector<16xf32> to vector<1x16xf32>
        tpu.vector_store %arg12[%swap3A_1263, %swap3A_1264], %swap3A_1267 {strides = array<i32>} : memref<256x64xf32, #tpu.memory_space<vmem>>, vector<1x16xf32>,
        %mul3A_1268 = arith.constant 16 : i32
        %mul3A_1269 = arith.muli %scan3A_236, %mul3A_1268 : i32
        %add3A_1270 = arith.constant 15 : i32
        %add3A_1271 = arith.addi %mul3A_1269, %add3A_1270 : i32
        %broadcast_in_dim3A_1272 = arith.constant 15 : i32
        %broadcast_in_dim3A_1273 = vector.broadcast %broadcast_in_dim3A_1272 : i32 to vector<16x1xi32>
        %gather3A_1274 = vector.shape_cast %broadcast_in_dim3A_1273 : vector<16x1xi32> to vector<16xi32>
        %gather3A_1275 = tpu.dynamic_gather %add3A_250[%gather3A_1274] in [0] : vector<16xf32>, vector<16xi32> -> vector<16xf32>
        %get3A_1276 = arith.index_cast %add3A_1271 : i32 to index
        %get3A_1277 = arith.constant 0 : index
        %get3A_1278 = tpu.vector_load %arg12[%get3A_1276, %get3A_1277] {strides = array<i32>} : memref<256x64xf32, #tpu.memory_space<vmem>>, vector<1x16xf32>,
        %get3A_1279 = vector.shape_cast %get3A_1278 : vector<1x16xf32> to vector<16xf32>
        %get3A_1280 = arith.index_cast %add3A_1271 : i32 to index
        %get3A_1281 = arith.constant 0 : index
        %get3A_1282 = tpu.vector_load %arg14[%get3A_1280, %get3A_1281] {strides = array<i32>} : memref<256x64xf32, #tpu.memory_space<vmem>>, vector<1x16xf32>,
        %get3A_1283 = vector.shape_cast %get3A_1282 : vector<1x16xf32> to vector<16xf32>
        %mul3A_1284 = arith.mulf %gather3A_1275, %get3A_1283 : vector<16xf32>
        %add3A_1285 = arith.addf %get3A_1279, %mul3A_1284 : vector<16xf32>
        %swap3A_1286 = arith.index_cast %add3A_1271 : i32 to index
        %swap3A_1287 = arith.constant 0 : index
        %swap3A_1288 = tpu.vector_load %arg12[%swap3A_1286, %swap3A_1287] {strides = array<i32>} : memref<256x64xf32, #tpu.memory_space<vmem>>, vector<1x16xf32>,
        %swap3A_1289 = vector.shape_cast %swap3A_1288 : vector<1x16xf32> to vector<16xf32>
        %swap3A_1290 = vector.shape_cast %add3A_1285 : vector<16xf32> to vector<1x16xf32>
        tpu.vector_store %arg12[%swap3A_1286, %swap3A_1287], %swap3A_1290 {strides = array<i32>} : memref<256x64xf32, #tpu.memory_space<vmem>>, vector<1x16xf32>,
        %get3A_1291 = arith.index_cast %add3A_1271 : i32 to index
        %get3A_1292 = arith.constant 16 : index
        %get3A_1293 = tpu.vector_load %arg12[%get3A_1291, %get3A_1292] {strides = array<i32>} : memref<256x64xf32, #tpu.memory_space<vmem>>, vector<1x16xf32>,
        %get3A_1294 = vector.shape_cast %get3A_1293 : vector<1x16xf32> to vector<16xf32>
        %get3A_1295 = arith.index_cast %add3A_1271 : i32 to index
        %get3A_1296 = arith.constant 16 : index
        %get3A_1297 = tpu.vector_load %arg14[%get3A_1295, %get3A_1296] {strides = array<i32>} : memref<256x64xf32, #tpu.memory_space<vmem>>, vector<1x16xf32>,
        %get3A_1298 = vector.shape_cast %get3A_1297 : vector<1x16xf32> to vector<16xf32>
        %mul3A_1299 = arith.mulf %gather3A_1275, %get3A_1298 : vector<16xf32>
        %add3A_1300 = arith.addf %get3A_1294, %mul3A_1299 : vector<16xf32>
        %swap3A_1301 = arith.index_cast %add3A_1271 : i32 to index
        %swap3A_1302 = arith.constant 16 : index
        %swap3A_1303 = tpu.vector_load %arg12[%swap3A_1301, %swap3A_1302] {strides = array<i32>} : memref<256x64xf32, #tpu.memory_space<vmem>>, vector<1x16xf32>,
        %swap3A_1304 = vector.shape_cast %swap3A_1303 : vector<1x16xf32> to vector<16xf32>
        %swap3A_1305 = vector.shape_cast %add3A_1300 : vector<16xf32> to vector<1x16xf32>
        tpu.vector_store %arg12[%swap3A_1301, %swap3A_1302], %swap3A_1305 {strides = array<i32>} : memref<256x64xf32, #tpu.memory_space<vmem>>, vector<1x16xf32>,
        %get3A_1306 = arith.index_cast %add3A_1271 : i32 to index
        %get3A_1307 = arith.constant 32 : index
        %get3A_1308 = tpu.vector_load %arg12[%get3A_1306, %get3A_1307] {strides = array<i32>} : memref<256x64xf32, #tpu.memory_space<vmem>>, vector<1x16xf32>,
        %get3A_1309 = vector.shape_cast %get3A_1308 : vector<1x16xf32> to vector<16xf32>
        %get3A_1310 = arith.index_cast %add3A_1271 : i32 to index
        %get3A_1311 = arith.constant 32 : index
        %get3A_1312 = tpu.vector_load %arg14[%get3A_1310, %get3A_1311] {strides = array<i32>} : memref<256x64xf32, #tpu.memory_space<vmem>>, vector<1x16xf32>,
        %get3A_1313 = vector.shape_cast %get3A_1312 : vector<1x16xf32> to vector<16xf32>
        %mul3A_1314 = arith.mulf %gather3A_1275, %get3A_1313 : vector<16xf32>
        %add3A_1315 = arith.addf %get3A_1309, %mul3A_1314 : vector<16xf32>
        %swap3A_1316 = arith.index_cast %add3A_1271 : i32 to index
        %swap3A_1317 = arith.constant 32 : index
        %swap3A_1318 = tpu.vector_load %arg12[%swap3A_1316, %swap3A_1317] {strides = array<i32>} : memref<256x64xf32, #tpu.memory_space<vmem>>, vector<1x16xf32>,
        %swap3A_1319 = vector.shape_cast %swap3A_1318 : vector<1x16xf32> to vector<16xf32>
        %swap3A_1320 = vector.shape_cast %add3A_1315 : vector<16xf32> to vector<1x16xf32>
        tpu.vector_store %arg12[%swap3A_1316, %swap3A_1317], %swap3A_1320 {strides = array<i32>} : memref<256x64xf32, #tpu.memory_space<vmem>>, vector<1x16xf32>,
        %get3A_1321 = arith.index_cast %add3A_1271 : i32 to index
        %get3A_1322 = arith.constant 48 : index
        %get3A_1323 = tpu.vector_load %arg12[%get3A_1321, %get3A_1322] {strides = array<i32>} : memref<256x64xf32, #tpu.memory_space<vmem>>, vector<1x16xf32>,
        %get3A_1324 = vector.shape_cast %get3A_1323 : vector<1x16xf32> to vector<16xf32>
        %get3A_1325 = arith.index_cast %add3A_1271 : i32 to index
        %get3A_1326 = arith.constant 48 : index
        %get3A_1327 = tpu.vector_load %arg14[%get3A_1325, %get3A_1326] {strides = array<i32>} : memref<256x64xf32, #tpu.memory_space<vmem>>, vector<1x16xf32>,
        %get3A_1328 = vector.shape_cast %get3A_1327 : vector<1x16xf32> to vector<16xf32>
        %mul3A_1329 = arith.mulf %gather3A_1275, %get3A_1328 : vector<16xf32>
        %add3A_1330 = arith.addf %get3A_1324, %mul3A_1329 : vector<16xf32>
        %swap3A_1331 = arith.index_cast %add3A_1271 : i32 to index
        %swap3A_1332 = arith.constant 48 : index
        %swap3A_1333 = tpu.vector_load %arg12[%swap3A_1331, %swap3A_1332] {strides = array<i32>} : memref<256x64xf32, #tpu.memory_space<vmem>>, vector<1x16xf32>,
        %swap3A_1334 = vector.shape_cast %swap3A_1333 : vector<1x16xf32> to vector<16xf32>
        %swap3A_1335 = vector.shape_cast %add3A_1330 : vector<16xf32> to vector<1x16xf32>
        tpu.vector_store %arg12[%swap3A_1331, %swap3A_1332], %swap3A_1335 {strides = array<i32>} : memref<256x64xf32, #tpu.memory_space<vmem>>, vector<1x16xf32>,
      }
      %scan3A_223 = arith.constant 16 : i32
      %mul3A_224 = arith.constant 256 : i32
      %mul3A_225 = arith.muli %add3A_114, %mul3A_224 : i32
      %add3A_226 = arith.addi %mul3A_2, %mul3A_225 : i32
      %dma_start3A_227 = arith.constant 0 : i32
      %dma_start3A_228 = tpu.memref_slice %arg6[%add3A_226, %dma_start3A_227] : memref<819200x64xf32, #tpu.memory_space<hbm>> -> memref<256x64xf32, #tpu.memory_space<hbm>>
      %dma_start3A_229 = arith.constant 0 : i32
      %dma_start3A_230 = tpu.memref_slice %arg6[%add3A_226, %dma_start3A_229] : memref<819200x64xf32, #tpu.memory_space<hbm>> -> memref<256x64xf32, #tpu.memory_space<hbm>>
      tpu.enqueue_dma source(%arg12 : memref<256x64xf32, #tpu.memory_space<vmem>>) target(%dma_start3A_230 : memref<256x64xf32, #tpu.memory_space<hbm>>) target_semaphore(%arg18 : memref<!tpu.dma_semaphore, #tpu.memory_space<semaphore_mem>>)
      %lt3A_231 = arith.constant 49 : i32
      %lt3A_232 = arith.cmpi slt, %scan3A_110, %lt3A_231 : i32
      %convert_element_type3A_233 = arith.extui %lt3A_232 : i1 to i32
      %cond3A_234 = arith.constant 0 : i32
      %cond3A_235 = arith.cmpi ne, %convert_element_type3A_233, %cond3A_234 : i32
      scf.if %cond3A_235 {
        %mul3A_236 = arith.constant 256 : i32
        %mul3A_237 = arith.muli %add3A_114, %mul3A_236 : i32
        %add3A_238 = arith.addi %mul3A_2, %mul3A_237 : i32
        %dma_wait3A_239 = arith.constant 0 : i32
        %dma_wait3A_240 = tpu.memref_slice %arg6[%add3A_238, %dma_wait3A_239] : memref<819200x64xf32, #tpu.memory_space<hbm>> -> memref<256x64xf32, #tpu.memory_space<hbm>>
        %dma_wait3A_241 = arith.constant 0 : i32
        %dma_wait3A_242 = tpu.memref_slice %arg6[%add3A_238, %dma_wait3A_241] : memref<819200x64xf32, #tpu.memory_space<hbm>> -> memref<256x64xf32, #tpu.memory_space<hbm>>
        tpu.wait_dma2 semaphore(%arg18 : memref<!tpu.dma_semaphore, #tpu.memory_space<semaphore_mem>>) src(%arg12 : memref<256x64xf32, #tpu.memory_space<vmem>>) dst(%dma_wait3A_242 : memref<256x64xf32, #tpu.memory_space<hbm>>)
        %add3A_243 = arith.constant 2 : i32
        %add3A_244 = arith.addi %add3A_114, %add3A_243 : i32
        %mul3A_245 = arith.constant 256 : i32
        %mul3A_246 = arith.muli %add3A_244, %mul3A_245 : i32
        %add3A_247 = arith.addi %mul3A_2, %mul3A_246 : i32
        "tpu.region"() ({
          %run_scoped3A = tpu.sem_alloc : memref<!tpu.dma_semaphore, #tpu.memory_space<semaphore_mem>>
          %dma_start3A_292 = tpu.memref_slice %arg2[%add3A_247] : memref<819200xi32, #tpu.memory_space<hbm>> -> memref<256xi32, #tpu.memory_space<hbm>>
          %dma_start3A_293 = tpu.memref_slice %arg2[%add3A_247] : memref<819200xi32, #tpu.memory_space<hbm>> -> memref<256xi32, #tpu.memory_space<hbm>>
          tpu.enqueue_dma source(%dma_start3A_293 : memref<256xi32, #tpu.memory_space<hbm>>) target(%arg8 : memref<256xi32, #tpu.memory_space<vmem>>) target_semaphore(%run_scoped3A : memref<!tpu.dma_semaphore, #tpu.memory_space<semaphore_mem>>)
          %dma_wait3A_294 = tpu.memref_slice %arg2[%add3A_247] : memref<819200xi32, #tpu.memory_space<hbm>> -> memref<256xi32, #tpu.memory_space<hbm>>
          %dma_wait3A_295 = tpu.memref_slice %arg2[%add3A_247] : memref<819200xi32, #tpu.memory_space<hbm>> -> memref<256xi32, #tpu.memory_space<hbm>>
          tpu.wait_dma2 semaphore(%run_scoped3A : memref<!tpu.dma_semaphore, #tpu.memory_space<semaphore_mem>>) src(%dma_wait3A_295 : memref<256xi32, #tpu.memory_space<hbm>>) dst(%arg8 : memref<256xi32, #tpu.memory_space<vmem>>)
          tpu.yield
        }) : () -> ()
        %dma_start3A_248 = arith.constant 0 : i32
        %dma_start3A_249 = arith.constant 0 : i32
        %dma_start3A_250 = tpu.memref_slice %arg12[%dma_start3A_248, %dma_start3A_249] : memref<256x64xf32, #tpu.memory_space<vmem>> -> memref<128x64xf32, #tpu.memory_space<vmem>>
        %dma_start3A_251 = arith.constant 0 : i32
        %dma_start3A_252 = tpu.memref_slice %arg8[%dma_start3A_251] : memref<256xi32, #tpu.memory_space<vmem>> -> memref<128xi32, #tpu.memory_space<vmem>>
        %dma_start3A_253 = arith.constant 0 : i32
        %dma_start3A_254 = arith.constant 0 : i32
        %dma_start3A_255 = tpu.memref_slice %arg3[%dma_start3A_253, %dma_start3A_254] : memref<1000000x64xf32, #tpu.memory_space<hbm>> -> memref<1000000x64xf32, #tpu.memory_space<hbm>>
        tpu.enqueue_indirect_dma source(%dma_start3A_255 : memref<1000000x64xf32, #tpu.memory_space<hbm>>) target(%dma_start3A_250 : memref<128x64xf32, #tpu.memory_space<vmem>>) offsets(%dma_start3A_252 : memref<128xi32, #tpu.memory_space<vmem>>) semaphore(%arg16 : memref<!tpu.dma_semaphore, #tpu.memory_space<semaphore_mem>>)
        %dma_start3A_256 = arith.constant 0 : i32
        %dma_start3A_257 = arith.constant 0 : i32
        %dma_start3A_258 = tpu.memref_slice %arg14[%dma_start3A_256, %dma_start3A_257] : memref<256x64xf32, #tpu.memory_space<vmem>> -> memref<128x64xf32, #tpu.memory_space<vmem>>
        %dma_start3A_259 = arith.constant 0 : i32
        %dma_start3A_260 = tpu.memref_slice %arg8[%dma_start3A_259] : memref<256xi32, #tpu.memory_space<vmem>> -> memref<128xi32, #tpu.memory_space<vmem>>
        %dma_start3A_261 = arith.constant 0 : i32
        %dma_start3A_262 = arith.constant 0 : i32
        %dma_start3A_263 = tpu.memref_slice %arg4[%dma_start3A_261, %dma_start3A_262] : memref<1000000x64xf32, #tpu.memory_space<hbm>> -> memref<1000000x64xf32, #tpu.memory_space<hbm>>
        tpu.enqueue_indirect_dma source(%dma_start3A_263 : memref<1000000x64xf32, #tpu.memory_space<hbm>>) target(%dma_start3A_258 : memref<128x64xf32, #tpu.memory_space<vmem>>) offsets(%dma_start3A_260 : memref<128xi32, #tpu.memory_space<vmem>>) semaphore(%arg16 : memref<!tpu.dma_semaphore, #tpu.memory_space<semaphore_mem>>)
        %dma_start3A_264 = arith.constant 0 : i32
        %dma_start3A_265 = tpu.memref_slice %arg10[%dma_start3A_264] : memref<256xf32, #tpu.memory_space<vmem>> -> memref<128xf32, #tpu.memory_space<vmem>>
        %dma_start3A_266 = arith.constant 0 : i32
        %dma_start3A_267 = tpu.memref_slice %arg8[%dma_start3A_266] : memref<256xi32, #tpu.memory_space<vmem>> -> memref<128xi32, #tpu.memory_space<vmem>>
        %dma_start3A_268 = arith.constant 0 : i32
        %dma_start3A_269 = tpu.memref_slice %arg5[%dma_start3A_268] : memref<1000000xf32, #tpu.memory_space<hbm>> -> memref<1000000xf32, #tpu.memory_space<hbm>>
        tpu.enqueue_indirect_dma source(%dma_start3A_269 : memref<1000000xf32, #tpu.memory_space<hbm>>) target(%dma_start3A_265 : memref<128xf32, #tpu.memory_space<vmem>>) offsets(%dma_start3A_267 : memref<128xi32, #tpu.memory_space<vmem>>) semaphore(%arg16 : memref<!tpu.dma_semaphore, #tpu.memory_space<semaphore_mem>>)
        %dma_start3A_270 = arith.constant 128 : i32
        %dma_start3A_271 = arith.constant 0 : i32
        %dma_start3A_272 = tpu.memref_slice %arg12[%dma_start3A_270, %dma_start3A_271] : memref<256x64xf32, #tpu.memory_space<vmem>> -> memref<128x64xf32, #tpu.memory_space<vmem>>
        %dma_start3A_273 = arith.constant 128 : i32
        %dma_start3A_274 = tpu.memref_slice %arg8[%dma_start3A_273] : memref<256xi32, #tpu.memory_space<vmem>> -> memref<128xi32, #tpu.memory_space<vmem>>
        %dma_start3A_275 = arith.constant 0 : i32
        %dma_start3A_276 = arith.constant 0 : i32
        %dma_start3A_277 = tpu.memref_slice %arg3[%dma_start3A_275, %dma_start3A_276] : memref<1000000x64xf32, #tpu.memory_space<hbm>> -> memref<1000000x64xf32, #tpu.memory_space<hbm>>
        tpu.enqueue_indirect_dma source(%dma_start3A_277 : memref<1000000x64xf32, #tpu.memory_space<hbm>>) target(%dma_start3A_272 : memref<128x64xf32, #tpu.memory_space<vmem>>) offsets(%dma_start3A_274 : memref<128xi32, #tpu.memory_space<vmem>>) semaphore(%arg16 : memref<!tpu.dma_semaphore, #tpu.memory_space<semaphore_mem>>)
        %dma_start3A_278 = arith.constant 128 : i32
        %dma_start3A_279 = arith.constant 0 : i32
        %dma_start3A_280 = tpu.memref_slice %arg14[%dma_start3A_278, %dma_start3A_279] : memref<256x64xf32, #tpu.memory_space<vmem>> -> memref<128x64xf32, #tpu.memory_space<vmem>>
        %dma_start3A_281 = arith.constant 128 : i32
        %dma_start3A_282 = tpu.memref_slice %arg8[%dma_start3A_281] : memref<256xi32, #tpu.memory_space<vmem>> -> memref<128xi32, #tpu.memory_space<vmem>>
        %dma_start3A_283 = arith.constant 0 : i32
        %dma_start3A_284 = arith.constant 0 : i32
        %dma_start3A_285 = tpu.memref_slice %arg4[%dma_start3A_283, %dma_start3A_284] : memref<1000000x64xf32, #tpu.memory_space<hbm>> -> memref<1000000x64xf32, #tpu.memory_space<hbm>>
        tpu.enqueue_indirect_dma source(%dma_start3A_285 : memref<1000000x64xf32, #tpu.memory_space<hbm>>) target(%dma_start3A_280 : memref<128x64xf32, #tpu.memory_space<vmem>>) offsets(%dma_start3A_282 : memref<128xi32, #tpu.memory_space<vmem>>) semaphore(%arg16 : memref<!tpu.dma_semaphore, #tpu.memory_space<semaphore_mem>>)
        %dma_start3A_286 = arith.constant 128 : i32
        %dma_start3A_287 = tpu.memref_slice %arg10[%dma_start3A_286] : memref<256xf32, #tpu.memory_space<vmem>> -> memref<128xf32, #tpu.memory_space<vmem>>
        %dma_start3A_288 = arith.constant 128 : i32
        %dma_start3A_289 = tpu.memref_slice %arg8[%dma_start3A_288] : memref<256xi32, #tpu.memory_space<vmem>> -> memref<128xi32, #tpu.memory_space<vmem>>
        %dma_start3A_290 = arith.constant 0 : i32
        %dma_start3A_291 = tpu.memref_slice %arg5[%dma_start3A_290] : memref<1000000xf32, #tpu.memory_space<hbm>> -> memref<1000000xf32, #tpu.memory_space<hbm>>
        tpu.enqueue_indirect_dma source(%dma_start3A_291 : memref<1000000xf32, #tpu.memory_space<hbm>>) target(%dma_start3A_287 : memref<128xf32, #tpu.memory_space<vmem>>) offsets(%dma_start3A_289 : memref<128xi32, #tpu.memory_space<vmem>>) semaphore(%arg16 : memref<!tpu.dma_semaphore, #tpu.memory_space<semaphore_mem>>)
      } else {
      }
    }
    %scan3A_98 = arith.constant 50 : i32
    %add3A_99 = arith.constant 25088 : i32
    %add3A_100 = arith.addi %mul3A_2, %add3A_99 : i32
    %dma_wait3A = arith.constant 0 : i32
    %dma_wait3A_101 = tpu.memref_slice %arg6[%add3A_100, %dma_wait3A] : memref<819200x64xf32, #tpu.memory_space<hbm>> -> memref<256x64xf32, #tpu.memory_space<hbm>>
    %dma_wait3A_102 = arith.constant 0 : i32
    %dma_wait3A_103 = tpu.memref_slice %arg6[%add3A_100, %dma_wait3A_102] : memref<819200x64xf32, #tpu.memory_space<hbm>> -> memref<256x64xf32, #tpu.memory_space<hbm>>
    tpu.wait_dma2 semaphore(%arg17 : memref<!tpu.dma_semaphore, #tpu.memory_space<semaphore_mem>>) src(%arg11 : memref<256x64xf32, #tpu.memory_space<vmem>>) dst(%dma_wait3A_103 : memref<256x64xf32, #tpu.memory_space<hbm>>)
    %add3A_104 = arith.constant 25344 : i32
    %add3A_105 = arith.addi %mul3A_2, %add3A_104 : i32
    %dma_wait3A_106 = arith.constant 0 : i32
    %dma_wait3A_107 = tpu.memref_slice %arg6[%add3A_105, %dma_wait3A_106] : memref<819200x64xf32, #tpu.memory_space<hbm>> -> memref<256x64xf32, #tpu.memory_space<hbm>>
    %dma_wait3A_108 = arith.constant 0 : i32
    %dma_wait3A_109 = tpu.memref_slice %arg6[%add3A_105, %dma_wait3A_108] : memref<819200x64xf32, #tpu.memory_space<hbm>> -> memref<256x64xf32, #tpu.memory_space<hbm>>
    tpu.wait_dma2 semaphore(%arg18 : memref<!tpu.dma_semaphore, #tpu.memory_space<semaphore_mem>>) src(%arg12 : memref<256x64xf32, #tpu.memory_space<vmem>>) dst(%dma_wait3A_109 : memref<256x64xf32, #tpu.memory_space<hbm>>)
    return
  }
}

</mosaic_0001>

<sc_bundles>
// kernel: kernel.3.cloned.1.call-start
scs
__scs_entry_jumppad:
0x0: {  	(pc) =	sbr.rel $0x88, $3  }
0x1: {  	(tag) =	ssettag $0x0;
	lr =	simm.s32 $0x1  }
0x2: {  	[smem:$0x3F9D] =	sst lr;
	_ =	strace $0xD0000000  }
0x3: {  	_ = 	snop  }
0x4: {  	_ = 	snop  }
0x5: {  	_ = 	snop  }
0x6: {  	_ = 	snop  }
0x7: {  	_ = 	snop  }
__scs_overlays_trampoline_lowered:
0x8: {  	[smem:$0x3FAC] =	sst s0  }
0x9: {  	[smem:$0x3FAD] =	sst s1  }
0xa: {  	[smem:$0x3FAE] =	sst s2  }
0xb: {  	[smem:$0x3FAF] =	sst s3  }
0xc: {  	[smem:$0x3FB0] =	sst s4  }
0xd: {  	[smem:$0x3FB1] =	sst s5  }
0xe: {  	[smem:$0x3FB2] =	sst s6  }
0xf: {  	[smem:$0x3FB3] =	sst s7  }
0x10: {  	[smem:$0x3FB4] =	sst s8  }
0x11: {  	[smem:$0x3FB5] =	sst s9;
	s0 =	simm.s32 @!p0 $0x0  }
0x12: {  	s1 =	sld [smem:$0x3F9B];
	s0 =	simm.s32 @p0 $0x1  }
0x13: {  	[smem:$0x3FB6] =	sst s0;
	s0 =	simm.s32 @!p1 $0x0  }
0x14: {  	s2 =	sld [smem:$0x3F9A];
	s0 =	simm.s32 @p1 $0x1  }
0x15: {  	[smem:$0x3FB7] =	sst s0;
	s0 =	simm.s32 @!p2 $0x0  }
0x16: {  	s3 =	sld [smem:$0x3FDB];
	s0 =	simm.s32 @p2 $0x1  }
0x17: {  	s4 =	simm.s32 $0x1BF5;
	[smem:$0x3FB9] =	sst s0  }
0x18: {  	s0 =	sld [smem:$0x3F9C];
	_ =	swait.ge [sflag:s4], $0x0  }
0x19: {  	s7 =	sld [smem:$0x3F9D]  }
0x1a: {  	s8 =	sadd.s32 $0xFFFFE003, lr  }
0x1b: {  	s9 =	sadd.s32 $0xFFFFFEF7, lr;
	s5 =	simm.s32 $0xFFFFFFFF;
	p2 =	slt.u32 s8, $0xFFFFF086  }
0x1c: {  	p1 =	slt.u32 s9, $0xF7A;
	s5 =	simm.s32 @!p2 $0x0  }
0x1d: {  	s5 =	simm.s32 @p1 $0x1;
	p0 =	seq.s32 s7, s2  }
0x1e: {  	s7 =	smul.u32 @!p0 $0xF7A, s2;
	p2 =	seq.s32 @!p0 s5, $0x0  }
0x1f: {  	s9 =	smul.u32 $0xF7A, s1;
	s8 =	simm.s32 @!p0 $0x1BF5;
	p2 =	por !p2, p0  }
0x20: {  	[sflag:s8] =	ssyncset.s32 @!p0 $0xFFFFF086;
	s6 =	sadd.s32 @!p0 s3, s7;
	s7 =	simm.s32 @!p0 $0x108  }
0x21: {  	s3 =	sadd.s32 s3, s9;
	s6 =	sadd.s32 @!p0 $0x88, s6;
	s7 =	simm.s32 @p2 $0x1082  }
0x22: {  	[simem:s7], [sflag:s8] =	dma.local @!p0 [hbm:s6], $0xF7A  }
0x23: {  	s9 =	sor.u32 $0xD0000000, s2;
	s6 =	simm.s32 $0x108;
	_ =	swait.ge @!p0 [sflag:s8], $0x0  }
0x24: {  	s3 =	sadd.s32 $0x88, s3;
	s6 =	simm.s32 @!p1 $0x1082;
	[sflag:s4] =	ssyncset.s32 $0xFFFFF086  }
0x25: {  	[simem:s6], [sflag:s4] =	dma.local [hbm:s3], $0xF7A  }
0x26: {  	[smem:$0x3F9D] =	sst s1;
	(tag) =	ssettag s2;
	_ =	strace s9  }
0x27: {  	s1 =	sld [smem:$0x3FAD]  }
0x28: {  	s2 =	sld [smem:$0x3FAE]  }
0x29: {  	s4 =	sld [smem:$0x3FB0]  }
0x2a: {  	p0 =	seq.s32 s5, $0x0;
	s5 =	sld [smem:$0x3FB1]  }
0x2b: {  	s6 =	sld [smem:$0x3FB2]  }
0x2c: {  	s7 =	sld [smem:$0x3FB3]  }
0x2d: {  	s3 =	simm.s32 $0x108;
	s8 =	sld [smem:$0x3FB4]  }
0x2e: {  	s3 =	simm.s32 @!p0 $0x1082;
	s9 =	sld [smem:$0x3FB5]  }
0x2f: {  	lr =	sadd.s32 s0, s3;
	s0 =	sld [smem:$0x3FAC]  }
0x30: {  	s3 =	sld [smem:$0x3FAF]  }
0x31: {  	[smem:$0x3FB8] =	sst s10  }
0x32: {  	s10 =	sld [smem:$0x3FB6];
	_ =	sdelay $0x3  }
0x33: {  	p0 =	seq.s32 s10, $0x1;
	s10 =	sld [smem:$0x3FB8];
	_ =	sdelay $0x3  }
0x34: {  	[smem:$0x3FB8] =	sst s10  }
0x35: {  	s10 =	sld [smem:$0x3FB7];
	_ =	sdelay $0x3  }
0x36: {  	p1 =	seq.s32 s10, $0x1;
	s10 =	sld [smem:$0x3FB8];
	_ =	sdelay $0x3  }
0x37: {  	[smem:$0x3FB8] =	sst s10  }
0x38: {  	s10 =	sld [smem:$0x3FB9]  }
0x39: {  	_ = 	snop;
	(pc) =	sbr.ind lr, $3  }
0x3a: {  	_ = 	snop  }
0x3b: {  	_ = 	snop  }
0x3c: {  	p2 =	seq.s32 s10, $0x1;
	s10 =	sld [smem:$0x3FB8]  }
0x3d: {  	_ =	shalt  }
0x3e: {  	_ =	shalt  }
0x3f: {  	_ =	shalt  }
0x40: {  	_ =	shalt  }
0x41: {  	_ =	shalt  }
0x42: {  	_ =	shalt  }
0x43: {  	_ =	shalt  }
0x44: {  	_ =	shalt  }
0x45: {  	_ =	shalt  }
0x46: {  	_ =	shalt  }
0x47: {  	_ =	shalt  }
0x48: {  	_ =	shalt  }
0x49: {  	_ =	shalt  }
0x4a: {  	_ =	shalt  }
0x4b: {  	_ =	shalt  }
0x4c: {  	_ =	shalt  }
0x4d: {  	_ =	shalt  }
0x4e: {  	_ =	shalt  }
0x4f: {  	_ =	shalt  }
0x50: {  	_ =	shalt  }
0x51: {  	_ =	shalt  }
0x52: {  	_ =	shalt  }
0x53: {  	_ =	shalt  }
0x54: {  	_ =	shalt  }
0x55: {  	_ =	shalt  }
0x56: {  	_ =	shalt  }
0x57: {  	_ =	shalt  }
0x58: {  	_ =	shalt  }
0x59: {  	_ =	shalt  }
0x5a: {  	_ =	shalt  }
0x5b: {  	_ =	shalt  }
0x5c: {  	_ =	shalt  }
0x5d: {  	_ =	shalt  }
0x5e: {  	_ =	shalt  }
0x5f: {  	_ =	shalt  }
0x60: {  	_ =	shalt  }
0x61: {  	_ =	shalt  }
0x62: {  	_ =	shalt  }
0x63: {  	_ =	shalt  }
0x64: {  	_ =	shalt  }
0x65: {  	_ =	shalt  }
0x66: {  	_ =	shalt  }
0x67: {  	_ =	shalt  }
0x68: {  	_ =	shalt  }
0x69: {  	_ =	shalt  }
0x6a: {  	_ =	shalt  }
0x6b: {  	_ =	shalt  }
0x6c: {  	_ =	shalt  }
0x6d: {  	_ =	shalt  }
0x6e: {  	_ =	shalt  }
0x6f: {  	_ =	shalt  }
0x70: {  	_ =	shalt  }
0x71: {  	_ =	shalt  }
0x72: {  	_ =	shalt  }
0x73: {  	_ =	shalt  }
0x74: {  	_ =	shalt  }
0x75: {  	_ =	shalt  }
0x76: {  	_ =	shalt  }
0x77: {  	_ =	shalt  }
0x78: {  	_ =	shalt  }
0x79: {  	_ =	shalt  }
0x7a: {  	_ =	shalt  }
0x7b: {  	_ =	shalt  }
0x7c: {  	_ =	shalt  }
0x7d: {  	_ =	shalt  }
0x7e: {  	_ =	shalt  }
0x7f: {  	_ =	shalt  }
0x80: {  	_ =	shalt  }
0x81: {  	_ =	shalt  }
0x82: {  	_ =	shalt  }
0x83: {  	_ =	shalt  }
0x84: {  	_ =	shalt  }
0x85: {  	_ =	shalt  }
0x86: {  	_ =	shalt  }
0x87: {  	_ =	shalt  }
.Lfunc_end0:
.L_simem_size_0:
called_computation.1_lowered:
.L_overlay_start_0:
0x88: {  	s2 =	sld [smem:$0x3FD9]  }
0x89: {  	s3 =	sld [smem:$0x3FFE];
	_ =	sdelay $0x1  }
0x8a: {  	s1 =	srdreg.scid  }
0x8b: {  	s0 =	sand.u32 $0x1, s1  }
0x8c: {  	s17 =	sshll.u32 s0, $0xA;
	s2 =	sadd.s32 s3, s2  }
0x8d: {  	s2 =	sadd.s32 s2, s17  }
0x8e: {  	[smem:$0x3FC4] =	sst s2  }
0x8f: {  	_ = 	snop  }
0x90: {  	s2 =	sld [smem:$0x3FC6]  }
0x91: {  	s18 =	sld [smem:$0x3FD0];
	(tm) =	ssettm $0x1  }
0x92: {  	s4 =	sld [smem:$0x3FFB];
	_ =	sdelay $0x3  }
0x93: {  	_ =	strace s4  }
0x94: {  	s4 =	sld [smem:$0x3FFC];
	_ =	sdelay $0x3  }
0x95: {  	_ =	strace s4  }
0x96: {  	s4 =	sld [smem:$0x3FFD];
	_ =	sdelay $0x3  }
0x97: {  	_ =	strace s4  }
0x98: {  	_ =	strace $0x8FFFFFFF  }
0x99: {  	s19 =	sld [smem:$0x3FDB];
	_ =	sdelay $0x1  }
0x9a: {  	s5 =	simm.s32 $_scs_section_size  }
0x9b: {  	s6 =	simm.s32 $_size__tile_overlayer_lowered;
	s7 =	simm.s32 $_tile_overlayer_lowered  }
0x9c: {  	s22 =	simm.s32 $0x1BFF;
	s21 =	sshll.u32 s7, $0x1;
	s4 =	sadd.s32 s5, s19  }
0x9d: {  	s8 =	simm.s32 $0x0;
	s20 =	sshll.u32 s6, $0x1;
	s6 =	sadd.s32 s21, s4  }
0x9e: {  	[timem:s8], [sflag:s22] =	dma.local [hbm:s6], s20  }
0x9f: {  	_ =	swait.ge [sflag:s22], s20  }
0xa0: {  	s5 =	ssub.s32 $0x0, s20;
	[sflag:s22] =	ssyncset.done $0x0  }
0xa1: {  	[sflag:s22] =	ssyncadd.s32 s5;
	_ =	sdelay $0x1  }
0xa2: {  	s23 =	simm.s32 $0x1B8B  }
0xa3: {  	_ =	swait.ge [sflag:s23], $0x1  }
0xa4: {  	[sflag:s23] =	ssyncset.done $0x0  }
0xa5: {  	s25 =	simm.s32 $0x1B8E;
	s24 =	sld [smem:$0x3FFE];
	[sflag:s23] =	ssyncadd.s32 $0xFFFFFFFF  }
0xa6: {  	s26 =	simm.s32 $execute0_lowered;
	[smem:$0x3FD2] =	sst s25  }
0xa7: {  	s6 =	sshll.u32 s26, $0x1;
	_ =	strace $0x80000046;
	[dreg:$0x1] =	wrdreg $0xFFFFFFFF  }
0xa8: {  	s28 =	simm.s32 $_size_execute0_lowered;
	s4 =	sadd.s32 s4, s6;
	[dreg:$0x0] =	wrdreg $0x0  }
0xa9: {  	s6 =	sshll.u32 s28, $0x1;
	[dreg:$0x2] =	wrdreg s4  }
0xaa: {  	[dreg:$0x3] =	wrdreg s6  }
0xab: {  	[dreg:$0x4] =	wrdreg $0xC0  }
0xac: {  	_ =	task [dreg:s8], $0x5FFFF  }
0xad: {  	[dreg:$0x1] =	wrdreg $0xFFFFFFFF  }
0xae: {  	[dreg:$0x0] =	wrdreg $0x60  }
0xaf: {  	[dreg:$0x2] =	wrdreg s24  }
0xb0: {  	[dreg:$0x3] =	wrdreg s2  }
0xb1: {  	[dreg:$0x4] =	wrdreg s18  }
0xb2: {  	[dreg:$0x5] =	wrdreg $0x9  }
0xb3: {  	_ =	task.clear_ibuf [dreg:s8], $0x6FFFF;
	_ =	strace $0x90000046  }
0xb4: {  	s29 =	simm.s32 $0x9;
	_ =	strace $0x80000048  }
0xb5: {  	_ =	swait.ge [sflag:s29], $0x1  }
0xb6: {  	[sflag:s29] =	ssyncadd.s32 $0xFFFFFFFF  }
0xb7: {  	_ =	strace $0x90000048  }
0xb8: {  	_ =	sfence  }
0xb9: {  	s30 =	sld [smem:$0x0];
	_ =	sdelay $0x2  }
0xba: {  	s31 =	sshll.u32 s1, $0xD;
	s1 =	sshrl.u32 s1, $0x2  }
0xbb: {  	s3 =	sand.u32 $0x4000, s31;
	s1 =	sadd.s32 s1, s30  }
0xbc: {  	s0 =	sor.u32 s3, s0;
	s1 =	sshll.u32 s1, $0x11  }
0xbd: {  	s0 =	sor.u32 s1, s0  }
0xbe: {  	s0 =	sadd.s32 $0x8F2B, s0  }
0xbf: {  	[sflag:s0] =	ssyncadd.remote.s32 $0x1  }
0xc0: {  	_ =	sfence.sel $0xFFFF  }
0xc1: {  	[dreg:$0x0] =	wrdreg $0xFFFFFFFF;
	(pc) =	sbr.abs _section_cstart, $3  }
0xc2: {  	[dreg:$0x1] =	wrdreg $0xFFFFFFFF  }
0xc3: {  	_ =	task.clear_ibuf [dreg:s8], $0x2FFFF;
	_ =	strace $0x9FFFFFFF  }
0xc4: {  	(tm) =	ssettm $0x7FFFFFFF  }
0xc5: {  	_ =	shalt  }
tec
execute0_lowered:
.L_overlay_start_1:
0x0: {  	(tag) =	ssettag $0x1  }
0x1: {  	s0 =	rddreg [dreg:$0x0]  }
0x2: {  	s2 =	rddreg [dreg:$0x1];
	s1 =	srdreg.scid  }
0x3: {  	s4 =	stileid.u32;
	s3 =	rddreg [dreg:$0x2];
	s15 =	simm.s32 $0x5  }
0x4: {  	s16 =	simm.s32 $0x80;
	s17 =	simm.s32 $0x400;
	s23 =	simm.s32 $0x100  }
0x5: {  	s24 =	simm.s32 $0x4400;
	s28 =	simm.s32 $0x180;
	s29 =	simm.s32 $0x6400  }
0x6: {  	s30 =	simm.s32 $0xE400;
	s31 =	simm.s32 $0x380;
	s19 =	simm.s32 $0x4  }
0x7: {  	s20 =	simm.s32 $0x0;
	s1 =	sand.u32 $0x1, s1;
	s5 =	sshll.u32 s4, $0x1  }
0x8: {  	s4 =	simm.s32 $0x0;
	s6 =	sadd.s32 $0x16E4000, s0;
	s7 =	sadd.s32 $0xF42E00, s0  }
0x9: {  	s8 =	sor.u32 s1, s5;
	[smem:$0x7FF] =	sst s4;
	s1 =	ssub.s32 $0x2, s1  }
0xa: {  	s5 =	sadd.s32 $0xA00, s0;
	s9 =	smul.u32 $0x6400, s8;
	s10 =	sshrl.u32 s1, $0x1  }
0xb: {  	_ =	strace $0x80000047;
	s25 =	ssub.s32 s1, s10;
	s10 =	smul.u32 $0x190000, s8  }
.Ltmp0:
0xc: {  	s11 =	sshrl.u32 s9, $0x3;
	s12 =	sor.u32 $0x100, s9;
	(pc) =	sbr.rel .LBB2_1-.Ltmp0, $4  }
0xd: {  	s13 =	sor.u32 $0x300, s9;
	s0 =	smax.u32 s25, $0x1;
	s25 =	simm.s32 $0xC400  }
0xe: {  	s26 =	sadd.s32 s5, s11;
	s11 =	sor.u32 $0x200, s9;
	[dreg:$0x6] =	wrdreg s0  }
0xf: {  	s0 =	simm.s32 $0x2;
	[dreg:$0x4] =	wrdreg s26;
	s1 =	sadd.s32 $0x20, s26  }
0x10: {  	v7 =	vimm.s32 $0x0;
	s26 =	simm.s32 $0x300;
	[dreg:$0x5] =	wrdreg s1;
	s1 =	simm.s32 $0x1  }
.LBB2_8:
0x11: {  	s8 =	simm.s32 $0x3  }
0x12: {  	_ =	swait.ge [sflag:s8], $0x4000  }
0x13: {  	[sflag:s8] =	ssyncset.done $0x0  }
0x14: {  	[sflag:s8] =	ssyncadd.s32 $0xFFFFC000  }
0x15: {  	_ =	swait.ge [sflag:s19], $0x4000  }
0x16: {  	s20 =	sadd.s32 $0x1, s20;
	s22 =	rddreg [dreg:$0x6]  }
0x17: {  	p0 =	sne.s32 s20, s22  }
.Ltmp1:
0x18: {  	_ = 	snop;
	(pc) =	sbr.rel @!p0 .LBB2_9-.Ltmp1, $3  }
0x19: {  	_ =	sdelay $0x1  }
0x1a: {  	[sflag:s19] =	ssyncset.done $0x0  }
0x1b: {  	v7 =	vimm.s32 $0x0;
	[sflag:s19] =	ssyncadd.s32 $0xFFFFC000  }
.LBB2_1:
0x1c: {  	s8 =	rddreg [dreg:$0x4]  }
0x1d: {  	[tilespmem:s4], [sflag:$0x5] =	stream.linear.gather [hbm4b:s8+s4], $0x100, $0x38;
	[tilespmem:$0x10400] =	vst v63  }
0x1e: {  	_ =	swait.ge [sflag:s15], $0x100  }
0x1f: {  	[sflag:s15] =	ssyncset.done $0x0  }
0x20: {  	[sflag:s15] =	ssyncadd.s32 $0xFFFFFF00  }
0x21: {  	[tilespmem:s17], [sflag:$0x1] =	stream.indirect.gather [hbm4b:s6+s16], $0x40, s4, s16, $0xb8;
	[tilespmem:$0x10400] =	vst v63  }
0x22: {  	s22 =	simm.s32 $0x8400  }
0x23: {  	[tilespmem:s22], [sflag:$0x1] =	stream.indirect.gather [hbm4b:s7+s16], $0x40, s4, s16, $0xb8;
	[tilespmem:$0x10400] =	vst v63  }
0x24: {  	s9 =	simm.s32 $0x200  }
0x25: {  	[tilespmem:s9], [sflag:$0x1] =	stream.indirect.gather [hbm4b:s2+s16], $0x1, s4, s16, $0xb8;
	[tilespmem:$0x10400] =	vst v63  }
0x26: {  	s14 =	simm.s32 $0x2400  }
0x27: {  	[tilespmem:s14], [sflag:$0x1] =	stream.indirect.gather [hbm4b:s6+s16], $0x40, s16, s16, $0xb8;
	[tilespmem:$0x10400] =	vst v63  }
0x28: {  	s18 =	simm.s32 $0xA400  }
0x29: {  	[tilespmem:s18], [sflag:$0x1] =	stream.indirect.gather [hbm4b:s7+s16], $0x40, s16, s16, $0xb8;
	[tilespmem:$0x10400] =	vst v63  }
0x2a: {  	s21 =	simm.s32 $0x280  }
0x2b: {  	[tilespmem:s21], [sflag:$0x1] =	stream.indirect.gather [hbm4b:s2+s16], $0x1, s16, s16, $0xb8;
	[tilespmem:$0x10400] =	vst v63  }
0x2c: {  	s22 =	rddreg [dreg:$0x5]  }
0x2d: {  	[tilespmem:s23], [sflag:$0x5] =	stream.linear.gather [hbm4b:s22+s4], $0x100, $0x38;
	[tilespmem:$0x10400] =	vst v63  }
0x2e: {  	_ =	swait.ge [sflag:s15], $0x100  }
0x2f: {  	[sflag:s15] =	ssyncset.done $0x0  }
0x30: {  	[sflag:s15] =	ssyncadd.s32 $0xFFFFFF00  }
0x31: {  	[tilespmem:s24], [sflag:$0x2] =	stream.indirect.gather [hbm4b:s6+s16], $0x40, s23, s16, $0xb8;
	[tilespmem:$0x10400] =	vst v63  }
0x32: {  	_ = 	snop  }
0x33: {  	[tilespmem:s25], [sflag:$0x2] =	stream.indirect.gather [hbm4b:s7+s16], $0x40, s23, s16, $0xb8;
	[tilespmem:$0x10400] =	vst v63  }
0x34: {  	_ = 	snop  }
0x35: {  	[tilespmem:s26], [sflag:$0x2] =	stream.indirect.gather [hbm4b:s2+s16], $0x1, s23, s16, $0xb8;
	[tilespmem:$0x10400] =	vst v63  }
0x36: {  	_ = 	snop  }
0x37: {  	[tilespmem:s29], [sflag:$0x2] =	stream.indirect.gather [hbm4b:s6+s16], $0x40, s28, s16, $0xb8;
	[tilespmem:$0x10400] =	vst v63  }
0x38: {  	_ = 	snop  }
0x39: {  	[tilespmem:s30], [sflag:$0x2] =	stream.indirect.gather [hbm4b:s7+s16], $0x40, s28, s16, $0xb8;
	[tilespmem:$0x10400] =	vst v63  }
0x3a: {  	s21 =	simm.s32 $0x0  }
0x3b: {  	[tilespmem:s31], [sflag:$0x2] =	stream.indirect.gather [hbm4b:s2+s16], $0x1, s28, s16, $0xb8;
	[tilespmem:$0x10400] =	vst v63  }
.LBB2_2:
0x3c: {  	_ =	swait.ge [sflag:s1], $0x2000  }
0x3d: {  	[sflag:s1] =	ssyncset.done $0x0  }
0x3e: {  	[sflag:s1] =	ssyncadd.s32 $0xFFFFE000  }
0x3f: {  	_ =	swait.ge [sflag:s1], $0x2000  }
0x40: {  	[sflag:s1] =	ssyncset.done $0x0  }
0x41: {  	[sflag:s1] =	ssyncadd.s32 $0xFFFFE000  }
0x42: {  	_ =	swait.ge [sflag:s1], $0x80  }
0x43: {  	[sflag:s1] =	ssyncset.done $0x0  }
0x44: {  	[sflag:s1] =	ssyncadd.s32 $0xFFFFFF80  }
0x45: {  	_ =	swait.ge [sflag:s1], $0x2000  }
0x46: {  	[sflag:s1] =	ssyncset.done $0x0  }
0x47: {  	[sflag:s1] =	ssyncadd.s32 $0xFFFFE000  }
0x48: {  	_ =	swait.ge [sflag:s1], $0x2000  }
0x49: {  	[sflag:s1] =	ssyncset.done $0x0  }
0x4a: {  	[sflag:s1] =	ssyncadd.s32 $0xFFFFE000  }
0x4b: {  	_ =	swait.ge [sflag:s1], $0x80  }
0x4c: {  	[sflag:s1] =	ssyncset.done $0x0  }
0x4d: {  	s22 =	simm.s32 $0x0;
	[sflag:s1] =	ssyncadd.s32 $0xFFFFFF80  }
0x4e: {  	v2 =	vld [tilespmem:s22+$0x8400]  }
0x4f: {  	v3 =	vld [tilespmem:s22+$0x8410]  }
0x50: {  	v1 =	vld [tilespmem:s22+$0x8420]  }
0x51: {  	v4 =	vld [tilespmem:s22+$0x8430]  }
0x52: {  	v61 =	vld [tilespmem:s22+$0x8440]  }
0x53: {  	v59 =	vld [tilespmem:s22+$0x8450]  }
0x54: {  	v57 =	vld [tilespmem:s22+$0x8460]  }
0x55: {  	v58 =	vld [tilespmem:s22+$0x8470]  }
0x56: {  	v52 =	vld [tilespmem:s22+$0x8480]  }
0x57: {  	v51 =	vld [tilespmem:s22+$0x8490]  }
0x58: {  	v50 =	vld [tilespmem:s22+$0x84A0]  }
0x59: {  	v49 =	vld [tilespmem:s22+$0x84B0]  }
0x5a: {  	v48 =	vld [tilespmem:s22+$0x84C0]  }
0x5b: {  	v47 =	vld [tilespmem:s22+$0x84D0]  }
0x5c: {  	v45 =	vld [tilespmem:s22+$0x84E0]  }
0x5d: {  	v46 =	vld [tilespmem:s22+$0x84F0]  }
0x5e: {  	v44 =	vld [tilespmem:s22+$0x8500]  }
0x5f: {  	v43 =	vld [tilespmem:s22+$0x8510]  }
0x60: {  	v41 =	vld [tilespmem:s22+$0x8520]  }
0x61: {  	v42 =	vld [tilespmem:s22+$0x8530]  }
0x62: {  	v40 =	vld [tilespmem:s22+$0x8540]  }
0x63: {  	v39 =	vld [tilespmem:s22+$0x8550]  }
0x64: {  	v37 =	vld [tilespmem:s22+$0x8560]  }
0x65: {  	v38 =	vld [tilespmem:s22+$0x8570]  }
0x66: {  	v36 =	vld [tilespmem:s22+$0x8580]  }
0x67: {  	v35 =	vld [tilespmem:s22+$0x8590]  }
0x68: {  	v34 =	vld [tilespmem:s22+$0x85A0]  }
0x69: {  	v33 =	vld [tilespmem:s22+$0x85B0]  }
0x6a: {  	v32 =	vld [tilespmem:s22+$0x85C0]  }
0x6b: {  	v31 =	vld [tilespmem:s22+$0x85D0]  }
0x6c: {  	v30 =	vld [tilespmem:s22+$0x85E0]  }
0x6d: {  	v29 =	vld [tilespmem:s22+$0x85F0]  }
0x6e: {  	v28 =	vld [tilespmem:s22+$0x8600]  }
0x6f: {  	v27 =	vld [tilespmem:s22+$0x8610]  }
0x70: {  	v26 =	vld [tilespmem:s22+$0x8620]  }
0x71: {  	v25 =	vld [tilespmem:s22+$0x8630]  }
0x72: {  	v24 =	vld [tilespmem:s22+$0x8640]  }
0x73: {  	v23 =	vld [tilespmem:s22+$0x8650]  }
0x74: {  	v22 =	vld [tilespmem:s22+$0x8660]  }
0x75: {  	v21 =	vld [tilespmem:s22+$0x8670]  }
0x76: {  	v0 =	vld [tilespmem:s22+$0x86C0]  }
0x77: {  	v20 =	vld [tilespmem:s22+$0x8680]  }
0x78: {  	v19 =	vld [tilespmem:s22+$0x8690]  }
0x79: {  	v18 =	vld [tilespmem:s22+$0x86A0]  }
0x7a: {  	s9 =	simm.s32 $0x200;
	v17 =	vld [tilespmem:s22+$0x86B0]  }
0x7b: {  	s14 =	simm.s32 $0x1000;
	[tilespmem:$0x1FFF0] =	vst v0;
	v0 =	vld [tilespmem:s9+$0x0]  }
.LBB2_3:
0x7c: {  	_ =	sdelay $0x3  }
0x7d: {  	v0 =	vsub.f32 $0.0e+00, v0;
	_ =	sdelay $0x1  }
0x7e: {  	v0 =	vmul.f32 $1.442695020e+00, v0;
	_ =	sdelay $0x1  }
0x7f: {  	(erf) = vpow2.f32 v0;
	v0 =	vld [tilespmem:s22+$0x8760];
	_ =	sdelay $0x3  }
0x80: {  	v5 =	vld [tilespmem:s22+$0x86D0]  }
0x81: {  	[tilespmem:$0x1FF40] =	vst v0;
	v0 =	vld [tilespmem:s22+$0x8770];
	_ =	sdelay $0x3  }
0x82: {  	[tilespmem:$0x1FE90] =	vst v5;
	v5 =	vld [tilespmem:s22+$0x86E0]  }
0x83: {  	[tilespmem:$0x1FF50] =	vst v0;
	v0 =	vld [tilespmem:s22+$0x8780];
	_ =	sdelay $0x3  }
0x84: {  	[tilespmem:$0x1FEA0] =	vst v5;
	v5 =	vld [tilespmem:s22+$0x86F0]  }
0x85: {  	[tilespmem:$0x1FF60] =	vst v0;
	v0 =	vld [tilespmem:s22+$0x8790];
	_ =	sdelay $0x3  }
0x86: {  	[tilespmem:$0x1FEB0] =	vst v5;
	v5 =	vld [tilespmem:s22+$0x8700]  }
0x87: {  	[tilespmem:$0x1FF70] =	vst v0;
	v0 =	vld [tilespmem:s22+$0x87A0];
	_ =	sdelay $0x3  }
0x88: {  	[tilespmem:$0x1FEC0] =	vst v5;
	v5 =	vld [tilespmem:s22+$0x8710]  }
0x89: {  	[tilespmem:$0x1FF80] =	vst v0;
	v0 =	vld [tilespmem:s22+$0x87B0];
	_ =	sdelay $0x3  }
0x8a: {  	[tilespmem:$0x1FED0] =	vst v5;
	v5 =	vld [tilespmem:s22+$0x8720]  }
0x8b: {  	[tilespmem:$0x1FF90] =	vst v0;
	v0 =	vld [tilespmem:s22+$0x87C0];
	_ =	sdelay $0x3  }
0x8c: {  	[tilespmem:$0x1FEE0] =	vst v5;
	v5 =	vld [tilespmem:s22+$0x8730]  }
0x8d: {  	[tilespmem:$0x1FFB0] =	vst v0;
	v0 =	vld [tilespmem:s22+$0x87D0];
	_ =	sdelay $0x3  }
0x8e: {  	[tilespmem:$0x1FEF0] =	vst v5;
	v5 =	vld [tilespmem:s22+$0x8740]  }
0x8f: {  	[tilespmem:$0x1FFC0] =	vst v0;
	v0 =	vld [tilespmem:s22+$0x87E0];
	_ =	sdelay $0x3  }
0x90: {  	[tilespmem:$0x1FF20] =	vst v5;
	v5 =	vld [tilespmem:s22+$0x8750]  }
0x91: {  	[tilespmem:$0x1FFD0] =	vst v0;
	v0 =	vpop (erf)  }
0x92: {  	v0 =	vadd.f32 $1.000000000e+00, v0  }
0x93: {  	v16 =	vld [tilespmem:s22+$0x6B0]  }
0x94: {  	v62 =	vld [tilespmem:s22+$0x610];
	(erf) = vrcp.f32 v0  }
0x95: {  	[tilespmem:$0x1FF30] =	vst v5;
	v5 =	vld [tilespmem:s22+$0x87F0]  }
0x96: {  	v63 =	vld [tilespmem:s22+$0x5F0]  }
0x97: {  	v60 =	vld [tilespmem:s22+$0x570]  }
0x98: {  	v0 =	vld [tilespmem:s22+$0x710]  }
0x99: {  	v56 =	vld [tilespmem:s22+$0x4F0]  }
0x9a: {  	[tilespmem:$0x1FFE0] =	vst v5;
	v5 =	vld [tilespmem:s22+$0x7B0]  }
0x9b: {  	v54 =	vld [tilespmem:s22+$0x4D0]  }
0x9c: {  	v55 =	vld [tilespmem:s22+$0x490]  }
0x9d: {  	v9 =	vld [tilespmem:s22+$0x470];
	[tilespmem:$0x1FF00] =	vst v0;
	v0 =	vpop (erf)  }
0x9e: {  	v53 =	vld [tilespmem:s22+$0x430];
	v0 =	vmul.f32 $8.999999760e-01, v0  }
0x9f: {  	[tilespmem:$0x1FFA0] =	vst v5;
	v5 =	vld [tilespmem:s22+$0x730]  }
0xa0: {  	v10 =	vld [tilespmem:s22+$0x410];
	v0 =	vadd.f32 $1.000000010e-01, v0  }
0xa1: {  	v11 =	vld [tilespmem:s22+$0x400];
	v6 =	vimm.s32 $0x1  }
0xa2: {  	v13 =	vld [tilespmem:s22+$0x420];
	v14 =	vperm.xlane v0, v6;
	v6 =	vimm.s32 $0x2  }
0xa3: {  	v15 =	vld [tilespmem:s22+$0x440];
	v12 =	vperm.xlane v0, v7;
	v8 =	vperm.xlane v0, v6;
	v6 =	vimm.s32 $0x3  }
0xa4: {  	[tilespmem:$0x1FF10] =	vst v5;
	v5 =	vld [tilespmem:s22+$0x6D0];
	v7 =	vperm.xlane v0, v6  }
0xa5: {  	v2 =	vmul.f32 v2, v12;
	v3 =	vmul.f32 v3, v12;
	v6 =	vld [tilespmem:s22+$0x450]  }
0xa6: {  	v1 =	vmul.f32 v1, v12;
	v4 =	vmul.f32 v4, v12;
	v12 =	vld [tilespmem:s22+$0x460]  }
0xa7: {  	v2 =	vadd.f32 v2, v11;
	v3 =	vadd.f32 v3, v10;
	v11 =	vld [tilespmem:s22+$0x480]  }
0xa8: {  	v10 =	vmul.f32 v61, v14;
	v4 =	vadd.f32 v4, v53;
	v61 =	vmul.f32 v59, v14;
	v53 =	vld [tilespmem:s22+$0x4A0]  }
0xa9: {  	v57 =	vmul.f32 v57, v14;
	v1 =	vadd.f32 v1, v13;
	v14 =	vmul.f32 v58, v14;
	v59 =	vld [tilespmem:s22+$0x4C0];
	[tilespmem:s22+$0x400] =	vst v2  }
0xaa: {  	v2 =	vadd.f32 v10, v15;
	v15 =	vld [tilespmem:s22+$0x4B0];
	[tilespmem:s22+$0x410] =	vst v3;
	v3 =	vadd.f32 v61, v6;
	v6 =	vmul.f32 v52, v8  }
0xab: {  	v58 =	vmul.f32 v51, v8;
	[tilespmem:s22+$0x420] =	vst v1;
	v9 =	vadd.f32 v14, v9;
	v61 =	vmul.f32 v50, v8;
	v50 =	vld [tilespmem:s22+$0x4E0]  }
0xac: {  	[tilespmem:s22+$0x430] =	vst v4;
	v1 =	vadd.f32 v57, v12;
	v52 =	vld [tilespmem:s22+$0x530];
	v4 =	vadd.f32 v6, v11  }
0xad: {  	v8 =	vmul.f32 v49, v8;
	v57 =	vld [tilespmem:s22+$0x510];
	[tilespmem:s22+$0x440] =	vst v2;
	v6 =	vadd.f32 v58, v55;
	v2 =	vadd.f32 v61, v53  }
0xae: {  	v49 =	vld [tilespmem:s22+$0x550];
	[tilespmem:s22+$0x470] =	vst v9;
	v53 =	vmul.f32 v48, v7;
	v55 =	vmul.f32 v47, v7;
	v47 =	vimm.s32 $0x5  }
0xaf: {  	[tilespmem:s22+$0x450] =	vst v3;
	v61 =	vld [tilespmem:s22+$0x520];
	v9 =	vperm.xlane v0, v47  }
0xb0: {  	[tilespmem:s22+$0x460] =	vst v1;
	v3 =	vadd.f32 v8, v15;
	v15 =	vld [tilespmem:s22+$0x500];
	v1 =	vadd.f32 v53, v59;
	v59 =	vimm.s32 $0x4  }
0xb1: {  	v48 =	vld [tilespmem:s22+$0x540];
	v8 =	vmul.f32 v45, v7;
	v13 =	vperm.xlane v0, v59  }
0xb2: {  	v7 =	vmul.f32 v46, v7;
	[tilespmem:s22+$0x480] =	vst v4;
	v53 =	vld [tilespmem:s22+$0x590];
	v51 =	vmul.f32 v40, v9  }
0xb3: {  	v58 =	vadd.f32 v55, v54;
	[tilespmem:s22+$0x490] =	vst v6;
	v55 =	vld [tilespmem:s22+$0x580];
	v54 =	vmul.f32 v37, v9;
	v4 =	vmul.f32 v44, v13  }
0xb4: {  	[tilespmem:s22+$0x4A0] =	vst v2;
	v8 =	vadd.f32 v8, v50;
	v50 =	vld [tilespmem:s22+$0x560];
	v43 =	vmul.f32 v43, v13;
	v6 =	vmul.f32 v41, v13  }
0xb5: {  	v7 =	vadd.f32 v7, v56;
	[tilespmem:s22+$0x4D0] =	vst v58;
	v58 =	vld [tilespmem:s22+$0x5A0];
	v13 =	vmul.f32 v42, v13;
	v2 =	vadd.f32 v4, v15  }
0xb6: {  	v59 =	vimm.s32 $0x7;
	[tilespmem:s22+$0x4B0] =	vst v3;
	v41 =	vld [tilespmem:s22+$0x5D0];
	v4 =	vadd.f32 v43, v57;
	v3 =	vadd.f32 v6, v61  }
0xb7: {  	v44 =	vld [tilespmem:s22+$0x600];
	v6 =	vadd.f32 v13, v52;
	v52 =	vmul.f32 v39, v9;
	v9 =	vmul.f32 v38, v9  }
0xb8: {  	v15 =	vld [tilespmem:s22+$0x5B0];
	v57 =	vimm.s32 $0x6;
	v38 =	vperm.xlane v0, v59;
	v61 =	vimm.s32 $0x8  }
0xb9: {  	v11 =	vperm.xlane v0, v57;
	v39 =	vperm.xlane v0, v61;
	v9 =	vadd.f32 v9, v60;
	v60 =	vld [tilespmem:s22+$0x5C0]  }
0xba: {  	[tilespmem:s22+$0x4C0] =	vst v1;
	v47 =	vmul.f32 v29, v38;
	v29 =	vld [tilespmem:s22+$0x630]  }
0xbb: {  	v1 =	vadd.f32 v51, v48;
	[tilespmem:s22+$0x4F0] =	vst v7;
	v7 =	vmul.f32 v36, v11;
	v48 =	vmul.f32 v28, v39;
	v28 =	vld [tilespmem:s22+$0x670]  }
0xbc: {  	[tilespmem:s22+$0x4E0] =	vst v8;
	v56 =	vadd.f32 v52, v49;
	v35 =	vmul.f32 v35, v11;
	v51 =	vmul.f32 v26, v39;
	v26 =	vld [tilespmem:s22+$0x650]  }
0xbd: {  	[tilespmem:s22+$0x500] =	vst v2;
	v2 =	vmul.f32 v34, v11;
	v11 =	vmul.f32 v33, v11;
	v34 =	vld [tilespmem:$0x1FEE0]  }
0xbe: {  	v8 =	vadd.f32 v54, v50;
	v43 =	vmul.f32 v32, v38;
	[tilespmem:s22+$0x550] =	vst v56;
	v56 =	vld [tilespmem:s22+$0x680]  }
0xbf: {  	[tilespmem:s22+$0x520] =	vst v3;
	v27 =	vmul.f32 v27, v39;
	v50 =	vadd.f32 v47, v63;
	v3 =	vadd.f32 v11, v15;
	v15 =	vld [tilespmem:s22+$0x620]  }
0xc0: {  	[tilespmem:s22+$0x510] =	vst v4;
	v63 =	vld [tilespmem:$0x1FEB0];
	v4 =	vadd.f32 v7, v55;
	v7 =	vadd.f32 v35, v53;
	v55 =	vimm.s32 $0x9  }
0xc1: {  	v2 =	vadd.f32 v2, v58;
	v53 =	vmul.f32 v25, v39;
	v25 =	vld [tilespmem:s22+$0x640];
	v13 =	vperm.xlane v0, v55  }
0xc2: {  	[tilespmem:s22+$0x530] =	vst v6;
	v52 =	vadd.f32 v27, v62;
	v27 =	vimm.s32 $0xA;
	v6 =	vadd.f32 v43, v60;
	v60 =	vld [tilespmem:$0x1FFF0]  }
0xc3: {  	v27 =	vperm.xlane v0, v27;
	[tilespmem:s22+$0x590] =	vst v7;
	v7 =	vmul.f32 v24, v13;
	v24 =	vld [tilespmem:s22+$0x690]  }
0xc4: {  	[tilespmem:s22+$0x5A0] =	vst v2;
	v23 =	vmul.f32 v23, v13;
	v2 =	vmul.f32 v22, v13;
	v54 =	vadd.f32 v51, v15;
	v15 =	vld [tilespmem:s22+$0x660]  }
0xc5: {  	v13 =	vmul.f32 v21, v13;
	v21 =	vld [tilespmem:s22+$0x6A0];
	v17 =	vmul.f32 v17, v27  }
0xc6: {  	v22 =	vld [tilespmem:s22+$0x6C0]  }
0xc7: {  	v45 =	vmul.f32 v31, v38;
	v62 =	vadd.f32 v17, v16;
	v16 =	vld [tilespmem:$0x1FEA0]  }
0xc8: {  	[tilespmem:s22+$0x580] =	vst v4;
	v4 =	vadd.f32 v53, v29;
	v29 =	vimm.s32 $0xB;
	v58 =	vmul.f32 v18, v27;
	v18 =	vld [tilespmem:s22+$0x6F0]  }
0xc9: {  	v29 =	vperm.xlane v0, v29;
	v2 =	vadd.f32 v2, v15;
	v15 =	vld [tilespmem:s22+$0x6E0]  }
0xca: {  	[tilespmem:s22+$0x540] =	vst v1;
	v1 =	vadd.f32 v45, v41;
	v20 =	vmul.f32 v20, v27;
	v57 =	vmul.f32 v19, v27;
	v19 =	vld [tilespmem:$0x1FE90]  }
0xcb: {  	[tilespmem:s22+$0x630] =	vst v4;
	v4 =	vld [tilespmem:$0x1FF00]  }
0xcc: {  	[tilespmem:s22+$0x5D0] =	vst v1;
	v1 =	vadd.f32 v20, v56;
	v20 =	vld [tilespmem:s22+$0x700];
	v16 =	vmul.f32 v16, v29  }
0xcd: {  	v17 =	vld [tilespmem:s22+$0x720]  }
0xce: {  	[tilespmem:s22+$0x560] =	vst v8;
	v32 =	vadd.f32 v16, v15;
	v15 =	vld [tilespmem:$0x1FEC0]  }
0xcf: {  	v8 =	vadd.f32 v48, v44;
	[tilespmem:s22+$0x5C0] =	vst v6;
	v6 =	vadd.f32 v13, v28;
	v13 =	vmul.f32 v60, v29;
	v16 =	vld [tilespmem:$0x1FED0]  }
0xd0: {  	v46 =	vmul.f32 v30, v38;
	[tilespmem:s22+$0x5B0] =	vst v3;
	v3 =	vadd.f32 v7, v25;
	v7 =	vadd.f32 v23, v26;
	v23 =	vld [tilespmem:$0x1FF30]  }
0xd1: {  	v30 =	vimm.s32 $0xC;
	[tilespmem:s22+$0x600] =	vst v8;
	v25 =	vld [tilespmem:$0x1FF50];
	v8 =	vadd.f32 v13, v22;
	v13 =	vmul.f32 v63, v29  }
0xd2: {  	v30 =	vperm.xlane v0, v30;
	[tilespmem:s22+$0x640] =	vst v3;
	v3 =	vld [tilespmem:$0x1FF10]  }
0xd3: {  	v33 =	vadd.f32 v13, v18;
	v18 =	vld [tilespmem:$0x1FEF0]  }
0xd4: {  	[tilespmem:s22+$0x660] =	vst v2;
	v2 =	vld [tilespmem:$0x1FF40];
	v15 =	vmul.f32 v15, v30;
	v16 =	vmul.f32 v16, v30  }
0xd5: {  	[tilespmem:s22+$0x650] =	vst v7;
	v7 =	vld [tilespmem:$0x1FF20]  }
0xd6: {  	v15 =	vadd.f32 v15, v20;
	v16 =	vadd.f32 v16, v4;
	v4 =	vimm.s32 $0xD;
	v20 =	vld [tilespmem:s22+$0x760]  }
0xd7: {  	[tilespmem:s22+$0x680] =	vst v1;
	v1 =	vld [tilespmem:$0x1FF70];
	v4 =	vperm.xlane v0, v4  }
0xd8: {  	v19 =	vmul.f32 v19, v29;
	v61 =	vadd.f32 v58, v21;
	v21 =	vld [tilespmem:s22+$0x750];
	v13 =	vmul.f32 v34, v30  }
0xd9: {  	v22 =	vld [tilespmem:s22+$0x740];
	v18 =	vmul.f32 v18, v30;
	v2 =	vmul.f32 v2, v4  }
0xda: {  	v5 =	vadd.f32 v19, v5;
	v19 =	vld [tilespmem:s22+$0x770];
	v13 =	vadd.f32 v13, v17  }
0xdb: {  	v17 =	vadd.f32 v18, v3;
	v3 =	vimm.s32 $0xE;
	v20 =	vadd.f32 v2, v20;
	v2 =	vld [tilespmem:$0x1FF80]  }
0xdc: {  	v59 =	vadd.f32 v57, v24;
	v24 =	vld [tilespmem:s22+$0x790];
	v3 =	vperm.xlane v0, v3  }
0xdd: {  	v42 =	vld [tilespmem:s22+$0x5E0];
	v7 =	vmul.f32 v7, v4;
	v23 =	vmul.f32 v23, v4  }
0xde: {  	v4 =	vmul.f32 v25, v4  }
0xdf: {  	[tilespmem:s22+$0x670] =	vst v6;
	v1 =	vmul.f32 v1, v3;
	v6 =	vadd.f32 v7, v22;
	v7 =	vadd.f32 v23, v21;
	v21 =	vld [tilespmem:$0x1FF60]  }
0xe0: {  	v19 =	vadd.f32 v4, v19;
	v4 =	vmul.f32 v2, v3;
	v2 =	vld [tilespmem:$0x1FF90]  }
0xe1: {  	v36 =	vadd.f32 v1, v24;
	v1 =	vimm.s32 $0xF  }
0xe2: {  	v49 =	vadd.f32 v46, v42;
	v0 =	vperm.xlane v0, v1;
	v1 =	vld [tilespmem:$0x1FFA0]  }
0xe3: {  	[tilespmem:s22+$0x570] =	vst v9  }
0xe4: {  	[tilespmem:s22+$0x5E0] =	vst v49  }
0xe5: {  	[tilespmem:s22+$0x5F0] =	vst v50;
	v21 =	vmul.f32 v21, v3;
	v3 =	vmul.f32 v2, v3  }
0xe6: {  	[tilespmem:s22+$0x610] =	vst v52  }
0xe7: {  	[tilespmem:s22+$0x620] =	vst v54;
	v24 =	vadd.f32 v3, v1;
	v1 =	vld [tilespmem:$0x1FFB0]  }
0xe8: {  	[tilespmem:s22+$0x690] =	vst v59;
	v25 =	vld [tilespmem:s22+$0x7A0]  }
0xe9: {  	s8 =	sshra.s32 s14, $0x2;
	[tilespmem:s22+$0x6A0] =	vst v61  }
0xea: {  	v2 =	vld [tilespmem:s8+$0x8400];
	[tilespmem:s22+$0x6B0] =	vst v62  }
0xeb: {  	v3 =	vld [tilespmem:s8+$0x8410]  }
0xec: {  	[tilespmem:s22+$0x6C0] =	vst v8;
	v8 =	vmul.f32 v1, v0;
	v1 =	vld [tilespmem:$0x1FFC0]  }
0xed: {  	v37 =	vadd.f32 v4, v25;
	v4 =	vld [tilespmem:$0x1FFD0];
	_ =	sdelay $0x2  }
0xee: {  	v18 =	vld [tilespmem:s22+$0x780]  }
0xef: {  	v25 =	vmul.f32 v1, v0;
	v1 =	vld [tilespmem:s8+$0x8420]  }
0xf0: {  	[tilespmem:s22+$0x6D0] =	vst v5;
	v5 =	vmul.f32 v4, v0;
	v4 =	vld [tilespmem:$0x1FFE0]  }
0xf1: {  	v22 =	vld [tilespmem:s22+$0x7F0]  }
0xf2: {  	v23 =	vld [tilespmem:s22+$0x7D0]  }
0xf3: {  	v35 =	vadd.f32 v21, v18;
	v18 =	vld [tilespmem:s22+$0x7C0]  }
0xf4: {  	v21 =	vld [tilespmem:s22+$0x7E0]  }
0xf5: {  	v0 =	vmul.f32 v4, v0;
	v4 =	vld [tilespmem:s8+$0x8430];
	[tilespmem:s22+$0x6E0] =	vst v32  }
0xf6: {  	v61 =	vld [tilespmem:s8+$0x8440];
	[tilespmem:s22+$0x6F0] =	vst v33  }
0xf7: {  	v59 =	vld [tilespmem:s8+$0x8450];
	[tilespmem:s22+$0x700] =	vst v15  }
0xf8: {  	v57 =	vld [tilespmem:s8+$0x8460];
	[tilespmem:s22+$0x710] =	vst v16  }
0xf9: {  	v58 =	vld [tilespmem:s8+$0x8470];
	[tilespmem:s22+$0x720] =	vst v13  }
0xfa: {  	v52 =	vld [tilespmem:s8+$0x8480];
	[tilespmem:s22+$0x730] =	vst v17  }
0xfb: {  	v51 =	vld [tilespmem:s8+$0x8490];
	[tilespmem:s22+$0x740] =	vst v6  }
0xfc: {  	v50 =	vld [tilespmem:s8+$0x84A0];
	[tilespmem:s22+$0x750] =	vst v7  }
0xfd: {  	v49 =	vld [tilespmem:s8+$0x84B0];
	[tilespmem:s22+$0x760] =	vst v20  }
0xfe: {  	v48 =	vld [tilespmem:s8+$0x84C0];
	[tilespmem:s22+$0x770] =	vst v19  }
0xff: {  	v47 =	vld [tilespmem:s8+$0x84D0];
	[tilespmem:s22+$0x780] =	vst v35  }
0x100: {  	v45 =	vld [tilespmem:s8+$0x84E0];
	[tilespmem:s22+$0x790] =	vst v36  }
0x101: {  	v8 =	vadd.f32 v8, v18;
	v46 =	vld [tilespmem:s8+$0x84F0];
	[tilespmem:s22+$0x7A0] =	vst v37  }
0x102: {  	v38 =	vadd.f32 v25, v23;
	v44 =	vld [tilespmem:s8+$0x8500];
	[tilespmem:s22+$0x7B0] =	vst v24  }
0x103: {  	v5 =	vadd.f32 v5, v21;
	v43 =	vld [tilespmem:s8+$0x8510];
	[tilespmem:s22+$0x7C0] =	vst v8  }
0x104: {  	v0 =	vadd.f32 v0, v22;
	v41 =	vld [tilespmem:s8+$0x8520];
	[tilespmem:s22+$0x7D0] =	vst v38  }
0x105: {  	v42 =	vld [tilespmem:s8+$0x8530];
	[tilespmem:s22+$0x7E0] =	vst v5  }
0x106: {  	v40 =	vld [tilespmem:s8+$0x8540];
	[tilespmem:s22+$0x7F0] =	vst v0;
	s22 =	smov.u32 s8  }
0x107: {  	v39 =	vld [tilespmem:s22+$0x8550]  }
0x108: {  	v37 =	vld [tilespmem:s22+$0x8560]  }
0x109: {  	v38 =	vld [tilespmem:s22+$0x8570]  }
0x10a: {  	v36 =	vld [tilespmem:s22+$0x8580]  }
0x10b: {  	v35 =	vld [tilespmem:s22+$0x8590]  }
0x10c: {  	v34 =	vld [tilespmem:s22+$0x85A0]  }
0x10d: {  	v33 =	vld [tilespmem:s22+$0x85B0]  }
0x10e: {  	v32 =	vld [tilespmem:s22+$0x85C0]  }
0x10f: {  	v31 =	vld [tilespmem:s22+$0x85D0]  }
0x110: {  	v30 =	vld [tilespmem:s22+$0x85E0]  }
0x111: {  	v29 =	vld [tilespmem:s22+$0x85F0]  }
0x112: {  	v28 =	vld [tilespmem:s22+$0x8600]  }
0x113: {  	v27 =	vld [tilespmem:s22+$0x8610]  }
0x114: {  	v26 =	vld [tilespmem:s22+$0x8620]  }
0x115: {  	v25 =	vld [tilespmem:s22+$0x8630]  }
0x116: {  	v24 =	vld [tilespmem:s22+$0x8640]  }
0x117: {  	v23 =	vld [tilespmem:s22+$0x8650]  }
0x118: {  	v22 =	vld [tilespmem:s22+$0x8660]  }
0x119: {  	v21 =	vld [tilespmem:s22+$0x8670]  }
0x11a: {  	p0 =	sne.s32 s14, $0xF000;
	v0 =	vld [tilespmem:s22+$0x86C0]  }
.Ltmp2:
0x11b: {  	v20 =	vld [tilespmem:s22+$0x8680];
	(pc) =	sbr.rel @p0 .LBB2_3-.Ltmp2, $4  }
0x11c: {  	v19 =	vld [tilespmem:s22+$0x8690]  }
0x11d: {  	v18 =	vld [tilespmem:s22+$0x86A0]  }
0x11e: {  	s9 =	sadd.s32 $0x10, s9;
	v17 =	vld [tilespmem:s22+$0x86B0]  }
0x11f: {  	s14 =	sadd.s32 $0x1000, s14;
	v7 =	vimm.s32 $0x0;
	[tilespmem:$0x1FFF0] =	vst v0;
	v0 =	vld [tilespmem:s9+$0x0]  }
0x120: {  	_ =	sdelay $0x3  }
0x121: {  	v0 =	vsub.f32 $0.0e+00, v0;
	_ =	sdelay $0x1  }
0x122: {  	v0 =	vmul.f32 $1.442695020e+00, v0;
	_ =	sdelay $0x1  }
0x123: {  	(erf) = vpow2.f32 v0;
	v0 =	vld [tilespmem:s22+$0x8760];
	_ =	sdelay $0x4  }
0x124: {  	[tilespmem:$0x1FDD0] =	vst v0;
	v0 =	vld [tilespmem:s22+$0x8770];
	_ =	sdelay $0x4  }
0x125: {  	[tilespmem:$0x1FDE0] =	vst v0;
	v0 =	vld [tilespmem:s22+$0x8780];
	_ =	sdelay $0x3  }
0x126: {  	v5 =	vld [tilespmem:s22+$0x86D0]  }
0x127: {  	[tilespmem:$0x1FDF0] =	vst v0;
	v0 =	vld [tilespmem:s22+$0x8790];
	_ =	sdelay $0x3  }
0x128: {  	[tilespmem:$0x1FD30] =	vst v5;
	v5 =	vld [tilespmem:s22+$0x86E0]  }
0x129: {  	[tilespmem:$0x1FE00] =	vst v0;
	v0 =	vld [tilespmem:s22+$0x87A0];
	_ =	sdelay $0x3  }
0x12a: {  	[tilespmem:$0x1FD40] =	vst v5;
	v5 =	vld [tilespmem:s22+$0x86F0]  }
0x12b: {  	[tilespmem:$0x1FE10] =	vst v0;
	v0 =	vld [tilespmem:s22+$0x87B0];
	_ =	sdelay $0x3  }
0x12c: {  	[tilespmem:$0x1FD50] =	vst v5;
	v5 =	vld [tilespmem:s22+$0x8700]  }
0x12d: {  	[tilespmem:$0x1FE20] =	vst v0;
	v0 =	vld [tilespmem:s22+$0x87C0];
	_ =	sdelay $0x3  }
0x12e: {  	[tilespmem:$0x1FD60] =	vst v5;
	v5 =	vld [tilespmem:s22+$0x8710]  }
0x12f: {  	[tilespmem:$0x1FE30] =	vst v0;
	v0 =	vld [tilespmem:s22+$0x87D0];
	_ =	sdelay $0x3  }
0x130: {  	[tilespmem:$0x1FD70] =	vst v5;
	v5 =	vld [tilespmem:s22+$0x8720]  }
0x131: {  	[tilespmem:$0x1FE50] =	vst v0;
	v0 =	vld [tilespmem:s22+$0x87E0];
	_ =	sdelay $0x3  }
0x132: {  	[tilespmem:$0x1FD80] =	vst v5  }
0x133: {  	v5 =	vld [tilespmem:s22+$0x8730];
	[tilespmem:$0x1FE60] =	vst v0;
	v0 =	vpop (erf)  }
0x134: {  	v0 =	vadd.f32 $1.000000000e+00, v0;
	_ =	sdelay $0x1  }
0x135: {  	(erf) = vrcp.f32 v0;
	_ =	sdelay $0x1  }
0x136: {  	[tilespmem:$0x1FD90] =	vst v5;
	v5 =	vld [tilespmem:s22+$0x8740];
	_ =	sdelay $0x4  }
0x137: {  	[tilespmem:$0x1FDA0] =	vst v5;
	v5 =	vld [tilespmem:s22+$0x8750];
	_ =	sdelay $0x1  }
0x138: {  	v0 =	vld [tilespmem:s22+$0x730];
	v62 =	vpop (erf)  }
0x139: {  	v62 =	vmul.f32 $8.999999760e-01, v62;
	_ =	sdelay $0x1  }
0x13a: {  	[tilespmem:$0x1FDC0] =	vst v5;
	v5 =	vld [tilespmem:s22+$0x87F0];
	v62 =	vadd.f32 $1.000000010e-01, v62  }
0x13b: {  	v6 =	vld [tilespmem:s22+$0x410]  }
0x13c: {  	[tilespmem:$0x1FDB0] =	vst v0;
	v0 =	vperm.xlane v62, v7  }
0x13d: {  	v9 =	vld [tilespmem:s22+$0x430]  }
0x13e: {  	v7 =	vld [tilespmem:s22+$0x420];
	v3 =	vmul.f32 v3, v0  }
0x13f: {  	[tilespmem:$0x1FE70] =	vst v5;
	v5 =	vld [tilespmem:s22+$0x7B0]  }
0x140: {  	v3 =	vadd.f32 v3, v6  }
0x141: {  	v1 =	vmul.f32 v1, v0  }
0x142: {  	v8 =	vld [tilespmem:s22+$0x440];
	v2 =	vmul.f32 v2, v0;
	v0 =	vmul.f32 v4, v0;
	[tilespmem:s22+$0x410] =	vst v3;
	v3 =	vimm.s32 $0x1  }
0x143: {  	v10 =	vld [tilespmem:s22+$0x450];
	v1 =	vadd.f32 v1, v7;
	v3 =	vperm.xlane v62, v3  }
0x144: {  	[tilespmem:$0x1FE40] =	vst v5;
	v0 =	vadd.f32 v0, v9  }
0x145: {  	v5 =	vld [tilespmem:s22+$0x400];
	[tilespmem:s22+$0x420] =	vst v1;
	v1 =	vmul.f32 v61, v3  }
0x146: {  	v11 =	vld [tilespmem:s22+$0x460];
	[tilespmem:s22+$0x430] =	vst v0;
	v0 =	vmul.f32 v59, v3  }
0x147: {  	v13 =	vld [tilespmem:s22+$0x470];
	v1 =	vadd.f32 v1, v8  }
0x148: {  	v0 =	vadd.f32 v0, v10  }
0x149: {  	[tilespmem:s22+$0x440] =	vst v1;
	v1 =	vmul.f32 v57, v3  }
0x14a: {  	v2 =	vadd.f32 v2, v5;
	v5 =	vld [tilespmem:s22+$0x480];
	v3 =	vmul.f32 v58, v3;
	[tilespmem:s22+$0x450] =	vst v0;
	v0 =	vimm.s32 $0x2  }
0x14b: {  	v14 =	vld [tilespmem:s22+$0x490];
	v0 =	vperm.xlane v62, v0;
	v1 =	vadd.f32 v1, v11  }
0x14c: {  	v3 =	vadd.f32 v3, v13  }
0x14d: {  	[tilespmem:s22+$0x460] =	vst v1;
	v1 =	vmul.f32 v52, v0  }
0x14e: {  	v12 =	vld [tilespmem:s22+$0x4A0];
	[tilespmem:s22+$0x470] =	vst v3;
	v3 =	vmul.f32 v51, v0  }
0x14f: {  	[tilespmem:s22+$0x400] =	vst v2;
	v2 =	vld [tilespmem:s22+$0x4B0];
	v1 =	vadd.f32 v1, v5  }
0x150: {  	v3 =	vadd.f32 v3, v14  }
0x151: {  	[tilespmem:s22+$0x480] =	vst v1;
	v1 =	vmul.f32 v50, v0  }
0x152: {  	v4 =	vld [tilespmem:s22+$0x4C0];
	v0 =	vmul.f32 v49, v0;
	[tilespmem:s22+$0x490] =	vst v3;
	v3 =	vimm.s32 $0x3  }
0x153: {  	v15 =	vld [tilespmem:s22+$0x4D0];
	v3 =	vperm.xlane v62, v3;
	v1 =	vadd.f32 v1, v12  }
0x154: {  	v0 =	vadd.f32 v0, v2  }
0x155: {  	[tilespmem:s22+$0x4A0] =	vst v1;
	v1 =	vmul.f32 v48, v3  }
0x156: {  	v6 =	vld [tilespmem:s22+$0x4E0];
	[tilespmem:s22+$0x4B0] =	vst v0;
	v0 =	vmul.f32 v47, v3  }
0x157: {  	v16 =	vld [tilespmem:s22+$0x4F0];
	v1 =	vadd.f32 v1, v4  }
0x158: {  	v63 =	vld [tilespmem:s22+$0x710];
	v0 =	vadd.f32 v0, v15  }
0x159: {  	v60 =	vld [tilespmem:s22+$0x6D0];
	[tilespmem:s22+$0x4C0] =	vst v1;
	v1 =	vmul.f32 v45, v3  }
0x15a: {  	v58 =	vld [tilespmem:s22+$0x500];
	v3 =	vmul.f32 v46, v3;
	[tilespmem:s22+$0x4D0] =	vst v0;
	v0 =	vimm.s32 $0x4  }
0x15b: {  	v57 =	vld [tilespmem:s22+$0x510];
	v0 =	vperm.xlane v62, v0;
	v1 =	vadd.f32 v1, v6  }
0x15c: {  	v56 =	vld [tilespmem:s22+$0x6B0];
	v3 =	vadd.f32 v3, v16  }
0x15d: {  	v55 =	vld [tilespmem:s22+$0x610];
	[tilespmem:s22+$0x4E0] =	vst v1;
	v1 =	vmul.f32 v44, v0  }
0x15e: {  	v7 =	vld [tilespmem:s22+$0x530];
	[tilespmem:s22+$0x4F0] =	vst v3;
	v3 =	vmul.f32 v43, v0  }
0x15f: {  	v54 =	vld [tilespmem:s22+$0x5F0];
	v1 =	vadd.f32 v1, v58  }
0x160: {  	v53 =	vld [tilespmem:s22+$0x570];
	v3 =	vadd.f32 v3, v57  }
0x161: {  	v59 =	vld [tilespmem:s22+$0x520];
	[tilespmem:s22+$0x500] =	vst v1;
	v1 =	vmul.f32 v41, v0;
	v0 =	vmul.f32 v42, v0  }
0x162: {  	v61 =	vld [tilespmem:s22+$0x550];
	[tilespmem:s22+$0x510] =	vst v3;
	v3 =	vimm.s32 $0x5  }
0x163: {  	v51 =	vld [tilespmem:s22+$0x5C0];
	v3 =	vperm.xlane v62, v3;
	v0 =	vadd.f32 v0, v7  }
0x164: {  	v52 =	vld [tilespmem:s22+$0x5D0]  }
0x165: {  	v5 =	vld [tilespmem:s22+$0x540];
	[tilespmem:s22+$0x530] =	vst v0;
	v0 =	vmul.f32 v39, v3  }
0x166: {  	v49 =	vld [tilespmem:s22+$0x560]  }
0x167: {  	v50 =	vld [tilespmem:s22+$0x580];
	v0 =	vadd.f32 v0, v61;
	v61 =	vimm.s32 $0x6  }
0x168: {  	v2 =	vld [tilespmem:s22+$0x5B0];
	v1 =	vadd.f32 v1, v59;
	v12 =	vperm.xlane v62, v61  }
0x169: {  	v4 =	vld [tilespmem:s22+$0x590]  }
0x16a: {  	v58 =	vld [tilespmem:s22+$0x600];
	v41 =	vimm.s32 $0x8;
	[tilespmem:s22+$0x520] =	vst v1;
	v1 =	vmul.f32 v40, v3;
	v15 =	vmul.f32 v36, v12  }
0x16b: {  	v6 =	vld [tilespmem:s22+$0x5A0];
	v14 =	vperm.xlane v62, v41  }
0x16c: {  	v1 =	vadd.f32 v1, v5;
	v5 =	vld [tilespmem:s22+$0x630];
	v13 =	vadd.f32 v15, v50;
	v15 =	vmul.f32 v35, v12  }
0x16d: {  	v43 =	vld [tilespmem:s22+$0x700];
	v16 =	vmul.f32 v28, v14  }
0x16e: {  	v44 =	vld [tilespmem:s22+$0x770];
	v26 =	vmul.f32 v26, v14;
	v4 =	vadd.f32 v15, v4  }
0x16f: {  	v57 =	vld [tilespmem:s22+$0x5E0];
	v10 =	vadd.f32 v16, v58;
	v16 =	vmul.f32 v27, v14;
	v14 =	vmul.f32 v25, v14  }
0x170: {  	v48 =	vimm.s32 $0xA;
	v25 =	vimm.s32 $0x9;
	[tilespmem:s22+$0x590] =	vst v4;
	v4 =	vld [tilespmem:s22+$0x690]  }
0x171: {  	v59 =	vld [tilespmem:s22+$0x670];
	[tilespmem:s22+$0x540] =	vst v1;
	v1 =	vmul.f32 v37, v3;
	v5 =	vadd.f32 v14, v5;
	v14 =	vperm.xlane v62, v48  }
0x172: {  	v42 =	vld [tilespmem:s22+$0x6F0];
	v25 =	vperm.xlane v62, v25  }
0x173: {  	v36 =	vld [tilespmem:s22+$0x680];
	v1 =	vadd.f32 v1, v49;
	v19 =	vmul.f32 v19, v14  }
0x174: {  	v7 =	vld [tilespmem:s22+$0x620];
	v21 =	vmul.f32 v21, v25;
	v15 =	vmul.f32 v34, v12  }
0x175: {  	v40 =	vld [tilespmem:s22+$0x6E0];
	[tilespmem:s22+$0x560] =	vst v1;
	v12 =	vmul.f32 v33, v12;
	v4 =	vadd.f32 v19, v4  }
0x176: {  	v11 =	vadd.f32 v21, v59;
	v21 =	vld [tilespmem:$0x1FD50];
	[tilespmem:s22+$0x580] =	vst v13;
	v20 =	vmul.f32 v20, v14;
	v6 =	vadd.f32 v15, v6  }
0x177: {  	v15 =	vimm.s32 $0x7;
	v2 =	vadd.f32 v12, v2;
	[tilespmem:s22+$0x690] =	vst v4;
	v4 =	vld [tilespmem:$0x1FFF0]  }
0x178: {  	v13 =	vadd.f32 v20, v36;
	v15 =	vperm.xlane v62, v15;
	[tilespmem:s22+$0x5A0] =	vst v6;
	v6 =	vld [tilespmem:s22+$0x6A0]  }
0x179: {  	v50 =	vimm.s32 $0xB;
	[tilespmem:s22+$0x5B0] =	vst v2;
	v2 =	vld [tilespmem:s22+$0x6C0]  }
0x17a: {  	v1 =	vld [tilespmem:s22+$0x640];
	[tilespmem:s22+$0x680] =	vst v13;
	v13 =	vperm.xlane v62, v50;
	v37 =	vmul.f32 v32, v15  }
0x17b: {  	v3 =	vmul.f32 v38, v3;
	v18 =	vmul.f32 v18, v14;
	v20 =	vld [tilespmem:$0x1FD40]  }
0x17c: {  	v38 =	vmul.f32 v31, v15;
	v12 =	vadd.f32 v37, v51;
	v51 =	vld [tilespmem:$0x1FD60];
	v4 =	vmul.f32 v4, v13  }
0x17d: {  	v39 =	vmul.f32 v30, v15;
	v15 =	vmul.f32 v29, v15;
	v6 =	vadd.f32 v18, v6;
	v18 =	vld [tilespmem:$0x1FD30]  }
0x17e: {  	[tilespmem:s22+$0x550] =	vst v0;
	v9 =	vadd.f32 v38, v52;
	v52 =	vld [tilespmem:$0x1FD80];
	v2 =	vadd.f32 v4, v2  }
0x17f: {  	v16 =	vadd.f32 v16, v55;
	v14 =	vmul.f32 v17, v14;
	v15 =	vadd.f32 v15, v54;
	v54 =	vld [tilespmem:$0x1FD90];
	[tilespmem:s22+$0x6A0] =	vst v6  }
0x180: {  	v7 =	vadd.f32 v26, v7;
	v6 =	vimm.s32 $0xC;
	[tilespmem:s22+$0x6C0] =	vst v2;
	v2 =	vld [tilespmem:$0x1FD70]  }
0x181: {  	v0 =	vld [tilespmem:s22+$0x650];
	[tilespmem:s22+$0x610] =	vst v16;
	v14 =	vadd.f32 v14, v56;
	v20 =	vmul.f32 v20, v13;
	v6 =	vperm.xlane v62, v6  }
0x182: {  	[tilespmem:s22+$0x620] =	vst v7;
	v8 =	vadd.f32 v39, v57;
	v57 =	vld [tilespmem:$0x1FDB0];
	v18 =	vmul.f32 v18, v13;
	v13 =	vmul.f32 v21, v13  }
0x183: {  	v45 =	vmul.f32 v24, v25;
	v7 =	vld [tilespmem:s22+$0x740];
	v3 =	vadd.f32 v3, v53;
	[tilespmem:s22+$0x6B0] =	vst v14  }
0x184: {  	v59 =	vld [tilespmem:$0x1FDD0];
	[tilespmem:s22+$0x5D0] =	vst v9;
	v14 =	vmul.f32 v51, v6;
	v9 =	vadd.f32 v13, v42;
	v13 =	vmul.f32 v52, v6  }
0x185: {  	[tilespmem:s22+$0x570] =	vst v3;
	v3 =	vld [tilespmem:s22+$0x660];
	v1 =	vadd.f32 v45, v1;
	v2 =	vmul.f32 v2, v6;
	v6 =	vmul.f32 v54, v6  }
0x186: {  	[tilespmem:s22+$0x630] =	vst v5;
	v5 =	vld [tilespmem:s22+$0x760]  }
0x187: {  	v56 =	vld [tilespmem:$0x1FDA0];
	[tilespmem:s22+$0x640] =	vst v1;
	v6 =	vadd.f32 v6, v57  }
0x188: {  	v46 =	vmul.f32 v23, v25;
	[tilespmem:s22+$0x5F0] =	vst v15;
	v15 =	vld [tilespmem:s22+$0x720]  }
0x189: {  	v47 =	vmul.f32 v22, v25;
	v2 =	vadd.f32 v2, v63;
	[tilespmem:s22+$0x730] =	vst v6;
	v6 =	vld [tilespmem:$0x1FDF0]  }
0x18a: {  	v53 =	vimm.s32 $0xD;
	v0 =	vadd.f32 v46, v0;
	v1 =	vld [tilespmem:s22+$0x780];
	[tilespmem:s22+$0x5E0] =	vst v8;
	v18 =	vadd.f32 v18, v60  }
0x18b: {  	v8 =	vadd.f32 v14, v43;
	v14 =	vperm.xlane v62, v53;
	v60 =	vld [tilespmem:$0x1FDE0];
	[tilespmem:s22+$0x710] =	vst v2;
	v2 =	vimm.s32 $0xE  }
0x18c: {  	v58 =	vld [tilespmem:$0x1FDC0];
	[tilespmem:s22+$0x5C0] =	vst v12;
	v12 =	vadd.f32 v20, v40;
	v2 =	vperm.xlane v62, v2  }
0x18d: {  	v61 =	vld [tilespmem:$0x1FE00];
	[tilespmem:s22+$0x650] =	vst v0;
	v3 =	vadd.f32 v47, v3;
	v55 =	vadd.f32 v13, v15;
	v13 =	vmul.f32 v59, v14  }
0x18e: {  	v16 =	vld [tilespmem:s22+$0x750];
	[tilespmem:s22+$0x6E0] =	vst v12;
	v12 =	vmul.f32 v56, v14;
	v6 =	vmul.f32 v6, v2  }
0x18f: {  	v0 =	vld [tilespmem:s22+$0x790];
	[tilespmem:s22+$0x660] =	vst v3;
	v5 =	vadd.f32 v13, v5  }
0x190: {  	[tilespmem:s22+$0x6F0] =	vst v9;
	v7 =	vadd.f32 v12, v7;
	v9 =	vmul.f32 v60, v14;
	v1 =	vadd.f32 v6, v1;
	v6 =	vld [tilespmem:$0x1FE10]  }
0x191: {  	[tilespmem:s22+$0x760] =	vst v5;
	v5 =	vld [tilespmem:$0x1FE20]  }
0x192: {  	v3 =	vld [tilespmem:s22+$0x7A0];
	[tilespmem:s22+$0x740] =	vst v7;
	v7 =	vadd.f32 v9, v44;
	v9 =	vmul.f32 v61, v2  }
0x193: {  	[tilespmem:s22+$0x780] =	vst v1;
	v1 =	vld [tilespmem:$0x1FE40]  }
0x194: {  	v17 =	vld [tilespmem:s22+$0x7C0];
	[tilespmem:s22+$0x700] =	vst v8;
	v8 =	vmul.f32 v58, v14;
	v0 =	vadd.f32 v9, v0  }
0x195: {  	v4 =	vld [tilespmem:s22+$0x7E0];
	v6 =	vmul.f32 v6, v2  }
0x196: {  	v8 =	vadd.f32 v8, v16;
	[tilespmem:s22+$0x790] =	vst v0;
	v0 =	vld [tilespmem:$0x1FE60];
	v2 =	vmul.f32 v5, v2  }
0x197: {  	[tilespmem:s22+$0x600] =	vst v10;
	v5 =	vld [tilespmem:$0x1FE30];
	v3 =	vadd.f32 v6, v3  }
0x198: {  	[tilespmem:s22+$0x750] =	vst v8;
	v63 =	vimm.s32 $0xF;
	v1 =	vadd.f32 v2, v1;
	v2 =	vld [tilespmem:$0x1FE50]  }
0x199: {  	v8 =	vperm.xlane v62, v63;
	[tilespmem:s22+$0x7A0] =	vst v3;
	v3 =	vld [tilespmem:$0x1FE70]  }
0x19a: {  	[tilespmem:s22+$0x670] =	vst v11;
	v19 =	vld [tilespmem:s22+$0x7D0]  }
0x19b: {  	v49 =	vld [tilespmem:s22+$0x7F0];
	[tilespmem:s22+$0x6D0] =	vst v18;
	v0 =	vmul.f32 v0, v8  }
0x19c: {  	[tilespmem:s22+$0x720] =	vst v55;
	v5 =	vmul.f32 v5, v8  }
0x19d: {  	[tilespmem:s22+$0x770] =	vst v7;
	v0 =	vadd.f32 v0, v4;
	v2 =	vmul.f32 v2, v8  }
0x19e: {  	[tilespmem:s22+$0x7B0] =	vst v1;
	v5 =	vadd.f32 v5, v17;
	v3 =	vmul.f32 v3, v8  }
0x19f: {  	s8 =	sshll.u32 s21, $0xF;
	[tilespmem:s22+$0x7E0] =	vst v0;
	v2 =	vadd.f32 v2, v19  }
0x1a0: {  	s8 =	sadd.s32 s10, s8;
	[tilespmem:s22+$0x7C0] =	vst v5;
	v1 =	vadd.f32 v3, v49  }
0x1a1: {  	s8 =	sshrl.u32 s8, $0x3;
	[tilespmem:s22+$0x7D0] =	vst v2  }
0x1a2: {  	p0 =	seq.s32 s21, $0x31;
	s8 =	sadd.s32 s3, s8;
	[tilespmem:s22+$0x7F0] =	vst v1  }
0x1a3: {  	[hbm4b:s8+s4] =	stream.linear.scatter [tilespmem:s17], [sflag:$0x3], $0x4000, $0x38;
	[tilespmem:$0x10400] =	vst v63  }
0x1a4: {  	s22 =	sshll.u32 s21, $0x9;
	s8 =	simm.s32 @!p0 $0x3  }
0x1a5: {  	s9 =	sadd.s32 @!p0 s22, s11;
	_ =	swait.ge @!p0 [sflag:s8], $0x4000  }
0x1a6: {  	s9 =	sshrl.u32 @!p0 s9, $0x3;
	[sflag:s8] =	ssyncset.done @!p0 $0x0  }
0x1a7: {  	[sflag:s8] =	ssyncadd.s32 @!p0 $0xFFFFC000;
	s8 =	sadd.s32 @!p0 s5, s9;
	s9 =	simm.s32 @!p0 $0x0  }
0x1a8: {  	[tilespmem:s9], [sflag:$0x5] =	stream.linear.gather @!p0 [hbm4b:s8+s9], $0x100, $0x38;
	[tilespmem:$0x10400] =	vst v63  }
0x1a9: {  	s8 =	simm.s32 @!p0 $0x5  }
0x1aa: {  	_ =	swait.ge @!p0 [sflag:s8], $0x100  }
0x1ab: {  	[sflag:s8] =	ssyncset.done @!p0 $0x0  }
0x1ac: {  	s14 =	simm.s32 @!p0 $0x400;
	[sflag:s8] =	ssyncadd.s32 @!p0 $0xFFFFFF00;
	s8 =	simm.s32 @!p0 $0x80  }
0x1ad: {  	[tilespmem:s14], [sflag:$0x1] =	stream.indirect.gather @!p0 [hbm4b:s6+s8], $0x40, s9, s8, $0xb8;
	[tilespmem:$0x10400] =	vst v63  }
0x1ae: {  	s14 =	simm.s32 @!p0 $0x8400  }
0x1af: {  	[tilespmem:s14], [sflag:$0x1] =	stream.indirect.gather @!p0 [hbm4b:s7+s8], $0x40, s9, s8, $0xb8;
	[tilespmem:$0x10400] =	vst v63  }
0x1b0: {  	s14 =	simm.s32 @!p0 $0x200  }
0x1b1: {  	[tilespmem:s14], [sflag:$0x1] =	stream.indirect.gather @!p0 [hbm4b:s2+s8], $0x1, s9, s8, $0xb8;
	[tilespmem:$0x10400] =	vst v63  }
0x1b2: {  	s9 =	simm.s32 @!p0 $0x2400  }
0x1b3: {  	[tilespmem:s9], [sflag:$0x1] =	stream.indirect.gather @!p0 [hbm4b:s6+s8], $0x40, s8, s8, $0xb8;
	[tilespmem:$0x10400] =	vst v63  }
0x1b4: {  	s9 =	simm.s32 @!p0 $0xA400  }
0x1b5: {  	[tilespmem:s9], [sflag:$0x1] =	stream.indirect.gather @!p0 [hbm4b:s7+s8], $0x40, s8, s8, $0xb8;
	[tilespmem:$0x10400] =	vst v63  }
0x1b6: {  	s9 =	simm.s32 @!p0 $0x280  }
0x1b7: {  	[tilespmem:s9], [sflag:$0x1] =	stream.indirect.gather @!p0 [hbm4b:s2+s8], $0x1, s8, s8, $0xb8;
	[tilespmem:$0x10400] =	vst v63  }
0x1b8: {  	_ =	swait.ge [sflag:s0], $0x2000  }
0x1b9: {  	[sflag:s0] =	ssyncset.done $0x0  }
0x1ba: {  	[sflag:s0] =	ssyncadd.s32 $0xFFFFE000  }
0x1bb: {  	_ =	swait.ge [sflag:s0], $0x2000  }
0x1bc: {  	[sflag:s0] =	ssyncset.done $0x0  }
0x1bd: {  	[sflag:s0] =	ssyncadd.s32 $0xFFFFE000  }
0x1be: {  	_ =	swait.ge [sflag:s0], $0x80  }
0x1bf: {  	[sflag:s0] =	ssyncset.done $0x0  }
0x1c0: {  	[sflag:s0] =	ssyncadd.s32 $0xFFFFFF80  }
0x1c1: {  	_ =	swait.ge [sflag:s0], $0x2000  }
0x1c2: {  	[sflag:s0] =	ssyncset.done $0x0  }
0x1c3: {  	[sflag:s0] =	ssyncadd.s32 $0xFFFFE000  }
0x1c4: {  	_ =	swait.ge [sflag:s0], $0x2000  }
0x1c5: {  	[sflag:s0] =	ssyncset.done $0x0  }
0x1c6: {  	[sflag:s0] =	ssyncadd.s32 $0xFFFFE000  }
0x1c7: {  	_ =	swait.ge [sflag:s0], $0x80  }
0x1c8: {  	[sflag:s0] =	ssyncset.done $0x0  }
0x1c9: {  	s9 =	simm.s32 $0x0;
	[sflag:s0] =	ssyncadd.s32 $0xFFFFFF80  }
0x1ca: {  	v2 =	vld [tilespmem:s9+$0xC400]  }
0x1cb: {  	v3 =	vld [tilespmem:s9+$0xC410]  }
0x1cc: {  	v1 =	vld [tilespmem:s9+$0xC420]  }
0x1cd: {  	v4 =	vld [tilespmem:s9+$0xC430]  }
0x1ce: {  	v61 =	vld [tilespmem:s9+$0xC440]  }
0x1cf: {  	v59 =	vld [tilespmem:s9+$0xC450]  }
0x1d0: {  	v57 =	vld [tilespmem:s9+$0xC460]  }
0x1d1: {  	v58 =	vld [tilespmem:s9+$0xC470]  }
0x1d2: {  	v52 =	vld [tilespmem:s9+$0xC480]  }
0x1d3: {  	v51 =	vld [tilespmem:s9+$0xC490]  }
0x1d4: {  	v50 =	vld [tilespmem:s9+$0xC4A0]  }
0x1d5: {  	v49 =	vld [tilespmem:s9+$0xC4B0]  }
0x1d6: {  	v48 =	vld [tilespmem:s9+$0xC4C0]  }
0x1d7: {  	v47 =	vld [tilespmem:s9+$0xC4D0]  }
0x1d8: {  	v45 =	vld [tilespmem:s9+$0xC4E0]  }
0x1d9: {  	v46 =	vld [tilespmem:s9+$0xC4F0]  }
0x1da: {  	v44 =	vld [tilespmem:s9+$0xC500]  }
0x1db: {  	v43 =	vld [tilespmem:s9+$0xC510]  }
0x1dc: {  	v41 =	vld [tilespmem:s9+$0xC520]  }
0x1dd: {  	v42 =	vld [tilespmem:s9+$0xC530]  }
0x1de: {  	v40 =	vld [tilespmem:s9+$0xC540]  }
0x1df: {  	v39 =	vld [tilespmem:s9+$0xC550]  }
0x1e0: {  	v37 =	vld [tilespmem:s9+$0xC560]  }
0x1e1: {  	v38 =	vld [tilespmem:s9+$0xC570]  }
0x1e2: {  	v36 =	vld [tilespmem:s9+$0xC580]  }
0x1e3: {  	v35 =	vld [tilespmem:s9+$0xC590]  }
0x1e4: {  	v34 =	vld [tilespmem:s9+$0xC5A0]  }
0x1e5: {  	v33 =	vld [tilespmem:s9+$0xC5B0]  }
0x1e6: {  	v32 =	vld [tilespmem:s9+$0xC5C0]  }
0x1e7: {  	v31 =	vld [tilespmem:s9+$0xC5D0]  }
0x1e8: {  	v30 =	vld [tilespmem:s9+$0xC5E0]  }
0x1e9: {  	v29 =	vld [tilespmem:s9+$0xC5F0]  }
0x1ea: {  	v28 =	vld [tilespmem:s9+$0xC600]  }
0x1eb: {  	v27 =	vld [tilespmem:s9+$0xC610]  }
0x1ec: {  	v26 =	vld [tilespmem:s9+$0xC620]  }
0x1ed: {  	v25 =	vld [tilespmem:s9+$0xC630]  }
0x1ee: {  	v24 =	vld [tilespmem:s9+$0xC640]  }
0x1ef: {  	v23 =	vld [tilespmem:s9+$0xC650]  }
0x1f0: {  	v22 =	vld [tilespmem:s9+$0xC660]  }
0x1f1: {  	v21 =	vld [tilespmem:s9+$0xC670]  }
0x1f2: {  	v0 =	vld [tilespmem:s9+$0xC6C0]  }
0x1f3: {  	v20 =	vld [tilespmem:s9+$0xC680]  }
0x1f4: {  	v19 =	vld [tilespmem:s9+$0xC690]  }
0x1f5: {  	v18 =	vld [tilespmem:s9+$0xC6A0]  }
0x1f6: {  	s14 =	simm.s32 $0x300;
	v17 =	vld [tilespmem:s9+$0xC6B0]  }
0x1f7: {  	s8 =	simm.s32 $0x1000;
	[tilespmem:$0x1FE80] =	vst v0;
	v0 =	vld [tilespmem:s14+$0x0]  }
.LBB2_5:
0x1f8: {  	_ =	sdelay $0x3  }
0x1f9: {  	v0 =	vsub.f32 $0.0e+00, v0;
	_ =	sdelay $0x1  }
0x1fa: {  	v0 =	vmul.f32 $1.442695020e+00, v0;
	_ =	sdelay $0x1  }
0x1fb: {  	(erf) = vpow2.f32 v0;
	v0 =	vld [tilespmem:s9+$0xC760];
	_ =	sdelay $0x3  }
0x1fc: {  	v5 =	vld [tilespmem:s9+$0xC6D0]  }
0x1fd: {  	[tilespmem:$0x1FC80] =	vst v0;
	v0 =	vld [tilespmem:s9+$0xC770];
	_ =	sdelay $0x3  }
0x1fe: {  	[tilespmem:$0x1FBD0] =	vst v5;
	v5 =	vld [tilespmem:s9+$0xC6E0]  }
0x1ff: {  	[tilespmem:$0x1FC90] =	vst v0;
	v0 =	vld [tilespmem:s9+$0xC780];
	_ =	sdelay $0x3  }
0x200: {  	[tilespmem:$0x1FBE0] =	vst v5;
	v5 =	vld [tilespmem:s9+$0xC6F0]  }
0x201: {  	[tilespmem:$0x1FCA0] =	vst v0;
	v0 =	vld [tilespmem:s9+$0xC790];
	_ =	sdelay $0x3  }
0x202: {  	[tilespmem:$0x1FBF0] =	vst v5;
	v5 =	vld [tilespmem:s9+$0xC700]  }
0x203: {  	[tilespmem:$0x1FCB0] =	vst v0;
	v0 =	vld [tilespmem:s9+$0xC7A0];
	_ =	sdelay $0x3  }
0x204: {  	[tilespmem:$0x1FC00] =	vst v5;
	v5 =	vld [tilespmem:s9+$0xC710]  }
0x205: {  	[tilespmem:$0x1FCC0] =	vst v0;
	v0 =	vld [tilespmem:s9+$0xC7B0];
	_ =	sdelay $0x3  }
0x206: {  	[tilespmem:$0x1FC10] =	vst v5;
	v5 =	vld [tilespmem:s9+$0xC720]  }
0x207: {  	[tilespmem:$0x1FCD0] =	vst v0;
	v0 =	vld [tilespmem:s9+$0xC7C0];
	_ =	sdelay $0x3  }
0x208: {  	[tilespmem:$0x1FC20] =	vst v5;
	v5 =	vld [tilespmem:s9+$0xC730]  }
0x209: {  	[tilespmem:$0x1FCF0] =	vst v0;
	v0 =	vld [tilespmem:s9+$0xC7D0];
	_ =	sdelay $0x3  }
0x20a: {  	[tilespmem:$0x1FC30] =	vst v5;
	v5 =	vld [tilespmem:s9+$0xC740]  }
0x20b: {  	[tilespmem:$0x1FD00] =	vst v0;
	v0 =	vld [tilespmem:s9+$0xC7E0];
	_ =	sdelay $0x3  }
0x20c: {  	[tilespmem:$0x1FC60] =	vst v5  }
0x20d: {  	v5 =	vld [tilespmem:s9+$0xC750];
	[tilespmem:$0x1FD10] =	vst v0;
	v0 =	vpop (erf)  }
0x20e: {  	v0 =	vadd.f32 $1.000000000e+00, v0;
	_ =	sdelay $0x1  }
0x20f: {  	v16 =	vld [tilespmem:s9+$0x46B0];
	(erf) = vrcp.f32 v0  }
0x210: {  	v62 =	vld [tilespmem:s9+$0x4610]  }
0x211: {  	[tilespmem:$0x1FC70] =	vst v5;
	v5 =	vld [tilespmem:s9+$0xC7F0]  }
0x212: {  	v63 =	vld [tilespmem:s9+$0x45F0]  }
0x213: {  	v0 =	vld [tilespmem:s9+$0x4710]  }
0x214: {  	v60 =	vld [tilespmem:s9+$0x4570]  }
0x215: {  	v56 =	vld [tilespmem:s9+$0x44F0]  }
0x216: {  	[tilespmem:$0x1FD20] =	vst v5;
	v5 =	vld [tilespmem:s9+$0x47B0]  }
0x217: {  	v54 =	vld [tilespmem:s9+$0x44D0]  }
0x218: {  	v55 =	vld [tilespmem:s9+$0x4490];
	[tilespmem:$0x1FC40] =	vst v0;
	v0 =	vpop (erf)  }
0x219: {  	v9 =	vld [tilespmem:s9+$0x4470];
	v0 =	vmul.f32 $8.999999760e-01, v0  }
0x21a: {  	v53 =	vld [tilespmem:s9+$0x4430]  }
0x21b: {  	[tilespmem:$0x1FCE0] =	vst v5;
	v5 =	vld [tilespmem:s9+$0x4730];
	v0 =	vadd.f32 $1.000000010e-01, v0  }
0x21c: {  	v10 =	vld [tilespmem:s9+$0x4410];
	v6 =	vimm.s32 $0x0  }
0x21d: {  	v11 =	vld [tilespmem:s9+$0x4400];
	v12 =	vperm.xlane v0, v6;
	v6 =	vimm.s32 $0x1  }
0x21e: {  	v13 =	vld [tilespmem:s9+$0x4420];
	v14 =	vperm.xlane v0, v6;
	v6 =	vimm.s32 $0x2  }
0x21f: {  	v15 =	vld [tilespmem:s9+$0x4440];
	v8 =	vperm.xlane v0, v6  }
0x220: {  	[tilespmem:$0x1FC50] =	vst v5;
	v5 =	vld [tilespmem:s9+$0x46D0];
	v2 =	vmul.f32 v2, v12;
	v3 =	vmul.f32 v3, v12  }
0x221: {  	v6 =	vimm.s32 $0x3;
	v1 =	vmul.f32 v1, v12;
	v4 =	vmul.f32 v4, v12;
	v12 =	vld [tilespmem:s9+$0x4460]  }
0x222: {  	v7 =	vperm.xlane v0, v6;
	v6 =	vld [tilespmem:s9+$0x4450]  }
0x223: {  	v61 =	vmul.f32 v61, v14;
	v2 =	vadd.f32 v2, v11;
	v11 =	vld [tilespmem:s9+$0x4480]  }
0x224: {  	v4 =	vadd.f32 v4, v53;
	v53 =	vld [tilespmem:s9+$0x44A0]  }
0x225: {  	v1 =	vadd.f32 v1, v13;
	[tilespmem:s9+$0x4400] =	vst v2;
	v2 =	vadd.f32 v61, v15;
	v61 =	vmul.f32 v57, v14;
	v15 =	vld [tilespmem:s9+$0x44B0]  }
0x226: {  	v59 =	vmul.f32 v59, v14;
	v3 =	vadd.f32 v3, v10;
	v14 =	vmul.f32 v58, v14;
	v58 =	vld [tilespmem:s9+$0x44C0]  }
0x227: {  	[tilespmem:s9+$0x4420] =	vst v1;
	v1 =	vadd.f32 v61, v12;
	v61 =	vld [tilespmem:s9+$0x44E0]  }
0x228: {  	[tilespmem:s9+$0x4410] =	vst v3;
	v57 =	vmul.f32 v51, v8;
	v3 =	vadd.f32 v59, v6;
	v6 =	vmul.f32 v52, v8;
	v52 =	vld [tilespmem:s9+$0x4510]  }
0x229: {  	[tilespmem:s9+$0x4430] =	vst v4;
	v9 =	vadd.f32 v14, v9;
	v59 =	vmul.f32 v50, v8;
	v50 =	vmul.f32 v47, v7;
	v47 =	vld [tilespmem:s9+$0x4560]  }
0x22a: {  	v8 =	vmul.f32 v49, v8;
	[tilespmem:s9+$0x4440] =	vst v2;
	v49 =	vmul.f32 v48, v7;
	v4 =	vadd.f32 v6, v11;
	v11 =	vld [tilespmem:s9+$0x4530]  }
0x22b: {  	v6 =	vadd.f32 v57, v55;
	v2 =	vadd.f32 v59, v53;
	[tilespmem:s9+$0x4450] =	vst v3;
	v53 =	vmul.f32 v45, v7;
	v57 =	vld [tilespmem:s9+$0x4520]  }
0x22c: {  	v7 =	vmul.f32 v46, v7;
	[tilespmem:s9+$0x4460] =	vst v1;
	v54 =	vadd.f32 v50, v54;
	v55 =	vimm.s32 $0x4;
	v59 =	vld [tilespmem:s9+$0x4540]  }
0x22d: {  	[tilespmem:s9+$0x4470] =	vst v9;
	v50 =	vld [tilespmem:s9+$0x4590];
	v1 =	vadd.f32 v49, v58;
	v13 =	vperm.xlane v0, v55;
	v58 =	vimm.s32 $0x5  }
0x22e: {  	v3 =	vadd.f32 v8, v15;
	v15 =	vld [tilespmem:s9+$0x4500];
	v7 =	vadd.f32 v7, v56;
	v9 =	vperm.xlane v0, v58;
	[tilespmem:s9+$0x4480] =	vst v4  }
0x22f: {  	v55 =	vld [tilespmem:s9+$0x45A0];
	[tilespmem:s9+$0x44D0] =	vst v54;
	v54 =	vimm.s32 $0x6;
	v4 =	vmul.f32 v44, v13;
	v43 =	vmul.f32 v43, v13  }
0x230: {  	[tilespmem:s9+$0x4490] =	vst v6;
	v56 =	vimm.s32 $0x7;
	v58 =	vld [tilespmem:s9+$0x45C0];
	v6 =	vmul.f32 v41, v13;
	v13 =	vmul.f32 v42, v13  }
0x231: {  	v8 =	vadd.f32 v53, v61;
	v61 =	vld [tilespmem:s9+$0x4550];
	v48 =	vmul.f32 v40, v9;
	v49 =	vmul.f32 v39, v9  }
0x232: {  	[tilespmem:s9+$0x44B0] =	vst v3;
	v3 =	vadd.f32 v6, v57;
	v6 =	vadd.f32 v13, v11;
	v11 =	vperm.xlane v0, v54;
	v54 =	vld [tilespmem:s9+$0x4680]  }
0x233: {  	[tilespmem:s9+$0x44A0] =	vst v2;
	v51 =	vmul.f32 v37, v9;
	v9 =	vmul.f32 v38, v9;
	v2 =	vadd.f32 v4, v15;
	v15 =	vld [tilespmem:s9+$0x45B0]  }
0x234: {  	v38 =	vperm.xlane v0, v56;
	v4 =	vadd.f32 v43, v52;
	v52 =	vld [tilespmem:s9+$0x4580]  }
0x235: {  	[tilespmem:s9+$0x44C0] =	vst v1;
	v1 =	vadd.f32 v48, v59;
	v9 =	vadd.f32 v9, v60;
	v60 =	vld [tilespmem:s9+$0x45D0]  }
0x236: {  	v59 =	vimm.s32 $0x8;
	v40 =	vmul.f32 v32, v38;
	v44 =	vmul.f32 v29, v38;
	v29 =	vld [tilespmem:s9+$0x4630]  }
0x237: {  	[tilespmem:s9+$0x44F0] =	vst v7;
	v39 =	vperm.xlane v0, v59;
	v53 =	vadd.f32 v49, v61;
	v61 =	vld [tilespmem:s9+$0x45E0]  }
0x238: {  	v7 =	vmul.f32 v36, v11;
	v35 =	vmul.f32 v35, v11;
	[tilespmem:s9+$0x4530] =	vst v6;
	v6 =	vadd.f32 v40, v58;
	v58 =	vld [tilespmem:$0x1FE80]  }
0x239: {  	[tilespmem:s9+$0x4500] =	vst v2;
	v2 =	vmul.f32 v34, v11;
	v11 =	vmul.f32 v33, v11;
	v33 =	vld [tilespmem:$0x1FC20]  }
0x23a: {  	v57 =	vadd.f32 v51, v47;
	v45 =	vmul.f32 v28, v39;
	v28 =	vld [tilespmem:s9+$0x4670]  }
0x23b: {  	v42 =	vmul.f32 v31, v38;
	[tilespmem:s9+$0x4520] =	vst v3;
	v27 =	vmul.f32 v27, v39;
	v3 =	vadd.f32 v11, v15;
	v15 =	vld [tilespmem:s9+$0x4620]  }
0x23c: {  	v48 =	vmul.f32 v26, v39;
	v26 =	vld [tilespmem:s9+$0x4650];
	v51 =	vmul.f32 v25, v39;
	[tilespmem:s9+$0x4550] =	vst v53;
	v53 =	vimm.s32 $0x9  }
0x23d: {  	[tilespmem:s9+$0x4510] =	vst v4;
	v25 =	vld [tilespmem:s9+$0x4640];
	v4 =	vadd.f32 v7, v52;
	v7 =	vadd.f32 v35, v50;
	v13 =	vperm.xlane v0, v53  }
0x23e: {  	v2 =	vadd.f32 v2, v55;
	v50 =	vadd.f32 v27, v62;
	v27 =	vimm.s32 $0xA;
	v62 =	vld [tilespmem:$0x1FBF0]  }
0x23f: {  	v27 =	vperm.xlane v0, v27;
	[tilespmem:s9+$0x4590] =	vst v7;
	v7 =	vmul.f32 v24, v13;
	v24 =	vld [tilespmem:s9+$0x4690]  }
0x240: {  	[tilespmem:s9+$0x45A0] =	vst v2;
	v23 =	vmul.f32 v23, v13;
	v2 =	vmul.f32 v22, v13;
	v52 =	vadd.f32 v48, v15;
	v15 =	vld [tilespmem:s9+$0x4660]  }
0x241: {  	v13 =	vmul.f32 v21, v13;
	v21 =	vld [tilespmem:s9+$0x46A0];
	v17 =	vmul.f32 v17, v27  }
0x242: {  	v22 =	vld [tilespmem:s9+$0x46C0]  }
0x243: {  	[tilespmem:s9+$0x4540] =	vst v1;
	v1 =	vadd.f32 v42, v60;
	v60 =	vadd.f32 v17, v16;
	v16 =	vld [tilespmem:$0x1FBE0]  }
0x244: {  	v56 =	vmul.f32 v18, v27;
	v18 =	vld [tilespmem:s9+$0x46F0]  }
0x245: {  	[tilespmem:s9+$0x4580] =	vst v4;
	v4 =	vadd.f32 v51, v29;
	v29 =	vimm.s32 $0xB;
	v2 =	vadd.f32 v2, v15;
	v15 =	vld [tilespmem:s9+$0x46E0]  }
0x246: {  	v29 =	vperm.xlane v0, v29;
	v55 =	vmul.f32 v19, v27;
	v19 =	vld [tilespmem:$0x1FBD0]  }
0x247: {  	[tilespmem:s9+$0x4630] =	vst v4;
	v4 =	vld [tilespmem:$0x1FC40]  }
0x248: {  	[tilespmem:s9+$0x45B0] =	vst v3;
	v3 =	vadd.f32 v7, v25;
	v7 =	vadd.f32 v23, v26;
	v23 =	vld [tilespmem:$0x1FC70];
	v16 =	vmul.f32 v16, v29  }
0x249: {  	v25 =	vld [tilespmem:$0x1FC90]  }
0x24a: {  	v47 =	vadd.f32 v44, v63;
	v20 =	vmul.f32 v20, v27;
	v63 =	vadd.f32 v16, v15;
	v15 =	vld [tilespmem:$0x1FC00]  }
0x24b: {  	v43 =	vmul.f32 v30, v38;
	[tilespmem:s9+$0x45C0] =	vst v6;
	v6 =	vadd.f32 v13, v28;
	v13 =	vmul.f32 v58, v29;
	v16 =	vld [tilespmem:$0x1FC10]  }
0x24c: {  	v30 =	vimm.s32 $0xC;
	[tilespmem:s9+$0x45D0] =	vst v1;
	v1 =	vadd.f32 v20, v54;
	v20 =	vld [tilespmem:s9+$0x4700]  }
0x24d: {  	v46 =	vadd.f32 v43, v61;
	v17 =	vld [tilespmem:s9+$0x4720];
	v61 =	vadd.f32 v13, v22;
	v13 =	vmul.f32 v62, v29  }
0x24e: {  	v30 =	vperm.xlane v0, v30;
	[tilespmem:s9+$0x4640] =	vst v3;
	v3 =	vld [tilespmem:$0x1FC50]  }
0x24f: {  	v32 =	vadd.f32 v13, v18;
	v18 =	vld [tilespmem:$0x1FC30]  }
0x250: {  	[tilespmem:s9+$0x4660] =	vst v2;
	v2 =	vld [tilespmem:$0x1FC80];
	v15 =	vmul.f32 v15, v30;
	v16 =	vmul.f32 v16, v30  }
0x251: {  	[tilespmem:s9+$0x4650] =	vst v7;
	v7 =	vld [tilespmem:$0x1FC60]  }
0x252: {  	v15 =	vadd.f32 v15, v20;
	v16 =	vadd.f32 v16, v4;
	v4 =	vimm.s32 $0xD;
	v20 =	vld [tilespmem:s9+$0x4760]  }
0x253: {  	v59 =	vadd.f32 v56, v21;
	v21 =	vld [tilespmem:s9+$0x4750];
	v4 =	vperm.xlane v0, v4  }
0x254: {  	v22 =	vld [tilespmem:s9+$0x4740];
	v19 =	vmul.f32 v19, v29;
	v13 =	vmul.f32 v33, v30  }
0x255: {  	[tilespmem:s9+$0x4680] =	vst v1;
	v1 =	vld [tilespmem:$0x1FCB0];
	v18 =	vmul.f32 v18, v30;
	v2 =	vmul.f32 v2, v4  }
0x256: {  	v5 =	vadd.f32 v19, v5;
	v19 =	vld [tilespmem:s9+$0x4770];
	v13 =	vadd.f32 v13, v17  }
0x257: {  	v17 =	vadd.f32 v18, v3;
	v3 =	vimm.s32 $0xE;
	v20 =	vadd.f32 v2, v20;
	v2 =	vld [tilespmem:$0x1FCC0]  }
0x258: {  	[tilespmem:s9+$0x4560] =	vst v57;
	v57 =	vadd.f32 v55, v24;
	v24 =	vld [tilespmem:s9+$0x4790];
	v3 =	vperm.xlane v0, v3  }
0x259: {  	v7 =	vmul.f32 v7, v4;
	v23 =	vmul.f32 v23, v4  }
0x25a: {  	v4 =	vmul.f32 v25, v4  }
0x25b: {  	[tilespmem:s9+$0x4670] =	vst v6;
	v1 =	vmul.f32 v1, v3;
	v6 =	vadd.f32 v7, v22;
	v7 =	vadd.f32 v23, v21;
	v21 =	vld [tilespmem:$0x1FCA0]  }
0x25c: {  	v19 =	vadd.f32 v4, v19;
	v4 =	vmul.f32 v2, v3;
	v2 =	vld [tilespmem:$0x1FCD0]  }
0x25d: {  	v41 =	vld [tilespmem:s9+$0x4600];
	v35 =	vadd.f32 v1, v24;
	v1 =	vimm.s32 $0xF  }
0x25e: {  	v0 =	vperm.xlane v0, v1;
	v1 =	vld [tilespmem:$0x1FCE0];
	_ =	sdelay $0x2  }
0x25f: {  	v21 =	vmul.f32 v21, v3;
	v3 =	vmul.f32 v2, v3  }
0x260: {  	[tilespmem:s9+$0x44E0] =	vst v8  }
0x261: {  	[tilespmem:s9+$0x4570] =	vst v9;
	v49 =	vadd.f32 v45, v41;
	v24 =	vadd.f32 v3, v1;
	v1 =	vld [tilespmem:$0x1FCF0]  }
0x262: {  	[tilespmem:s9+$0x45F0] =	vst v47;
	v25 =	vld [tilespmem:s9+$0x47A0]  }
0x263: {  	[tilespmem:s9+$0x4600] =	vst v49  }
0x264: {  	[tilespmem:s9+$0x4610] =	vst v50  }
0x265: {  	[tilespmem:s9+$0x45E0] =	vst v46  }
0x266: {  	[tilespmem:s9+$0x4620] =	vst v52;
	v37 =	vmul.f32 v1, v0;
	v1 =	vld [tilespmem:$0x1FD00]  }
0x267: {  	[tilespmem:s9+$0x4690] =	vst v57;
	v36 =	vadd.f32 v4, v25;
	v4 =	vld [tilespmem:$0x1FD10]  }
0x268: {  	s18 =	sshra.s32 s8, $0x2;
	[tilespmem:s9+$0x46A0] =	vst v59;
	v18 =	vld [tilespmem:s9+$0x4780]  }
0x269: {  	v2 =	vld [tilespmem:s18+$0xC400];
	[tilespmem:s9+$0x46B0] =	vst v60  }
0x26a: {  	v3 =	vld [tilespmem:s18+$0xC410];
	[tilespmem:s9+$0x46C0] =	vst v61  }
0x26b: {  	v25 =	vmul.f32 v1, v0;
	v1 =	vld [tilespmem:s18+$0xC420]  }
0x26c: {  	[tilespmem:s9+$0x46D0] =	vst v5;
	v5 =	vmul.f32 v4, v0;
	v4 =	vld [tilespmem:$0x1FD20]  }
0x26d: {  	v22 =	vld [tilespmem:s9+$0x47F0]  }
0x26e: {  	v23 =	vld [tilespmem:s9+$0x47D0]  }
0x26f: {  	v34 =	vadd.f32 v21, v18;
	v18 =	vld [tilespmem:s9+$0x47C0]  }
0x270: {  	v21 =	vld [tilespmem:s9+$0x47E0]  }
0x271: {  	v0 =	vmul.f32 v4, v0;
	v4 =	vld [tilespmem:s18+$0xC430];
	[tilespmem:s9+$0x46E0] =	vst v63  }
0x272: {  	v61 =	vld [tilespmem:s18+$0xC440];
	[tilespmem:s9+$0x46F0] =	vst v32  }
0x273: {  	v59 =	vld [tilespmem:s18+$0xC450];
	[tilespmem:s9+$0x4700] =	vst v15  }
0x274: {  	v57 =	vld [tilespmem:s18+$0xC460];
	[tilespmem:s9+$0x4710] =	vst v16  }
0x275: {  	v58 =	vld [tilespmem:s18+$0xC470];
	[tilespmem:s9+$0x4720] =	vst v13  }
0x276: {  	v52 =	vld [tilespmem:s18+$0xC480];
	[tilespmem:s9+$0x4730] =	vst v17  }
0x277: {  	v51 =	vld [tilespmem:s18+$0xC490];
	[tilespmem:s9+$0x4740] =	vst v6  }
0x278: {  	v50 =	vld [tilespmem:s18+$0xC4A0];
	[tilespmem:s9+$0x4750] =	vst v7  }
0x279: {  	v49 =	vld [tilespmem:s18+$0xC4B0];
	[tilespmem:s9+$0x4760] =	vst v20  }
0x27a: {  	v48 =	vld [tilespmem:s18+$0xC4C0];
	[tilespmem:s9+$0x4770] =	vst v19  }
0x27b: {  	v47 =	vld [tilespmem:s18+$0xC4D0];
	[tilespmem:s9+$0x4780] =	vst v34  }
0x27c: {  	v45 =	vld [tilespmem:s18+$0xC4E0];
	[tilespmem:s9+$0x4790] =	vst v35  }
0x27d: {  	v8 =	vadd.f32 v37, v18;
	v46 =	vld [tilespmem:s18+$0xC4F0];
	[tilespmem:s9+$0x47A0] =	vst v36  }
0x27e: {  	v38 =	vadd.f32 v25, v23;
	v44 =	vld [tilespmem:s18+$0xC500];
	[tilespmem:s9+$0x47B0] =	vst v24  }
0x27f: {  	v5 =	vadd.f32 v5, v21;
	v43 =	vld [tilespmem:s18+$0xC510];
	[tilespmem:s9+$0x47C0] =	vst v8  }
0x280: {  	v0 =	vadd.f32 v0, v22;
	v41 =	vld [tilespmem:s18+$0xC520];
	[tilespmem:s9+$0x47D0] =	vst v38  }
0x281: {  	v42 =	vld [tilespmem:s18+$0xC530];
	[tilespmem:s9+$0x47E0] =	vst v5  }
0x282: {  	v40 =	vld [tilespmem:s18+$0xC540];
	[tilespmem:s9+$0x47F0] =	vst v0;
	s9 =	smov.u32 s18  }
0x283: {  	v39 =	vld [tilespmem:s9+$0xC550]  }
0x284: {  	v37 =	vld [tilespmem:s9+$0xC560]  }
0x285: {  	v38 =	vld [tilespmem:s9+$0xC570]  }
0x286: {  	v36 =	vld [tilespmem:s9+$0xC580]  }
0x287: {  	v35 =	vld [tilespmem:s9+$0xC590]  }
0x288: {  	v34 =	vld [tilespmem:s9+$0xC5A0]  }
0x289: {  	v33 =	vld [tilespmem:s9+$0xC5B0]  }
0x28a: {  	v32 =	vld [tilespmem:s9+$0xC5C0]  }
0x28b: {  	v31 =	vld [tilespmem:s9+$0xC5D0]  }
0x28c: {  	v30 =	vld [tilespmem:s9+$0xC5E0]  }
0x28d: {  	v29 =	vld [tilespmem:s9+$0xC5F0]  }
0x28e: {  	v28 =	vld [tilespmem:s9+$0xC600]  }
0x28f: {  	v27 =	vld [tilespmem:s9+$0xC610]  }
0x290: {  	v26 =	vld [tilespmem:s9+$0xC620]  }
0x291: {  	v25 =	vld [tilespmem:s9+$0xC630]  }
0x292: {  	v24 =	vld [tilespmem:s9+$0xC640]  }
0x293: {  	v23 =	vld [tilespmem:s9+$0xC650]  }
0x294: {  	v22 =	vld [tilespmem:s9+$0xC660]  }
0x295: {  	v21 =	vld [tilespmem:s9+$0xC670]  }
0x296: {  	p1 =	sne.s32 s8, $0xF000;
	v0 =	vld [tilespmem:s9+$0xC6C0]  }
.Ltmp3:
0x297: {  	v20 =	vld [tilespmem:s9+$0xC680];
	(pc) =	sbr.rel @p1 .LBB2_5-.Ltmp3, $4  }
0x298: {  	v19 =	vld [tilespmem:s9+$0xC690]  }
0x299: {  	v18 =	vld [tilespmem:s9+$0xC6A0]  }
0x29a: {  	s14 =	sadd.s32 $0x10, s14;
	v17 =	vld [tilespmem:s9+$0xC6B0]  }
0x29b: {  	s8 =	sadd.s32 $0x1000, s8;
	[tilespmem:$0x1FE80] =	vst v0;
	v0 =	vld [tilespmem:s14+$0x0]  }
0x29c: {  	_ =	sdelay $0x3  }
0x29d: {  	v0 =	vsub.f32 $0.0e+00, v0  }
0x29e: {  	v5 =	vld [tilespmem:s9+$0xC6D0]  }
0x29f: {  	v10 =	vld [tilespmem:s9+$0xC6E0];
	v0 =	vmul.f32 $1.442695020e+00, v0  }
0x2a0: {  	v11 =	vld [tilespmem:s9+$0xC6F0]  }
0x2a1: {  	v12 =	vld [tilespmem:s9+$0xC700];
	(erf) = vpow2.f32 v0  }
0x2a2: {  	v13 =	vld [tilespmem:s9+$0xC710]  }
0x2a3: {  	v14 =	vld [tilespmem:s9+$0xC720]  }
0x2a4: {  	v15 =	vld [tilespmem:s9+$0xC730]  }
0x2a5: {  	v16 =	vld [tilespmem:s9+$0xC740]  }
0x2a6: {  	v53 =	vld [tilespmem:s9+$0xC750]  }
0x2a7: {  	v54 =	vld [tilespmem:s9+$0xC760]  }
0x2a8: {  	v55 =	vld [tilespmem:s9+$0xC770]  }
0x2a9: {  	v56 =	vld [tilespmem:s9+$0xC780]  }
0x2aa: {  	v60 =	vld [tilespmem:s9+$0xC790];
	v8 =	vpop (erf)  }
0x2ab: {  	v62 =	vld [tilespmem:s9+$0xC7A0];
	v0 =	vadd.f32 $1.000000000e+00, v8  }
0x2ac: {  	v63 =	vld [tilespmem:s9+$0xC7B0]  }
0x2ad: {  	v6 =	vld [tilespmem:s9+$0xC7D0];
	(erf) = vrcp.f32 v0  }
0x2ae: {  	v7 =	vld [tilespmem:s9+$0xC7E0];
	[tilespmem:$0x1FA80] =	vst v5  }
0x2af: {  	v9 =	vld [tilespmem:s9+$0xC7F0];
	[tilespmem:$0x1FA90] =	vst v10  }
0x2b0: {  	[tilespmem:$0x1FAA0] =	vst v11;
	v5 =	vld [tilespmem:s9+$0xC7C0]  }
0x2b1: {  	[tilespmem:$0x1FAB0] =	vst v12;
	v10 =	vld [tilespmem:s9+$0x47B0]  }
0x2b2: {  	[tilespmem:$0x1FB30] =	vst v55;
	v11 =	vld [tilespmem:s9+$0x4730]  }
0x2b3: {  	[tilespmem:$0x1FB70] =	vst v63;
	v63 =	vld [tilespmem:s9+$0x4710]  }
0x2b4: {  	[tilespmem:$0x1FB50] =	vst v60;
	v60 =	vld [tilespmem:s9+$0x46D0]  }
0x2b5: {  	[tilespmem:$0x1FB40] =	vst v56;
	v56 =	vld [tilespmem:s9+$0x46B0]  }
0x2b6: {  	[tilespmem:$0x1FB60] =	vst v62;
	v55 =	vld [tilespmem:s9+$0x4610];
	v62 =	vpop (erf)  }
0x2b7: {  	[tilespmem:$0x1FB20] =	vst v54;
	v54 =	vld [tilespmem:s9+$0x45F0];
	v62 =	vmul.f32 $8.999999760e-01, v62  }
0x2b8: {  	[tilespmem:$0x1FB10] =	vst v53;
	v53 =	vld [tilespmem:s9+$0x4570]  }
0x2b9: {  	[tilespmem:$0x1FAF0] =	vst v16;
	v16 =	vld [tilespmem:s9+$0x44F0];
	v62 =	vadd.f32 $1.000000010e-01, v62  }
0x2ba: {  	[tilespmem:$0x1FBA0] =	vst v6;
	v6 =	vld [tilespmem:s9+$0x4410];
	v12 =	vimm.s32 $0x0  }
0x2bb: {  	[tilespmem:$0x1FBB0] =	vst v7;
	v7 =	vld [tilespmem:s9+$0x4420];
	v0 =	vperm.xlane v62, v12  }
0x2bc: {  	[tilespmem:$0x1FAE0] =	vst v15;
	v15 =	vld [tilespmem:s9+$0x44D0]  }
0x2bd: {  	[tilespmem:$0x1FB80] =	vst v5;
	v5 =	vld [tilespmem:s9+$0x4400];
	v3 =	vmul.f32 v3, v0  }
0x2be: {  	[tilespmem:$0x1FBC0] =	vst v9;
	v9 =	vld [tilespmem:s9+$0x4430];
	v1 =	vmul.f32 v1, v0  }
0x2bf: {  	[tilespmem:$0x1FAD0] =	vst v14;
	v14 =	vld [tilespmem:s9+$0x4490];
	v3 =	vadd.f32 v3, v6  }
0x2c0: {  	[tilespmem:$0x1FB90] =	vst v10;
	v8 =	vld [tilespmem:s9+$0x4440];
	v2 =	vmul.f32 v2, v0;
	v1 =	vadd.f32 v1, v7;
	v7 =	vimm.s32 $0x1  }
0x2c1: {  	v10 =	vld [tilespmem:s9+$0x4450];
	v0 =	vmul.f32 v4, v0;
	[tilespmem:s9+$0x4410] =	vst v3;
	v3 =	vperm.xlane v62, v7  }
0x2c2: {  	[tilespmem:$0x1FB00] =	vst v11;
	v11 =	vld [tilespmem:s9+$0x4460];
	v2 =	vadd.f32 v2, v5  }
0x2c3: {  	[tilespmem:$0x1FAC0] =	vst v13;
	v13 =	vld [tilespmem:s9+$0x4470];
	v0 =	vadd.f32 v0, v9;
	v9 =	vmul.f32 v61, v3  }
0x2c4: {  	v12 =	vld [tilespmem:s9+$0x44A0];
	[tilespmem:s9+$0x4400] =	vst v2;
	v59 =	vmul.f32 v59, v3  }
0x2c5: {  	v4 =	vld [tilespmem:s9+$0x44C0];
	[tilespmem:s9+$0x4420] =	vst v1;
	v61 =	vmul.f32 v57, v3;
	v1 =	vadd.f32 v9, v8  }
0x2c6: {  	v5 =	vld [tilespmem:s9+$0x4480];
	[tilespmem:s9+$0x4430] =	vst v0;
	v0 =	vadd.f32 v59, v10  }
0x2c7: {  	v6 =	vld [tilespmem:s9+$0x44E0];
	[tilespmem:s9+$0x4440] =	vst v1;
	v1 =	vadd.f32 v61, v11;
	v11 =	vimm.s32 $0x2  }
0x2c8: {  	v2 =	vld [tilespmem:s9+$0x44B0];
	v3 =	vmul.f32 v58, v3;
	[tilespmem:s9+$0x4450] =	vst v0;
	v0 =	vperm.xlane v62, v11  }
0x2c9: {  	v7 =	vld [tilespmem:s9+$0x4530]  }
0x2ca: {  	v8 =	vld [tilespmem:s9+$0x4510];
	v3 =	vadd.f32 v3, v13;
	v51 =	vmul.f32 v51, v0  }
0x2cb: {  	v9 =	vld [tilespmem:s9+$0x4500]  }
0x2cc: {  	v10 =	vld [tilespmem:s9+$0x4520];
	[tilespmem:s9+$0x4470] =	vst v3;
	v3 =	vadd.f32 v51, v14  }
0x2cd: {  	v57 =	vimm.s32 $0x3;
	v11 =	vld [tilespmem:s9+$0x4550];
	v13 =	vmul.f32 v52, v0;
	v52 =	vmul.f32 v50, v0  }
0x2ce: {  	v0 =	vmul.f32 v49, v0;
	v50 =	vld [tilespmem:s9+$0x45E0];
	[tilespmem:s9+$0x4490] =	vst v3;
	v3 =	vperm.xlane v62, v57  }
0x2cf: {  	[tilespmem:s9+$0x4460] =	vst v1;
	v1 =	vadd.f32 v13, v5;
	v5 =	vld [tilespmem:s9+$0x4540]  }
0x2d0: {  	v0 =	vadd.f32 v0, v2;
	v2 =	vld [tilespmem:s9+$0x45B0];
	v59 =	vmul.f32 v47, v3  }
0x2d1: {  	v13 =	vld [tilespmem:s9+$0x4580];
	[tilespmem:s9+$0x4480] =	vst v1;
	v1 =	vadd.f32 v52, v12  }
0x2d2: {  	v12 =	vld [tilespmem:s9+$0x4560];
	[tilespmem:s9+$0x44B0] =	vst v0;
	v58 =	vmul.f32 v48, v3;
	v0 =	vadd.f32 v59, v15  }
0x2d3: {  	[tilespmem:s9+$0x44A0] =	vst v1;
	v61 =	vmul.f32 v45, v3;
	v3 =	vmul.f32 v46, v3;
	v46 =	vld [tilespmem:s9+$0x45C0];
	v15 =	vimm.s32 $0x4  }
0x2d4: {  	v48 =	vld [tilespmem:s9+$0x45D0];
	v1 =	vadd.f32 v58, v4;
	[tilespmem:s9+$0x44D0] =	vst v0;
	v0 =	vperm.xlane v62, v15  }
0x2d5: {  	v4 =	vld [tilespmem:s9+$0x4590]  }
0x2d6: {  	[tilespmem:s9+$0x44C0] =	vst v1;
	v1 =	vadd.f32 v61, v6;
	v6 =	vld [tilespmem:s9+$0x45A0];
	v45 =	vmul.f32 v44, v0;
	v47 =	vmul.f32 v43, v0  }
0x2d7: {  	v49 =	vmul.f32 v41, v0;
	v0 =	vmul.f32 v42, v0;
	v41 =	vimm.s32 $0x7;
	v42 =	vld [tilespmem:s9+$0x4690]  }
0x2d8: {  	v44 =	vld [tilespmem:s9+$0x46A0];
	v15 =	vperm.xlane v62, v41  }
0x2d9: {  	v3 =	vadd.f32 v3, v16;
	[tilespmem:s9+$0x44E0] =	vst v1;
	v41 =	vld [tilespmem:$0x1FAB0];
	v1 =	vadd.f32 v45, v9  }
0x2da: {  	v0 =	vadd.f32 v0, v7;
	v7 =	vld [tilespmem:s9+$0x4620];
	v43 =	vmul.f32 v32, v15;
	v45 =	vmul.f32 v31, v15  }
0x2db: {  	[tilespmem:s9+$0x44F0] =	vst v3;
	v3 =	vadd.f32 v47, v8;
	v47 =	vmul.f32 v30, v15;
	v15 =	vmul.f32 v29, v15;
	v29 =	vld [tilespmem:s9+$0x4790]  }
0x2dc: {  	v30 =	vld [tilespmem:s9+$0x47A0]  }
0x2dd: {  	[tilespmem:s9+$0x4500] =	vst v1;
	v1 =	vadd.f32 v49, v10;
	v10 =	vld [tilespmem:s9+$0x4600]  }
0x2de: {  	v51 =	vimm.s32 $0x5;
	v9 =	vadd.f32 v45, v48;
	v48 =	vld [tilespmem:s9+$0x46E0]  }
0x2df: {  	[tilespmem:s9+$0x4510] =	vst v3;
	v3 =	vperm.xlane v62, v51;
	v8 =	vadd.f32 v47, v50;
	v50 =	vld [tilespmem:s9+$0x46F0]  }
0x2e0: {  	[tilespmem:s9+$0x4530] =	vst v0;
	v15 =	vadd.f32 v15, v54;
	v54 =	vld [tilespmem:s9+$0x4720]  }
0x2e1: {  	v49 =	vimm.s32 $0x8;
	v45 =	vld [tilespmem:$0x1FAE0];
	[tilespmem:s9+$0x4520] =	vst v1;
	v52 =	vmul.f32 v40, v3  }
0x2e2: {  	v14 =	vperm.xlane v62, v49;
	v47 =	vld [tilespmem:$0x1FB00];
	v57 =	vmul.f32 v39, v3;
	[tilespmem:s9+$0x45D0] =	vst v9  }
0x2e3: {  	v58 =	vmul.f32 v37, v3;
	v3 =	vmul.f32 v38, v3;
	v38 =	vld [tilespmem:s9+$0x4660];
	[tilespmem:s9+$0x45E0] =	vst v8;
	v1 =	vadd.f32 v52, v5  }
0x2e4: {  	v40 =	vld [tilespmem:s9+$0x4680];
	v51 =	vmul.f32 v28, v14;
	[tilespmem:s9+$0x45F0] =	vst v15;
	v0 =	vadd.f32 v57, v11  }
0x2e5: {  	v26 =	vmul.f32 v26, v14;
	v5 =	vld [tilespmem:s9+$0x4630];
	v3 =	vadd.f32 v3, v53;
	[tilespmem:s9+$0x4540] =	vst v1  }
0x2e6: {  	v11 =	vld [tilespmem:s9+$0x4670];
	v53 =	vmul.f32 v27, v14;
	v57 =	vimm.s32 $0x9;
	v10 =	vadd.f32 v51, v10;
	[tilespmem:s9+$0x4550] =	vst v0  }
0x2e7: {  	v52 =	vld [tilespmem:s9+$0x4700];
	v14 =	vmul.f32 v25, v14;
	v7 =	vadd.f32 v26, v7;
	v25 =	vperm.xlane v62, v57;
	[tilespmem:s9+$0x4570] =	vst v3  }
0x2e8: {  	v59 =	vimm.s32 $0x6;
	v27 =	vld [tilespmem:s9+$0x4780];
	v1 =	vadd.f32 v58, v12;
	[tilespmem:s9+$0x4600] =	vst v10  }
0x2e9: {  	v51 =	vld [tilespmem:$0x1FB30];
	v12 =	vperm.xlane v62, v59;
	v16 =	vadd.f32 v53, v55;
	[tilespmem:s9+$0x4620] =	vst v7;
	v26 =	vmul.f32 v22, v25  }
0x2ea: {  	v28 =	vimm.s32 $0xA;
	v57 =	vld [tilespmem:$0x1FB70];
	v21 =	vmul.f32 v21, v25;
	[tilespmem:s9+$0x4560] =	vst v1;
	v5 =	vadd.f32 v14, v5  }
0x2eb: {  	v61 =	vmul.f32 v36, v12;
	v36 =	vld [tilespmem:s9+$0x4640];
	v37 =	vmul.f32 v35, v12;
	[tilespmem:s9+$0x4610] =	vst v16;
	v3 =	vadd.f32 v26, v38  }
0x2ec: {  	v0 =	vld [tilespmem:s9+$0x4650];
	v39 =	vmul.f32 v34, v12;
	v14 =	vperm.xlane v62, v28;
	v11 =	vadd.f32 v21, v11;
	[tilespmem:s9+$0x4630] =	vst v5  }
0x2ed: {  	v59 =	vmul.f32 v24, v25;
	v12 =	vmul.f32 v33, v12;
	v34 =	vld [tilespmem:$0x1FE80];
	v13 =	vadd.f32 v61, v13;
	[tilespmem:s9+$0x4660] =	vst v3  }
0x2ee: {  	v38 =	vld [tilespmem:$0x1FA90];
	v4 =	vadd.f32 v37, v4;
	v6 =	vadd.f32 v39, v6;
	v20 =	vmul.f32 v20, v14;
	[tilespmem:s9+$0x4670] =	vst v11  }
0x2ef: {  	v2 =	vadd.f32 v12, v2;
	v12 =	vadd.f32 v43, v46;
	v46 =	vld [tilespmem:s9+$0x46C0];
	[tilespmem:s9+$0x4580] =	vst v13  }
0x2f0: {  	v19 =	vmul.f32 v19, v14;
	[tilespmem:s9+$0x4590] =	vst v4;
	v1 =	vadd.f32 v59, v36;
	v13 =	vadd.f32 v20, v40;
	v36 =	vld [tilespmem:$0x1FA80]  }
0x2f1: {  	v32 =	vimm.s32 $0xB;
	v18 =	vmul.f32 v18, v14;
	[tilespmem:s9+$0x45A0] =	vst v6;
	v40 =	vld [tilespmem:$0x1FAA0]  }
0x2f2: {  	v55 =	vld [tilespmem:s9+$0x4770];
	v4 =	vadd.f32 v19, v42;
	[tilespmem:s9+$0x4680] =	vst v13;
	v13 =	vperm.xlane v62, v32  }
0x2f3: {  	v58 =	vld [tilespmem:s9+$0x4750];
	v23 =	vmul.f32 v23, v25;
	[tilespmem:s9+$0x45B0] =	vst v2;
	v6 =	vadd.f32 v18, v44  }
0x2f4: {  	v37 =	vimm.s32 $0xC;
	v43 =	vld [tilespmem:$0x1FAD0];
	[tilespmem:s9+$0x4690] =	vst v4;
	v4 =	vmul.f32 v34, v13  }
0x2f5: {  	v0 =	vadd.f32 v23, v0;
	v42 =	vld [tilespmem:$0x1FAC0];
	[tilespmem:s9+$0x46A0] =	vst v6;
	v6 =	vperm.xlane v62, v37;
	v20 =	vmul.f32 v38, v13  }
0x2f6: {  	[tilespmem:s9+$0x45C0] =	vst v12;
	v18 =	vmul.f32 v36, v13;
	v13 =	vmul.f32 v40, v13;
	v2 =	vadd.f32 v4, v46;
	v46 =	vld [tilespmem:$0x1FAF0]  }
0x2f7: {  	[tilespmem:s9+$0x4650] =	vst v0;
	v12 =	vadd.f32 v20, v48;
	v48 =	vld [tilespmem:$0x1FB10]  }
0x2f8: {  	v9 =	vadd.f32 v13, v50;
	v50 =	vld [tilespmem:$0x1FB20];
	[tilespmem:s9+$0x46C0] =	vst v2;
	v2 =	vmul.f32 v41, v6  }
0x2f9: {  	v24 =	vld [tilespmem:s9+$0x4760];
	v44 =	vimm.s32 $0xD;
	[tilespmem:s9+$0x4640] =	vst v1;
	v8 =	vmul.f32 v43, v6  }
0x2fa: {  	v33 =	vld [tilespmem:s9+$0x47D0];
	v14 =	vmul.f32 v17, v14;
	[tilespmem:s9+$0x46E0] =	vst v12;
	v12 =	vperm.xlane v62, v44;
	v2 =	vadd.f32 v2, v52  }
0x2fb: {  	v61 =	vld [tilespmem:s9+$0x4740];
	v8 =	vadd.f32 v8, v54;
	v13 =	vmul.f32 v42, v6;
	v6 =	vmul.f32 v45, v6;
	[tilespmem:s9+$0x46F0] =	vst v9  }
0x2fc: {  	v14 =	vadd.f32 v14, v56;
	v54 =	vld [tilespmem:$0x1FB50];
	v9 =	vmul.f32 v48, v12;
	[tilespmem:s9+$0x4700] =	vst v2;
	v2 =	vmul.f32 v46, v12  }
0x2fd: {  	v18 =	vadd.f32 v18, v60;
	[tilespmem:s9+$0x4720] =	vst v8;
	v52 =	vld [tilespmem:$0x1FB40];
	v8 =	vmul.f32 v50, v12;
	v12 =	vmul.f32 v51, v12  }
0x2fe: {  	v49 =	vimm.s32 $0xE;
	v35 =	vld [tilespmem:s9+$0x47C0];
	[tilespmem:s9+$0x46B0] =	vst v14;
	v13 =	vadd.f32 v13, v63  }
0x2ff: {  	v7 =	vperm.xlane v62, v49;
	[tilespmem:s9+$0x46D0] =	vst v18;
	v6 =	vadd.f32 v6, v47;
	v53 =	vadd.f32 v12, v55;
	v55 =	vld [tilespmem:$0x1FB60]  }
0x300: {  	v60 =	vld [tilespmem:$0x1FBA0];
	[tilespmem:s9+$0x4710] =	vst v13;
	v2 =	vadd.f32 v2, v61  }
0x301: {  	v59 =	vld [tilespmem:$0x1FB90];
	[tilespmem:s9+$0x4730] =	vst v6;
	v5 =	vadd.f32 v8, v24;
	v8 =	vmul.f32 v54, v7  }
0x302: {  	v56 =	vimm.s32 $0xF;
	v9 =	vadd.f32 v9, v58;
	v58 =	vld [tilespmem:$0x1FB80];
	[tilespmem:s9+$0x4740] =	vst v2;
	v2 =	vmul.f32 v52, v7  }
0x303: {  	v61 =	vld [tilespmem:$0x1FBB0];
	[tilespmem:s9+$0x4760] =	vst v5;
	v5 =	vperm.xlane v62, v56;
	v0 =	vadd.f32 v8, v29  }
0x304: {  	[tilespmem:s9+$0x4750] =	vst v9;
	v62 =	vld [tilespmem:$0x1FBC0];
	v1 =	vadd.f32 v2, v27;
	v2 =	vmul.f32 v55, v7  }
0x305: {  	v39 =	vld [tilespmem:s9+$0x47E0];
	[tilespmem:s9+$0x4790] =	vst v0;
	v0 =	vmul.f32 v60, v5  }
0x306: {  	v31 =	vld [tilespmem:s9+$0x47F0];
	[tilespmem:s9+$0x4770] =	vst v53;
	v7 =	vmul.f32 v57, v7;
	v2 =	vadd.f32 v2, v30  }
0x307: {  	[tilespmem:s9+$0x4780] =	vst v1;
	v1 =	vmul.f32 v58, v5;
	v0 =	vadd.f32 v0, v33  }
0x308: {  	v3 =	vadd.f32 v7, v59;
	[tilespmem:s9+$0x47A0] =	vst v2;
	v2 =	vmul.f32 v61, v5  }
0x309: {  	v1 =	vadd.f32 v1, v35;
	[tilespmem:s9+$0x47D0] =	vst v0;
	v5 =	vmul.f32 v62, v5  }
.Ltmp4:
0x30a: {  	s8 =	sadd.s32 s22, s12;
	[tilespmem:s9+$0x47B0] =	vst v3;
	v2 =	vadd.f32 v2, v39;
	(pc) =	sbr.rel @p0 .LBB2_8-.Ltmp4, $4  }
0x30b: {  	s8 =	sshll.u32 s8, $0x3;
	[tilespmem:s9+$0x47C0] =	vst v1;
	v63 =	vadd.f32 v5, v31  }
0x30c: {  	s8 =	sand.u32 $0x1FFFF800, s8;
	[tilespmem:s9+$0x47E0] =	vst v2  }
0x30d: {  	s8 =	sadd.s32 s3, s8;
	[tilespmem:s9+$0x47F0] =	vst v63  }
0x30e: {  	[hbm4b:s8+s4] =	stream.linear.scatter [tilespmem:s24], [sflag:$0x4], $0x4000, $0x38;
	[tilespmem:$0x10400] =	vst v63  }
0x30f: {  	_ =	swait.ge [sflag:s19], $0x4000;
	s8 =	sadd.s32 s22, s13  }
0x310: {  	[sflag:s19] =	ssyncset.done $0x0;
	s8 =	sshrl.u32 s8, $0x3  }
0x311: {  	[sflag:s19] =	ssyncadd.s32 $0xFFFFC000;
	s8 =	sadd.s32 s5, s8  }
0x312: {  	[tilespmem:s23], [sflag:$0x5] =	stream.linear.gather [hbm4b:s8+s4], $0x100, $0x38;
	[tilespmem:$0x10400] =	vst v63  }
0x313: {  	_ =	swait.ge [sflag:s15], $0x100  }
0x314: {  	[sflag:s15] =	ssyncset.done $0x0  }
0x315: {  	[sflag:s15] =	ssyncadd.s32 $0xFFFFFF00  }
0x316: {  	[tilespmem:s24], [sflag:$0x2] =	stream.indirect.gather [hbm4b:s6+s16], $0x40, s23, s16, $0xb8;
	[tilespmem:$0x10400] =	vst v63  }
0x317: {  	_ = 	snop  }
0x318: {  	[tilespmem:s25], [sflag:$0x2] =	stream.indirect.gather [hbm4b:s7+s16], $0x40, s23, s16, $0xb8;
	[tilespmem:$0x10400] =	vst v63  }
0x319: {  	_ = 	snop  }
0x31a: {  	[tilespmem:s26], [sflag:$0x2] =	stream.indirect.gather [hbm4b:s2+s16], $0x1, s23, s16, $0xb8;
	[tilespmem:$0x10400] =	vst v63  }
0x31b: {  	_ = 	snop  }
0x31c: {  	[tilespmem:s29], [sflag:$0x2] =	stream.indirect.gather [hbm4b:s6+s16], $0x40, s28, s16, $0xb8;
	[tilespmem:$0x10400] =	vst v63  }
.Ltmp5:
0x31d: {  	_ = 	snop;
	(pc) =	sbr.rel .LBB2_2-.Ltmp5, $4  }
0x31e: {  	_ = 	snop  }
0x31f: {  	[tilespmem:s30], [sflag:$0x2] =	stream.indirect.gather [hbm4b:s7+s16], $0x40, s28, s16, $0xb8;
	[tilespmem:$0x10400] =	vst v63  }
0x320: {  	s21 =	sadd.s32 $0x1, s21  }
0x321: {  	v7 =	vimm.s32 $0x0;
	[tilespmem:s31], [sflag:$0x2] =	stream.indirect.gather [hbm4b:s2+s16], $0x1, s28, s16, $0xb8;
	[tilespmem:$0x10400] =	vst v63  }
.LBB2_9:
0x322: {  	_ =	sfence.sel $0x180000  }
0x323: {  	[bflag:$0x0] =	sbarrier.arrive $0xFFFF  }
0x324: {  	_ =	strace $0x90000047  }
0x325: {  	s0 =	stileid.u32;
	[bflag:$0x2] =	sbarrier.arrive $0xFFFF  }
0x326: {  	p0 =	sne.s32 s0, $0x0;
	s0 =	rddreg [dreg:$0x3]  }
0x327: {  	s0 =	sadd.s32 @!p0 $0x100000, s0  }
0x328: {  	[sflag:s0] =	ssyncadd.tile.s32 @!p0 $0x1;
	_ =	shalt  }
.Lfunc_end2:
_tile_overlayer_lowered:
.L_overlay_start_2:
0x329: {  	(tag) =	ssettag $0x2  }
0x32a: {  	s0 =	rddreg [dreg:$0x0];
	s2 =	stileid.u32  }
0x32b: {  	s1 =	rddreg [dreg:$0x1];
	p0 =	sne.s32 s2, $0x0  }
0x32c: {  	s3 =	rddreg [dreg:$0x2];
	[bflag:$0x3] =	sbarrier.arrive $0xFFFF;
	s2 =	simm.s32 @!p0 $0x1C05  }
0x32d: {  	[timem:s3], [sflag:s2] =	dma.local @!p0 [hbm:s0], s1  }
0x32e: {  	s0 =	simm.s32 @!p0 $0x5  }
0x32f: {  	_ =	swait.ge @!p0 [sflag:s0], s1  }
0x330: {  	s1 =	ssub.s32 @!p0 $0x0, s1;
	[sflag:s0] =	ssyncset.done @!p0 $0x0  }
0x331: {  	[sflag:s0] =	ssyncadd.s32 @!p0 s1  }
0x332: {  	[bflag:$0x3] =	sbarrier.arrive $0xFFFF  }
0x333: {  	_ =	shalt  }

// kernel: sparse-core-data-format-call.cloned.1.call-start
scs
called_computation_lowered:
.L_overlay_start_0:
0x0: {  	s2 =	sld [smem:$0x3FD9]  }
0x1: {  	s3 =	sld [smem:$0x3FFE];
	_ =	sdelay $0x1  }
0x2: {  	s1 =	srdreg.scid  }
0x3: {  	s0 =	sand.u32 $0x1, s1  }
0x4: {  	s18 =	sshll.u32 s0, $0xA;
	s2 =	sadd.s32 s3, s2  }
0x5: {  	s2 =	sadd.s32 s2, s18  }
0x6: {  	[smem:$0x3FC4] =	sst s2  }
0x7: {  	_ = 	snop  }
0x8: {  	s2 =	sld [smem:$0x3FD0];
	(tm) =	ssettm $0x1  }
0x9: {  	s19 =	sld [smem:$0x3FFB];
	_ =	sdelay $0x3  }
0xa: {  	_ =	strace s19  }
0xb: {  	s3 =	sld [smem:$0x3FFC];
	_ =	sdelay $0x3  }
0xc: {  	_ =	strace s3  }
0xd: {  	s3 =	sld [smem:$0x3FFD];
	_ =	sdelay $0x3  }
0xe: {  	_ =	strace s3  }
0xf: {  	_ =	strace $0x8FFFFFFF  }
0x10: {  	s20 =	sld [smem:$0x3FDB];
	_ =	sdelay $0x1  }
0x11: {  	s4 =	simm.s32 $_scs_section_size  }
0x12: {  	s5 =	simm.s32 $_size__tile_overlayer_lowered;
	s6 =	simm.s32 $_tile_overlayer_lowered  }
0x13: {  	s23 =	simm.s32 $0x1BFF;
	s22 =	sshll.u32 s6, $0x1;
	s3 =	sadd.s32 s4, s20  }
0x14: {  	s7 =	simm.s32 $0x0;
	s21 =	sshll.u32 s5, $0x1;
	s5 =	sadd.s32 s22, s3  }
0x15: {  	[timem:s7], [sflag:s23] =	dma.local [hbm:s5], s21  }
0x16: {  	_ =	swait.ge [sflag:s23], s21  }
0x17: {  	s4 =	ssub.s32 $0x0, s21;
	[sflag:s23] =	ssyncset.done $0x0  }
0x18: {  	[sflag:s23] =	ssyncadd.s32 s4;
	_ =	sdelay $0x1  }
0x19: {  	s24 =	simm.s32 $0x1B8B  }
0x1a: {  	_ =	swait.ge [sflag:s24], $0x1  }
0x1b: {  	[sflag:s24] =	ssyncset.done $0x0  }
0x1c: {  	s26 =	simm.s32 $0x1B8E;
	s25 =	sld [smem:$0x3FFE];
	[sflag:s24] =	ssyncadd.s32 $0xFFFFFFFF  }
0x1d: {  	s27 =	simm.s32 $execute0_lowered;
	[smem:$0x3FD2] =	sst s26  }
0x1e: {  	s5 =	sshll.u32 s27, $0x1;
	_ =	strace $0x80000049;
	[dreg:$0x1] =	wrdreg $0xFFFFFFFF  }
0x1f: {  	s28 =	simm.s32 $_size_execute0_lowered;
	s3 =	sadd.s32 s3, s5;
	[dreg:$0x0] =	wrdreg $0x0  }
0x20: {  	s5 =	sshll.u32 s28, $0x1;
	[dreg:$0x2] =	wrdreg s3  }
0x21: {  	[dreg:$0x3] =	wrdreg s5  }
0x22: {  	[dreg:$0x4] =	wrdreg $0xC0  }
0x23: {  	_ =	task [dreg:s7], $0x5FFFF  }
0x24: {  	[dreg:$0x1] =	wrdreg $0xFFFFFFFF  }
0x25: {  	[dreg:$0x0] =	wrdreg $0x60  }
0x26: {  	[dreg:$0x2] =	wrdreg s25  }
0x27: {  	[dreg:$0x3] =	wrdreg s2  }
0x28: {  	[dreg:$0x4] =	wrdreg $0x9  }
0x29: {  	_ =	task.clear_ibuf [dreg:s7], $0x5FFFF;
	_ =	strace $0x90000049  }
0x2a: {  	s29 =	simm.s32 $0x9;
	_ =	strace $0x8000004B  }
0x2b: {  	_ =	swait.ge [sflag:s29], $0x1  }
0x2c: {  	[sflag:s29] =	ssyncadd.s32 $0xFFFFFFFF  }
0x2d: {  	_ =	strace $0x9000004B  }
0x2e: {  	_ =	sfence  }
0x2f: {  	s30 =	sld [smem:$0x0];
	_ =	sdelay $0x2  }
0x30: {  	s31 =	sshll.u32 s1, $0xD;
	s1 =	sshrl.u32 s1, $0x2  }
0x31: {  	s3 =	sand.u32 $0x4000, s31;
	s1 =	sadd.s32 s1, s30  }
0x32: {  	s0 =	sor.u32 s3, s0;
	s1 =	sshll.u32 s1, $0x11  }
0x33: {  	s0 =	sor.u32 s1, s0  }
0x34: {  	s0 =	sadd.s32 $0x8F2B, s0  }
0x35: {  	[sflag:s0] =	ssyncadd.remote.s32 $0x1  }
0x36: {  	_ =	sfence.sel $0xFFFF  }
0x37: {  	[dreg:$0x0] =	wrdreg $0xFFFFFFFF;
	(pc) =	sbr.abs _section_cstart, $3  }
0x38: {  	[dreg:$0x1] =	wrdreg $0xFFFFFFFF  }
0x39: {  	_ =	task.clear_ibuf [dreg:s7], $0x2FFFF;
	_ =	strace $0x9FFFFFFF  }
0x3a: {  	(tm) =	ssettm $0x7FFFFFFF  }
0x3b: {  	_ =	shalt  }
tec
execute0_lowered:
.L_overlay_start_1:
0x0: {  	(tag) =	ssettag $0x1  }
0x1: {  	s0 =	srdreg.scid  }
0x2: {  	s1 =	sshll.u32 s0, $0x4  }
0x3: {  	s0 =	stileid.u32;
	s1 =	sand.u32 $0x10, s1  }
0x4: {  	s1 =	sor.u32 s0, s1  }
0x5: {  	s6 =	rddreg [dreg:$0x0];
	s4 =	simm.s32 $0x1;
	s2 =	sshll.u32 s1, $0x7  }
0x6: {  	s7 =	simm.s32 $0x2;
	s12 =	simm.s32 $0x0;
	s1 =	ssub.s32 $0x1000, s2  }
0x7: {  	s8 =	simm.s32 $0x8000;
	s13 =	simm.s32 $0x0;
	s3 =	sand.u32 $0xF80, s1  }
0x8: {  	s9 =	simm.s32 $0x0;
	s5 =	sshrl.u32 s1, $0xC;
	p0 =	sne.s32 s3, $0x0  }
.Ltmp0:
0x9: {  	s1 =	rddreg [dreg:$0x2];
	s4 =	simm.s32 @!p0 $0x0;
	(pc) =	sbr.rel .LBB1_1-.Ltmp0, $4  }
0xa: {  	s11 =	simm.s32 $0x0;
	s3 =	rddreg [dreg:$0x1];
	s5 =	sadd.s32 s4, s5  }
0xb: {  	_ =	strace $0x8000004A;
	s4 =	simm.s32 $0x1;
	s5 =	smul.u32 $0xC8, s5  }
0xc: {  	s6 =	sadd.s32 $0xA00, s6;
	s10 =	smov.u32 s2;
	[sflag:s4] =	ssyncpa.u1 $0x0  }
0xd: {  	p0 =	por $0x0, $0x0;
	[sflag:s7] =	ssyncpa.u1 $0x0;
	s7 =	sor.u32 $0x1, s5  }
.LBB1_4:
0xe: {  	s16 =	sshll.u32 s13, $0x3;
	s17 =	sand.u32 $0x78, s13  }
0xf: {  	s30 =	sand.u32 $0x7E00, s13;
	s12 =	sshll.u32 s12, $0xF;
	s16 =	sand.u32 $0xC00, s16  }
0x10: {  	[tilespmem:s15+$0x810 ss:$0x81] =	vst.msk $0xffff, v2;
	s31 =	sand.u32 $0x7, s13;
	s16 =	sor.u32 s17, s16;
	s17 =	sadd.s32 s3, s30  }
0x11: {  	[tilespmem:s15+$0x1020 ss:$0x81] =	vst.msk $0xffff, v0;
	s13 =	sshll.u32 s31, $0x12;
	s12 =	sadd.s32 s12, s17;
	s16 =	sshrl.u32 s16, $0x3  }
0x12: {  	[tilespmem:s15+$0x0 ss:$0x81] =	vst.msk $0xffff, v1;
	s13 =	sor.u32 $0x400, s13;
	s12 =	sadd.s32 s16, s12  }
0x13: {  	[hbm4b:s12+s13] =	stream.strided.scatter [tilespmem:s14], [sflag:$0x2], $0x2000, s8, s13, $0x20;
	[tilespmem:$0x8080] =	vst v63  }
.LBB1_5:
0x14: {  	s14 =	sadd.s32 $0x1, s9  }
0x15: {  	s12 =	sadd.s32 $0x1000, s10;
	s16 =	smov.u32 s10;
	p2 =	sgt.s32 s14, $0xC7  }
0x16: {  	s16 =	smov.u32 @p2 s12  }
0x17: {  	s14 =	simm.s32 @p2 $0x0;
	p2 =	sgt.s32 s16, $0xFFF  }
0x18: {  	s16 =	smov.u32 @p2 s2;
	p2 =	sne.s32 s11, s7  }
.Ltmp1:
0x19: {  	p1 =	slt.u32 s11, $0x2;
	(pc) =	sbr.rel @!p2 .LBB1_6-.Ltmp1, $4  }
0x1a: {  	s15 =	simm.s32 @!p1 $0x2  }
0x1b: {  	s13 =	smov.u32 s10;
	p0 =	por !p0, !p0;
	_ =	swait.ge @!p1 [sflag:s15], $0x2000  }
0x1c: {  	s12 =	smov.u32 s9;
	[sflag:s15] =	ssyncset.done @!p1 $0x0;
	s9 =	smov.u32 s14  }
0x1d: {  	s11 =	sadd.s32 $0x1, s11;
	[sflag:s15] =	ssyncadd.s32 @!p1 $0xFFFFE000;
	s10 =	smov.u32 s16  }
.LBB1_1:
0x1e: {  	p1 =	sge.u32 s11, s5  }
0x1f: {  	s14 =	sand.u32 @!p1 $0x1FFFFFF, s9  }
0x20: {  	s15 =	smulhi.u32 @!p1 $0x147AE15, s14;
	_ =	sdelay $0x1  }
0x21: {  	s15 =	smul.u32 @!p1 $0xC8, s15  }
0x22: {  	s16 =	sxor.u32 @!p1 $0xFFFFFFFF, s11;
	s17 =	smul.u32 @!p1 $0xC80, s10  }
0x23: {  	s31 =	sadd.s32 $0xFFFFFFFF, s11;
	s16 =	sshll.u32 @!p1 s16, $0xD;
	s14 =	ssub.s32 @!p1 s14, s15  }
0x24: {  	s15 =	sand.u32 @!p1 $0x2000, s16;
	s16 =	sadd.s32 @!p1 s6, s17;
	s14 =	sshll.u32 @!p1 s14, $0x4  }
0x25: {  	s17 =	simm.s32 @!p1 $0x6400;
	s14 =	sadd.s32 @!p1 s14, s16;
	s16 =	simm.s32 @!p1 $0x40  }
0x26: {  	[tilespmem:s15], [sflag:$0x1] =	stream.strided.gather @!p1 [hbm4b:s14+s16], $0x2000, s17, s16, $0x38;
	[tilespmem:$0x8080] =	vst v63  }
0x27: {  	p1 =	sge.u32 s31, s5  }
.Ltmp2:
0x28: {  	_ = 	snop;
	(pc) =	sbr.rel @p1 .LBB1_5-.Ltmp2, $1  }
0x29: {  	_ =	sdelay $0x3  }
0x2a: {  	s14 =	simm.s32 $0x1  }
0x2b: {  	_ =	swait.ge [sflag:s4], $0x2000;
	s14 =	simm.s32 @!p0 $0x0  }
0x2c: {  	[sflag:s4] =	ssyncset.done $0x0;
	s15 =	sshll.u32 s14, $0xD  }
0x2d: {  	[sflag:s4] =	ssyncadd.s32 $0xFFFFE000;
	s18 =	sor.u32 $0x20, s15  }
0x2e: {  	s14 =	smul.u32 $0x8100, s14;
	v3 =	vld [tilespmem:s18+$0x10]  }
0x2f: {  	s30 =	sand.u32 $0x1, s11;
	v2 =	vld [tilespmem:s18+$0xFFFFFFF0]  }
0x30: {  	s15 =	smul.u32 $0x8100, s30;
	s14 =	sshrl.u32 s14, $0x2;
	v0 =	vld [tilespmem:s18+$0x0]  }
0x31: {  	v1 =	vld [tilespmem:s18+$0xFFFFFFE0];
	s16 =	sor.u32 $0x4000, s14  }
0x32: {  	s31 =	sshrl.u32 s15, $0x2;
	s15 =	sadd.s32 $0x0, s16  }
0x33: {  	s17 =	simm.s32 $0x4;
	s18 =	sadd.s32 $0x40, s18;
	s14 =	sor.u32 $0x4000, s31;
	[tilespmem:s15+$0x1830 ss:$0x81] =	vst.msk $0xffff, v3  }
.LBB1_3:
0x34: {  	v3 =	vld [tilespmem:s18+$0x10];
	p1 =	sne.s32 s17, $0x1FC;
	[tilespmem:s15+$0x810 ss:$0x81] =	vst.msk $0xffff, v2;
	s19 =	smov.u32 s17;
	s17 =	sadd.s32 $0x4, s17  }
.Ltmp3:
0x35: {  	v2 =	vld [tilespmem:s18+$0xFFFFFFF0];
	[tilespmem:s15+$0x1020 ss:$0x81] =	vst.msk $0xffff, v0;
	(pc) =	sbr.rel @p1 .LBB1_3-.Ltmp3, $4  }
0x36: {  	v0 =	vld [tilespmem:s18+$0x0];
	[tilespmem:s15+$0x0 ss:$0x81] =	vst.msk $0xffff, v1  }
0x37: {  	s15 =	sshra.s32 s19, $0x2;
	v1 =	vld [tilespmem:s18+$0xFFFFFFE0]  }
0x38: {  	s15 =	sadd.s32 s15, s16  }
0x39: {  	s18 =	sadd.s32 $0x40, s18;
	[tilespmem:s15+$0x1830 ss:$0x81] =	vst.msk $0xffff, v3  }
.Ltmp4:
0x3a: {  	_ = 	snop;
	(pc) =	sbr.rel .LBB1_4-.Ltmp4, $1  }
0x3b: {  	_ =	sdelay $0x3  }
.LBB1_6:
0x3c: {  	_ =	sfence.sel $0x180000  }
0x3d: {  	s2 =	simm.s32 $0x1;
	[bflag:$0x0] =	sbarrier.arrive $0xFFFF  }
0x3e: {  	s31 =	simm.s32 $0x2;
	[sflag:s2] =	ssyncpa.u1 $0x1  }
0x3f: {  	[sflag:s31] =	ssyncpa.u1 $0x1  }
0x40: {  	p0 =	sne.s32 s0, $0x0;
	_ =	strace $0x9000004A  }
0x41: {  	s0 =	sadd.s32 @!p0 $0x100000, s1;
	[bflag:$0x2] =	sbarrier.arrive $0xFFFF  }
0x42: {  	[sflag:s0] =	ssyncadd.tile.s32 @!p0 $0x1;
	_ =	shalt  }
.Lfunc_end1:
_tile_overlayer_lowered:
.L_overlay_start_2:
0x43: {  	(tag) =	ssettag $0x2  }
0x44: {  	s0 =	rddreg [dreg:$0x0];
	s2 =	stileid.u32  }
0x45: {  	s1 =	rddreg [dreg:$0x1];
	p0 =	sne.s32 s2, $0x0  }
0x46: {  	s3 =	rddreg [dreg:$0x2];
	[bflag:$0x3] =	sbarrier.arrive $0xFFFF;
	s2 =	simm.s32 @!p0 $0x1C01  }
0x47: {  	[timem:s3], [sflag:s2] =	dma.local @!p0 [hbm:s0], s1  }
0x48: {  	s0 =	simm.s32 @!p0 $0x1  }
0x49: {  	_ =	swait.ge @!p0 [sflag:s0], s1  }
0x4a: {  	s1 =	ssub.s32 @!p0 $0x0, s1;
	[sflag:s0] =	ssyncset.done @!p0 $0x0  }
0x4b: {  	[sflag:s0] =	ssyncadd.s32 @!p0 s1  }
0x4c: {  	[bflag:$0x3] =	sbarrier.arrive $0xFFFF  }
0x4d: {  	_ =	shalt  }

</sc_bundles>
